<compile_context>
chip_gen: v7x
topology: tpu7x:2x2x1
jax: 0.10.2.dev20260603
libtpu: 0.0.44.dev20260713+nightly
codegen_flags: <defaults>
</compile_context>

<pallas_src>
import functools

import jax
import jax.numpy as jnp
from jax import lax
from jax.experimental import pallas as pl
from jax.experimental.pallas import tpu as pltpu
from jax.experimental.pallas import tpu_sc as plsc

N = 50000
C = 5
G = 2
L = 4
M = 32
CG = C * G
LANES = 16
NC, NS = 2, 16
NW = NC * NS
EDGE_BLK = 1280
RPB = EDGE_BLK // 128
ACC_ROWS = 51200
STRIPE = ACC_ROWS // NS
ZROWS = 640
NB_TC = 10
NB_ROWS = N // NB_TC


def _pre_body(e, erows_blk, ph_ref, a_ref, bias_ref, x_ref, bst_ref,
              ei_ref, pos_ref, wtab_ref, bx_ref,
              srcp_ref, cidx_ref):
    w = jnp.dot(ph_ref[...], a_ref[...], preferred_element_type=jnp.float32)
    wtab_ref[...] = w + bias_ref[...]
    onehot = (x_ref[...] == lax.broadcasted_iota(jnp.int32, (1, M), 1)
              ).astype(jnp.float32)
    bx_ref[...] = jnp.dot(onehot, bst_ref[...],
                          preferred_element_type=jnp.float32)
    i = pl.program_id(0)
    shape = (erows_blk, 128)
    src_blk = ei_ref[0].reshape(shape)
    dst_blk = ei_ref[1].reshape(shape)
    pos_blk = pos_ref[...].reshape(shape)
    ge = ((i * erows_blk + lax.broadcasted_iota(jnp.int32, shape, 0)) * 128
          + lax.broadcasted_iota(jnp.int32, shape, 1))
    real = ge < e
    srcp_ref[...] = jnp.where(real, src_blk, N + (ge & 1023))
    cidx_ref[...] = jnp.where(real, dst_blk * L + pos_blk, 0)


def _post_body(t0_ref, t1_ref, bx_ref, p_ref, pt_ref, out_ref):
    t = t0_ref[0] + t1_ref[0]
    s = bx_ref[...] * t
    num = jnp.dot(s, p_ref[...], preferred_element_type=jnp.float32)
    cnt = t[:, 15:16]
    lik = num / jnp.maximum(cnt, 1.0)
    likb = jnp.dot(lik, pt_ref[...], preferred_element_type=jnp.float32)
    post = s / (likb + 1e-16)
    out_ref[...] = jnp.concatenate(
        [post[:, :CG], jnp.log(lik), jnp.zeros((post.shape[0], 4),
                                               jnp.float32)], axis=1)


def _sc_edge_kernel(nblk0, nblk1, src_hbm, cidx_hbm, wtab_hbm, out_hbm,
                    sa, ca, sb, cb, rows_a, rows_b, zbuf,
                    sem_a, sem_b, sem_z, acc):
    cid = lax.axis_index("c")
    sid = lax.axis_index("s")
    nblk_c = jnp.where(cid == 0, nblk0, nblk1)
    r_base = jnp.where(cid == 0, sid * (nblk0 * RPB),
                       NS * (nblk0 * RPB) + sid * (nblk1 * RPB))

    def fetch(b, sbuf, cbuf):
        r0 = r_base + b * RPB
        pltpu.sync_copy(src_hbm.at[pl.ds(r0, RPB)], sbuf)
        pltpu.sync_copy(cidx_hbm.at[pl.ds(r0, RPB)], cbuf)

    def fire(cbuf, rbuf, sem):
        for j in range(RPB):
            pltpu.async_copy(wtab_hbm.at[cbuf.at[j]],
                             rbuf.at[pl.ds(j * 128, 128)], sem)

    def drain(cbuf, rbuf, sem):
        for j in range(RPB):
            pltpu.make_async_copy(wtab_hbm.at[cbuf.at[j]],
                                  rbuf.at[pl.ds(j * 128, 128)], sem).wait()

    def scat(rbuf, sbuf):
        for j in range(RPB):
            pltpu.sync_copy(rbuf.at[pl.ds(j * 128, 128)],
                            acc.at[sbuf.at[j]], add=True)

    @pl.loop(0, ZROWS)
    def _zb(i):
        zbuf[i, :] = jnp.zeros((LANES,), jnp.float32)
    for t in range(STRIPE // ZROWS):
        pltpu.async_copy(zbuf, acc.at[pl.ds(sid * STRIPE + t * ZROWS, ZROWS)],
                         sem_z)

    fetch(0, sa, ca)
    fire(ca, rows_a, sem_a)
    fetch(1, sb, cb)

    for t in range(STRIPE // ZROWS):
        pltpu.make_async_copy(zbuf,
                              acc.at[pl.ds(sid * STRIPE + t * ZROWS, ZROWS)],
                              sem_z).wait()
    plsc.subcore_barrier()

    @pl.loop(0, nblk_c // 2 - 1)
    def _pipe(h):
        b = 2 * h
        fire(cb, rows_b, sem_b)
        drain(ca, rows_a, sem_a)
        scat(rows_a, sa)
        fetch(b + 2, sa, ca)
        fire(ca, rows_a, sem_a)
        drain(cb, rows_b, sem_b)
        scat(rows_b, sb)
        fetch(b + 3, sb, cb)

    fire(cb, rows_b, sem_b)
    drain(ca, rows_a, sem_a)
    scat(rows_a, sa)
    drain(cb, rows_b, sem_b)
    scat(rows_b, sb)

    plsc.subcore_barrier()
    pltpu.sync_copy(acc.at[pl.ds(sid * STRIPE, STRIPE)],
                    out_hbm.at[cid, pl.ds(sid * STRIPE, STRIPE)])


def kernel(x, prev_h, edge_index, pos, Q_neigh, B):
    Qs = jax.nn.softmax(Q_neigh.astype(jnp.float32), axis=0)
    Bs = jax.nn.softmax(B.astype(jnp.float32), axis=1)
    a4 = jnp.einsum('ijpg,gh->jgpih', Qs, jnp.eye(G, dtype=jnp.float32))
    a = jnp.zeros((LANES, L, LANES), jnp.float32)
    a = a.at[:CG, :, :CG].set(a4.reshape(CG, L, CG)).reshape(LANES, L * LANES)
    bias = jnp.zeros((L, LANES), jnp.float32).at[:, 15].set(1.0)
    bias = bias.reshape(1, L * LANES)
    bst = jnp.zeros((M, LANES), jnp.float32)
    bst = bst.at[:, :CG].set(jnp.transpose(Bs, (1, 0, 2)).reshape(M, CG))
    p_mat = jnp.zeros((LANES, G), jnp.float32)
    p_mat = p_mat.at[jnp.arange(CG), jnp.arange(CG) % G].set(1.0)
    pt_mat = p_mat.T

    a10 = a[:CG]
    ph10 = prev_h.reshape(N, CG).astype(jnp.float32)
    x2 = x.astype(jnp.int32).reshape(N, 1)

    e = edge_index.shape[1]
    assert e % 128 == 0
    blk_total = NW * EDGE_BLK
    nblk = -(-e // blk_total)
    if nblk % 2:
        nblk += 1
    e_pad = nblk * blk_total
    nrows = e_pad // 128
    erows_blk = nrows // NB_TC
    eblk = erows_blk * 128
    ei2 = edge_index.astype(jnp.int32)
    pos1 = pos.astype(jnp.int32)

    wtab, bx, src_p, cidx = pl.pallas_call(
        functools.partial(_pre_body, e, erows_blk),
        grid=(NB_TC,),
        in_specs=[
            pl.BlockSpec((NB_ROWS, CG), lambda i: (i, 0)),
            pl.BlockSpec((CG, L * LANES), lambda i: (0, 0)),
            pl.BlockSpec((1, L * LANES), lambda i: (0, 0)),
            pl.BlockSpec((NB_ROWS, 1), lambda i: (i, 0)),
            pl.BlockSpec((M, LANES), lambda i: (0, 0)),
            pl.BlockSpec((2, eblk), lambda i: (0, i)),
            pl.BlockSpec((eblk,), lambda i: (i,)),
        ],
        out_specs=[
            pl.BlockSpec((NB_ROWS, L * LANES), lambda i: (i, 0)),
            pl.BlockSpec((NB_ROWS, LANES), lambda i: (i, 0)),
            pl.BlockSpec((erows_blk, 128), lambda i: (i, 0)),
            pl.BlockSpec((erows_blk, 128), lambda i: (i, 0)),
        ],
        out_shape=[
            jax.ShapeDtypeStruct((N, L * LANES), jnp.float32),
            jax.ShapeDtypeStruct((N, LANES), jnp.float32),
            jax.ShapeDtypeStruct((nrows, 128), jnp.int32),
            jax.ShapeDtypeStruct((nrows, 128), jnp.int32),
        ],
    )(ph10, a10, bias, x2, bst, ei2, pos1)
    wtab = wtab.reshape(N * L, LANES)

    nblk_pair = 2 * nblk
    nblk0 = max(2, int(round(nblk_pair * 0.7 / 2)) * 2)
    nblk1 = nblk_pair - nblk0
    mesh = plsc.VectorSubcoreMesh(core_axis_name="c", subcore_axis_name="s")
    sc_edge = pl.kernel(
        functools.partial(_sc_edge_kernel, nblk0, nblk1),
        out_type=jax.ShapeDtypeStruct((NC, ACC_ROWS, LANES), jnp.float32),
        mesh=mesh,
        scratch_types=[
            pltpu.VMEM((RPB, 128), jnp.int32),
            pltpu.VMEM((RPB, 128), jnp.int32),
            pltpu.VMEM((RPB, 128), jnp.int32),
            pltpu.VMEM((RPB, 128), jnp.int32),
            pltpu.VMEM((EDGE_BLK, LANES), jnp.float32),
            pltpu.VMEM((EDGE_BLK, LANES), jnp.float32),
            pltpu.VMEM((ZROWS, LANES), jnp.float32),
            pltpu.SemaphoreType.DMA,
            pltpu.SemaphoreType.DMA,
            pltpu.SemaphoreType.DMA,
            pltpu.VMEM_SHARED((ACC_ROWS, LANES), jnp.float32),
        ],
        compiler_params=pltpu.CompilerParams(use_tc_tiling_on_sc=False),
    )
    t_part = sc_edge(src_p, cidx, wtab)

    packed = pl.pallas_call(
        _post_body,
        grid=(NB_TC,),
        in_specs=[
            pl.BlockSpec((1, NB_ROWS, LANES), lambda i: (0, i, 0)),
            pl.BlockSpec((1, NB_ROWS, LANES), lambda i: (1, i, 0)),
            pl.BlockSpec((NB_ROWS, LANES), lambda i: (i, 0)),
            pl.BlockSpec((LANES, G), lambda i: (0, 0)),
            pl.BlockSpec((G, LANES), lambda i: (0, 0)),
        ],
        out_specs=pl.BlockSpec((NB_ROWS, LANES), lambda i: (i, 0)),
        out_shape=jax.ShapeDtypeStruct((N, LANES), jnp.float32),
    )(t_part, t_part, bx, p_mat, pt_mat)

    lik_out = packed[:, CG:CG + G]
    return lik_out, packed[:, :CG].reshape(N, C, G)

# --- scband reference (transcript-rebuilt; emitter-appended) ---
"""Pipeline reference for scband-positional-cgmmlayer-62216896250322 (READ-ONLY COPY).

The authoritative reference and input builder live on the scoring server;
editing this copy changes nothing except your own understanding.
"""

import jax, jax.numpy as jnp
import numpy as np

N = 50000
E = 800000
C = 5
G = 2
L = 4
M = 32


def setup_inputs(seed: int = 0) -> dict:
    key = jax.random.key(seed)
    k1, k2, k3, k4, k5, k6 = jax.random.split(key, 6)
    x = jax.random.randint(k1, (N,), 0, M)
    prev_h = jax.random.uniform(k2, (N, C, G), dtype=jnp.float32)
    edge_index = jax.random.randint(k3, (2, E), 0, N)
    pos = jax.random.randint(k4, (E,), 0, L)
    Q_neigh = jax.random.normal(k5, (C, C, L, G), dtype=jnp.float32) * 2.5
    B = jax.random.normal(k6, (C, M, G), dtype=jnp.float32) * 2.5
    return {"x": x, "prev_h": prev_h, "edge_index": edge_index, "pos": pos, "Q_neigh": Q_neigh, "B": B}


def reference(x, prev_h, edge_index, pos, Q_neigh, B):
    # softmax reparameterization: softmax over first C dim of Q_neigh for each (l, j),
    # softmax over M dim of B for each j
    Qs = jax.nn.softmax(Q_neigh, axis=0)  # [C, C, L, G]
    Bs = jax.nn.softmax(B, axis=1)        # [C, M, G]
    src = edge_index[0]
    dst = edge_index[1]
    n = prev_h.shape[0]
    prev_h_neigh = prev_h[dst][:, None, :, :]                      # [E, 1, C, G]
    trans_neigh = jnp.transpose(Qs[:, :, pos, :], (2, 0, 1, 3))     # [E, C, C, G]
    B_nodes = jnp.transpose(Bs[:, x[src], :], (1, 0, 2))[:, :, None, :]  # [E, C, 1, G]
    unnorm_posterior = B_nodes * trans_neigh * prev_h_neigh        # [E, C, C, G]
    edge_lik = jnp.sum(unnorm_posterior, axis=(1, 2), keepdims=True)  # [E, 1, 1, G]
    num = jax.ops.segment_sum(edge_lik, src, num_segments=n)
    cnt = jax.ops.segment_sum(jnp.ones((src.shape[0], 1, 1, 1), jnp.float32), src, num_segments=n)
    likelihood = num / jnp.maximum(cnt, 1.0)                       # scatter-mean, [N, 1, 1, G]
    posterior_il = jax.lax.stop_gradient(unnorm_posterior / (likelihood[src] + 1e-16))
    posterior_i = jax.lax.stop_gradient(
        jax.ops.segment_sum(jnp.sum(posterior_il, axis=2), src, num_segments=n))  # [N, C, G]
    lik_out = jnp.log(likelihood).squeeze()                        # [N, G]
    return lik_out, posterior_i

if __name__ == "__main__":
    import jax
    _d = setup_inputs()
    print(jax.jit(kernel)(*tuple(_d.values())))

</pallas_src>

<mosaic_0001>
#map = affine_map<(d0, d1) -> (0, 0)>
#map1 = affine_map<(d0, d1) -> (0, 0, 0)>
module attributes {stable_mosaic.version = 14 : i64} {
  func.func @_sc_edge_kernel(%arg0: i32, %arg1: i32, %arg2: memref<6400x128xi32, #tpu.memory_space<hbm>>, %arg3: memref<6400x128xi32, #tpu.memory_space<hbm>>, %arg4: memref<200000x16xf32, #tpu.memory_space<hbm>>, %arg5: memref<2x51200x16xf32, #tpu.memory_space<hbm>>, %arg6: memref<10x128xi32, #tpu.memory_space<vmem>>, %arg7: memref<10x128xi32, #tpu.memory_space<vmem>>, %arg8: memref<10x128xi32, #tpu.memory_space<vmem>>, %arg9: memref<10x128xi32, #tpu.memory_space<vmem>>, %arg10: memref<1280x16xf32, #tpu.memory_space<vmem>>, %arg11: memref<1280x16xf32, #tpu.memory_space<vmem>>, %arg12: memref<640x16xf32, #tpu.memory_space<vmem>>, %arg13: memref<!tpu.dma_semaphore, #tpu.memory_space<semaphore_mem>>, %arg14: memref<!tpu.dma_semaphore, #tpu.memory_space<semaphore_mem>>, %arg15: memref<!tpu.dma_semaphore, #tpu.memory_space<semaphore_mem>>, %arg16: memref<51200x16xf32, #tpu.memory_space<vmem_shared>>) attributes {dimension_semantics = [#tpu.dimension_semantics<core_parallel>, #tpu.dimension_semantics<subcore_parallel>], iteration_bounds = array<i64: 2, 16>, scalar_prefetch = 0 : i64, scratch_operands = 11 : i64, tpu.core_type = #tpu.core_type<sc_vector_subcore>, window_params = [{transform_indices = #map}, {transform_indices = #map}, {transform_indices = #map}, {transform_indices = #map1}]} {
    %eq3A = arith.constant 0 : i32
    %eq3A_0 = arith.cmpi eq, %arg0, %eq3A : i32
    %jit3A = arith.constant 28 : i32
    %jit3A_1 = arith.constant 12 : i32
    %select_n3A = arith.select %eq3A_0, %jit3A, %jit3A_1 : i32
    %eq3A_2 = arith.constant 0 : i32
    %eq3A_3 = arith.cmpi eq, %arg0, %eq3A_2 : i32
    %mul3A = arith.constant 280 : i32
    %mul3A_4 = arith.muli %arg1, %mul3A : i32
    %mul3A_5 = arith.constant 120 : i32
    %mul3A_6 = arith.muli %arg1, %mul3A_5 : i32
    %add3A = arith.constant 4480 : i32
    %add3A_7 = arith.addi %add3A, %mul3A_6 : i32
    %select_n3A_8 = arith.select %eq3A_3, %mul3A_4, %add3A_7 : i32
    %scan3A = arith.constant 0 : i32
    %scan3A_9 = arith.constant 640 : i32
    %scan3A_10 = arith.addi %scan3A, %scan3A_9 : i32
    %scan3A_11 = arith.constant 1 : i32
    scf.for %scan3A_557 = %scan3A to %scan3A_10 step %scan3A_11  : i32 {
      %mul3A_558 = arith.constant 1 : i32
      %mul3A_559 = arith.muli %scan3A_557, %mul3A_558 : i32
      %add3A_560 = arith.constant 0 : i32
      %add3A_561 = arith.addi %add3A_560, %mul3A_559 : i32
      %broadcast_in_dim3A = arith.constant 0.000000e+00 : f32
      %broadcast_in_dim3A_562 = vector.broadcast %broadcast_in_dim3A : f32 to vector<16xf32>
      %swap3A = arith.index_cast %add3A_561 : i32 to index
      %swap3A_563 = arith.constant 0 : index
      %swap3A_564 = tpu.vector_load %arg12[%swap3A, %swap3A_563] {strides = array<i32>} : memref<640x16xf32, #tpu.memory_space<vmem>>, vector<1x16xf32>,
      %swap3A_565 = vector.shape_cast %swap3A_564 : vector<1x16xf32> to vector<16xf32>
      %swap3A_566 = vector.shape_cast %broadcast_in_dim3A_562 : vector<16xf32> to vector<1x16xf32>
      tpu.vector_store %arg12[%swap3A, %swap3A_563], %swap3A_566 {strides = array<i32>} : memref<640x16xf32, #tpu.memory_space<vmem>>, vector<1x16xf32>,
    }
    %scan3A_12 = arith.constant 640 : i32
    %mul3A_13 = arith.constant 3200 : i32
    %mul3A_14 = arith.muli %arg1, %mul3A_13 : i32
    %add3A_15 = arith.constant 0 : i32
    %add3A_16 = arith.addi %mul3A_14, %add3A_15 : i32
    %dma_start3A = arith.constant 0 : i32
    %dma_start3A_17 = tpu.memref_slice %arg16[%add3A_16, %dma_start3A] : memref<51200x16xf32, #tpu.memory_space<vmem_shared>> -> memref<640x16xf32, #tpu.memory_space<vmem_shared>>
    %dma_start3A_18 = arith.constant 0 : i32
    %dma_start3A_19 = tpu.memref_slice %arg16[%add3A_16, %dma_start3A_18] : memref<51200x16xf32, #tpu.memory_space<vmem_shared>> -> memref<640x16xf32, #tpu.memory_space<vmem_shared>>
    tpu.enqueue_dma source(%arg12 : memref<640x16xf32, #tpu.memory_space<vmem>>) target(%dma_start3A_19 : memref<640x16xf32, #tpu.memory_space<vmem_shared>>) target_semaphore(%arg15 : memref<!tpu.dma_semaphore, #tpu.memory_space<semaphore_mem>>)
    %mul3A_20 = arith.constant 3200 : i32
    %mul3A_21 = arith.muli %arg1, %mul3A_20 : i32
    %add3A_22 = arith.constant 640 : i32
    %add3A_23 = arith.addi %mul3A_21, %add3A_22 : i32
    %dma_start3A_24 = arith.constant 0 : i32
    %dma_start3A_25 = tpu.memref_slice %arg16[%add3A_23, %dma_start3A_24] : memref<51200x16xf32, #tpu.memory_space<vmem_shared>> -> memref<640x16xf32, #tpu.memory_space<vmem_shared>>
    %dma_start3A_26 = arith.constant 0 : i32
    %dma_start3A_27 = tpu.memref_slice %arg16[%add3A_23, %dma_start3A_26] : memref<51200x16xf32, #tpu.memory_space<vmem_shared>> -> memref<640x16xf32, #tpu.memory_space<vmem_shared>>
    tpu.enqueue_dma source(%arg12 : memref<640x16xf32, #tpu.memory_space<vmem>>) target(%dma_start3A_27 : memref<640x16xf32, #tpu.memory_space<vmem_shared>>) target_semaphore(%arg15 : memref<!tpu.dma_semaphore, #tpu.memory_space<semaphore_mem>>)
    %mul3A_28 = arith.constant 3200 : i32
    %mul3A_29 = arith.muli %arg1, %mul3A_28 : i32
    %add3A_30 = arith.constant 1280 : i32
    %add3A_31 = arith.addi %mul3A_29, %add3A_30 : i32
    %dma_start3A_32 = arith.constant 0 : i32
    %dma_start3A_33 = tpu.memref_slice %arg16[%add3A_31, %dma_start3A_32] : memref<51200x16xf32, #tpu.memory_space<vmem_shared>> -> memref<640x16xf32, #tpu.memory_space<vmem_shared>>
    %dma_start3A_34 = arith.constant 0 : i32
    %dma_start3A_35 = tpu.memref_slice %arg16[%add3A_31, %dma_start3A_34] : memref<51200x16xf32, #tpu.memory_space<vmem_shared>> -> memref<640x16xf32, #tpu.memory_space<vmem_shared>>
    tpu.enqueue_dma source(%arg12 : memref<640x16xf32, #tpu.memory_space<vmem>>) target(%dma_start3A_35 : memref<640x16xf32, #tpu.memory_space<vmem_shared>>) target_semaphore(%arg15 : memref<!tpu.dma_semaphore, #tpu.memory_space<semaphore_mem>>)
    %mul3A_36 = arith.constant 3200 : i32
    %mul3A_37 = arith.muli %arg1, %mul3A_36 : i32
    %add3A_38 = arith.constant 1920 : i32
    %add3A_39 = arith.addi %mul3A_37, %add3A_38 : i32
    %dma_start3A_40 = arith.constant 0 : i32
    %dma_start3A_41 = tpu.memref_slice %arg16[%add3A_39, %dma_start3A_40] : memref<51200x16xf32, #tpu.memory_space<vmem_shared>> -> memref<640x16xf32, #tpu.memory_space<vmem_shared>>
    %dma_start3A_42 = arith.constant 0 : i32
    %dma_start3A_43 = tpu.memref_slice %arg16[%add3A_39, %dma_start3A_42] : memref<51200x16xf32, #tpu.memory_space<vmem_shared>> -> memref<640x16xf32, #tpu.memory_space<vmem_shared>>
    tpu.enqueue_dma source(%arg12 : memref<640x16xf32, #tpu.memory_space<vmem>>) target(%dma_start3A_43 : memref<640x16xf32, #tpu.memory_space<vmem_shared>>) target_semaphore(%arg15 : memref<!tpu.dma_semaphore, #tpu.memory_space<semaphore_mem>>)
    %mul3A_44 = arith.constant 3200 : i32
    %mul3A_45 = arith.muli %arg1, %mul3A_44 : i32
    %add3A_46 = arith.constant 2560 : i32
    %add3A_47 = arith.addi %mul3A_45, %add3A_46 : i32
    %dma_start3A_48 = arith.constant 0 : i32
    %dma_start3A_49 = tpu.memref_slice %arg16[%add3A_47, %dma_start3A_48] : memref<51200x16xf32, #tpu.memory_space<vmem_shared>> -> memref<640x16xf32, #tpu.memory_space<vmem_shared>>
    %dma_start3A_50 = arith.constant 0 : i32
    %dma_start3A_51 = tpu.memref_slice %arg16[%add3A_47, %dma_start3A_50] : memref<51200x16xf32, #tpu.memory_space<vmem_shared>> -> memref<640x16xf32, #tpu.memory_space<vmem_shared>>
    tpu.enqueue_dma source(%arg12 : memref<640x16xf32, #tpu.memory_space<vmem>>) target(%dma_start3A_51 : memref<640x16xf32, #tpu.memory_space<vmem_shared>>) target_semaphore(%arg15 : memref<!tpu.dma_semaphore, #tpu.memory_space<semaphore_mem>>)
    %add3A_52 = arith.constant 0 : i32
    %add3A_53 = arith.addi %select_n3A_8, %add3A_52 : i32
    "tpu.region"() ({
      %run_scoped3A_557 = tpu.sem_alloc : memref<!tpu.dma_semaphore, #tpu.memory_space<semaphore_mem>>
      %dma_start3A_558 = arith.constant 0 : i32
      %dma_start3A_559 = tpu.memref_slice %arg2[%add3A_53, %dma_start3A_558] : memref<6400x128xi32, #tpu.memory_space<hbm>> -> memref<10x128xi32, #tpu.memory_space<hbm>>
      %dma_start3A_560 = arith.constant 0 : i32
      %dma_start3A_561 = tpu.memref_slice %arg2[%add3A_53, %dma_start3A_560] : memref<6400x128xi32, #tpu.memory_space<hbm>> -> memref<10x128xi32, #tpu.memory_space<hbm>>
      tpu.enqueue_dma source(%dma_start3A_561 : memref<10x128xi32, #tpu.memory_space<hbm>>) target(%arg6 : memref<10x128xi32, #tpu.memory_space<vmem>>) target_semaphore(%run_scoped3A_557 : memref<!tpu.dma_semaphore, #tpu.memory_space<semaphore_mem>>)
      %dma_wait3A_562 = arith.constant 0 : i32
      %dma_wait3A_563 = tpu.memref_slice %arg2[%add3A_53, %dma_wait3A_562] : memref<6400x128xi32, #tpu.memory_space<hbm>> -> memref<10x128xi32, #tpu.memory_space<hbm>>
      %dma_wait3A_564 = arith.constant 0 : i32
      %dma_wait3A_565 = tpu.memref_slice %arg2[%add3A_53, %dma_wait3A_564] : memref<6400x128xi32, #tpu.memory_space<hbm>> -> memref<10x128xi32, #tpu.memory_space<hbm>>
      tpu.wait_dma2 semaphore(%run_scoped3A_557 : memref<!tpu.dma_semaphore, #tpu.memory_space<semaphore_mem>>) src(%dma_wait3A_565 : memref<10x128xi32, #tpu.memory_space<hbm>>) dst(%arg6 : memref<10x128xi32, #tpu.memory_space<vmem>>)
      tpu.yield
    }) : () -> ()
    "tpu.region"() ({
      %run_scoped3A_557 = tpu.sem_alloc : memref<!tpu.dma_semaphore, #tpu.memory_space<semaphore_mem>>
      %dma_start3A_558 = arith.constant 0 : i32
      %dma_start3A_559 = tpu.memref_slice %arg3[%add3A_53, %dma_start3A_558] : memref<6400x128xi32, #tpu.memory_space<hbm>> -> memref<10x128xi32, #tpu.memory_space<hbm>>
      %dma_start3A_560 = arith.constant 0 : i32
      %dma_start3A_561 = tpu.memref_slice %arg3[%add3A_53, %dma_start3A_560] : memref<6400x128xi32, #tpu.memory_space<hbm>> -> memref<10x128xi32, #tpu.memory_space<hbm>>
      tpu.enqueue_dma source(%dma_start3A_561 : memref<10x128xi32, #tpu.memory_space<hbm>>) target(%arg7 : memref<10x128xi32, #tpu.memory_space<vmem>>) target_semaphore(%run_scoped3A_557 : memref<!tpu.dma_semaphore, #tpu.memory_space<semaphore_mem>>)
      %dma_wait3A_562 = arith.constant 0 : i32
      %dma_wait3A_563 = tpu.memref_slice %arg3[%add3A_53, %dma_wait3A_562] : memref<6400x128xi32, #tpu.memory_space<hbm>> -> memref<10x128xi32, #tpu.memory_space<hbm>>
      %dma_wait3A_564 = arith.constant 0 : i32
      %dma_wait3A_565 = tpu.memref_slice %arg3[%add3A_53, %dma_wait3A_564] : memref<6400x128xi32, #tpu.memory_space<hbm>> -> memref<10x128xi32, #tpu.memory_space<hbm>>
      tpu.wait_dma2 semaphore(%run_scoped3A_557 : memref<!tpu.dma_semaphore, #tpu.memory_space<semaphore_mem>>) src(%dma_wait3A_565 : memref<10x128xi32, #tpu.memory_space<hbm>>) dst(%arg7 : memref<10x128xi32, #tpu.memory_space<vmem>>)
      tpu.yield
    }) : () -> ()
    %dma_start3A_54 = arith.constant 0 : i32
    %dma_start3A_55 = arith.constant 0 : i32
    %dma_start3A_56 = arith.constant 0 : i32
    %dma_start3A_57 = tpu.memref_slice %arg10[%dma_start3A_55, %dma_start3A_56] : memref<1280x16xf32, #tpu.memory_space<vmem>> -> memref<128x16xf32, #tpu.memory_space<vmem>>
    %dma_start3A_58 = arith.constant 0 : i32
    %dma_start3A_59 = tpu.memref_slice %arg7[%dma_start3A_54, %dma_start3A_58] : memref<10x128xi32, #tpu.memory_space<vmem>> -> memref<1x128xi32, #tpu.memory_space<vmem>>
    %dma_start3A_60 = tpu.memref_squeeze %dma_start3A_59 : memref<1x128xi32, #tpu.memory_space<vmem>> -> memref<128xi32, #tpu.memory_space<vmem>>
    %dma_start3A_61 = arith.constant 0 : i32
    %dma_start3A_62 = arith.constant 0 : i32
    %dma_start3A_63 = tpu.memref_slice %arg4[%dma_start3A_61, %dma_start3A_62] : memref<200000x16xf32, #tpu.memory_space<hbm>> -> memref<200000x16xf32, #tpu.memory_space<hbm>>
    tpu.enqueue_indirect_dma source(%dma_start3A_63 : memref<200000x16xf32, #tpu.memory_space<hbm>>) target(%dma_start3A_57 : memref<128x16xf32, #tpu.memory_space<vmem>>) offsets(%dma_start3A_60 : memref<128xi32, #tpu.memory_space<vmem>>) semaphore(%arg13 : memref<!tpu.dma_semaphore, #tpu.memory_space<semaphore_mem>>)
    %dma_start3A_64 = arith.constant 1 : i32
    %dma_start3A_65 = arith.constant 128 : i32
    %dma_start3A_66 = arith.constant 0 : i32
    %dma_start3A_67 = tpu.memref_slice %arg10[%dma_start3A_65, %dma_start3A_66] : memref<1280x16xf32, #tpu.memory_space<vmem>> -> memref<128x16xf32, #tpu.memory_space<vmem>>
    %dma_start3A_68 = arith.constant 0 : i32
    %dma_start3A_69 = tpu.memref_slice %arg7[%dma_start3A_64, %dma_start3A_68] : memref<10x128xi32, #tpu.memory_space<vmem>> -> memref<1x128xi32, #tpu.memory_space<vmem>>
    %dma_start3A_70 = tpu.memref_squeeze %dma_start3A_69 : memref<1x128xi32, #tpu.memory_space<vmem>> -> memref<128xi32, #tpu.memory_space<vmem>>
    %dma_start3A_71 = arith.constant 0 : i32
    %dma_start3A_72 = arith.constant 0 : i32
    %dma_start3A_73 = tpu.memref_slice %arg4[%dma_start3A_71, %dma_start3A_72] : memref<200000x16xf32, #tpu.memory_space<hbm>> -> memref<200000x16xf32, #tpu.memory_space<hbm>>
    tpu.enqueue_indirect_dma source(%dma_start3A_73 : memref<200000x16xf32, #tpu.memory_space<hbm>>) target(%dma_start3A_67 : memref<128x16xf32, #tpu.memory_space<vmem>>) offsets(%dma_start3A_70 : memref<128xi32, #tpu.memory_space<vmem>>) semaphore(%arg13 : memref<!tpu.dma_semaphore, #tpu.memory_space<semaphore_mem>>)
    %dma_start3A_74 = arith.constant 2 : i32
    %dma_start3A_75 = arith.constant 256 : i32
    %dma_start3A_76 = arith.constant 0 : i32
    %dma_start3A_77 = tpu.memref_slice %arg10[%dma_start3A_75, %dma_start3A_76] : memref<1280x16xf32, #tpu.memory_space<vmem>> -> memref<128x16xf32, #tpu.memory_space<vmem>>
    %dma_start3A_78 = arith.constant 0 : i32
    %dma_start3A_79 = tpu.memref_slice %arg7[%dma_start3A_74, %dma_start3A_78] : memref<10x128xi32, #tpu.memory_space<vmem>> -> memref<1x128xi32, #tpu.memory_space<vmem>>
    %dma_start3A_80 = tpu.memref_squeeze %dma_start3A_79 : memref<1x128xi32, #tpu.memory_space<vmem>> -> memref<128xi32, #tpu.memory_space<vmem>>
    %dma_start3A_81 = arith.constant 0 : i32
    %dma_start3A_82 = arith.constant 0 : i32
    %dma_start3A_83 = tpu.memref_slice %arg4[%dma_start3A_81, %dma_start3A_82] : memref<200000x16xf32, #tpu.memory_space<hbm>> -> memref<200000x16xf32, #tpu.memory_space<hbm>>
    tpu.enqueue_indirect_dma source(%dma_start3A_83 : memref<200000x16xf32, #tpu.memory_space<hbm>>) target(%dma_start3A_77 : memref<128x16xf32, #tpu.memory_space<vmem>>) offsets(%dma_start3A_80 : memref<128xi32, #tpu.memory_space<vmem>>) semaphore(%arg13 : memref<!tpu.dma_semaphore, #tpu.memory_space<semaphore_mem>>)
    %dma_start3A_84 = arith.constant 3 : i32
    %dma_start3A_85 = arith.constant 384 : i32
    %dma_start3A_86 = arith.constant 0 : i32
    %dma_start3A_87 = tpu.memref_slice %arg10[%dma_start3A_85, %dma_start3A_86] : memref<1280x16xf32, #tpu.memory_space<vmem>> -> memref<128x16xf32, #tpu.memory_space<vmem>>
    %dma_start3A_88 = arith.constant 0 : i32
    %dma_start3A_89 = tpu.memref_slice %arg7[%dma_start3A_84, %dma_start3A_88] : memref<10x128xi32, #tpu.memory_space<vmem>> -> memref<1x128xi32, #tpu.memory_space<vmem>>
    %dma_start3A_90 = tpu.memref_squeeze %dma_start3A_89 : memref<1x128xi32, #tpu.memory_space<vmem>> -> memref<128xi32, #tpu.memory_space<vmem>>
    %dma_start3A_91 = arith.constant 0 : i32
    %dma_start3A_92 = arith.constant 0 : i32
    %dma_start3A_93 = tpu.memref_slice %arg4[%dma_start3A_91, %dma_start3A_92] : memref<200000x16xf32, #tpu.memory_space<hbm>> -> memref<200000x16xf32, #tpu.memory_space<hbm>>
    tpu.enqueue_indirect_dma source(%dma_start3A_93 : memref<200000x16xf32, #tpu.memory_space<hbm>>) target(%dma_start3A_87 : memref<128x16xf32, #tpu.memory_space<vmem>>) offsets(%dma_start3A_90 : memref<128xi32, #tpu.memory_space<vmem>>) semaphore(%arg13 : memref<!tpu.dma_semaphore, #tpu.memory_space<semaphore_mem>>)
    %dma_start3A_94 = arith.constant 4 : i32
    %dma_start3A_95 = arith.constant 512 : i32
    %dma_start3A_96 = arith.constant 0 : i32
    %dma_start3A_97 = tpu.memref_slice %arg10[%dma_start3A_95, %dma_start3A_96] : memref<1280x16xf32, #tpu.memory_space<vmem>> -> memref<128x16xf32, #tpu.memory_space<vmem>>
    %dma_start3A_98 = arith.constant 0 : i32
    %dma_start3A_99 = tpu.memref_slice %arg7[%dma_start3A_94, %dma_start3A_98] : memref<10x128xi32, #tpu.memory_space<vmem>> -> memref<1x128xi32, #tpu.memory_space<vmem>>
    %dma_start3A_100 = tpu.memref_squeeze %dma_start3A_99 : memref<1x128xi32, #tpu.memory_space<vmem>> -> memref<128xi32, #tpu.memory_space<vmem>>
    %dma_start3A_101 = arith.constant 0 : i32
    %dma_start3A_102 = arith.constant 0 : i32
    %dma_start3A_103 = tpu.memref_slice %arg4[%dma_start3A_101, %dma_start3A_102] : memref<200000x16xf32, #tpu.memory_space<hbm>> -> memref<200000x16xf32, #tpu.memory_space<hbm>>
    tpu.enqueue_indirect_dma source(%dma_start3A_103 : memref<200000x16xf32, #tpu.memory_space<hbm>>) target(%dma_start3A_97 : memref<128x16xf32, #tpu.memory_space<vmem>>) offsets(%dma_start3A_100 : memref<128xi32, #tpu.memory_space<vmem>>) semaphore(%arg13 : memref<!tpu.dma_semaphore, #tpu.memory_space<semaphore_mem>>)
    %dma_start3A_104 = arith.constant 5 : i32
    %dma_start3A_105 = arith.constant 640 : i32
    %dma_start3A_106 = arith.constant 0 : i32
    %dma_start3A_107 = tpu.memref_slice %arg10[%dma_start3A_105, %dma_start3A_106] : memref<1280x16xf32, #tpu.memory_space<vmem>> -> memref<128x16xf32, #tpu.memory_space<vmem>>
    %dma_start3A_108 = arith.constant 0 : i32
    %dma_start3A_109 = tpu.memref_slice %arg7[%dma_start3A_104, %dma_start3A_108] : memref<10x128xi32, #tpu.memory_space<vmem>> -> memref<1x128xi32, #tpu.memory_space<vmem>>
    %dma_start3A_110 = tpu.memref_squeeze %dma_start3A_109 : memref<1x128xi32, #tpu.memory_space<vmem>> -> memref<128xi32, #tpu.memory_space<vmem>>
    %dma_start3A_111 = arith.constant 0 : i32
    %dma_start3A_112 = arith.constant 0 : i32
    %dma_start3A_113 = tpu.memref_slice %arg4[%dma_start3A_111, %dma_start3A_112] : memref<200000x16xf32, #tpu.memory_space<hbm>> -> memref<200000x16xf32, #tpu.memory_space<hbm>>
    tpu.enqueue_indirect_dma source(%dma_start3A_113 : memref<200000x16xf32, #tpu.memory_space<hbm>>) target(%dma_start3A_107 : memref<128x16xf32, #tpu.memory_space<vmem>>) offsets(%dma_start3A_110 : memref<128xi32, #tpu.memory_space<vmem>>) semaphore(%arg13 : memref<!tpu.dma_semaphore, #tpu.memory_space<semaphore_mem>>)
    %dma_start3A_114 = arith.constant 6 : i32
    %dma_start3A_115 = arith.constant 768 : i32
    %dma_start3A_116 = arith.constant 0 : i32
    %dma_start3A_117 = tpu.memref_slice %arg10[%dma_start3A_115, %dma_start3A_116] : memref<1280x16xf32, #tpu.memory_space<vmem>> -> memref<128x16xf32, #tpu.memory_space<vmem>>
    %dma_start3A_118 = arith.constant 0 : i32
    %dma_start3A_119 = tpu.memref_slice %arg7[%dma_start3A_114, %dma_start3A_118] : memref<10x128xi32, #tpu.memory_space<vmem>> -> memref<1x128xi32, #tpu.memory_space<vmem>>
    %dma_start3A_120 = tpu.memref_squeeze %dma_start3A_119 : memref<1x128xi32, #tpu.memory_space<vmem>> -> memref<128xi32, #tpu.memory_space<vmem>>
    %dma_start3A_121 = arith.constant 0 : i32
    %dma_start3A_122 = arith.constant 0 : i32
    %dma_start3A_123 = tpu.memref_slice %arg4[%dma_start3A_121, %dma_start3A_122] : memref<200000x16xf32, #tpu.memory_space<hbm>> -> memref<200000x16xf32, #tpu.memory_space<hbm>>
    tpu.enqueue_indirect_dma source(%dma_start3A_123 : memref<200000x16xf32, #tpu.memory_space<hbm>>) target(%dma_start3A_117 : memref<128x16xf32, #tpu.memory_space<vmem>>) offsets(%dma_start3A_120 : memref<128xi32, #tpu.memory_space<vmem>>) semaphore(%arg13 : memref<!tpu.dma_semaphore, #tpu.memory_space<semaphore_mem>>)
    %dma_start3A_124 = arith.constant 7 : i32
    %dma_start3A_125 = arith.constant 896 : i32
    %dma_start3A_126 = arith.constant 0 : i32
    %dma_start3A_127 = tpu.memref_slice %arg10[%dma_start3A_125, %dma_start3A_126] : memref<1280x16xf32, #tpu.memory_space<vmem>> -> memref<128x16xf32, #tpu.memory_space<vmem>>
    %dma_start3A_128 = arith.constant 0 : i32
    %dma_start3A_129 = tpu.memref_slice %arg7[%dma_start3A_124, %dma_start3A_128] : memref<10x128xi32, #tpu.memory_space<vmem>> -> memref<1x128xi32, #tpu.memory_space<vmem>>
    %dma_start3A_130 = tpu.memref_squeeze %dma_start3A_129 : memref<1x128xi32, #tpu.memory_space<vmem>> -> memref<128xi32, #tpu.memory_space<vmem>>
    %dma_start3A_131 = arith.constant 0 : i32
    %dma_start3A_132 = arith.constant 0 : i32
    %dma_start3A_133 = tpu.memref_slice %arg4[%dma_start3A_131, %dma_start3A_132] : memref<200000x16xf32, #tpu.memory_space<hbm>> -> memref<200000x16xf32, #tpu.memory_space<hbm>>
    tpu.enqueue_indirect_dma source(%dma_start3A_133 : memref<200000x16xf32, #tpu.memory_space<hbm>>) target(%dma_start3A_127 : memref<128x16xf32, #tpu.memory_space<vmem>>) offsets(%dma_start3A_130 : memref<128xi32, #tpu.memory_space<vmem>>) semaphore(%arg13 : memref<!tpu.dma_semaphore, #tpu.memory_space<semaphore_mem>>)
    %dma_start3A_134 = arith.constant 8 : i32
    %dma_start3A_135 = arith.constant 1024 : i32
    %dma_start3A_136 = arith.constant 0 : i32
    %dma_start3A_137 = tpu.memref_slice %arg10[%dma_start3A_135, %dma_start3A_136] : memref<1280x16xf32, #tpu.memory_space<vmem>> -> memref<128x16xf32, #tpu.memory_space<vmem>>
    %dma_start3A_138 = arith.constant 0 : i32
    %dma_start3A_139 = tpu.memref_slice %arg7[%dma_start3A_134, %dma_start3A_138] : memref<10x128xi32, #tpu.memory_space<vmem>> -> memref<1x128xi32, #tpu.memory_space<vmem>>
    %dma_start3A_140 = tpu.memref_squeeze %dma_start3A_139 : memref<1x128xi32, #tpu.memory_space<vmem>> -> memref<128xi32, #tpu.memory_space<vmem>>
    %dma_start3A_141 = arith.constant 0 : i32
    %dma_start3A_142 = arith.constant 0 : i32
    %dma_start3A_143 = tpu.memref_slice %arg4[%dma_start3A_141, %dma_start3A_142] : memref<200000x16xf32, #tpu.memory_space<hbm>> -> memref<200000x16xf32, #tpu.memory_space<hbm>>
    tpu.enqueue_indirect_dma source(%dma_start3A_143 : memref<200000x16xf32, #tpu.memory_space<hbm>>) target(%dma_start3A_137 : memref<128x16xf32, #tpu.memory_space<vmem>>) offsets(%dma_start3A_140 : memref<128xi32, #tpu.memory_space<vmem>>) semaphore(%arg13 : memref<!tpu.dma_semaphore, #tpu.memory_space<semaphore_mem>>)
    %dma_start3A_144 = arith.constant 9 : i32
    %dma_start3A_145 = arith.constant 1152 : i32
    %dma_start3A_146 = arith.constant 0 : i32
    %dma_start3A_147 = tpu.memref_slice %arg10[%dma_start3A_145, %dma_start3A_146] : memref<1280x16xf32, #tpu.memory_space<vmem>> -> memref<128x16xf32, #tpu.memory_space<vmem>>
    %dma_start3A_148 = arith.constant 0 : i32
    %dma_start3A_149 = tpu.memref_slice %arg7[%dma_start3A_144, %dma_start3A_148] : memref<10x128xi32, #tpu.memory_space<vmem>> -> memref<1x128xi32, #tpu.memory_space<vmem>>
    %dma_start3A_150 = tpu.memref_squeeze %dma_start3A_149 : memref<1x128xi32, #tpu.memory_space<vmem>> -> memref<128xi32, #tpu.memory_space<vmem>>
    %dma_start3A_151 = arith.constant 0 : i32
    %dma_start3A_152 = arith.constant 0 : i32
    %dma_start3A_153 = tpu.memref_slice %arg4[%dma_start3A_151, %dma_start3A_152] : memref<200000x16xf32, #tpu.memory_space<hbm>> -> memref<200000x16xf32, #tpu.memory_space<hbm>>
    tpu.enqueue_indirect_dma source(%dma_start3A_153 : memref<200000x16xf32, #tpu.memory_space<hbm>>) target(%dma_start3A_147 : memref<128x16xf32, #tpu.memory_space<vmem>>) offsets(%dma_start3A_150 : memref<128xi32, #tpu.memory_space<vmem>>) semaphore(%arg13 : memref<!tpu.dma_semaphore, #tpu.memory_space<semaphore_mem>>)
    %add3A_154 = arith.constant 10 : i32
    %add3A_155 = arith.addi %select_n3A_8, %add3A_154 : i32
    "tpu.region"() ({
      %run_scoped3A_557 = tpu.sem_alloc : memref<!tpu.dma_semaphore, #tpu.memory_space<semaphore_mem>>
      %dma_start3A_558 = arith.constant 0 : i32
      %dma_start3A_559 = tpu.memref_slice %arg2[%add3A_155, %dma_start3A_558] : memref<6400x128xi32, #tpu.memory_space<hbm>> -> memref<10x128xi32, #tpu.memory_space<hbm>>
      %dma_start3A_560 = arith.constant 0 : i32
      %dma_start3A_561 = tpu.memref_slice %arg2[%add3A_155, %dma_start3A_560] : memref<6400x128xi32, #tpu.memory_space<hbm>> -> memref<10x128xi32, #tpu.memory_space<hbm>>
      tpu.enqueue_dma source(%dma_start3A_561 : memref<10x128xi32, #tpu.memory_space<hbm>>) target(%arg8 : memref<10x128xi32, #tpu.memory_space<vmem>>) target_semaphore(%run_scoped3A_557 : memref<!tpu.dma_semaphore, #tpu.memory_space<semaphore_mem>>)
      %dma_wait3A_562 = arith.constant 0 : i32
      %dma_wait3A_563 = tpu.memref_slice %arg2[%add3A_155, %dma_wait3A_562] : memref<6400x128xi32, #tpu.memory_space<hbm>> -> memref<10x128xi32, #tpu.memory_space<hbm>>
      %dma_wait3A_564 = arith.constant 0 : i32
      %dma_wait3A_565 = tpu.memref_slice %arg2[%add3A_155, %dma_wait3A_564] : memref<6400x128xi32, #tpu.memory_space<hbm>> -> memref<10x128xi32, #tpu.memory_space<hbm>>
      tpu.wait_dma2 semaphore(%run_scoped3A_557 : memref<!tpu.dma_semaphore, #tpu.memory_space<semaphore_mem>>) src(%dma_wait3A_565 : memref<10x128xi32, #tpu.memory_space<hbm>>) dst(%arg8 : memref<10x128xi32, #tpu.memory_space<vmem>>)
      tpu.yield
    }) : () -> ()
    "tpu.region"() ({
      %run_scoped3A_557 = tpu.sem_alloc : memref<!tpu.dma_semaphore, #tpu.memory_space<semaphore_mem>>
      %dma_start3A_558 = arith.constant 0 : i32
      %dma_start3A_559 = tpu.memref_slice %arg3[%add3A_155, %dma_start3A_558] : memref<6400x128xi32, #tpu.memory_space<hbm>> -> memref<10x128xi32, #tpu.memory_space<hbm>>
      %dma_start3A_560 = arith.constant 0 : i32
      %dma_start3A_561 = tpu.memref_slice %arg3[%add3A_155, %dma_start3A_560] : memref<6400x128xi32, #tpu.memory_space<hbm>> -> memref<10x128xi32, #tpu.memory_space<hbm>>
      tpu.enqueue_dma source(%dma_start3A_561 : memref<10x128xi32, #tpu.memory_space<hbm>>) target(%arg9 : memref<10x128xi32, #tpu.memory_space<vmem>>) target_semaphore(%run_scoped3A_557 : memref<!tpu.dma_semaphore, #tpu.memory_space<semaphore_mem>>)
      %dma_wait3A_562 = arith.constant 0 : i32
      %dma_wait3A_563 = tpu.memref_slice %arg3[%add3A_155, %dma_wait3A_562] : memref<6400x128xi32, #tpu.memory_space<hbm>> -> memref<10x128xi32, #tpu.memory_space<hbm>>
      %dma_wait3A_564 = arith.constant 0 : i32
      %dma_wait3A_565 = tpu.memref_slice %arg3[%add3A_155, %dma_wait3A_564] : memref<6400x128xi32, #tpu.memory_space<hbm>> -> memref<10x128xi32, #tpu.memory_space<hbm>>
      tpu.wait_dma2 semaphore(%run_scoped3A_557 : memref<!tpu.dma_semaphore, #tpu.memory_space<semaphore_mem>>) src(%dma_wait3A_565 : memref<10x128xi32, #tpu.memory_space<hbm>>) dst(%arg9 : memref<10x128xi32, #tpu.memory_space<vmem>>)
      tpu.yield
    }) : () -> ()
    %mul3A_156 = arith.constant 3200 : i32
    %mul3A_157 = arith.muli %arg1, %mul3A_156 : i32
    %add3A_158 = arith.constant 0 : i32
    %add3A_159 = arith.addi %mul3A_157, %add3A_158 : i32
    %dma_wait3A = arith.constant 0 : i32
    %dma_wait3A_160 = tpu.memref_slice %arg16[%add3A_159, %dma_wait3A] : memref<51200x16xf32, #tpu.memory_space<vmem_shared>> -> memref<640x16xf32, #tpu.memory_space<vmem_shared>>
    %dma_wait3A_161 = arith.constant 0 : i32
    %dma_wait3A_162 = tpu.memref_slice %arg16[%add3A_159, %dma_wait3A_161] : memref<51200x16xf32, #tpu.memory_space<vmem_shared>> -> memref<640x16xf32, #tpu.memory_space<vmem_shared>>
    tpu.wait_dma2 semaphore(%arg15 : memref<!tpu.dma_semaphore, #tpu.memory_space<semaphore_mem>>) src(%arg12 : memref<640x16xf32, #tpu.memory_space<vmem>>) dst(%dma_wait3A_162 : memref<640x16xf32, #tpu.memory_space<vmem_shared>>)
    %mul3A_163 = arith.constant 3200 : i32
    %mul3A_164 = arith.muli %arg1, %mul3A_163 : i32
    %add3A_165 = arith.constant 640 : i32
    %add3A_166 = arith.addi %mul3A_164, %add3A_165 : i32
    %dma_wait3A_167 = arith.constant 0 : i32
    %dma_wait3A_168 = tpu.memref_slice %arg16[%add3A_166, %dma_wait3A_167] : memref<51200x16xf32, #tpu.memory_space<vmem_shared>> -> memref<640x16xf32, #tpu.memory_space<vmem_shared>>
    %dma_wait3A_169 = arith.constant 0 : i32
    %dma_wait3A_170 = tpu.memref_slice %arg16[%add3A_166, %dma_wait3A_169] : memref<51200x16xf32, #tpu.memory_space<vmem_shared>> -> memref<640x16xf32, #tpu.memory_space<vmem_shared>>
    tpu.wait_dma2 semaphore(%arg15 : memref<!tpu.dma_semaphore, #tpu.memory_space<semaphore_mem>>) src(%arg12 : memref<640x16xf32, #tpu.memory_space<vmem>>) dst(%dma_wait3A_170 : memref<640x16xf32, #tpu.memory_space<vmem_shared>>)
    %mul3A_171 = arith.constant 3200 : i32
    %mul3A_172 = arith.muli %arg1, %mul3A_171 : i32
    %add3A_173 = arith.constant 1280 : i32
    %add3A_174 = arith.addi %mul3A_172, %add3A_173 : i32
    %dma_wait3A_175 = arith.constant 0 : i32
    %dma_wait3A_176 = tpu.memref_slice %arg16[%add3A_174, %dma_wait3A_175] : memref<51200x16xf32, #tpu.memory_space<vmem_shared>> -> memref<640x16xf32, #tpu.memory_space<vmem_shared>>
    %dma_wait3A_177 = arith.constant 0 : i32
    %dma_wait3A_178 = tpu.memref_slice %arg16[%add3A_174, %dma_wait3A_177] : memref<51200x16xf32, #tpu.memory_space<vmem_shared>> -> memref<640x16xf32, #tpu.memory_space<vmem_shared>>
    tpu.wait_dma2 semaphore(%arg15 : memref<!tpu.dma_semaphore, #tpu.memory_space<semaphore_mem>>) src(%arg12 : memref<640x16xf32, #tpu.memory_space<vmem>>) dst(%dma_wait3A_178 : memref<640x16xf32, #tpu.memory_space<vmem_shared>>)
    %mul3A_179 = arith.constant 3200 : i32
    %mul3A_180 = arith.muli %arg1, %mul3A_179 : i32
    %add3A_181 = arith.constant 1920 : i32
    %add3A_182 = arith.addi %mul3A_180, %add3A_181 : i32
    %dma_wait3A_183 = arith.constant 0 : i32
    %dma_wait3A_184 = tpu.memref_slice %arg16[%add3A_182, %dma_wait3A_183] : memref<51200x16xf32, #tpu.memory_space<vmem_shared>> -> memref<640x16xf32, #tpu.memory_space<vmem_shared>>
    %dma_wait3A_185 = arith.constant 0 : i32
    %dma_wait3A_186 = tpu.memref_slice %arg16[%add3A_182, %dma_wait3A_185] : memref<51200x16xf32, #tpu.memory_space<vmem_shared>> -> memref<640x16xf32, #tpu.memory_space<vmem_shared>>
    tpu.wait_dma2 semaphore(%arg15 : memref<!tpu.dma_semaphore, #tpu.memory_space<semaphore_mem>>) src(%arg12 : memref<640x16xf32, #tpu.memory_space<vmem>>) dst(%dma_wait3A_186 : memref<640x16xf32, #tpu.memory_space<vmem_shared>>)
    %mul3A_187 = arith.constant 3200 : i32
    %mul3A_188 = arith.muli %arg1, %mul3A_187 : i32
    %add3A_189 = arith.constant 2560 : i32
    %add3A_190 = arith.addi %mul3A_188, %add3A_189 : i32
    %dma_wait3A_191 = arith.constant 0 : i32
    %dma_wait3A_192 = tpu.memref_slice %arg16[%add3A_190, %dma_wait3A_191] : memref<51200x16xf32, #tpu.memory_space<vmem_shared>> -> memref<640x16xf32, #tpu.memory_space<vmem_shared>>
    %dma_wait3A_193 = arith.constant 0 : i32
    %dma_wait3A_194 = tpu.memref_slice %arg16[%add3A_190, %dma_wait3A_193] : memref<51200x16xf32, #tpu.memory_space<vmem_shared>> -> memref<640x16xf32, #tpu.memory_space<vmem_shared>>
    tpu.wait_dma2 semaphore(%arg15 : memref<!tpu.dma_semaphore, #tpu.memory_space<semaphore_mem>>) src(%arg12 : memref<640x16xf32, #tpu.memory_space<vmem>>) dst(%dma_wait3A_194 : memref<640x16xf32, #tpu.memory_space<vmem_shared>>)
    %barrier3A = arith.constant 0 : index
    tpu.barrier barrier_id(%barrier3A)
    %jit3A_195 = arith.constant 2 : i32
    %div3A = arith.divsi %select_n3A, %jit3A_195 : i32
    %sign3A = arith.constant 0 : i32
    %sign3A_196 = arith.cmpi sgt, %select_n3A, %sign3A : i32
    %sign3A_197 = arith.extui %sign3A_196 : i1 to i32
    %sign3A_198 = arith.constant 0 : i32
    %sign3A_199 = arith.cmpi slt, %select_n3A, %sign3A_198 : i32
    %sign3A_200 = arith.extui %sign3A_199 : i1 to i32
    %sign3A_201 = arith.subi %sign3A_197, %sign3A_200 : i32
    %sign3A_202 = arith.constant 0 : i32
    %sign3A_203 = arith.cmpi sgt, %jit3A_195, %sign3A_202 : i32
    %sign3A_204 = arith.extui %sign3A_203 : i1 to i32
    %sign3A_205 = arith.constant 0 : i32
    %sign3A_206 = arith.cmpi slt, %jit3A_195, %sign3A_205 : i32
    %sign3A_207 = arith.extui %sign3A_206 : i1 to i32
    %sign3A_208 = arith.subi %sign3A_204, %sign3A_207 : i32
    %ne3A = arith.cmpi ne, %sign3A_201, %sign3A_208 : i32
    %rem3A = arith.remsi %select_n3A, %jit3A_195 : i32
    %ne3A_209 = arith.constant 0 : i32
    %ne3A_210 = arith.cmpi ne, %rem3A, %ne3A_209 : i32
    %and3A = arith.andi %ne3A, %ne3A_210 : i1
    %sub3A = arith.constant 1 : i32
    %sub3A_211 = arith.subi %div3A, %sub3A : i32
    %select_n3A_212 = arith.select %and3A, %sub3A_211, %div3A : i32
    %sub3A_213 = arith.constant 1 : i32
    %sub3A_214 = arith.subi %select_n3A_212, %sub3A_213 : i32
    %sub3A_215 = arith.constant 0 : i32
    %sub3A_216 = arith.subi %sub3A_214, %sub3A_215 : i32
    %sub3A_217 = arith.constant 1 : i32
    %sub3A_218 = arith.constant 1 : i32
    %sub3A_219 = arith.subi %sub3A_217, %sub3A_218 : i32
    %add3A_220 = arith.addi %sub3A_216, %sub3A_219 : i32
    %div3A_221 = arith.constant 1 : i32
    %div3A_222 = arith.divsi %add3A_220, %div3A_221 : i32
    %while3A = arith.constant 1 : i32
    %while3A_223 = arith.constant 0 : i32
    %while3A_224 = arith.constant 0 : i32
    %while3A_225 = arith.subi %div3A_222, %while3A_224 : i32
    %while3A_226 = arith.addi %while3A_224, %while3A_225 : i32
    %while3A_227 = arith.constant 1 : i32
    %while3A_228 = arith.divsi %while3A_225, %while3A_227 : i32
    %while3A_229 = arith.muli %while3A_228, %while3A_227 : i32
    %while3A_230 = arith.addi %while3A_224, %while3A_229 : i32
    %while3A_231 = arith.constant 1 : i32
    scf.for %while3A_557 = %while3A_224 to %while3A_230 step %while3A_231  : i32 {
      %mul3A_558 = arith.muli %while3A_557, %while3A : i32
      %add3A_559 = arith.addi %while3A_223, %mul3A_558 : i32
      %mul3A_560 = arith.constant 2 : i32
      %mul3A_561 = arith.muli %mul3A_560, %add3A_559 : i32
      %dma_start3A_562 = arith.constant 0 : i32
      %dma_start3A_563 = arith.constant 0 : i32
      %dma_start3A_564 = arith.constant 0 : i32
      %dma_start3A_565 = tpu.memref_slice %arg11[%dma_start3A_563, %dma_start3A_564] : memref<1280x16xf32, #tpu.memory_space<vmem>> -> memref<128x16xf32, #tpu.memory_space<vmem>>
      %dma_start3A_566 = arith.constant 0 : i32
      %dma_start3A_567 = tpu.memref_slice %arg9[%dma_start3A_562, %dma_start3A_566] : memref<10x128xi32, #tpu.memory_space<vmem>> -> memref<1x128xi32, #tpu.memory_space<vmem>>
      %dma_start3A_568 = tpu.memref_squeeze %dma_start3A_567 : memref<1x128xi32, #tpu.memory_space<vmem>> -> memref<128xi32, #tpu.memory_space<vmem>>
      %dma_start3A_569 = arith.constant 0 : i32
      %dma_start3A_570 = arith.constant 0 : i32
      %dma_start3A_571 = tpu.memref_slice %arg4[%dma_start3A_569, %dma_start3A_570] : memref<200000x16xf32, #tpu.memory_space<hbm>> -> memref<200000x16xf32, #tpu.memory_space<hbm>>
      tpu.enqueue_indirect_dma source(%dma_start3A_571 : memref<200000x16xf32, #tpu.memory_space<hbm>>) target(%dma_start3A_565 : memref<128x16xf32, #tpu.memory_space<vmem>>) offsets(%dma_start3A_568 : memref<128xi32, #tpu.memory_space<vmem>>) semaphore(%arg14 : memref<!tpu.dma_semaphore, #tpu.memory_space<semaphore_mem>>)
      %dma_start3A_572 = arith.constant 1 : i32
      %dma_start3A_573 = arith.constant 128 : i32
      %dma_start3A_574 = arith.constant 0 : i32
      %dma_start3A_575 = tpu.memref_slice %arg11[%dma_start3A_573, %dma_start3A_574] : memref<1280x16xf32, #tpu.memory_space<vmem>> -> memref<128x16xf32, #tpu.memory_space<vmem>>
      %dma_start3A_576 = arith.constant 0 : i32
      %dma_start3A_577 = tpu.memref_slice %arg9[%dma_start3A_572, %dma_start3A_576] : memref<10x128xi32, #tpu.memory_space<vmem>> -> memref<1x128xi32, #tpu.memory_space<vmem>>
      %dma_start3A_578 = tpu.memref_squeeze %dma_start3A_577 : memref<1x128xi32, #tpu.memory_space<vmem>> -> memref<128xi32, #tpu.memory_space<vmem>>
      %dma_start3A_579 = arith.constant 0 : i32
      %dma_start3A_580 = arith.constant 0 : i32
      %dma_start3A_581 = tpu.memref_slice %arg4[%dma_start3A_579, %dma_start3A_580] : memref<200000x16xf32, #tpu.memory_space<hbm>> -> memref<200000x16xf32, #tpu.memory_space<hbm>>
      tpu.enqueue_indirect_dma source(%dma_start3A_581 : memref<200000x16xf32, #tpu.memory_space<hbm>>) target(%dma_start3A_575 : memref<128x16xf32, #tpu.memory_space<vmem>>) offsets(%dma_start3A_578 : memref<128xi32, #tpu.memory_space<vmem>>) semaphore(%arg14 : memref<!tpu.dma_semaphore, #tpu.memory_space<semaphore_mem>>)
      %dma_start3A_582 = arith.constant 2 : i32
      %dma_start3A_583 = arith.constant 256 : i32
      %dma_start3A_584 = arith.constant 0 : i32
      %dma_start3A_585 = tpu.memref_slice %arg11[%dma_start3A_583, %dma_start3A_584] : memref<1280x16xf32, #tpu.memory_space<vmem>> -> memref<128x16xf32, #tpu.memory_space<vmem>>
      %dma_start3A_586 = arith.constant 0 : i32
      %dma_start3A_587 = tpu.memref_slice %arg9[%dma_start3A_582, %dma_start3A_586] : memref<10x128xi32, #tpu.memory_space<vmem>> -> memref<1x128xi32, #tpu.memory_space<vmem>>
      %dma_start3A_588 = tpu.memref_squeeze %dma_start3A_587 : memref<1x128xi32, #tpu.memory_space<vmem>> -> memref<128xi32, #tpu.memory_space<vmem>>
      %dma_start3A_589 = arith.constant 0 : i32
      %dma_start3A_590 = arith.constant 0 : i32
      %dma_start3A_591 = tpu.memref_slice %arg4[%dma_start3A_589, %dma_start3A_590] : memref<200000x16xf32, #tpu.memory_space<hbm>> -> memref<200000x16xf32, #tpu.memory_space<hbm>>
      tpu.enqueue_indirect_dma source(%dma_start3A_591 : memref<200000x16xf32, #tpu.memory_space<hbm>>) target(%dma_start3A_585 : memref<128x16xf32, #tpu.memory_space<vmem>>) offsets(%dma_start3A_588 : memref<128xi32, #tpu.memory_space<vmem>>) semaphore(%arg14 : memref<!tpu.dma_semaphore, #tpu.memory_space<semaphore_mem>>)
      %dma_start3A_592 = arith.constant 3 : i32
      %dma_start3A_593 = arith.constant 384 : i32
      %dma_start3A_594 = arith.constant 0 : i32
      %dma_start3A_595 = tpu.memref_slice %arg11[%dma_start3A_593, %dma_start3A_594] : memref<1280x16xf32, #tpu.memory_space<vmem>> -> memref<128x16xf32, #tpu.memory_space<vmem>>
      %dma_start3A_596 = arith.constant 0 : i32
      %dma_start3A_597 = tpu.memref_slice %arg9[%dma_start3A_592, %dma_start3A_596] : memref<10x128xi32, #tpu.memory_space<vmem>> -> memref<1x128xi32, #tpu.memory_space<vmem>>
      %dma_start3A_598 = tpu.memref_squeeze %dma_start3A_597 : memref<1x128xi32, #tpu.memory_space<vmem>> -> memref<128xi32, #tpu.memory_space<vmem>>
      %dma_start3A_599 = arith.constant 0 : i32
      %dma_start3A_600 = arith.constant 0 : i32
      %dma_start3A_601 = tpu.memref_slice %arg4[%dma_start3A_599, %dma_start3A_600] : memref<200000x16xf32, #tpu.memory_space<hbm>> -> memref<200000x16xf32, #tpu.memory_space<hbm>>
      tpu.enqueue_indirect_dma source(%dma_start3A_601 : memref<200000x16xf32, #tpu.memory_space<hbm>>) target(%dma_start3A_595 : memref<128x16xf32, #tpu.memory_space<vmem>>) offsets(%dma_start3A_598 : memref<128xi32, #tpu.memory_space<vmem>>) semaphore(%arg14 : memref<!tpu.dma_semaphore, #tpu.memory_space<semaphore_mem>>)
      %dma_start3A_602 = arith.constant 4 : i32
      %dma_start3A_603 = arith.constant 512 : i32
      %dma_start3A_604 = arith.constant 0 : i32
      %dma_start3A_605 = tpu.memref_slice %arg11[%dma_start3A_603, %dma_start3A_604] : memref<1280x16xf32, #tpu.memory_space<vmem>> -> memref<128x16xf32, #tpu.memory_space<vmem>>
      %dma_start3A_606 = arith.constant 0 : i32
      %dma_start3A_607 = tpu.memref_slice %arg9[%dma_start3A_602, %dma_start3A_606] : memref<10x128xi32, #tpu.memory_space<vmem>> -> memref<1x128xi32, #tpu.memory_space<vmem>>
      %dma_start3A_608 = tpu.memref_squeeze %dma_start3A_607 : memref<1x128xi32, #tpu.memory_space<vmem>> -> memref<128xi32, #tpu.memory_space<vmem>>
      %dma_start3A_609 = arith.constant 0 : i32
      %dma_start3A_610 = arith.constant 0 : i32
      %dma_start3A_611 = tpu.memref_slice %arg4[%dma_start3A_609, %dma_start3A_610] : memref<200000x16xf32, #tpu.memory_space<hbm>> -> memref<200000x16xf32, #tpu.memory_space<hbm>>
      tpu.enqueue_indirect_dma source(%dma_start3A_611 : memref<200000x16xf32, #tpu.memory_space<hbm>>) target(%dma_start3A_605 : memref<128x16xf32, #tpu.memory_space<vmem>>) offsets(%dma_start3A_608 : memref<128xi32, #tpu.memory_space<vmem>>) semaphore(%arg14 : memref<!tpu.dma_semaphore, #tpu.memory_space<semaphore_mem>>)
      %dma_start3A_612 = arith.constant 5 : i32
      %dma_start3A_613 = arith.constant 640 : i32
      %dma_start3A_614 = arith.constant 0 : i32
      %dma_start3A_615 = tpu.memref_slice %arg11[%dma_start3A_613, %dma_start3A_614] : memref<1280x16xf32, #tpu.memory_space<vmem>> -> memref<128x16xf32, #tpu.memory_space<vmem>>
      %dma_start3A_616 = arith.constant 0 : i32
      %dma_start3A_617 = tpu.memref_slice %arg9[%dma_start3A_612, %dma_start3A_616] : memref<10x128xi32, #tpu.memory_space<vmem>> -> memref<1x128xi32, #tpu.memory_space<vmem>>
      %dma_start3A_618 = tpu.memref_squeeze %dma_start3A_617 : memref<1x128xi32, #tpu.memory_space<vmem>> -> memref<128xi32, #tpu.memory_space<vmem>>
      %dma_start3A_619 = arith.constant 0 : i32
      %dma_start3A_620 = arith.constant 0 : i32
      %dma_start3A_621 = tpu.memref_slice %arg4[%dma_start3A_619, %dma_start3A_620] : memref<200000x16xf32, #tpu.memory_space<hbm>> -> memref<200000x16xf32, #tpu.memory_space<hbm>>
      tpu.enqueue_indirect_dma source(%dma_start3A_621 : memref<200000x16xf32, #tpu.memory_space<hbm>>) target(%dma_start3A_615 : memref<128x16xf32, #tpu.memory_space<vmem>>) offsets(%dma_start3A_618 : memref<128xi32, #tpu.memory_space<vmem>>) semaphore(%arg14 : memref<!tpu.dma_semaphore, #tpu.memory_space<semaphore_mem>>)
      %dma_start3A_622 = arith.constant 6 : i32
      %dma_start3A_623 = arith.constant 768 : i32
      %dma_start3A_624 = arith.constant 0 : i32
      %dma_start3A_625 = tpu.memref_slice %arg11[%dma_start3A_623, %dma_start3A_624] : memref<1280x16xf32, #tpu.memory_space<vmem>> -> memref<128x16xf32, #tpu.memory_space<vmem>>
      %dma_start3A_626 = arith.constant 0 : i32
      %dma_start3A_627 = tpu.memref_slice %arg9[%dma_start3A_622, %dma_start3A_626] : memref<10x128xi32, #tpu.memory_space<vmem>> -> memref<1x128xi32, #tpu.memory_space<vmem>>
      %dma_start3A_628 = tpu.memref_squeeze %dma_start3A_627 : memref<1x128xi32, #tpu.memory_space<vmem>> -> memref<128xi32, #tpu.memory_space<vmem>>
      %dma_start3A_629 = arith.constant 0 : i32
      %dma_start3A_630 = arith.constant 0 : i32
      %dma_start3A_631 = tpu.memref_slice %arg4[%dma_start3A_629, %dma_start3A_630] : memref<200000x16xf32, #tpu.memory_space<hbm>> -> memref<200000x16xf32, #tpu.memory_space<hbm>>
      tpu.enqueue_indirect_dma source(%dma_start3A_631 : memref<200000x16xf32, #tpu.memory_space<hbm>>) target(%dma_start3A_625 : memref<128x16xf32, #tpu.memory_space<vmem>>) offsets(%dma_start3A_628 : memref<128xi32, #tpu.memory_space<vmem>>) semaphore(%arg14 : memref<!tpu.dma_semaphore, #tpu.memory_space<semaphore_mem>>)
      %dma_start3A_632 = arith.constant 7 : i32
      %dma_start3A_633 = arith.constant 896 : i32
      %dma_start3A_634 = arith.constant 0 : i32
      %dma_start3A_635 = tpu.memref_slice %arg11[%dma_start3A_633, %dma_start3A_634] : memref<1280x16xf32, #tpu.memory_space<vmem>> -> memref<128x16xf32, #tpu.memory_space<vmem>>
      %dma_start3A_636 = arith.constant 0 : i32
      %dma_start3A_637 = tpu.memref_slice %arg9[%dma_start3A_632, %dma_start3A_636] : memref<10x128xi32, #tpu.memory_space<vmem>> -> memref<1x128xi32, #tpu.memory_space<vmem>>
      %dma_start3A_638 = tpu.memref_squeeze %dma_start3A_637 : memref<1x128xi32, #tpu.memory_space<vmem>> -> memref<128xi32, #tpu.memory_space<vmem>>
      %dma_start3A_639 = arith.constant 0 : i32
      %dma_start3A_640 = arith.constant 0 : i32
      %dma_start3A_641 = tpu.memref_slice %arg4[%dma_start3A_639, %dma_start3A_640] : memref<200000x16xf32, #tpu.memory_space<hbm>> -> memref<200000x16xf32, #tpu.memory_space<hbm>>
      tpu.enqueue_indirect_dma source(%dma_start3A_641 : memref<200000x16xf32, #tpu.memory_space<hbm>>) target(%dma_start3A_635 : memref<128x16xf32, #tpu.memory_space<vmem>>) offsets(%dma_start3A_638 : memref<128xi32, #tpu.memory_space<vmem>>) semaphore(%arg14 : memref<!tpu.dma_semaphore, #tpu.memory_space<semaphore_mem>>)
      %dma_start3A_642 = arith.constant 8 : i32
      %dma_start3A_643 = arith.constant 1024 : i32
      %dma_start3A_644 = arith.constant 0 : i32
      %dma_start3A_645 = tpu.memref_slice %arg11[%dma_start3A_643, %dma_start3A_644] : memref<1280x16xf32, #tpu.memory_space<vmem>> -> memref<128x16xf32, #tpu.memory_space<vmem>>
      %dma_start3A_646 = arith.constant 0 : i32
      %dma_start3A_647 = tpu.memref_slice %arg9[%dma_start3A_642, %dma_start3A_646] : memref<10x128xi32, #tpu.memory_space<vmem>> -> memref<1x128xi32, #tpu.memory_space<vmem>>
      %dma_start3A_648 = tpu.memref_squeeze %dma_start3A_647 : memref<1x128xi32, #tpu.memory_space<vmem>> -> memref<128xi32, #tpu.memory_space<vmem>>
      %dma_start3A_649 = arith.constant 0 : i32
      %dma_start3A_650 = arith.constant 0 : i32
      %dma_start3A_651 = tpu.memref_slice %arg4[%dma_start3A_649, %dma_start3A_650] : memref<200000x16xf32, #tpu.memory_space<hbm>> -> memref<200000x16xf32, #tpu.memory_space<hbm>>
      tpu.enqueue_indirect_dma source(%dma_start3A_651 : memref<200000x16xf32, #tpu.memory_space<hbm>>) target(%dma_start3A_645 : memref<128x16xf32, #tpu.memory_space<vmem>>) offsets(%dma_start3A_648 : memref<128xi32, #tpu.memory_space<vmem>>) semaphore(%arg14 : memref<!tpu.dma_semaphore, #tpu.memory_space<semaphore_mem>>)
      %dma_start3A_652 = arith.constant 9 : i32
      %dma_start3A_653 = arith.constant 1152 : i32
      %dma_start3A_654 = arith.constant 0 : i32
      %dma_start3A_655 = tpu.memref_slice %arg11[%dma_start3A_653, %dma_start3A_654] : memref<1280x16xf32, #tpu.memory_space<vmem>> -> memref<128x16xf32, #tpu.memory_space<vmem>>
      %dma_start3A_656 = arith.constant 0 : i32
      %dma_start3A_657 = tpu.memref_slice %arg9[%dma_start3A_652, %dma_start3A_656] : memref<10x128xi32, #tpu.memory_space<vmem>> -> memref<1x128xi32, #tpu.memory_space<vmem>>
      %dma_start3A_658 = tpu.memref_squeeze %dma_start3A_657 : memref<1x128xi32, #tpu.memory_space<vmem>> -> memref<128xi32, #tpu.memory_space<vmem>>
      %dma_start3A_659 = arith.constant 0 : i32
      %dma_start3A_660 = arith.constant 0 : i32
      %dma_start3A_661 = tpu.memref_slice %arg4[%dma_start3A_659, %dma_start3A_660] : memref<200000x16xf32, #tpu.memory_space<hbm>> -> memref<200000x16xf32, #tpu.memory_space<hbm>>
      tpu.enqueue_indirect_dma source(%dma_start3A_661 : memref<200000x16xf32, #tpu.memory_space<hbm>>) target(%dma_start3A_655 : memref<128x16xf32, #tpu.memory_space<vmem>>) offsets(%dma_start3A_658 : memref<128xi32, #tpu.memory_space<vmem>>) semaphore(%arg14 : memref<!tpu.dma_semaphore, #tpu.memory_space<semaphore_mem>>)
      %dma_wait3A_662 = arith.constant 0 : i32
      %dma_wait3A_663 = arith.constant 0 : i32
      %dma_wait3A_664 = arith.constant 0 : i32
      %dma_wait3A_665 = tpu.memref_slice %arg10[%dma_wait3A_663, %dma_wait3A_664] : memref<1280x16xf32, #tpu.memory_space<vmem>> -> memref<128x16xf32, #tpu.memory_space<vmem>>
      %dma_wait3A_666 = arith.constant 0 : i32
      %dma_wait3A_667 = tpu.memref_slice %arg7[%dma_wait3A_662, %dma_wait3A_666] : memref<10x128xi32, #tpu.memory_space<vmem>> -> memref<1x128xi32, #tpu.memory_space<vmem>>
      %dma_wait3A_668 = tpu.memref_squeeze %dma_wait3A_667 : memref<1x128xi32, #tpu.memory_space<vmem>> -> memref<128xi32, #tpu.memory_space<vmem>>
      %dma_wait3A_669 = arith.constant 0 : i32
      %dma_wait3A_670 = arith.constant 0 : i32
      %dma_wait3A_671 = tpu.memref_slice %arg4[%dma_wait3A_669, %dma_wait3A_670] : memref<200000x16xf32, #tpu.memory_space<hbm>> -> memref<200000x16xf32, #tpu.memory_space<hbm>>
      tpu.wait_indirect_dma semaphore(%arg13 : memref<!tpu.dma_semaphore, #tpu.memory_space<semaphore_mem>>) src(%dma_wait3A_671 : memref<200000x16xf32, #tpu.memory_space<hbm>>) dst(%dma_wait3A_665 : memref<128x16xf32, #tpu.memory_space<vmem>>)
      %dma_wait3A_672 = arith.constant 1 : i32
      %dma_wait3A_673 = arith.constant 128 : i32
      %dma_wait3A_674 = arith.constant 0 : i32
      %dma_wait3A_675 = tpu.memref_slice %arg10[%dma_wait3A_673, %dma_wait3A_674] : memref<1280x16xf32, #tpu.memory_space<vmem>> -> memref<128x16xf32, #tpu.memory_space<vmem>>
      %dma_wait3A_676 = arith.constant 0 : i32
      %dma_wait3A_677 = tpu.memref_slice %arg7[%dma_wait3A_672, %dma_wait3A_676] : memref<10x128xi32, #tpu.memory_space<vmem>> -> memref<1x128xi32, #tpu.memory_space<vmem>>
      %dma_wait3A_678 = tpu.memref_squeeze %dma_wait3A_677 : memref<1x128xi32, #tpu.memory_space<vmem>> -> memref<128xi32, #tpu.memory_space<vmem>>
      %dma_wait3A_679 = arith.constant 0 : i32
      %dma_wait3A_680 = arith.constant 0 : i32
      %dma_wait3A_681 = tpu.memref_slice %arg4[%dma_wait3A_679, %dma_wait3A_680] : memref<200000x16xf32, #tpu.memory_space<hbm>> -> memref<200000x16xf32, #tpu.memory_space<hbm>>
      tpu.wait_indirect_dma semaphore(%arg13 : memref<!tpu.dma_semaphore, #tpu.memory_space<semaphore_mem>>) src(%dma_wait3A_681 : memref<200000x16xf32, #tpu.memory_space<hbm>>) dst(%dma_wait3A_675 : memref<128x16xf32, #tpu.memory_space<vmem>>)
      %dma_wait3A_682 = arith.constant 2 : i32
      %dma_wait3A_683 = arith.constant 256 : i32
      %dma_wait3A_684 = arith.constant 0 : i32
      %dma_wait3A_685 = tpu.memref_slice %arg10[%dma_wait3A_683, %dma_wait3A_684] : memref<1280x16xf32, #tpu.memory_space<vmem>> -> memref<128x16xf32, #tpu.memory_space<vmem>>
      %dma_wait3A_686 = arith.constant 0 : i32
      %dma_wait3A_687 = tpu.memref_slice %arg7[%dma_wait3A_682, %dma_wait3A_686] : memref<10x128xi32, #tpu.memory_space<vmem>> -> memref<1x128xi32, #tpu.memory_space<vmem>>
      %dma_wait3A_688 = tpu.memref_squeeze %dma_wait3A_687 : memref<1x128xi32, #tpu.memory_space<vmem>> -> memref<128xi32, #tpu.memory_space<vmem>>
      %dma_wait3A_689 = arith.constant 0 : i32
      %dma_wait3A_690 = arith.constant 0 : i32
      %dma_wait3A_691 = tpu.memref_slice %arg4[%dma_wait3A_689, %dma_wait3A_690] : memref<200000x16xf32, #tpu.memory_space<hbm>> -> memref<200000x16xf32, #tpu.memory_space<hbm>>
      tpu.wait_indirect_dma semaphore(%arg13 : memref<!tpu.dma_semaphore, #tpu.memory_space<semaphore_mem>>) src(%dma_wait3A_691 : memref<200000x16xf32, #tpu.memory_space<hbm>>) dst(%dma_wait3A_685 : memref<128x16xf32, #tpu.memory_space<vmem>>)
      %dma_wait3A_692 = arith.constant 3 : i32
      %dma_wait3A_693 = arith.constant 384 : i32
      %dma_wait3A_694 = arith.constant 0 : i32
      %dma_wait3A_695 = tpu.memref_slice %arg10[%dma_wait3A_693, %dma_wait3A_694] : memref<1280x16xf32, #tpu.memory_space<vmem>> -> memref<128x16xf32, #tpu.memory_space<vmem>>
      %dma_wait3A_696 = arith.constant 0 : i32
      %dma_wait3A_697 = tpu.memref_slice %arg7[%dma_wait3A_692, %dma_wait3A_696] : memref<10x128xi32, #tpu.memory_space<vmem>> -> memref<1x128xi32, #tpu.memory_space<vmem>>
      %dma_wait3A_698 = tpu.memref_squeeze %dma_wait3A_697 : memref<1x128xi32, #tpu.memory_space<vmem>> -> memref<128xi32, #tpu.memory_space<vmem>>
      %dma_wait3A_699 = arith.constant 0 : i32
      %dma_wait3A_700 = arith.constant 0 : i32
      %dma_wait3A_701 = tpu.memref_slice %arg4[%dma_wait3A_699, %dma_wait3A_700] : memref<200000x16xf32, #tpu.memory_space<hbm>> -> memref<200000x16xf32, #tpu.memory_space<hbm>>
      tpu.wait_indirect_dma semaphore(%arg13 : memref<!tpu.dma_semaphore, #tpu.memory_space<semaphore_mem>>) src(%dma_wait3A_701 : memref<200000x16xf32, #tpu.memory_space<hbm>>) dst(%dma_wait3A_695 : memref<128x16xf32, #tpu.memory_space<vmem>>)
      %dma_wait3A_702 = arith.constant 4 : i32
      %dma_wait3A_703 = arith.constant 512 : i32
      %dma_wait3A_704 = arith.constant 0 : i32
      %dma_wait3A_705 = tpu.memref_slice %arg10[%dma_wait3A_703, %dma_wait3A_704] : memref<1280x16xf32, #tpu.memory_space<vmem>> -> memref<128x16xf32, #tpu.memory_space<vmem>>
      %dma_wait3A_706 = arith.constant 0 : i32
      %dma_wait3A_707 = tpu.memref_slice %arg7[%dma_wait3A_702, %dma_wait3A_706] : memref<10x128xi32, #tpu.memory_space<vmem>> -> memref<1x128xi32, #tpu.memory_space<vmem>>
      %dma_wait3A_708 = tpu.memref_squeeze %dma_wait3A_707 : memref<1x128xi32, #tpu.memory_space<vmem>> -> memref<128xi32, #tpu.memory_space<vmem>>
      %dma_wait3A_709 = arith.constant 0 : i32
      %dma_wait3A_710 = arith.constant 0 : i32
      %dma_wait3A_711 = tpu.memref_slice %arg4[%dma_wait3A_709, %dma_wait3A_710] : memref<200000x16xf32, #tpu.memory_space<hbm>> -> memref<200000x16xf32, #tpu.memory_space<hbm>>
      tpu.wait_indirect_dma semaphore(%arg13 : memref<!tpu.dma_semaphore, #tpu.memory_space<semaphore_mem>>) src(%dma_wait3A_711 : memref<200000x16xf32, #tpu.memory_space<hbm>>) dst(%dma_wait3A_705 : memref<128x16xf32, #tpu.memory_space<vmem>>)
      %dma_wait3A_712 = arith.constant 5 : i32
      %dma_wait3A_713 = arith.constant 640 : i32
      %dma_wait3A_714 = arith.constant 0 : i32
      %dma_wait3A_715 = tpu.memref_slice %arg10[%dma_wait3A_713, %dma_wait3A_714] : memref<1280x16xf32, #tpu.memory_space<vmem>> -> memref<128x16xf32, #tpu.memory_space<vmem>>
      %dma_wait3A_716 = arith.constant 0 : i32
      %dma_wait3A_717 = tpu.memref_slice %arg7[%dma_wait3A_712, %dma_wait3A_716] : memref<10x128xi32, #tpu.memory_space<vmem>> -> memref<1x128xi32, #tpu.memory_space<vmem>>
      %dma_wait3A_718 = tpu.memref_squeeze %dma_wait3A_717 : memref<1x128xi32, #tpu.memory_space<vmem>> -> memref<128xi32, #tpu.memory_space<vmem>>
      %dma_wait3A_719 = arith.constant 0 : i32
      %dma_wait3A_720 = arith.constant 0 : i32
      %dma_wait3A_721 = tpu.memref_slice %arg4[%dma_wait3A_719, %dma_wait3A_720] : memref<200000x16xf32, #tpu.memory_space<hbm>> -> memref<200000x16xf32, #tpu.memory_space<hbm>>
      tpu.wait_indirect_dma semaphore(%arg13 : memref<!tpu.dma_semaphore, #tpu.memory_space<semaphore_mem>>) src(%dma_wait3A_721 : memref<200000x16xf32, #tpu.memory_space<hbm>>) dst(%dma_wait3A_715 : memref<128x16xf32, #tpu.memory_space<vmem>>)
      %dma_wait3A_722 = arith.constant 6 : i32
      %dma_wait3A_723 = arith.constant 768 : i32
      %dma_wait3A_724 = arith.constant 0 : i32
      %dma_wait3A_725 = tpu.memref_slice %arg10[%dma_wait3A_723, %dma_wait3A_724] : memref<1280x16xf32, #tpu.memory_space<vmem>> -> memref<128x16xf32, #tpu.memory_space<vmem>>
      %dma_wait3A_726 = arith.constant 0 : i32
      %dma_wait3A_727 = tpu.memref_slice %arg7[%dma_wait3A_722, %dma_wait3A_726] : memref<10x128xi32, #tpu.memory_space<vmem>> -> memref<1x128xi32, #tpu.memory_space<vmem>>
      %dma_wait3A_728 = tpu.memref_squeeze %dma_wait3A_727 : memref<1x128xi32, #tpu.memory_space<vmem>> -> memref<128xi32, #tpu.memory_space<vmem>>
      %dma_wait3A_729 = arith.constant 0 : i32
      %dma_wait3A_730 = arith.constant 0 : i32
      %dma_wait3A_731 = tpu.memref_slice %arg4[%dma_wait3A_729, %dma_wait3A_730] : memref<200000x16xf32, #tpu.memory_space<hbm>> -> memref<200000x16xf32, #tpu.memory_space<hbm>>
      tpu.wait_indirect_dma semaphore(%arg13 : memref<!tpu.dma_semaphore, #tpu.memory_space<semaphore_mem>>) src(%dma_wait3A_731 : memref<200000x16xf32, #tpu.memory_space<hbm>>) dst(%dma_wait3A_725 : memref<128x16xf32, #tpu.memory_space<vmem>>)
      %dma_wait3A_732 = arith.constant 7 : i32
      %dma_wait3A_733 = arith.constant 896 : i32
      %dma_wait3A_734 = arith.constant 0 : i32
      %dma_wait3A_735 = tpu.memref_slice %arg10[%dma_wait3A_733, %dma_wait3A_734] : memref<1280x16xf32, #tpu.memory_space<vmem>> -> memref<128x16xf32, #tpu.memory_space<vmem>>
      %dma_wait3A_736 = arith.constant 0 : i32
      %dma_wait3A_737 = tpu.memref_slice %arg7[%dma_wait3A_732, %dma_wait3A_736] : memref<10x128xi32, #tpu.memory_space<vmem>> -> memref<1x128xi32, #tpu.memory_space<vmem>>
      %dma_wait3A_738 = tpu.memref_squeeze %dma_wait3A_737 : memref<1x128xi32, #tpu.memory_space<vmem>> -> memref<128xi32, #tpu.memory_space<vmem>>
      %dma_wait3A_739 = arith.constant 0 : i32
      %dma_wait3A_740 = arith.constant 0 : i32
      %dma_wait3A_741 = tpu.memref_slice %arg4[%dma_wait3A_739, %dma_wait3A_740] : memref<200000x16xf32, #tpu.memory_space<hbm>> -> memref<200000x16xf32, #tpu.memory_space<hbm>>
      tpu.wait_indirect_dma semaphore(%arg13 : memref<!tpu.dma_semaphore, #tpu.memory_space<semaphore_mem>>) src(%dma_wait3A_741 : memref<200000x16xf32, #tpu.memory_space<hbm>>) dst(%dma_wait3A_735 : memref<128x16xf32, #tpu.memory_space<vmem>>)
      %dma_wait3A_742 = arith.constant 8 : i32
      %dma_wait3A_743 = arith.constant 1024 : i32
      %dma_wait3A_744 = arith.constant 0 : i32
      %dma_wait3A_745 = tpu.memref_slice %arg10[%dma_wait3A_743, %dma_wait3A_744] : memref<1280x16xf32, #tpu.memory_space<vmem>> -> memref<128x16xf32, #tpu.memory_space<vmem>>
      %dma_wait3A_746 = arith.constant 0 : i32
      %dma_wait3A_747 = tpu.memref_slice %arg7[%dma_wait3A_742, %dma_wait3A_746] : memref<10x128xi32, #tpu.memory_space<vmem>> -> memref<1x128xi32, #tpu.memory_space<vmem>>
      %dma_wait3A_748 = tpu.memref_squeeze %dma_wait3A_747 : memref<1x128xi32, #tpu.memory_space<vmem>> -> memref<128xi32, #tpu.memory_space<vmem>>
      %dma_wait3A_749 = arith.constant 0 : i32
      %dma_wait3A_750 = arith.constant 0 : i32
      %dma_wait3A_751 = tpu.memref_slice %arg4[%dma_wait3A_749, %dma_wait3A_750] : memref<200000x16xf32, #tpu.memory_space<hbm>> -> memref<200000x16xf32, #tpu.memory_space<hbm>>
      tpu.wait_indirect_dma semaphore(%arg13 : memref<!tpu.dma_semaphore, #tpu.memory_space<semaphore_mem>>) src(%dma_wait3A_751 : memref<200000x16xf32, #tpu.memory_space<hbm>>) dst(%dma_wait3A_745 : memref<128x16xf32, #tpu.memory_space<vmem>>)
      %dma_wait3A_752 = arith.constant 9 : i32
      %dma_wait3A_753 = arith.constant 1152 : i32
      %dma_wait3A_754 = arith.constant 0 : i32
      %dma_wait3A_755 = tpu.memref_slice %arg10[%dma_wait3A_753, %dma_wait3A_754] : memref<1280x16xf32, #tpu.memory_space<vmem>> -> memref<128x16xf32, #tpu.memory_space<vmem>>
      %dma_wait3A_756 = arith.constant 0 : i32
      %dma_wait3A_757 = tpu.memref_slice %arg7[%dma_wait3A_752, %dma_wait3A_756] : memref<10x128xi32, #tpu.memory_space<vmem>> -> memref<1x128xi32, #tpu.memory_space<vmem>>
      %dma_wait3A_758 = tpu.memref_squeeze %dma_wait3A_757 : memref<1x128xi32, #tpu.memory_space<vmem>> -> memref<128xi32, #tpu.memory_space<vmem>>
      %dma_wait3A_759 = arith.constant 0 : i32
      %dma_wait3A_760 = arith.constant 0 : i32
      %dma_wait3A_761 = tpu.memref_slice %arg4[%dma_wait3A_759, %dma_wait3A_760] : memref<200000x16xf32, #tpu.memory_space<hbm>> -> memref<200000x16xf32, #tpu.memory_space<hbm>>
      tpu.wait_indirect_dma semaphore(%arg13 : memref<!tpu.dma_semaphore, #tpu.memory_space<semaphore_mem>>) src(%dma_wait3A_761 : memref<200000x16xf32, #tpu.memory_space<hbm>>) dst(%dma_wait3A_755 : memref<128x16xf32, #tpu.memory_space<vmem>>)
      %run_scoped3A_762 = arith.constant 0 : i32
      "tpu.region"() ({
        %run_scoped3A_992 = tpu.sem_alloc : memref<!tpu.dma_semaphore, #tpu.memory_space<semaphore_mem>>
        %dma_start3A_993 = arith.constant 0 : i32
        %dma_start3A_994 = arith.constant 0 : i32
        %dma_start3A_995 = tpu.memref_slice %arg10[%dma_start3A_993, %dma_start3A_994] : memref<1280x16xf32, #tpu.memory_space<vmem>> -> memref<128x16xf32, #tpu.memory_space<vmem>>
        %dma_start3A_996 = arith.constant 0 : i32
        %dma_start3A_997 = tpu.memref_slice %arg6[%run_scoped3A_762, %dma_start3A_996] : memref<10x128xi32, #tpu.memory_space<vmem>> -> memref<1x128xi32, #tpu.memory_space<vmem>>
        %dma_start3A_998 = tpu.memref_squeeze %dma_start3A_997 : memref<1x128xi32, #tpu.memory_space<vmem>> -> memref<128xi32, #tpu.memory_space<vmem>>
        %dma_start3A_999 = arith.constant 0 : i32
        %dma_start3A_1000 = arith.constant 0 : i32
        %dma_start3A_1001 = tpu.memref_slice %arg16[%dma_start3A_999, %dma_start3A_1000] : memref<51200x16xf32, #tpu.memory_space<vmem_shared>> -> memref<51200x16xf32, #tpu.memory_space<vmem_shared>>
        tpu.enqueue_indirect_dma source(%dma_start3A_995 : memref<128x16xf32, #tpu.memory_space<vmem>>) target(%dma_start3A_1001 : memref<51200x16xf32, #tpu.memory_space<vmem_shared>>) offsets(%dma_start3A_998 : memref<128xi32, #tpu.memory_space<vmem>>) semaphore(%run_scoped3A_992 : memref<!tpu.dma_semaphore, #tpu.memory_space<semaphore_mem>>) {add = true}
        %dma_wait3A_1002 = arith.constant 0 : i32
        %dma_wait3A_1003 = arith.constant 0 : i32
        %dma_wait3A_1004 = tpu.memref_slice %arg10[%dma_wait3A_1002, %dma_wait3A_1003] : memref<1280x16xf32, #tpu.memory_space<vmem>> -> memref<128x16xf32, #tpu.memory_space<vmem>>
        %dma_wait3A_1005 = arith.constant 0 : i32
        %dma_wait3A_1006 = tpu.memref_slice %arg6[%run_scoped3A_762, %dma_wait3A_1005] : memref<10x128xi32, #tpu.memory_space<vmem>> -> memref<1x128xi32, #tpu.memory_space<vmem>>
        %dma_wait3A_1007 = tpu.memref_squeeze %dma_wait3A_1006 : memref<1x128xi32, #tpu.memory_space<vmem>> -> memref<128xi32, #tpu.memory_space<vmem>>
        %dma_wait3A_1008 = arith.constant 0 : i32
        %dma_wait3A_1009 = arith.constant 0 : i32
        %dma_wait3A_1010 = tpu.memref_slice %arg16[%dma_wait3A_1008, %dma_wait3A_1009] : memref<51200x16xf32, #tpu.memory_space<vmem_shared>> -> memref<51200x16xf32, #tpu.memory_space<vmem_shared>>
        tpu.wait_indirect_dma semaphore(%run_scoped3A_992 : memref<!tpu.dma_semaphore, #tpu.memory_space<semaphore_mem>>) src(%dma_wait3A_1004 : memref<128x16xf32, #tpu.memory_space<vmem>>) dst(%dma_wait3A_1010 : memref<51200x16xf32, #tpu.memory_space<vmem_shared>>)
        tpu.yield
      }) : () -> ()
      %run_scoped3A_763 = arith.constant 1 : i32
      "tpu.region"() ({
        %run_scoped3A_992 = tpu.sem_alloc : memref<!tpu.dma_semaphore, #tpu.memory_space<semaphore_mem>>
        %dma_start3A_993 = arith.constant 128 : i32
        %dma_start3A_994 = arith.constant 0 : i32
        %dma_start3A_995 = tpu.memref_slice %arg10[%dma_start3A_993, %dma_start3A_994] : memref<1280x16xf32, #tpu.memory_space<vmem>> -> memref<128x16xf32, #tpu.memory_space<vmem>>
        %dma_start3A_996 = arith.constant 0 : i32
        %dma_start3A_997 = tpu.memref_slice %arg6[%run_scoped3A_763, %dma_start3A_996] : memref<10x128xi32, #tpu.memory_space<vmem>> -> memref<1x128xi32, #tpu.memory_space<vmem>>
        %dma_start3A_998 = tpu.memref_squeeze %dma_start3A_997 : memref<1x128xi32, #tpu.memory_space<vmem>> -> memref<128xi32, #tpu.memory_space<vmem>>
        %dma_start3A_999 = arith.constant 0 : i32
        %dma_start3A_1000 = arith.constant 0 : i32
        %dma_start3A_1001 = tpu.memref_slice %arg16[%dma_start3A_999, %dma_start3A_1000] : memref<51200x16xf32, #tpu.memory_space<vmem_shared>> -> memref<51200x16xf32, #tpu.memory_space<vmem_shared>>
        tpu.enqueue_indirect_dma source(%dma_start3A_995 : memref<128x16xf32, #tpu.memory_space<vmem>>) target(%dma_start3A_1001 : memref<51200x16xf32, #tpu.memory_space<vmem_shared>>) offsets(%dma_start3A_998 : memref<128xi32, #tpu.memory_space<vmem>>) semaphore(%run_scoped3A_992 : memref<!tpu.dma_semaphore, #tpu.memory_space<semaphore_mem>>) {add = true}
        %dma_wait3A_1002 = arith.constant 128 : i32
        %dma_wait3A_1003 = arith.constant 0 : i32
        %dma_wait3A_1004 = tpu.memref_slice %arg10[%dma_wait3A_1002, %dma_wait3A_1003] : memref<1280x16xf32, #tpu.memory_space<vmem>> -> memref<128x16xf32, #tpu.memory_space<vmem>>
        %dma_wait3A_1005 = arith.constant 0 : i32
        %dma_wait3A_1006 = tpu.memref_slice %arg6[%run_scoped3A_763, %dma_wait3A_1005] : memref<10x128xi32, #tpu.memory_space<vmem>> -> memref<1x128xi32, #tpu.memory_space<vmem>>
        %dma_wait3A_1007 = tpu.memref_squeeze %dma_wait3A_1006 : memref<1x128xi32, #tpu.memory_space<vmem>> -> memref<128xi32, #tpu.memory_space<vmem>>
        %dma_wait3A_1008 = arith.constant 0 : i32
        %dma_wait3A_1009 = arith.constant 0 : i32
        %dma_wait3A_1010 = tpu.memref_slice %arg16[%dma_wait3A_1008, %dma_wait3A_1009] : memref<51200x16xf32, #tpu.memory_space<vmem_shared>> -> memref<51200x16xf32, #tpu.memory_space<vmem_shared>>
        tpu.wait_indirect_dma semaphore(%run_scoped3A_992 : memref<!tpu.dma_semaphore, #tpu.memory_space<semaphore_mem>>) src(%dma_wait3A_1004 : memref<128x16xf32, #tpu.memory_space<vmem>>) dst(%dma_wait3A_1010 : memref<51200x16xf32, #tpu.memory_space<vmem_shared>>)
        tpu.yield
      }) : () -> ()
      %run_scoped3A_764 = arith.constant 2 : i32
      "tpu.region"() ({
        %run_scoped3A_992 = tpu.sem_alloc : memref<!tpu.dma_semaphore, #tpu.memory_space<semaphore_mem>>
        %dma_start3A_993 = arith.constant 256 : i32
        %dma_start3A_994 = arith.constant 0 : i32
        %dma_start3A_995 = tpu.memref_slice %arg10[%dma_start3A_993, %dma_start3A_994] : memref<1280x16xf32, #tpu.memory_space<vmem>> -> memref<128x16xf32, #tpu.memory_space<vmem>>
        %dma_start3A_996 = arith.constant 0 : i32
        %dma_start3A_997 = tpu.memref_slice %arg6[%run_scoped3A_764, %dma_start3A_996] : memref<10x128xi32, #tpu.memory_space<vmem>> -> memref<1x128xi32, #tpu.memory_space<vmem>>
        %dma_start3A_998 = tpu.memref_squeeze %dma_start3A_997 : memref<1x128xi32, #tpu.memory_space<vmem>> -> memref<128xi32, #tpu.memory_space<vmem>>
        %dma_start3A_999 = arith.constant 0 : i32
        %dma_start3A_1000 = arith.constant 0 : i32
        %dma_start3A_1001 = tpu.memref_slice %arg16[%dma_start3A_999, %dma_start3A_1000] : memref<51200x16xf32, #tpu.memory_space<vmem_shared>> -> memref<51200x16xf32, #tpu.memory_space<vmem_shared>>
        tpu.enqueue_indirect_dma source(%dma_start3A_995 : memref<128x16xf32, #tpu.memory_space<vmem>>) target(%dma_start3A_1001 : memref<51200x16xf32, #tpu.memory_space<vmem_shared>>) offsets(%dma_start3A_998 : memref<128xi32, #tpu.memory_space<vmem>>) semaphore(%run_scoped3A_992 : memref<!tpu.dma_semaphore, #tpu.memory_space<semaphore_mem>>) {add = true}
        %dma_wait3A_1002 = arith.constant 256 : i32
        %dma_wait3A_1003 = arith.constant 0 : i32
        %dma_wait3A_1004 = tpu.memref_slice %arg10[%dma_wait3A_1002, %dma_wait3A_1003] : memref<1280x16xf32, #tpu.memory_space<vmem>> -> memref<128x16xf32, #tpu.memory_space<vmem>>
        %dma_wait3A_1005 = arith.constant 0 : i32
        %dma_wait3A_1006 = tpu.memref_slice %arg6[%run_scoped3A_764, %dma_wait3A_1005] : memref<10x128xi32, #tpu.memory_space<vmem>> -> memref<1x128xi32, #tpu.memory_space<vmem>>
        %dma_wait3A_1007 = tpu.memref_squeeze %dma_wait3A_1006 : memref<1x128xi32, #tpu.memory_space<vmem>> -> memref<128xi32, #tpu.memory_space<vmem>>
        %dma_wait3A_1008 = arith.constant 0 : i32
        %dma_wait3A_1009 = arith.constant 0 : i32
        %dma_wait3A_1010 = tpu.memref_slice %arg16[%dma_wait3A_1008, %dma_wait3A_1009] : memref<51200x16xf32, #tpu.memory_space<vmem_shared>> -> memref<51200x16xf32, #tpu.memory_space<vmem_shared>>
        tpu.wait_indirect_dma semaphore(%run_scoped3A_992 : memref<!tpu.dma_semaphore, #tpu.memory_space<semaphore_mem>>) src(%dma_wait3A_1004 : memref<128x16xf32, #tpu.memory_space<vmem>>) dst(%dma_wait3A_1010 : memref<51200x16xf32, #tpu.memory_space<vmem_shared>>)
        tpu.yield
      }) : () -> ()
      %run_scoped3A_765 = arith.constant 3 : i32
      "tpu.region"() ({
        %run_scoped3A_992 = tpu.sem_alloc : memref<!tpu.dma_semaphore, #tpu.memory_space<semaphore_mem>>
        %dma_start3A_993 = arith.constant 384 : i32
        %dma_start3A_994 = arith.constant 0 : i32
        %dma_start3A_995 = tpu.memref_slice %arg10[%dma_start3A_993, %dma_start3A_994] : memref<1280x16xf32, #tpu.memory_space<vmem>> -> memref<128x16xf32, #tpu.memory_space<vmem>>
        %dma_start3A_996 = arith.constant 0 : i32
        %dma_start3A_997 = tpu.memref_slice %arg6[%run_scoped3A_765, %dma_start3A_996] : memref<10x128xi32, #tpu.memory_space<vmem>> -> memref<1x128xi32, #tpu.memory_space<vmem>>
        %dma_start3A_998 = tpu.memref_squeeze %dma_start3A_997 : memref<1x128xi32, #tpu.memory_space<vmem>> -> memref<128xi32, #tpu.memory_space<vmem>>
        %dma_start3A_999 = arith.constant 0 : i32
        %dma_start3A_1000 = arith.constant 0 : i32
        %dma_start3A_1001 = tpu.memref_slice %arg16[%dma_start3A_999, %dma_start3A_1000] : memref<51200x16xf32, #tpu.memory_space<vmem_shared>> -> memref<51200x16xf32, #tpu.memory_space<vmem_shared>>
        tpu.enqueue_indirect_dma source(%dma_start3A_995 : memref<128x16xf32, #tpu.memory_space<vmem>>) target(%dma_start3A_1001 : memref<51200x16xf32, #tpu.memory_space<vmem_shared>>) offsets(%dma_start3A_998 : memref<128xi32, #tpu.memory_space<vmem>>) semaphore(%run_scoped3A_992 : memref<!tpu.dma_semaphore, #tpu.memory_space<semaphore_mem>>) {add = true}
        %dma_wait3A_1002 = arith.constant 384 : i32
        %dma_wait3A_1003 = arith.constant 0 : i32
        %dma_wait3A_1004 = tpu.memref_slice %arg10[%dma_wait3A_1002, %dma_wait3A_1003] : memref<1280x16xf32, #tpu.memory_space<vmem>> -> memref<128x16xf32, #tpu.memory_space<vmem>>
        %dma_wait3A_1005 = arith.constant 0 : i32
        %dma_wait3A_1006 = tpu.memref_slice %arg6[%run_scoped3A_765, %dma_wait3A_1005] : memref<10x128xi32, #tpu.memory_space<vmem>> -> memref<1x128xi32, #tpu.memory_space<vmem>>
        %dma_wait3A_1007 = tpu.memref_squeeze %dma_wait3A_1006 : memref<1x128xi32, #tpu.memory_space<vmem>> -> memref<128xi32, #tpu.memory_space<vmem>>
        %dma_wait3A_1008 = arith.constant 0 : i32
        %dma_wait3A_1009 = arith.constant 0 : i32
        %dma_wait3A_1010 = tpu.memref_slice %arg16[%dma_wait3A_1008, %dma_wait3A_1009] : memref<51200x16xf32, #tpu.memory_space<vmem_shared>> -> memref<51200x16xf32, #tpu.memory_space<vmem_shared>>
        tpu.wait_indirect_dma semaphore(%run_scoped3A_992 : memref<!tpu.dma_semaphore, #tpu.memory_space<semaphore_mem>>) src(%dma_wait3A_1004 : memref<128x16xf32, #tpu.memory_space<vmem>>) dst(%dma_wait3A_1010 : memref<51200x16xf32, #tpu.memory_space<vmem_shared>>)
        tpu.yield
      }) : () -> ()
      %run_scoped3A_766 = arith.constant 4 : i32
      "tpu.region"() ({
        %run_scoped3A_992 = tpu.sem_alloc : memref<!tpu.dma_semaphore, #tpu.memory_space<semaphore_mem>>
        %dma_start3A_993 = arith.constant 512 : i32
        %dma_start3A_994 = arith.constant 0 : i32
        %dma_start3A_995 = tpu.memref_slice %arg10[%dma_start3A_993, %dma_start3A_994] : memref<1280x16xf32, #tpu.memory_space<vmem>> -> memref<128x16xf32, #tpu.memory_space<vmem>>
        %dma_start3A_996 = arith.constant 0 : i32
        %dma_start3A_997 = tpu.memref_slice %arg6[%run_scoped3A_766, %dma_start3A_996] : memref<10x128xi32, #tpu.memory_space<vmem>> -> memref<1x128xi32, #tpu.memory_space<vmem>>
        %dma_start3A_998 = tpu.memref_squeeze %dma_start3A_997 : memref<1x128xi32, #tpu.memory_space<vmem>> -> memref<128xi32, #tpu.memory_space<vmem>>
        %dma_start3A_999 = arith.constant 0 : i32
        %dma_start3A_1000 = arith.constant 0 : i32
        %dma_start3A_1001 = tpu.memref_slice %arg16[%dma_start3A_999, %dma_start3A_1000] : memref<51200x16xf32, #tpu.memory_space<vmem_shared>> -> memref<51200x16xf32, #tpu.memory_space<vmem_shared>>
        tpu.enqueue_indirect_dma source(%dma_start3A_995 : memref<128x16xf32, #tpu.memory_space<vmem>>) target(%dma_start3A_1001 : memref<51200x16xf32, #tpu.memory_space<vmem_shared>>) offsets(%dma_start3A_998 : memref<128xi32, #tpu.memory_space<vmem>>) semaphore(%run_scoped3A_992 : memref<!tpu.dma_semaphore, #tpu.memory_space<semaphore_mem>>) {add = true}
        %dma_wait3A_1002 = arith.constant 512 : i32
        %dma_wait3A_1003 = arith.constant 0 : i32
        %dma_wait3A_1004 = tpu.memref_slice %arg10[%dma_wait3A_1002, %dma_wait3A_1003] : memref<1280x16xf32, #tpu.memory_space<vmem>> -> memref<128x16xf32, #tpu.memory_space<vmem>>
        %dma_wait3A_1005 = arith.constant 0 : i32
        %dma_wait3A_1006 = tpu.memref_slice %arg6[%run_scoped3A_766, %dma_wait3A_1005] : memref<10x128xi32, #tpu.memory_space<vmem>> -> memref<1x128xi32, #tpu.memory_space<vmem>>
        %dma_wait3A_1007 = tpu.memref_squeeze %dma_wait3A_1006 : memref<1x128xi32, #tpu.memory_space<vmem>> -> memref<128xi32, #tpu.memory_space<vmem>>
        %dma_wait3A_1008 = arith.constant 0 : i32
        %dma_wait3A_1009 = arith.constant 0 : i32
        %dma_wait3A_1010 = tpu.memref_slice %arg16[%dma_wait3A_1008, %dma_wait3A_1009] : memref<51200x16xf32, #tpu.memory_space<vmem_shared>> -> memref<51200x16xf32, #tpu.memory_space<vmem_shared>>
        tpu.wait_indirect_dma semaphore(%run_scoped3A_992 : memref<!tpu.dma_semaphore, #tpu.memory_space<semaphore_mem>>) src(%dma_wait3A_1004 : memref<128x16xf32, #tpu.memory_space<vmem>>) dst(%dma_wait3A_1010 : memref<51200x16xf32, #tpu.memory_space<vmem_shared>>)
        tpu.yield
      }) : () -> ()
      %run_scoped3A_767 = arith.constant 5 : i32
      "tpu.region"() ({
        %run_scoped3A_992 = tpu.sem_alloc : memref<!tpu.dma_semaphore, #tpu.memory_space<semaphore_mem>>
        %dma_start3A_993 = arith.constant 640 : i32
        %dma_start3A_994 = arith.constant 0 : i32
        %dma_start3A_995 = tpu.memref_slice %arg10[%dma_start3A_993, %dma_start3A_994] : memref<1280x16xf32, #tpu.memory_space<vmem>> -> memref<128x16xf32, #tpu.memory_space<vmem>>
        %dma_start3A_996 = arith.constant 0 : i32
        %dma_start3A_997 = tpu.memref_slice %arg6[%run_scoped3A_767, %dma_start3A_996] : memref<10x128xi32, #tpu.memory_space<vmem>> -> memref<1x128xi32, #tpu.memory_space<vmem>>
        %dma_start3A_998 = tpu.memref_squeeze %dma_start3A_997 : memref<1x128xi32, #tpu.memory_space<vmem>> -> memref<128xi32, #tpu.memory_space<vmem>>
        %dma_start3A_999 = arith.constant 0 : i32
        %dma_start3A_1000 = arith.constant 0 : i32
        %dma_start3A_1001 = tpu.memref_slice %arg16[%dma_start3A_999, %dma_start3A_1000] : memref<51200x16xf32, #tpu.memory_space<vmem_shared>> -> memref<51200x16xf32, #tpu.memory_space<vmem_shared>>
        tpu.enqueue_indirect_dma source(%dma_start3A_995 : memref<128x16xf32, #tpu.memory_space<vmem>>) target(%dma_start3A_1001 : memref<51200x16xf32, #tpu.memory_space<vmem_shared>>) offsets(%dma_start3A_998 : memref<128xi32, #tpu.memory_space<vmem>>) semaphore(%run_scoped3A_992 : memref<!tpu.dma_semaphore, #tpu.memory_space<semaphore_mem>>) {add = true}
        %dma_wait3A_1002 = arith.constant 640 : i32
        %dma_wait3A_1003 = arith.constant 0 : i32
        %dma_wait3A_1004 = tpu.memref_slice %arg10[%dma_wait3A_1002, %dma_wait3A_1003] : memref<1280x16xf32, #tpu.memory_space<vmem>> -> memref<128x16xf32, #tpu.memory_space<vmem>>
        %dma_wait3A_1005 = arith.constant 0 : i32
        %dma_wait3A_1006 = tpu.memref_slice %arg6[%run_scoped3A_767, %dma_wait3A_1005] : memref<10x128xi32, #tpu.memory_space<vmem>> -> memref<1x128xi32, #tpu.memory_space<vmem>>
        %dma_wait3A_1007 = tpu.memref_squeeze %dma_wait3A_1006 : memref<1x128xi32, #tpu.memory_space<vmem>> -> memref<128xi32, #tpu.memory_space<vmem>>
        %dma_wait3A_1008 = arith.constant 0 : i32
        %dma_wait3A_1009 = arith.constant 0 : i32
        %dma_wait3A_1010 = tpu.memref_slice %arg16[%dma_wait3A_1008, %dma_wait3A_1009] : memref<51200x16xf32, #tpu.memory_space<vmem_shared>> -> memref<51200x16xf32, #tpu.memory_space<vmem_shared>>
        tpu.wait_indirect_dma semaphore(%run_scoped3A_992 : memref<!tpu.dma_semaphore, #tpu.memory_space<semaphore_mem>>) src(%dma_wait3A_1004 : memref<128x16xf32, #tpu.memory_space<vmem>>) dst(%dma_wait3A_1010 : memref<51200x16xf32, #tpu.memory_space<vmem_shared>>)
        tpu.yield
      }) : () -> ()
      %run_scoped3A_768 = arith.constant 6 : i32
      "tpu.region"() ({
        %run_scoped3A_992 = tpu.sem_alloc : memref<!tpu.dma_semaphore, #tpu.memory_space<semaphore_mem>>
        %dma_start3A_993 = arith.constant 768 : i32
        %dma_start3A_994 = arith.constant 0 : i32
        %dma_start3A_995 = tpu.memref_slice %arg10[%dma_start3A_993, %dma_start3A_994] : memref<1280x16xf32, #tpu.memory_space<vmem>> -> memref<128x16xf32, #tpu.memory_space<vmem>>
        %dma_start3A_996 = arith.constant 0 : i32
        %dma_start3A_997 = tpu.memref_slice %arg6[%run_scoped3A_768, %dma_start3A_996] : memref<10x128xi32, #tpu.memory_space<vmem>> -> memref<1x128xi32, #tpu.memory_space<vmem>>
        %dma_start3A_998 = tpu.memref_squeeze %dma_start3A_997 : memref<1x128xi32, #tpu.memory_space<vmem>> -> memref<128xi32, #tpu.memory_space<vmem>>
        %dma_start3A_999 = arith.constant 0 : i32
        %dma_start3A_1000 = arith.constant 0 : i32
        %dma_start3A_1001 = tpu.memref_slice %arg16[%dma_start3A_999, %dma_start3A_1000] : memref<51200x16xf32, #tpu.memory_space<vmem_shared>> -> memref<51200x16xf32, #tpu.memory_space<vmem_shared>>
        tpu.enqueue_indirect_dma source(%dma_start3A_995 : memref<128x16xf32, #tpu.memory_space<vmem>>) target(%dma_start3A_1001 : memref<51200x16xf32, #tpu.memory_space<vmem_shared>>) offsets(%dma_start3A_998 : memref<128xi32, #tpu.memory_space<vmem>>) semaphore(%run_scoped3A_992 : memref<!tpu.dma_semaphore, #tpu.memory_space<semaphore_mem>>) {add = true}
        %dma_wait3A_1002 = arith.constant 768 : i32
        %dma_wait3A_1003 = arith.constant 0 : i32
        %dma_wait3A_1004 = tpu.memref_slice %arg10[%dma_wait3A_1002, %dma_wait3A_1003] : memref<1280x16xf32, #tpu.memory_space<vmem>> -> memref<128x16xf32, #tpu.memory_space<vmem>>
        %dma_wait3A_1005 = arith.constant 0 : i32
        %dma_wait3A_1006 = tpu.memref_slice %arg6[%run_scoped3A_768, %dma_wait3A_1005] : memref<10x128xi32, #tpu.memory_space<vmem>> -> memref<1x128xi32, #tpu.memory_space<vmem>>
        %dma_wait3A_1007 = tpu.memref_squeeze %dma_wait3A_1006 : memref<1x128xi32, #tpu.memory_space<vmem>> -> memref<128xi32, #tpu.memory_space<vmem>>
        %dma_wait3A_1008 = arith.constant 0 : i32
        %dma_wait3A_1009 = arith.constant 0 : i32
        %dma_wait3A_1010 = tpu.memref_slice %arg16[%dma_wait3A_1008, %dma_wait3A_1009] : memref<51200x16xf32, #tpu.memory_space<vmem_shared>> -> memref<51200x16xf32, #tpu.memory_space<vmem_shared>>
        tpu.wait_indirect_dma semaphore(%run_scoped3A_992 : memref<!tpu.dma_semaphore, #tpu.memory_space<semaphore_mem>>) src(%dma_wait3A_1004 : memref<128x16xf32, #tpu.memory_space<vmem>>) dst(%dma_wait3A_1010 : memref<51200x16xf32, #tpu.memory_space<vmem_shared>>)
        tpu.yield
      }) : () -> ()
      %run_scoped3A_769 = arith.constant 7 : i32
      "tpu.region"() ({
        %run_scoped3A_992 = tpu.sem_alloc : memref<!tpu.dma_semaphore, #tpu.memory_space<semaphore_mem>>
        %dma_start3A_993 = arith.constant 896 : i32
        %dma_start3A_994 = arith.constant 0 : i32
        %dma_start3A_995 = tpu.memref_slice %arg10[%dma_start3A_993, %dma_start3A_994] : memref<1280x16xf32, #tpu.memory_space<vmem>> -> memref<128x16xf32, #tpu.memory_space<vmem>>
        %dma_start3A_996 = arith.constant 0 : i32
        %dma_start3A_997 = tpu.memref_slice %arg6[%run_scoped3A_769, %dma_start3A_996] : memref<10x128xi32, #tpu.memory_space<vmem>> -> memref<1x128xi32, #tpu.memory_space<vmem>>
        %dma_start3A_998 = tpu.memref_squeeze %dma_start3A_997 : memref<1x128xi32, #tpu.memory_space<vmem>> -> memref<128xi32, #tpu.memory_space<vmem>>
        %dma_start3A_999 = arith.constant 0 : i32
        %dma_start3A_1000 = arith.constant 0 : i32
        %dma_start3A_1001 = tpu.memref_slice %arg16[%dma_start3A_999, %dma_start3A_1000] : memref<51200x16xf32, #tpu.memory_space<vmem_shared>> -> memref<51200x16xf32, #tpu.memory_space<vmem_shared>>
        tpu.enqueue_indirect_dma source(%dma_start3A_995 : memref<128x16xf32, #tpu.memory_space<vmem>>) target(%dma_start3A_1001 : memref<51200x16xf32, #tpu.memory_space<vmem_shared>>) offsets(%dma_start3A_998 : memref<128xi32, #tpu.memory_space<vmem>>) semaphore(%run_scoped3A_992 : memref<!tpu.dma_semaphore, #tpu.memory_space<semaphore_mem>>) {add = true}
        %dma_wait3A_1002 = arith.constant 896 : i32
        %dma_wait3A_1003 = arith.constant 0 : i32
        %dma_wait3A_1004 = tpu.memref_slice %arg10[%dma_wait3A_1002, %dma_wait3A_1003] : memref<1280x16xf32, #tpu.memory_space<vmem>> -> memref<128x16xf32, #tpu.memory_space<vmem>>
        %dma_wait3A_1005 = arith.constant 0 : i32
        %dma_wait3A_1006 = tpu.memref_slice %arg6[%run_scoped3A_769, %dma_wait3A_1005] : memref<10x128xi32, #tpu.memory_space<vmem>> -> memref<1x128xi32, #tpu.memory_space<vmem>>
        %dma_wait3A_1007 = tpu.memref_squeeze %dma_wait3A_1006 : memref<1x128xi32, #tpu.memory_space<vmem>> -> memref<128xi32, #tpu.memory_space<vmem>>
        %dma_wait3A_1008 = arith.constant 0 : i32
        %dma_wait3A_1009 = arith.constant 0 : i32
        %dma_wait3A_1010 = tpu.memref_slice %arg16[%dma_wait3A_1008, %dma_wait3A_1009] : memref<51200x16xf32, #tpu.memory_space<vmem_shared>> -> memref<51200x16xf32, #tpu.memory_space<vmem_shared>>
        tpu.wait_indirect_dma semaphore(%run_scoped3A_992 : memref<!tpu.dma_semaphore, #tpu.memory_space<semaphore_mem>>) src(%dma_wait3A_1004 : memref<128x16xf32, #tpu.memory_space<vmem>>) dst(%dma_wait3A_1010 : memref<51200x16xf32, #tpu.memory_space<vmem_shared>>)
        tpu.yield
      }) : () -> ()
      %run_scoped3A_770 = arith.constant 8 : i32
      "tpu.region"() ({
        %run_scoped3A_992 = tpu.sem_alloc : memref<!tpu.dma_semaphore, #tpu.memory_space<semaphore_mem>>
        %dma_start3A_993 = arith.constant 1024 : i32
        %dma_start3A_994 = arith.constant 0 : i32
        %dma_start3A_995 = tpu.memref_slice %arg10[%dma_start3A_993, %dma_start3A_994] : memref<1280x16xf32, #tpu.memory_space<vmem>> -> memref<128x16xf32, #tpu.memory_space<vmem>>
        %dma_start3A_996 = arith.constant 0 : i32
        %dma_start3A_997 = tpu.memref_slice %arg6[%run_scoped3A_770, %dma_start3A_996] : memref<10x128xi32, #tpu.memory_space<vmem>> -> memref<1x128xi32, #tpu.memory_space<vmem>>
        %dma_start3A_998 = tpu.memref_squeeze %dma_start3A_997 : memref<1x128xi32, #tpu.memory_space<vmem>> -> memref<128xi32, #tpu.memory_space<vmem>>
        %dma_start3A_999 = arith.constant 0 : i32
        %dma_start3A_1000 = arith.constant 0 : i32
        %dma_start3A_1001 = tpu.memref_slice %arg16[%dma_start3A_999, %dma_start3A_1000] : memref<51200x16xf32, #tpu.memory_space<vmem_shared>> -> memref<51200x16xf32, #tpu.memory_space<vmem_shared>>
        tpu.enqueue_indirect_dma source(%dma_start3A_995 : memref<128x16xf32, #tpu.memory_space<vmem>>) target(%dma_start3A_1001 : memref<51200x16xf32, #tpu.memory_space<vmem_shared>>) offsets(%dma_start3A_998 : memref<128xi32, #tpu.memory_space<vmem>>) semaphore(%run_scoped3A_992 : memref<!tpu.dma_semaphore, #tpu.memory_space<semaphore_mem>>) {add = true}
        %dma_wait3A_1002 = arith.constant 1024 : i32
        %dma_wait3A_1003 = arith.constant 0 : i32
        %dma_wait3A_1004 = tpu.memref_slice %arg10[%dma_wait3A_1002, %dma_wait3A_1003] : memref<1280x16xf32, #tpu.memory_space<vmem>> -> memref<128x16xf32, #tpu.memory_space<vmem>>
        %dma_wait3A_1005 = arith.constant 0 : i32
        %dma_wait3A_1006 = tpu.memref_slice %arg6[%run_scoped3A_770, %dma_wait3A_1005] : memref<10x128xi32, #tpu.memory_space<vmem>> -> memref<1x128xi32, #tpu.memory_space<vmem>>
        %dma_wait3A_1007 = tpu.memref_squeeze %dma_wait3A_1006 : memref<1x128xi32, #tpu.memory_space<vmem>> -> memref<128xi32, #tpu.memory_space<vmem>>
        %dma_wait3A_1008 = arith.constant 0 : i32
        %dma_wait3A_1009 = arith.constant 0 : i32
        %dma_wait3A_1010 = tpu.memref_slice %arg16[%dma_wait3A_1008, %dma_wait3A_1009] : memref<51200x16xf32, #tpu.memory_space<vmem_shared>> -> memref<51200x16xf32, #tpu.memory_space<vmem_shared>>
        tpu.wait_indirect_dma semaphore(%run_scoped3A_992 : memref<!tpu.dma_semaphore, #tpu.memory_space<semaphore_mem>>) src(%dma_wait3A_1004 : memref<128x16xf32, #tpu.memory_space<vmem>>) dst(%dma_wait3A_1010 : memref<51200x16xf32, #tpu.memory_space<vmem_shared>>)
        tpu.yield
      }) : () -> ()
      %run_scoped3A_771 = arith.constant 9 : i32
      "tpu.region"() ({
        %run_scoped3A_992 = tpu.sem_alloc : memref<!tpu.dma_semaphore, #tpu.memory_space<semaphore_mem>>
        %dma_start3A_993 = arith.constant 1152 : i32
        %dma_start3A_994 = arith.constant 0 : i32
        %dma_start3A_995 = tpu.memref_slice %arg10[%dma_start3A_993, %dma_start3A_994] : memref<1280x16xf32, #tpu.memory_space<vmem>> -> memref<128x16xf32, #tpu.memory_space<vmem>>
        %dma_start3A_996 = arith.constant 0 : i32
        %dma_start3A_997 = tpu.memref_slice %arg6[%run_scoped3A_771, %dma_start3A_996] : memref<10x128xi32, #tpu.memory_space<vmem>> -> memref<1x128xi32, #tpu.memory_space<vmem>>
        %dma_start3A_998 = tpu.memref_squeeze %dma_start3A_997 : memref<1x128xi32, #tpu.memory_space<vmem>> -> memref<128xi32, #tpu.memory_space<vmem>>
        %dma_start3A_999 = arith.constant 0 : i32
        %dma_start3A_1000 = arith.constant 0 : i32
        %dma_start3A_1001 = tpu.memref_slice %arg16[%dma_start3A_999, %dma_start3A_1000] : memref<51200x16xf32, #tpu.memory_space<vmem_shared>> -> memref<51200x16xf32, #tpu.memory_space<vmem_shared>>
        tpu.enqueue_indirect_dma source(%dma_start3A_995 : memref<128x16xf32, #tpu.memory_space<vmem>>) target(%dma_start3A_1001 : memref<51200x16xf32, #tpu.memory_space<vmem_shared>>) offsets(%dma_start3A_998 : memref<128xi32, #tpu.memory_space<vmem>>) semaphore(%run_scoped3A_992 : memref<!tpu.dma_semaphore, #tpu.memory_space<semaphore_mem>>) {add = true}
        %dma_wait3A_1002 = arith.constant 1152 : i32
        %dma_wait3A_1003 = arith.constant 0 : i32
        %dma_wait3A_1004 = tpu.memref_slice %arg10[%dma_wait3A_1002, %dma_wait3A_1003] : memref<1280x16xf32, #tpu.memory_space<vmem>> -> memref<128x16xf32, #tpu.memory_space<vmem>>
        %dma_wait3A_1005 = arith.constant 0 : i32
        %dma_wait3A_1006 = tpu.memref_slice %arg6[%run_scoped3A_771, %dma_wait3A_1005] : memref<10x128xi32, #tpu.memory_space<vmem>> -> memref<1x128xi32, #tpu.memory_space<vmem>>
        %dma_wait3A_1007 = tpu.memref_squeeze %dma_wait3A_1006 : memref<1x128xi32, #tpu.memory_space<vmem>> -> memref<128xi32, #tpu.memory_space<vmem>>
        %dma_wait3A_1008 = arith.constant 0 : i32
        %dma_wait3A_1009 = arith.constant 0 : i32
        %dma_wait3A_1010 = tpu.memref_slice %arg16[%dma_wait3A_1008, %dma_wait3A_1009] : memref<51200x16xf32, #tpu.memory_space<vmem_shared>> -> memref<51200x16xf32, #tpu.memory_space<vmem_shared>>
        tpu.wait_indirect_dma semaphore(%run_scoped3A_992 : memref<!tpu.dma_semaphore, #tpu.memory_space<semaphore_mem>>) src(%dma_wait3A_1004 : memref<128x16xf32, #tpu.memory_space<vmem>>) dst(%dma_wait3A_1010 : memref<51200x16xf32, #tpu.memory_space<vmem_shared>>)
        tpu.yield
      }) : () -> ()
      %add3A_772 = arith.constant 2 : i32
      %add3A_773 = arith.addi %mul3A_561, %add3A_772 : i32
      %mul3A_774 = arith.constant 10 : i32
      %mul3A_775 = arith.muli %add3A_773, %mul3A_774 : i32
      %add3A_776 = arith.addi %select_n3A_8, %mul3A_775 : i32
      "tpu.region"() ({
        %run_scoped3A_992 = tpu.sem_alloc : memref<!tpu.dma_semaphore, #tpu.memory_space<semaphore_mem>>
        %dma_start3A_993 = arith.constant 0 : i32
        %dma_start3A_994 = tpu.memref_slice %arg2[%add3A_776, %dma_start3A_993] : memref<6400x128xi32, #tpu.memory_space<hbm>> -> memref<10x128xi32, #tpu.memory_space<hbm>>
        %dma_start3A_995 = arith.constant 0 : i32
        %dma_start3A_996 = tpu.memref_slice %arg2[%add3A_776, %dma_start3A_995] : memref<6400x128xi32, #tpu.memory_space<hbm>> -> memref<10x128xi32, #tpu.memory_space<hbm>>
        tpu.enqueue_dma source(%dma_start3A_996 : memref<10x128xi32, #tpu.memory_space<hbm>>) target(%arg6 : memref<10x128xi32, #tpu.memory_space<vmem>>) target_semaphore(%run_scoped3A_992 : memref<!tpu.dma_semaphore, #tpu.memory_space<semaphore_mem>>)
        %dma_wait3A_997 = arith.constant 0 : i32
        %dma_wait3A_998 = tpu.memref_slice %arg2[%add3A_776, %dma_wait3A_997] : memref<6400x128xi32, #tpu.memory_space<hbm>> -> memref<10x128xi32, #tpu.memory_space<hbm>>
        %dma_wait3A_999 = arith.constant 0 : i32
        %dma_wait3A_1000 = tpu.memref_slice %arg2[%add3A_776, %dma_wait3A_999] : memref<6400x128xi32, #tpu.memory_space<hbm>> -> memref<10x128xi32, #tpu.memory_space<hbm>>
        tpu.wait_dma2 semaphore(%run_scoped3A_992 : memref<!tpu.dma_semaphore, #tpu.memory_space<semaphore_mem>>) src(%dma_wait3A_1000 : memref<10x128xi32, #tpu.memory_space<hbm>>) dst(%arg6 : memref<10x128xi32, #tpu.memory_space<vmem>>)
        tpu.yield
      }) : () -> ()
      "tpu.region"() ({
        %run_scoped3A_992 = tpu.sem_alloc : memref<!tpu.dma_semaphore, #tpu.memory_space<semaphore_mem>>
        %dma_start3A_993 = arith.constant 0 : i32
        %dma_start3A_994 = tpu.memref_slice %arg3[%add3A_776, %dma_start3A_993] : memref<6400x128xi32, #tpu.memory_space<hbm>> -> memref<10x128xi32, #tpu.memory_space<hbm>>
        %dma_start3A_995 = arith.constant 0 : i32
        %dma_start3A_996 = tpu.memref_slice %arg3[%add3A_776, %dma_start3A_995] : memref<6400x128xi32, #tpu.memory_space<hbm>> -> memref<10x128xi32, #tpu.memory_space<hbm>>
        tpu.enqueue_dma source(%dma_start3A_996 : memref<10x128xi32, #tpu.memory_space<hbm>>) target(%arg7 : memref<10x128xi32, #tpu.memory_space<vmem>>) target_semaphore(%run_scoped3A_992 : memref<!tpu.dma_semaphore, #tpu.memory_space<semaphore_mem>>)
        %dma_wait3A_997 = arith.constant 0 : i32
        %dma_wait3A_998 = tpu.memref_slice %arg3[%add3A_776, %dma_wait3A_997] : memref<6400x128xi32, #tpu.memory_space<hbm>> -> memref<10x128xi32, #tpu.memory_space<hbm>>
        %dma_wait3A_999 = arith.constant 0 : i32
        %dma_wait3A_1000 = tpu.memref_slice %arg3[%add3A_776, %dma_wait3A_999] : memref<6400x128xi32, #tpu.memory_space<hbm>> -> memref<10x128xi32, #tpu.memory_space<hbm>>
        tpu.wait_dma2 semaphore(%run_scoped3A_992 : memref<!tpu.dma_semaphore, #tpu.memory_space<semaphore_mem>>) src(%dma_wait3A_1000 : memref<10x128xi32, #tpu.memory_space<hbm>>) dst(%arg7 : memref<10x128xi32, #tpu.memory_space<vmem>>)
        tpu.yield
      }) : () -> ()
      %dma_start3A_777 = arith.constant 0 : i32
      %dma_start3A_778 = arith.constant 0 : i32
      %dma_start3A_779 = arith.constant 0 : i32
      %dma_start3A_780 = tpu.memref_slice %arg10[%dma_start3A_778, %dma_start3A_779] : memref<1280x16xf32, #tpu.memory_space<vmem>> -> memref<128x16xf32, #tpu.memory_space<vmem>>
      %dma_start3A_781 = arith.constant 0 : i32
      %dma_start3A_782 = tpu.memref_slice %arg7[%dma_start3A_777, %dma_start3A_781] : memref<10x128xi32, #tpu.memory_space<vmem>> -> memref<1x128xi32, #tpu.memory_space<vmem>>
      %dma_start3A_783 = tpu.memref_squeeze %dma_start3A_782 : memref<1x128xi32, #tpu.memory_space<vmem>> -> memref<128xi32, #tpu.memory_space<vmem>>
      %dma_start3A_784 = arith.constant 0 : i32
      %dma_start3A_785 = arith.constant 0 : i32
      %dma_start3A_786 = tpu.memref_slice %arg4[%dma_start3A_784, %dma_start3A_785] : memref<200000x16xf32, #tpu.memory_space<hbm>> -> memref<200000x16xf32, #tpu.memory_space<hbm>>
      tpu.enqueue_indirect_dma source(%dma_start3A_786 : memref<200000x16xf32, #tpu.memory_space<hbm>>) target(%dma_start3A_780 : memref<128x16xf32, #tpu.memory_space<vmem>>) offsets(%dma_start3A_783 : memref<128xi32, #tpu.memory_space<vmem>>) semaphore(%arg13 : memref<!tpu.dma_semaphore, #tpu.memory_space<semaphore_mem>>)
      %dma_start3A_787 = arith.constant 1 : i32
      %dma_start3A_788 = arith.constant 128 : i32
      %dma_start3A_789 = arith.constant 0 : i32
      %dma_start3A_790 = tpu.memref_slice %arg10[%dma_start3A_788, %dma_start3A_789] : memref<1280x16xf32, #tpu.memory_space<vmem>> -> memref<128x16xf32, #tpu.memory_space<vmem>>
      %dma_start3A_791 = arith.constant 0 : i32
      %dma_start3A_792 = tpu.memref_slice %arg7[%dma_start3A_787, %dma_start3A_791] : memref<10x128xi32, #tpu.memory_space<vmem>> -> memref<1x128xi32, #tpu.memory_space<vmem>>
      %dma_start3A_793 = tpu.memref_squeeze %dma_start3A_792 : memref<1x128xi32, #tpu.memory_space<vmem>> -> memref<128xi32, #tpu.memory_space<vmem>>
      %dma_start3A_794 = arith.constant 0 : i32
      %dma_start3A_795 = arith.constant 0 : i32
      %dma_start3A_796 = tpu.memref_slice %arg4[%dma_start3A_794, %dma_start3A_795] : memref<200000x16xf32, #tpu.memory_space<hbm>> -> memref<200000x16xf32, #tpu.memory_space<hbm>>
      tpu.enqueue_indirect_dma source(%dma_start3A_796 : memref<200000x16xf32, #tpu.memory_space<hbm>>) target(%dma_start3A_790 : memref<128x16xf32, #tpu.memory_space<vmem>>) offsets(%dma_start3A_793 : memref<128xi32, #tpu.memory_space<vmem>>) semaphore(%arg13 : memref<!tpu.dma_semaphore, #tpu.memory_space<semaphore_mem>>)
      %dma_start3A_797 = arith.constant 2 : i32
      %dma_start3A_798 = arith.constant 256 : i32
      %dma_start3A_799 = arith.constant 0 : i32
      %dma_start3A_800 = tpu.memref_slice %arg10[%dma_start3A_798, %dma_start3A_799] : memref<1280x16xf32, #tpu.memory_space<vmem>> -> memref<128x16xf32, #tpu.memory_space<vmem>>
      %dma_start3A_801 = arith.constant 0 : i32
      %dma_start3A_802 = tpu.memref_slice %arg7[%dma_start3A_797, %dma_start3A_801] : memref<10x128xi32, #tpu.memory_space<vmem>> -> memref<1x128xi32, #tpu.memory_space<vmem>>
      %dma_start3A_803 = tpu.memref_squeeze %dma_start3A_802 : memref<1x128xi32, #tpu.memory_space<vmem>> -> memref<128xi32, #tpu.memory_space<vmem>>
      %dma_start3A_804 = arith.constant 0 : i32
      %dma_start3A_805 = arith.constant 0 : i32
      %dma_start3A_806 = tpu.memref_slice %arg4[%dma_start3A_804, %dma_start3A_805] : memref<200000x16xf32, #tpu.memory_space<hbm>> -> memref<200000x16xf32, #tpu.memory_space<hbm>>
      tpu.enqueue_indirect_dma source(%dma_start3A_806 : memref<200000x16xf32, #tpu.memory_space<hbm>>) target(%dma_start3A_800 : memref<128x16xf32, #tpu.memory_space<vmem>>) offsets(%dma_start3A_803 : memref<128xi32, #tpu.memory_space<vmem>>) semaphore(%arg13 : memref<!tpu.dma_semaphore, #tpu.memory_space<semaphore_mem>>)
      %dma_start3A_807 = arith.constant 3 : i32
      %dma_start3A_808 = arith.constant 384 : i32
      %dma_start3A_809 = arith.constant 0 : i32
      %dma_start3A_810 = tpu.memref_slice %arg10[%dma_start3A_808, %dma_start3A_809] : memref<1280x16xf32, #tpu.memory_space<vmem>> -> memref<128x16xf32, #tpu.memory_space<vmem>>
      %dma_start3A_811 = arith.constant 0 : i32
      %dma_start3A_812 = tpu.memref_slice %arg7[%dma_start3A_807, %dma_start3A_811] : memref<10x128xi32, #tpu.memory_space<vmem>> -> memref<1x128xi32, #tpu.memory_space<vmem>>
      %dma_start3A_813 = tpu.memref_squeeze %dma_start3A_812 : memref<1x128xi32, #tpu.memory_space<vmem>> -> memref<128xi32, #tpu.memory_space<vmem>>
      %dma_start3A_814 = arith.constant 0 : i32
      %dma_start3A_815 = arith.constant 0 : i32
      %dma_start3A_816 = tpu.memref_slice %arg4[%dma_start3A_814, %dma_start3A_815] : memref<200000x16xf32, #tpu.memory_space<hbm>> -> memref<200000x16xf32, #tpu.memory_space<hbm>>
      tpu.enqueue_indirect_dma source(%dma_start3A_816 : memref<200000x16xf32, #tpu.memory_space<hbm>>) target(%dma_start3A_810 : memref<128x16xf32, #tpu.memory_space<vmem>>) offsets(%dma_start3A_813 : memref<128xi32, #tpu.memory_space<vmem>>) semaphore(%arg13 : memref<!tpu.dma_semaphore, #tpu.memory_space<semaphore_mem>>)
      %dma_start3A_817 = arith.constant 4 : i32
      %dma_start3A_818 = arith.constant 512 : i32
      %dma_start3A_819 = arith.constant 0 : i32
      %dma_start3A_820 = tpu.memref_slice %arg10[%dma_start3A_818, %dma_start3A_819] : memref<1280x16xf32, #tpu.memory_space<vmem>> -> memref<128x16xf32, #tpu.memory_space<vmem>>
      %dma_start3A_821 = arith.constant 0 : i32
      %dma_start3A_822 = tpu.memref_slice %arg7[%dma_start3A_817, %dma_start3A_821] : memref<10x128xi32, #tpu.memory_space<vmem>> -> memref<1x128xi32, #tpu.memory_space<vmem>>
      %dma_start3A_823 = tpu.memref_squeeze %dma_start3A_822 : memref<1x128xi32, #tpu.memory_space<vmem>> -> memref<128xi32, #tpu.memory_space<vmem>>
      %dma_start3A_824 = arith.constant 0 : i32
      %dma_start3A_825 = arith.constant 0 : i32
      %dma_start3A_826 = tpu.memref_slice %arg4[%dma_start3A_824, %dma_start3A_825] : memref<200000x16xf32, #tpu.memory_space<hbm>> -> memref<200000x16xf32, #tpu.memory_space<hbm>>
      tpu.enqueue_indirect_dma source(%dma_start3A_826 : memref<200000x16xf32, #tpu.memory_space<hbm>>) target(%dma_start3A_820 : memref<128x16xf32, #tpu.memory_space<vmem>>) offsets(%dma_start3A_823 : memref<128xi32, #tpu.memory_space<vmem>>) semaphore(%arg13 : memref<!tpu.dma_semaphore, #tpu.memory_space<semaphore_mem>>)
      %dma_start3A_827 = arith.constant 5 : i32
      %dma_start3A_828 = arith.constant 640 : i32
      %dma_start3A_829 = arith.constant 0 : i32
      %dma_start3A_830 = tpu.memref_slice %arg10[%dma_start3A_828, %dma_start3A_829] : memref<1280x16xf32, #tpu.memory_space<vmem>> -> memref<128x16xf32, #tpu.memory_space<vmem>>
      %dma_start3A_831 = arith.constant 0 : i32
      %dma_start3A_832 = tpu.memref_slice %arg7[%dma_start3A_827, %dma_start3A_831] : memref<10x128xi32, #tpu.memory_space<vmem>> -> memref<1x128xi32, #tpu.memory_space<vmem>>
      %dma_start3A_833 = tpu.memref_squeeze %dma_start3A_832 : memref<1x128xi32, #tpu.memory_space<vmem>> -> memref<128xi32, #tpu.memory_space<vmem>>
      %dma_start3A_834 = arith.constant 0 : i32
      %dma_start3A_835 = arith.constant 0 : i32
      %dma_start3A_836 = tpu.memref_slice %arg4[%dma_start3A_834, %dma_start3A_835] : memref<200000x16xf32, #tpu.memory_space<hbm>> -> memref<200000x16xf32, #tpu.memory_space<hbm>>
      tpu.enqueue_indirect_dma source(%dma_start3A_836 : memref<200000x16xf32, #tpu.memory_space<hbm>>) target(%dma_start3A_830 : memref<128x16xf32, #tpu.memory_space<vmem>>) offsets(%dma_start3A_833 : memref<128xi32, #tpu.memory_space<vmem>>) semaphore(%arg13 : memref<!tpu.dma_semaphore, #tpu.memory_space<semaphore_mem>>)
      %dma_start3A_837 = arith.constant 6 : i32
      %dma_start3A_838 = arith.constant 768 : i32
      %dma_start3A_839 = arith.constant 0 : i32
      %dma_start3A_840 = tpu.memref_slice %arg10[%dma_start3A_838, %dma_start3A_839] : memref<1280x16xf32, #tpu.memory_space<vmem>> -> memref<128x16xf32, #tpu.memory_space<vmem>>
      %dma_start3A_841 = arith.constant 0 : i32
      %dma_start3A_842 = tpu.memref_slice %arg7[%dma_start3A_837, %dma_start3A_841] : memref<10x128xi32, #tpu.memory_space<vmem>> -> memref<1x128xi32, #tpu.memory_space<vmem>>
      %dma_start3A_843 = tpu.memref_squeeze %dma_start3A_842 : memref<1x128xi32, #tpu.memory_space<vmem>> -> memref<128xi32, #tpu.memory_space<vmem>>
      %dma_start3A_844 = arith.constant 0 : i32
      %dma_start3A_845 = arith.constant 0 : i32
      %dma_start3A_846 = tpu.memref_slice %arg4[%dma_start3A_844, %dma_start3A_845] : memref<200000x16xf32, #tpu.memory_space<hbm>> -> memref<200000x16xf32, #tpu.memory_space<hbm>>
      tpu.enqueue_indirect_dma source(%dma_start3A_846 : memref<200000x16xf32, #tpu.memory_space<hbm>>) target(%dma_start3A_840 : memref<128x16xf32, #tpu.memory_space<vmem>>) offsets(%dma_start3A_843 : memref<128xi32, #tpu.memory_space<vmem>>) semaphore(%arg13 : memref<!tpu.dma_semaphore, #tpu.memory_space<semaphore_mem>>)
      %dma_start3A_847 = arith.constant 7 : i32
      %dma_start3A_848 = arith.constant 896 : i32
      %dma_start3A_849 = arith.constant 0 : i32
      %dma_start3A_850 = tpu.memref_slice %arg10[%dma_start3A_848, %dma_start3A_849] : memref<1280x16xf32, #tpu.memory_space<vmem>> -> memref<128x16xf32, #tpu.memory_space<vmem>>
      %dma_start3A_851 = arith.constant 0 : i32
      %dma_start3A_852 = tpu.memref_slice %arg7[%dma_start3A_847, %dma_start3A_851] : memref<10x128xi32, #tpu.memory_space<vmem>> -> memref<1x128xi32, #tpu.memory_space<vmem>>
      %dma_start3A_853 = tpu.memref_squeeze %dma_start3A_852 : memref<1x128xi32, #tpu.memory_space<vmem>> -> memref<128xi32, #tpu.memory_space<vmem>>
      %dma_start3A_854 = arith.constant 0 : i32
      %dma_start3A_855 = arith.constant 0 : i32
      %dma_start3A_856 = tpu.memref_slice %arg4[%dma_start3A_854, %dma_start3A_855] : memref<200000x16xf32, #tpu.memory_space<hbm>> -> memref<200000x16xf32, #tpu.memory_space<hbm>>
      tpu.enqueue_indirect_dma source(%dma_start3A_856 : memref<200000x16xf32, #tpu.memory_space<hbm>>) target(%dma_start3A_850 : memref<128x16xf32, #tpu.memory_space<vmem>>) offsets(%dma_start3A_853 : memref<128xi32, #tpu.memory_space<vmem>>) semaphore(%arg13 : memref<!tpu.dma_semaphore, #tpu.memory_space<semaphore_mem>>)
      %dma_start3A_857 = arith.constant 8 : i32
      %dma_start3A_858 = arith.constant 1024 : i32
      %dma_start3A_859 = arith.constant 0 : i32
      %dma_start3A_860 = tpu.memref_slice %arg10[%dma_start3A_858, %dma_start3A_859] : memref<1280x16xf32, #tpu.memory_space<vmem>> -> memref<128x16xf32, #tpu.memory_space<vmem>>
      %dma_start3A_861 = arith.constant 0 : i32
      %dma_start3A_862 = tpu.memref_slice %arg7[%dma_start3A_857, %dma_start3A_861] : memref<10x128xi32, #tpu.memory_space<vmem>> -> memref<1x128xi32, #tpu.memory_space<vmem>>
      %dma_start3A_863 = tpu.memref_squeeze %dma_start3A_862 : memref<1x128xi32, #tpu.memory_space<vmem>> -> memref<128xi32, #tpu.memory_space<vmem>>
      %dma_start3A_864 = arith.constant 0 : i32
      %dma_start3A_865 = arith.constant 0 : i32
      %dma_start3A_866 = tpu.memref_slice %arg4[%dma_start3A_864, %dma_start3A_865] : memref<200000x16xf32, #tpu.memory_space<hbm>> -> memref<200000x16xf32, #tpu.memory_space<hbm>>
      tpu.enqueue_indirect_dma source(%dma_start3A_866 : memref<200000x16xf32, #tpu.memory_space<hbm>>) target(%dma_start3A_860 : memref<128x16xf32, #tpu.memory_space<vmem>>) offsets(%dma_start3A_863 : memref<128xi32, #tpu.memory_space<vmem>>) semaphore(%arg13 : memref<!tpu.dma_semaphore, #tpu.memory_space<semaphore_mem>>)
      %dma_start3A_867 = arith.constant 9 : i32
      %dma_start3A_868 = arith.constant 1152 : i32
      %dma_start3A_869 = arith.constant 0 : i32
      %dma_start3A_870 = tpu.memref_slice %arg10[%dma_start3A_868, %dma_start3A_869] : memref<1280x16xf32, #tpu.memory_space<vmem>> -> memref<128x16xf32, #tpu.memory_space<vmem>>
      %dma_start3A_871 = arith.constant 0 : i32
      %dma_start3A_872 = tpu.memref_slice %arg7[%dma_start3A_867, %dma_start3A_871] : memref<10x128xi32, #tpu.memory_space<vmem>> -> memref<1x128xi32, #tpu.memory_space<vmem>>
      %dma_start3A_873 = tpu.memref_squeeze %dma_start3A_872 : memref<1x128xi32, #tpu.memory_space<vmem>> -> memref<128xi32, #tpu.memory_space<vmem>>
      %dma_start3A_874 = arith.constant 0 : i32
      %dma_start3A_875 = arith.constant 0 : i32
      %dma_start3A_876 = tpu.memref_slice %arg4[%dma_start3A_874, %dma_start3A_875] : memref<200000x16xf32, #tpu.memory_space<hbm>> -> memref<200000x16xf32, #tpu.memory_space<hbm>>
      tpu.enqueue_indirect_dma source(%dma_start3A_876 : memref<200000x16xf32, #tpu.memory_space<hbm>>) target(%dma_start3A_870 : memref<128x16xf32, #tpu.memory_space<vmem>>) offsets(%dma_start3A_873 : memref<128xi32, #tpu.memory_space<vmem>>) semaphore(%arg13 : memref<!tpu.dma_semaphore, #tpu.memory_space<semaphore_mem>>)
      %dma_wait3A_877 = arith.constant 0 : i32
      %dma_wait3A_878 = arith.constant 0 : i32
      %dma_wait3A_879 = arith.constant 0 : i32
      %dma_wait3A_880 = tpu.memref_slice %arg11[%dma_wait3A_878, %dma_wait3A_879] : memref<1280x16xf32, #tpu.memory_space<vmem>> -> memref<128x16xf32, #tpu.memory_space<vmem>>
      %dma_wait3A_881 = arith.constant 0 : i32
      %dma_wait3A_882 = tpu.memref_slice %arg9[%dma_wait3A_877, %dma_wait3A_881] : memref<10x128xi32, #tpu.memory_space<vmem>> -> memref<1x128xi32, #tpu.memory_space<vmem>>
      %dma_wait3A_883 = tpu.memref_squeeze %dma_wait3A_882 : memref<1x128xi32, #tpu.memory_space<vmem>> -> memref<128xi32, #tpu.memory_space<vmem>>
      %dma_wait3A_884 = arith.constant 0 : i32
      %dma_wait3A_885 = arith.constant 0 : i32
      %dma_wait3A_886 = tpu.memref_slice %arg4[%dma_wait3A_884, %dma_wait3A_885] : memref<200000x16xf32, #tpu.memory_space<hbm>> -> memref<200000x16xf32, #tpu.memory_space<hbm>>
      tpu.wait_indirect_dma semaphore(%arg14 : memref<!tpu.dma_semaphore, #tpu.memory_space<semaphore_mem>>) src(%dma_wait3A_886 : memref<200000x16xf32, #tpu.memory_space<hbm>>) dst(%dma_wait3A_880 : memref<128x16xf32, #tpu.memory_space<vmem>>)
      %dma_wait3A_887 = arith.constant 1 : i32
      %dma_wait3A_888 = arith.constant 128 : i32
      %dma_wait3A_889 = arith.constant 0 : i32
      %dma_wait3A_890 = tpu.memref_slice %arg11[%dma_wait3A_888, %dma_wait3A_889] : memref<1280x16xf32, #tpu.memory_space<vmem>> -> memref<128x16xf32, #tpu.memory_space<vmem>>
      %dma_wait3A_891 = arith.constant 0 : i32
      %dma_wait3A_892 = tpu.memref_slice %arg9[%dma_wait3A_887, %dma_wait3A_891] : memref<10x128xi32, #tpu.memory_space<vmem>> -> memref<1x128xi32, #tpu.memory_space<vmem>>
      %dma_wait3A_893 = tpu.memref_squeeze %dma_wait3A_892 : memref<1x128xi32, #tpu.memory_space<vmem>> -> memref<128xi32, #tpu.memory_space<vmem>>
      %dma_wait3A_894 = arith.constant 0 : i32
      %dma_wait3A_895 = arith.constant 0 : i32
      %dma_wait3A_896 = tpu.memref_slice %arg4[%dma_wait3A_894, %dma_wait3A_895] : memref<200000x16xf32, #tpu.memory_space<hbm>> -> memref<200000x16xf32, #tpu.memory_space<hbm>>
      tpu.wait_indirect_dma semaphore(%arg14 : memref<!tpu.dma_semaphore, #tpu.memory_space<semaphore_mem>>) src(%dma_wait3A_896 : memref<200000x16xf32, #tpu.memory_space<hbm>>) dst(%dma_wait3A_890 : memref<128x16xf32, #tpu.memory_space<vmem>>)
      %dma_wait3A_897 = arith.constant 2 : i32
      %dma_wait3A_898 = arith.constant 256 : i32
      %dma_wait3A_899 = arith.constant 0 : i32
      %dma_wait3A_900 = tpu.memref_slice %arg11[%dma_wait3A_898, %dma_wait3A_899] : memref<1280x16xf32, #tpu.memory_space<vmem>> -> memref<128x16xf32, #tpu.memory_space<vmem>>
      %dma_wait3A_901 = arith.constant 0 : i32
      %dma_wait3A_902 = tpu.memref_slice %arg9[%dma_wait3A_897, %dma_wait3A_901] : memref<10x128xi32, #tpu.memory_space<vmem>> -> memref<1x128xi32, #tpu.memory_space<vmem>>
      %dma_wait3A_903 = tpu.memref_squeeze %dma_wait3A_902 : memref<1x128xi32, #tpu.memory_space<vmem>> -> memref<128xi32, #tpu.memory_space<vmem>>
      %dma_wait3A_904 = arith.constant 0 : i32
      %dma_wait3A_905 = arith.constant 0 : i32
      %dma_wait3A_906 = tpu.memref_slice %arg4[%dma_wait3A_904, %dma_wait3A_905] : memref<200000x16xf32, #tpu.memory_space<hbm>> -> memref<200000x16xf32, #tpu.memory_space<hbm>>
      tpu.wait_indirect_dma semaphore(%arg14 : memref<!tpu.dma_semaphore, #tpu.memory_space<semaphore_mem>>) src(%dma_wait3A_906 : memref<200000x16xf32, #tpu.memory_space<hbm>>) dst(%dma_wait3A_900 : memref<128x16xf32, #tpu.memory_space<vmem>>)
      %dma_wait3A_907 = arith.constant 3 : i32
      %dma_wait3A_908 = arith.constant 384 : i32
      %dma_wait3A_909 = arith.constant 0 : i32
      %dma_wait3A_910 = tpu.memref_slice %arg11[%dma_wait3A_908, %dma_wait3A_909] : memref<1280x16xf32, #tpu.memory_space<vmem>> -> memref<128x16xf32, #tpu.memory_space<vmem>>
      %dma_wait3A_911 = arith.constant 0 : i32
      %dma_wait3A_912 = tpu.memref_slice %arg9[%dma_wait3A_907, %dma_wait3A_911] : memref<10x128xi32, #tpu.memory_space<vmem>> -> memref<1x128xi32, #tpu.memory_space<vmem>>
      %dma_wait3A_913 = tpu.memref_squeeze %dma_wait3A_912 : memref<1x128xi32, #tpu.memory_space<vmem>> -> memref<128xi32, #tpu.memory_space<vmem>>
      %dma_wait3A_914 = arith.constant 0 : i32
      %dma_wait3A_915 = arith.constant 0 : i32
      %dma_wait3A_916 = tpu.memref_slice %arg4[%dma_wait3A_914, %dma_wait3A_915] : memref<200000x16xf32, #tpu.memory_space<hbm>> -> memref<200000x16xf32, #tpu.memory_space<hbm>>
      tpu.wait_indirect_dma semaphore(%arg14 : memref<!tpu.dma_semaphore, #tpu.memory_space<semaphore_mem>>) src(%dma_wait3A_916 : memref<200000x16xf32, #tpu.memory_space<hbm>>) dst(%dma_wait3A_910 : memref<128x16xf32, #tpu.memory_space<vmem>>)
      %dma_wait3A_917 = arith.constant 4 : i32
      %dma_wait3A_918 = arith.constant 512 : i32
      %dma_wait3A_919 = arith.constant 0 : i32
      %dma_wait3A_920 = tpu.memref_slice %arg11[%dma_wait3A_918, %dma_wait3A_919] : memref<1280x16xf32, #tpu.memory_space<vmem>> -> memref<128x16xf32, #tpu.memory_space<vmem>>
      %dma_wait3A_921 = arith.constant 0 : i32
      %dma_wait3A_922 = tpu.memref_slice %arg9[%dma_wait3A_917, %dma_wait3A_921] : memref<10x128xi32, #tpu.memory_space<vmem>> -> memref<1x128xi32, #tpu.memory_space<vmem>>
      %dma_wait3A_923 = tpu.memref_squeeze %dma_wait3A_922 : memref<1x128xi32, #tpu.memory_space<vmem>> -> memref<128xi32, #tpu.memory_space<vmem>>
      %dma_wait3A_924 = arith.constant 0 : i32
      %dma_wait3A_925 = arith.constant 0 : i32
      %dma_wait3A_926 = tpu.memref_slice %arg4[%dma_wait3A_924, %dma_wait3A_925] : memref<200000x16xf32, #tpu.memory_space<hbm>> -> memref<200000x16xf32, #tpu.memory_space<hbm>>
      tpu.wait_indirect_dma semaphore(%arg14 : memref<!tpu.dma_semaphore, #tpu.memory_space<semaphore_mem>>) src(%dma_wait3A_926 : memref<200000x16xf32, #tpu.memory_space<hbm>>) dst(%dma_wait3A_920 : memref<128x16xf32, #tpu.memory_space<vmem>>)
      %dma_wait3A_927 = arith.constant 5 : i32
      %dma_wait3A_928 = arith.constant 640 : i32
      %dma_wait3A_929 = arith.constant 0 : i32
      %dma_wait3A_930 = tpu.memref_slice %arg11[%dma_wait3A_928, %dma_wait3A_929] : memref<1280x16xf32, #tpu.memory_space<vmem>> -> memref<128x16xf32, #tpu.memory_space<vmem>>
      %dma_wait3A_931 = arith.constant 0 : i32
      %dma_wait3A_932 = tpu.memref_slice %arg9[%dma_wait3A_927, %dma_wait3A_931] : memref<10x128xi32, #tpu.memory_space<vmem>> -> memref<1x128xi32, #tpu.memory_space<vmem>>
      %dma_wait3A_933 = tpu.memref_squeeze %dma_wait3A_932 : memref<1x128xi32, #tpu.memory_space<vmem>> -> memref<128xi32, #tpu.memory_space<vmem>>
      %dma_wait3A_934 = arith.constant 0 : i32
      %dma_wait3A_935 = arith.constant 0 : i32
      %dma_wait3A_936 = tpu.memref_slice %arg4[%dma_wait3A_934, %dma_wait3A_935] : memref<200000x16xf32, #tpu.memory_space<hbm>> -> memref<200000x16xf32, #tpu.memory_space<hbm>>
      tpu.wait_indirect_dma semaphore(%arg14 : memref<!tpu.dma_semaphore, #tpu.memory_space<semaphore_mem>>) src(%dma_wait3A_936 : memref<200000x16xf32, #tpu.memory_space<hbm>>) dst(%dma_wait3A_930 : memref<128x16xf32, #tpu.memory_space<vmem>>)
      %dma_wait3A_937 = arith.constant 6 : i32
      %dma_wait3A_938 = arith.constant 768 : i32
      %dma_wait3A_939 = arith.constant 0 : i32
      %dma_wait3A_940 = tpu.memref_slice %arg11[%dma_wait3A_938, %dma_wait3A_939] : memref<1280x16xf32, #tpu.memory_space<vmem>> -> memref<128x16xf32, #tpu.memory_space<vmem>>
      %dma_wait3A_941 = arith.constant 0 : i32
      %dma_wait3A_942 = tpu.memref_slice %arg9[%dma_wait3A_937, %dma_wait3A_941] : memref<10x128xi32, #tpu.memory_space<vmem>> -> memref<1x128xi32, #tpu.memory_space<vmem>>
      %dma_wait3A_943 = tpu.memref_squeeze %dma_wait3A_942 : memref<1x128xi32, #tpu.memory_space<vmem>> -> memref<128xi32, #tpu.memory_space<vmem>>
      %dma_wait3A_944 = arith.constant 0 : i32
      %dma_wait3A_945 = arith.constant 0 : i32
      %dma_wait3A_946 = tpu.memref_slice %arg4[%dma_wait3A_944, %dma_wait3A_945] : memref<200000x16xf32, #tpu.memory_space<hbm>> -> memref<200000x16xf32, #tpu.memory_space<hbm>>
      tpu.wait_indirect_dma semaphore(%arg14 : memref<!tpu.dma_semaphore, #tpu.memory_space<semaphore_mem>>) src(%dma_wait3A_946 : memref<200000x16xf32, #tpu.memory_space<hbm>>) dst(%dma_wait3A_940 : memref<128x16xf32, #tpu.memory_space<vmem>>)
      %dma_wait3A_947 = arith.constant 7 : i32
      %dma_wait3A_948 = arith.constant 896 : i32
      %dma_wait3A_949 = arith.constant 0 : i32
      %dma_wait3A_950 = tpu.memref_slice %arg11[%dma_wait3A_948, %dma_wait3A_949] : memref<1280x16xf32, #tpu.memory_space<vmem>> -> memref<128x16xf32, #tpu.memory_space<vmem>>
      %dma_wait3A_951 = arith.constant 0 : i32
      %dma_wait3A_952 = tpu.memref_slice %arg9[%dma_wait3A_947, %dma_wait3A_951] : memref<10x128xi32, #tpu.memory_space<vmem>> -> memref<1x128xi32, #tpu.memory_space<vmem>>
      %dma_wait3A_953 = tpu.memref_squeeze %dma_wait3A_952 : memref<1x128xi32, #tpu.memory_space<vmem>> -> memref<128xi32, #tpu.memory_space<vmem>>
      %dma_wait3A_954 = arith.constant 0 : i32
      %dma_wait3A_955 = arith.constant 0 : i32
      %dma_wait3A_956 = tpu.memref_slice %arg4[%dma_wait3A_954, %dma_wait3A_955] : memref<200000x16xf32, #tpu.memory_space<hbm>> -> memref<200000x16xf32, #tpu.memory_space<hbm>>
      tpu.wait_indirect_dma semaphore(%arg14 : memref<!tpu.dma_semaphore, #tpu.memory_space<semaphore_mem>>) src(%dma_wait3A_956 : memref<200000x16xf32, #tpu.memory_space<hbm>>) dst(%dma_wait3A_950 : memref<128x16xf32, #tpu.memory_space<vmem>>)
      %dma_wait3A_957 = arith.constant 8 : i32
      %dma_wait3A_958 = arith.constant 1024 : i32
      %dma_wait3A_959 = arith.constant 0 : i32
      %dma_wait3A_960 = tpu.memref_slice %arg11[%dma_wait3A_958, %dma_wait3A_959] : memref<1280x16xf32, #tpu.memory_space<vmem>> -> memref<128x16xf32, #tpu.memory_space<vmem>>
      %dma_wait3A_961 = arith.constant 0 : i32
      %dma_wait3A_962 = tpu.memref_slice %arg9[%dma_wait3A_957, %dma_wait3A_961] : memref<10x128xi32, #tpu.memory_space<vmem>> -> memref<1x128xi32, #tpu.memory_space<vmem>>
      %dma_wait3A_963 = tpu.memref_squeeze %dma_wait3A_962 : memref<1x128xi32, #tpu.memory_space<vmem>> -> memref<128xi32, #tpu.memory_space<vmem>>
      %dma_wait3A_964 = arith.constant 0 : i32
      %dma_wait3A_965 = arith.constant 0 : i32
      %dma_wait3A_966 = tpu.memref_slice %arg4[%dma_wait3A_964, %dma_wait3A_965] : memref<200000x16xf32, #tpu.memory_space<hbm>> -> memref<200000x16xf32, #tpu.memory_space<hbm>>
      tpu.wait_indirect_dma semaphore(%arg14 : memref<!tpu.dma_semaphore, #tpu.memory_space<semaphore_mem>>) src(%dma_wait3A_966 : memref<200000x16xf32, #tpu.memory_space<hbm>>) dst(%dma_wait3A_960 : memref<128x16xf32, #tpu.memory_space<vmem>>)
      %dma_wait3A_967 = arith.constant 9 : i32
      %dma_wait3A_968 = arith.constant 1152 : i32
      %dma_wait3A_969 = arith.constant 0 : i32
      %dma_wait3A_970 = tpu.memref_slice %arg11[%dma_wait3A_968, %dma_wait3A_969] : memref<1280x16xf32, #tpu.memory_space<vmem>> -> memref<128x16xf32, #tpu.memory_space<vmem>>
      %dma_wait3A_971 = arith.constant 0 : i32
      %dma_wait3A_972 = tpu.memref_slice %arg9[%dma_wait3A_967, %dma_wait3A_971] : memref<10x128xi32, #tpu.memory_space<vmem>> -> memref<1x128xi32, #tpu.memory_space<vmem>>
      %dma_wait3A_973 = tpu.memref_squeeze %dma_wait3A_972 : memref<1x128xi32, #tpu.memory_space<vmem>> -> memref<128xi32, #tpu.memory_space<vmem>>
      %dma_wait3A_974 = arith.constant 0 : i32
      %dma_wait3A_975 = arith.constant 0 : i32
      %dma_wait3A_976 = tpu.memref_slice %arg4[%dma_wait3A_974, %dma_wait3A_975] : memref<200000x16xf32, #tpu.memory_space<hbm>> -> memref<200000x16xf32, #tpu.memory_space<hbm>>
      tpu.wait_indirect_dma semaphore(%arg14 : memref<!tpu.dma_semaphore, #tpu.memory_space<semaphore_mem>>) src(%dma_wait3A_976 : memref<200000x16xf32, #tpu.memory_space<hbm>>) dst(%dma_wait3A_970 : memref<128x16xf32, #tpu.memory_space<vmem>>)
      %run_scoped3A_977 = arith.constant 0 : i32
      "tpu.region"() ({
        %run_scoped3A_992 = tpu.sem_alloc : memref<!tpu.dma_semaphore, #tpu.memory_space<semaphore_mem>>
        %dma_start3A_993 = arith.constant 0 : i32
        %dma_start3A_994 = arith.constant 0 : i32
        %dma_start3A_995 = tpu.memref_slice %arg11[%dma_start3A_993, %dma_start3A_994] : memref<1280x16xf32, #tpu.memory_space<vmem>> -> memref<128x16xf32, #tpu.memory_space<vmem>>
        %dma_start3A_996 = arith.constant 0 : i32
        %dma_start3A_997 = tpu.memref_slice %arg8[%run_scoped3A_977, %dma_start3A_996] : memref<10x128xi32, #tpu.memory_space<vmem>> -> memref<1x128xi32, #tpu.memory_space<vmem>>
        %dma_start3A_998 = tpu.memref_squeeze %dma_start3A_997 : memref<1x128xi32, #tpu.memory_space<vmem>> -> memref<128xi32, #tpu.memory_space<vmem>>
        %dma_start3A_999 = arith.constant 0 : i32
        %dma_start3A_1000 = arith.constant 0 : i32
        %dma_start3A_1001 = tpu.memref_slice %arg16[%dma_start3A_999, %dma_start3A_1000] : memref<51200x16xf32, #tpu.memory_space<vmem_shared>> -> memref<51200x16xf32, #tpu.memory_space<vmem_shared>>
        tpu.enqueue_indirect_dma source(%dma_start3A_995 : memref<128x16xf32, #tpu.memory_space<vmem>>) target(%dma_start3A_1001 : memref<51200x16xf32, #tpu.memory_space<vmem_shared>>) offsets(%dma_start3A_998 : memref<128xi32, #tpu.memory_space<vmem>>) semaphore(%run_scoped3A_992 : memref<!tpu.dma_semaphore, #tpu.memory_space<semaphore_mem>>) {add = true}
        %dma_wait3A_1002 = arith.constant 0 : i32
        %dma_wait3A_1003 = arith.constant 0 : i32
        %dma_wait3A_1004 = tpu.memref_slice %arg11[%dma_wait3A_1002, %dma_wait3A_1003] : memref<1280x16xf32, #tpu.memory_space<vmem>> -> memref<128x16xf32, #tpu.memory_space<vmem>>
        %dma_wait3A_1005 = arith.constant 0 : i32
        %dma_wait3A_1006 = tpu.memref_slice %arg8[%run_scoped3A_977, %dma_wait3A_1005] : memref<10x128xi32, #tpu.memory_space<vmem>> -> memref<1x128xi32, #tpu.memory_space<vmem>>
        %dma_wait3A_1007 = tpu.memref_squeeze %dma_wait3A_1006 : memref<1x128xi32, #tpu.memory_space<vmem>> -> memref<128xi32, #tpu.memory_space<vmem>>
        %dma_wait3A_1008 = arith.constant 0 : i32
        %dma_wait3A_1009 = arith.constant 0 : i32
        %dma_wait3A_1010 = tpu.memref_slice %arg16[%dma_wait3A_1008, %dma_wait3A_1009] : memref<51200x16xf32, #tpu.memory_space<vmem_shared>> -> memref<51200x16xf32, #tpu.memory_space<vmem_shared>>
        tpu.wait_indirect_dma semaphore(%run_scoped3A_992 : memref<!tpu.dma_semaphore, #tpu.memory_space<semaphore_mem>>) src(%dma_wait3A_1004 : memref<128x16xf32, #tpu.memory_space<vmem>>) dst(%dma_wait3A_1010 : memref<51200x16xf32, #tpu.memory_space<vmem_shared>>)
        tpu.yield
      }) : () -> ()
      %run_scoped3A_978 = arith.constant 1 : i32
      "tpu.region"() ({
        %run_scoped3A_992 = tpu.sem_alloc : memref<!tpu.dma_semaphore, #tpu.memory_space<semaphore_mem>>
        %dma_start3A_993 = arith.constant 128 : i32
        %dma_start3A_994 = arith.constant 0 : i32
        %dma_start3A_995 = tpu.memref_slice %arg11[%dma_start3A_993, %dma_start3A_994] : memref<1280x16xf32, #tpu.memory_space<vmem>> -> memref<128x16xf32, #tpu.memory_space<vmem>>
        %dma_start3A_996 = arith.constant 0 : i32
        %dma_start3A_997 = tpu.memref_slice %arg8[%run_scoped3A_978, %dma_start3A_996] : memref<10x128xi32, #tpu.memory_space<vmem>> -> memref<1x128xi32, #tpu.memory_space<vmem>>
        %dma_start3A_998 = tpu.memref_squeeze %dma_start3A_997 : memref<1x128xi32, #tpu.memory_space<vmem>> -> memref<128xi32, #tpu.memory_space<vmem>>
        %dma_start3A_999 = arith.constant 0 : i32
        %dma_start3A_1000 = arith.constant 0 : i32
        %dma_start3A_1001 = tpu.memref_slice %arg16[%dma_start3A_999, %dma_start3A_1000] : memref<51200x16xf32, #tpu.memory_space<vmem_shared>> -> memref<51200x16xf32, #tpu.memory_space<vmem_shared>>
        tpu.enqueue_indirect_dma source(%dma_start3A_995 : memref<128x16xf32, #tpu.memory_space<vmem>>) target(%dma_start3A_1001 : memref<51200x16xf32, #tpu.memory_space<vmem_shared>>) offsets(%dma_start3A_998 : memref<128xi32, #tpu.memory_space<vmem>>) semaphore(%run_scoped3A_992 : memref<!tpu.dma_semaphore, #tpu.memory_space<semaphore_mem>>) {add = true}
        %dma_wait3A_1002 = arith.constant 128 : i32
        %dma_wait3A_1003 = arith.constant 0 : i32
        %dma_wait3A_1004 = tpu.memref_slice %arg11[%dma_wait3A_1002, %dma_wait3A_1003] : memref<1280x16xf32, #tpu.memory_space<vmem>> -> memref<128x16xf32, #tpu.memory_space<vmem>>
        %dma_wait3A_1005 = arith.constant 0 : i32
        %dma_wait3A_1006 = tpu.memref_slice %arg8[%run_scoped3A_978, %dma_wait3A_1005] : memref<10x128xi32, #tpu.memory_space<vmem>> -> memref<1x128xi32, #tpu.memory_space<vmem>>
        %dma_wait3A_1007 = tpu.memref_squeeze %dma_wait3A_1006 : memref<1x128xi32, #tpu.memory_space<vmem>> -> memref<128xi32, #tpu.memory_space<vmem>>
        %dma_wait3A_1008 = arith.constant 0 : i32
        %dma_wait3A_1009 = arith.constant 0 : i32
        %dma_wait3A_1010 = tpu.memref_slice %arg16[%dma_wait3A_1008, %dma_wait3A_1009] : memref<51200x16xf32, #tpu.memory_space<vmem_shared>> -> memref<51200x16xf32, #tpu.memory_space<vmem_shared>>
        tpu.wait_indirect_dma semaphore(%run_scoped3A_992 : memref<!tpu.dma_semaphore, #tpu.memory_space<semaphore_mem>>) src(%dma_wait3A_1004 : memref<128x16xf32, #tpu.memory_space<vmem>>) dst(%dma_wait3A_1010 : memref<51200x16xf32, #tpu.memory_space<vmem_shared>>)
        tpu.yield
      }) : () -> ()
      %run_scoped3A_979 = arith.constant 2 : i32
      "tpu.region"() ({
        %run_scoped3A_992 = tpu.sem_alloc : memref<!tpu.dma_semaphore, #tpu.memory_space<semaphore_mem>>
        %dma_start3A_993 = arith.constant 256 : i32
        %dma_start3A_994 = arith.constant 0 : i32
        %dma_start3A_995 = tpu.memref_slice %arg11[%dma_start3A_993, %dma_start3A_994] : memref<1280x16xf32, #tpu.memory_space<vmem>> -> memref<128x16xf32, #tpu.memory_space<vmem>>
        %dma_start3A_996 = arith.constant 0 : i32
        %dma_start3A_997 = tpu.memref_slice %arg8[%run_scoped3A_979, %dma_start3A_996] : memref<10x128xi32, #tpu.memory_space<vmem>> -> memref<1x128xi32, #tpu.memory_space<vmem>>
        %dma_start3A_998 = tpu.memref_squeeze %dma_start3A_997 : memref<1x128xi32, #tpu.memory_space<vmem>> -> memref<128xi32, #tpu.memory_space<vmem>>
        %dma_start3A_999 = arith.constant 0 : i32
        %dma_start3A_1000 = arith.constant 0 : i32
        %dma_start3A_1001 = tpu.memref_slice %arg16[%dma_start3A_999, %dma_start3A_1000] : memref<51200x16xf32, #tpu.memory_space<vmem_shared>> -> memref<51200x16xf32, #tpu.memory_space<vmem_shared>>
        tpu.enqueue_indirect_dma source(%dma_start3A_995 : memref<128x16xf32, #tpu.memory_space<vmem>>) target(%dma_start3A_1001 : memref<51200x16xf32, #tpu.memory_space<vmem_shared>>) offsets(%dma_start3A_998 : memref<128xi32, #tpu.memory_space<vmem>>) semaphore(%run_scoped3A_992 : memref<!tpu.dma_semaphore, #tpu.memory_space<semaphore_mem>>) {add = true}
        %dma_wait3A_1002 = arith.constant 256 : i32
        %dma_wait3A_1003 = arith.constant 0 : i32
        %dma_wait3A_1004 = tpu.memref_slice %arg11[%dma_wait3A_1002, %dma_wait3A_1003] : memref<1280x16xf32, #tpu.memory_space<vmem>> -> memref<128x16xf32, #tpu.memory_space<vmem>>
        %dma_wait3A_1005 = arith.constant 0 : i32
        %dma_wait3A_1006 = tpu.memref_slice %arg8[%run_scoped3A_979, %dma_wait3A_1005] : memref<10x128xi32, #tpu.memory_space<vmem>> -> memref<1x128xi32, #tpu.memory_space<vmem>>
        %dma_wait3A_1007 = tpu.memref_squeeze %dma_wait3A_1006 : memref<1x128xi32, #tpu.memory_space<vmem>> -> memref<128xi32, #tpu.memory_space<vmem>>
        %dma_wait3A_1008 = arith.constant 0 : i32
        %dma_wait3A_1009 = arith.constant 0 : i32
        %dma_wait3A_1010 = tpu.memref_slice %arg16[%dma_wait3A_1008, %dma_wait3A_1009] : memref<51200x16xf32, #tpu.memory_space<vmem_shared>> -> memref<51200x16xf32, #tpu.memory_space<vmem_shared>>
        tpu.wait_indirect_dma semaphore(%run_scoped3A_992 : memref<!tpu.dma_semaphore, #tpu.memory_space<semaphore_mem>>) src(%dma_wait3A_1004 : memref<128x16xf32, #tpu.memory_space<vmem>>) dst(%dma_wait3A_1010 : memref<51200x16xf32, #tpu.memory_space<vmem_shared>>)
        tpu.yield
      }) : () -> ()
      %run_scoped3A_980 = arith.constant 3 : i32
      "tpu.region"() ({
        %run_scoped3A_992 = tpu.sem_alloc : memref<!tpu.dma_semaphore, #tpu.memory_space<semaphore_mem>>
        %dma_start3A_993 = arith.constant 384 : i32
        %dma_start3A_994 = arith.constant 0 : i32
        %dma_start3A_995 = tpu.memref_slice %arg11[%dma_start3A_993, %dma_start3A_994] : memref<1280x16xf32, #tpu.memory_space<vmem>> -> memref<128x16xf32, #tpu.memory_space<vmem>>
        %dma_start3A_996 = arith.constant 0 : i32
        %dma_start3A_997 = tpu.memref_slice %arg8[%run_scoped3A_980, %dma_start3A_996] : memref<10x128xi32, #tpu.memory_space<vmem>> -> memref<1x128xi32, #tpu.memory_space<vmem>>
        %dma_start3A_998 = tpu.memref_squeeze %dma_start3A_997 : memref<1x128xi32, #tpu.memory_space<vmem>> -> memref<128xi32, #tpu.memory_space<vmem>>
        %dma_start3A_999 = arith.constant 0 : i32
        %dma_start3A_1000 = arith.constant 0 : i32
        %dma_start3A_1001 = tpu.memref_slice %arg16[%dma_start3A_999, %dma_start3A_1000] : memref<51200x16xf32, #tpu.memory_space<vmem_shared>> -> memref<51200x16xf32, #tpu.memory_space<vmem_shared>>
        tpu.enqueue_indirect_dma source(%dma_start3A_995 : memref<128x16xf32, #tpu.memory_space<vmem>>) target(%dma_start3A_1001 : memref<51200x16xf32, #tpu.memory_space<vmem_shared>>) offsets(%dma_start3A_998 : memref<128xi32, #tpu.memory_space<vmem>>) semaphore(%run_scoped3A_992 : memref<!tpu.dma_semaphore, #tpu.memory_space<semaphore_mem>>) {add = true}
        %dma_wait3A_1002 = arith.constant 384 : i32
        %dma_wait3A_1003 = arith.constant 0 : i32
        %dma_wait3A_1004 = tpu.memref_slice %arg11[%dma_wait3A_1002, %dma_wait3A_1003] : memref<1280x16xf32, #tpu.memory_space<vmem>> -> memref<128x16xf32, #tpu.memory_space<vmem>>
        %dma_wait3A_1005 = arith.constant 0 : i32
        %dma_wait3A_1006 = tpu.memref_slice %arg8[%run_scoped3A_980, %dma_wait3A_1005] : memref<10x128xi32, #tpu.memory_space<vmem>> -> memref<1x128xi32, #tpu.memory_space<vmem>>
        %dma_wait3A_1007 = tpu.memref_squeeze %dma_wait3A_1006 : memref<1x128xi32, #tpu.memory_space<vmem>> -> memref<128xi32, #tpu.memory_space<vmem>>
        %dma_wait3A_1008 = arith.constant 0 : i32
        %dma_wait3A_1009 = arith.constant 0 : i32
        %dma_wait3A_1010 = tpu.memref_slice %arg16[%dma_wait3A_1008, %dma_wait3A_1009] : memref<51200x16xf32, #tpu.memory_space<vmem_shared>> -> memref<51200x16xf32, #tpu.memory_space<vmem_shared>>
        tpu.wait_indirect_dma semaphore(%run_scoped3A_992 : memref<!tpu.dma_semaphore, #tpu.memory_space<semaphore_mem>>) src(%dma_wait3A_1004 : memref<128x16xf32, #tpu.memory_space<vmem>>) dst(%dma_wait3A_1010 : memref<51200x16xf32, #tpu.memory_space<vmem_shared>>)
        tpu.yield
      }) : () -> ()
      %run_scoped3A_981 = arith.constant 4 : i32
      "tpu.region"() ({
        %run_scoped3A_992 = tpu.sem_alloc : memref<!tpu.dma_semaphore, #tpu.memory_space<semaphore_mem>>
        %dma_start3A_993 = arith.constant 512 : i32
        %dma_start3A_994 = arith.constant 0 : i32
        %dma_start3A_995 = tpu.memref_slice %arg11[%dma_start3A_993, %dma_start3A_994] : memref<1280x16xf32, #tpu.memory_space<vmem>> -> memref<128x16xf32, #tpu.memory_space<vmem>>
        %dma_start3A_996 = arith.constant 0 : i32
        %dma_start3A_997 = tpu.memref_slice %arg8[%run_scoped3A_981, %dma_start3A_996] : memref<10x128xi32, #tpu.memory_space<vmem>> -> memref<1x128xi32, #tpu.memory_space<vmem>>
        %dma_start3A_998 = tpu.memref_squeeze %dma_start3A_997 : memref<1x128xi32, #tpu.memory_space<vmem>> -> memref<128xi32, #tpu.memory_space<vmem>>
        %dma_start3A_999 = arith.constant 0 : i32
        %dma_start3A_1000 = arith.constant 0 : i32
        %dma_start3A_1001 = tpu.memref_slice %arg16[%dma_start3A_999, %dma_start3A_1000] : memref<51200x16xf32, #tpu.memory_space<vmem_shared>> -> memref<51200x16xf32, #tpu.memory_space<vmem_shared>>
        tpu.enqueue_indirect_dma source(%dma_start3A_995 : memref<128x16xf32, #tpu.memory_space<vmem>>) target(%dma_start3A_1001 : memref<51200x16xf32, #tpu.memory_space<vmem_shared>>) offsets(%dma_start3A_998 : memref<128xi32, #tpu.memory_space<vmem>>) semaphore(%run_scoped3A_992 : memref<!tpu.dma_semaphore, #tpu.memory_space<semaphore_mem>>) {add = true}
        %dma_wait3A_1002 = arith.constant 512 : i32
        %dma_wait3A_1003 = arith.constant 0 : i32
        %dma_wait3A_1004 = tpu.memref_slice %arg11[%dma_wait3A_1002, %dma_wait3A_1003] : memref<1280x16xf32, #tpu.memory_space<vmem>> -> memref<128x16xf32, #tpu.memory_space<vmem>>
        %dma_wait3A_1005 = arith.constant 0 : i32
        %dma_wait3A_1006 = tpu.memref_slice %arg8[%run_scoped3A_981, %dma_wait3A_1005] : memref<10x128xi32, #tpu.memory_space<vmem>> -> memref<1x128xi32, #tpu.memory_space<vmem>>
        %dma_wait3A_1007 = tpu.memref_squeeze %dma_wait3A_1006 : memref<1x128xi32, #tpu.memory_space<vmem>> -> memref<128xi32, #tpu.memory_space<vmem>>
        %dma_wait3A_1008 = arith.constant 0 : i32
        %dma_wait3A_1009 = arith.constant 0 : i32
        %dma_wait3A_1010 = tpu.memref_slice %arg16[%dma_wait3A_1008, %dma_wait3A_1009] : memref<51200x16xf32, #tpu.memory_space<vmem_shared>> -> memref<51200x16xf32, #tpu.memory_space<vmem_shared>>
        tpu.wait_indirect_dma semaphore(%run_scoped3A_992 : memref<!tpu.dma_semaphore, #tpu.memory_space<semaphore_mem>>) src(%dma_wait3A_1004 : memref<128x16xf32, #tpu.memory_space<vmem>>) dst(%dma_wait3A_1010 : memref<51200x16xf32, #tpu.memory_space<vmem_shared>>)
        tpu.yield
      }) : () -> ()
      %run_scoped3A_982 = arith.constant 5 : i32
      "tpu.region"() ({
        %run_scoped3A_992 = tpu.sem_alloc : memref<!tpu.dma_semaphore, #tpu.memory_space<semaphore_mem>>
        %dma_start3A_993 = arith.constant 640 : i32
        %dma_start3A_994 = arith.constant 0 : i32
        %dma_start3A_995 = tpu.memref_slice %arg11[%dma_start3A_993, %dma_start3A_994] : memref<1280x16xf32, #tpu.memory_space<vmem>> -> memref<128x16xf32, #tpu.memory_space<vmem>>
        %dma_start3A_996 = arith.constant 0 : i32
        %dma_start3A_997 = tpu.memref_slice %arg8[%run_scoped3A_982, %dma_start3A_996] : memref<10x128xi32, #tpu.memory_space<vmem>> -> memref<1x128xi32, #tpu.memory_space<vmem>>
        %dma_start3A_998 = tpu.memref_squeeze %dma_start3A_997 : memref<1x128xi32, #tpu.memory_space<vmem>> -> memref<128xi32, #tpu.memory_space<vmem>>
        %dma_start3A_999 = arith.constant 0 : i32
        %dma_start3A_1000 = arith.constant 0 : i32
        %dma_start3A_1001 = tpu.memref_slice %arg16[%dma_start3A_999, %dma_start3A_1000] : memref<51200x16xf32, #tpu.memory_space<vmem_shared>> -> memref<51200x16xf32, #tpu.memory_space<vmem_shared>>
        tpu.enqueue_indirect_dma source(%dma_start3A_995 : memref<128x16xf32, #tpu.memory_space<vmem>>) target(%dma_start3A_1001 : memref<51200x16xf32, #tpu.memory_space<vmem_shared>>) offsets(%dma_start3A_998 : memref<128xi32, #tpu.memory_space<vmem>>) semaphore(%run_scoped3A_992 : memref<!tpu.dma_semaphore, #tpu.memory_space<semaphore_mem>>) {add = true}
        %dma_wait3A_1002 = arith.constant 640 : i32
        %dma_wait3A_1003 = arith.constant 0 : i32
        %dma_wait3A_1004 = tpu.memref_slice %arg11[%dma_wait3A_1002, %dma_wait3A_1003] : memref<1280x16xf32, #tpu.memory_space<vmem>> -> memref<128x16xf32, #tpu.memory_space<vmem>>
        %dma_wait3A_1005 = arith.constant 0 : i32
        %dma_wait3A_1006 = tpu.memref_slice %arg8[%run_scoped3A_982, %dma_wait3A_1005] : memref<10x128xi32, #tpu.memory_space<vmem>> -> memref<1x128xi32, #tpu.memory_space<vmem>>
        %dma_wait3A_1007 = tpu.memref_squeeze %dma_wait3A_1006 : memref<1x128xi32, #tpu.memory_space<vmem>> -> memref<128xi32, #tpu.memory_space<vmem>>
        %dma_wait3A_1008 = arith.constant 0 : i32
        %dma_wait3A_1009 = arith.constant 0 : i32
        %dma_wait3A_1010 = tpu.memref_slice %arg16[%dma_wait3A_1008, %dma_wait3A_1009] : memref<51200x16xf32, #tpu.memory_space<vmem_shared>> -> memref<51200x16xf32, #tpu.memory_space<vmem_shared>>
        tpu.wait_indirect_dma semaphore(%run_scoped3A_992 : memref<!tpu.dma_semaphore, #tpu.memory_space<semaphore_mem>>) src(%dma_wait3A_1004 : memref<128x16xf32, #tpu.memory_space<vmem>>) dst(%dma_wait3A_1010 : memref<51200x16xf32, #tpu.memory_space<vmem_shared>>)
        tpu.yield
      }) : () -> ()
      %run_scoped3A_983 = arith.constant 6 : i32
      "tpu.region"() ({
        %run_scoped3A_992 = tpu.sem_alloc : memref<!tpu.dma_semaphore, #tpu.memory_space<semaphore_mem>>
        %dma_start3A_993 = arith.constant 768 : i32
        %dma_start3A_994 = arith.constant 0 : i32
        %dma_start3A_995 = tpu.memref_slice %arg11[%dma_start3A_993, %dma_start3A_994] : memref<1280x16xf32, #tpu.memory_space<vmem>> -> memref<128x16xf32, #tpu.memory_space<vmem>>
        %dma_start3A_996 = arith.constant 0 : i32
        %dma_start3A_997 = tpu.memref_slice %arg8[%run_scoped3A_983, %dma_start3A_996] : memref<10x128xi32, #tpu.memory_space<vmem>> -> memref<1x128xi32, #tpu.memory_space<vmem>>
        %dma_start3A_998 = tpu.memref_squeeze %dma_start3A_997 : memref<1x128xi32, #tpu.memory_space<vmem>> -> memref<128xi32, #tpu.memory_space<vmem>>
        %dma_start3A_999 = arith.constant 0 : i32
        %dma_start3A_1000 = arith.constant 0 : i32
        %dma_start3A_1001 = tpu.memref_slice %arg16[%dma_start3A_999, %dma_start3A_1000] : memref<51200x16xf32, #tpu.memory_space<vmem_shared>> -> memref<51200x16xf32, #tpu.memory_space<vmem_shared>>
        tpu.enqueue_indirect_dma source(%dma_start3A_995 : memref<128x16xf32, #tpu.memory_space<vmem>>) target(%dma_start3A_1001 : memref<51200x16xf32, #tpu.memory_space<vmem_shared>>) offsets(%dma_start3A_998 : memref<128xi32, #tpu.memory_space<vmem>>) semaphore(%run_scoped3A_992 : memref<!tpu.dma_semaphore, #tpu.memory_space<semaphore_mem>>) {add = true}
        %dma_wait3A_1002 = arith.constant 768 : i32
        %dma_wait3A_1003 = arith.constant 0 : i32
        %dma_wait3A_1004 = tpu.memref_slice %arg11[%dma_wait3A_1002, %dma_wait3A_1003] : memref<1280x16xf32, #tpu.memory_space<vmem>> -> memref<128x16xf32, #tpu.memory_space<vmem>>
        %dma_wait3A_1005 = arith.constant 0 : i32
        %dma_wait3A_1006 = tpu.memref_slice %arg8[%run_scoped3A_983, %dma_wait3A_1005] : memref<10x128xi32, #tpu.memory_space<vmem>> -> memref<1x128xi32, #tpu.memory_space<vmem>>
        %dma_wait3A_1007 = tpu.memref_squeeze %dma_wait3A_1006 : memref<1x128xi32, #tpu.memory_space<vmem>> -> memref<128xi32, #tpu.memory_space<vmem>>
        %dma_wait3A_1008 = arith.constant 0 : i32
        %dma_wait3A_1009 = arith.constant 0 : i32
        %dma_wait3A_1010 = tpu.memref_slice %arg16[%dma_wait3A_1008, %dma_wait3A_1009] : memref<51200x16xf32, #tpu.memory_space<vmem_shared>> -> memref<51200x16xf32, #tpu.memory_space<vmem_shared>>
        tpu.wait_indirect_dma semaphore(%run_scoped3A_992 : memref<!tpu.dma_semaphore, #tpu.memory_space<semaphore_mem>>) src(%dma_wait3A_1004 : memref<128x16xf32, #tpu.memory_space<vmem>>) dst(%dma_wait3A_1010 : memref<51200x16xf32, #tpu.memory_space<vmem_shared>>)
        tpu.yield
      }) : () -> ()
      %run_scoped3A_984 = arith.constant 7 : i32
      "tpu.region"() ({
        %run_scoped3A_992 = tpu.sem_alloc : memref<!tpu.dma_semaphore, #tpu.memory_space<semaphore_mem>>
        %dma_start3A_993 = arith.constant 896 : i32
        %dma_start3A_994 = arith.constant 0 : i32
        %dma_start3A_995 = tpu.memref_slice %arg11[%dma_start3A_993, %dma_start3A_994] : memref<1280x16xf32, #tpu.memory_space<vmem>> -> memref<128x16xf32, #tpu.memory_space<vmem>>
        %dma_start3A_996 = arith.constant 0 : i32
        %dma_start3A_997 = tpu.memref_slice %arg8[%run_scoped3A_984, %dma_start3A_996] : memref<10x128xi32, #tpu.memory_space<vmem>> -> memref<1x128xi32, #tpu.memory_space<vmem>>
        %dma_start3A_998 = tpu.memref_squeeze %dma_start3A_997 : memref<1x128xi32, #tpu.memory_space<vmem>> -> memref<128xi32, #tpu.memory_space<vmem>>
        %dma_start3A_999 = arith.constant 0 : i32
        %dma_start3A_1000 = arith.constant 0 : i32
        %dma_start3A_1001 = tpu.memref_slice %arg16[%dma_start3A_999, %dma_start3A_1000] : memref<51200x16xf32, #tpu.memory_space<vmem_shared>> -> memref<51200x16xf32, #tpu.memory_space<vmem_shared>>
        tpu.enqueue_indirect_dma source(%dma_start3A_995 : memref<128x16xf32, #tpu.memory_space<vmem>>) target(%dma_start3A_1001 : memref<51200x16xf32, #tpu.memory_space<vmem_shared>>) offsets(%dma_start3A_998 : memref<128xi32, #tpu.memory_space<vmem>>) semaphore(%run_scoped3A_992 : memref<!tpu.dma_semaphore, #tpu.memory_space<semaphore_mem>>) {add = true}
        %dma_wait3A_1002 = arith.constant 896 : i32
        %dma_wait3A_1003 = arith.constant 0 : i32
        %dma_wait3A_1004 = tpu.memref_slice %arg11[%dma_wait3A_1002, %dma_wait3A_1003] : memref<1280x16xf32, #tpu.memory_space<vmem>> -> memref<128x16xf32, #tpu.memory_space<vmem>>
        %dma_wait3A_1005 = arith.constant 0 : i32
        %dma_wait3A_1006 = tpu.memref_slice %arg8[%run_scoped3A_984, %dma_wait3A_1005] : memref<10x128xi32, #tpu.memory_space<vmem>> -> memref<1x128xi32, #tpu.memory_space<vmem>>
        %dma_wait3A_1007 = tpu.memref_squeeze %dma_wait3A_1006 : memref<1x128xi32, #tpu.memory_space<vmem>> -> memref<128xi32, #tpu.memory_space<vmem>>
        %dma_wait3A_1008 = arith.constant 0 : i32
        %dma_wait3A_1009 = arith.constant 0 : i32
        %dma_wait3A_1010 = tpu.memref_slice %arg16[%dma_wait3A_1008, %dma_wait3A_1009] : memref<51200x16xf32, #tpu.memory_space<vmem_shared>> -> memref<51200x16xf32, #tpu.memory_space<vmem_shared>>
        tpu.wait_indirect_dma semaphore(%run_scoped3A_992 : memref<!tpu.dma_semaphore, #tpu.memory_space<semaphore_mem>>) src(%dma_wait3A_1004 : memref<128x16xf32, #tpu.memory_space<vmem>>) dst(%dma_wait3A_1010 : memref<51200x16xf32, #tpu.memory_space<vmem_shared>>)
        tpu.yield
      }) : () -> ()
      %run_scoped3A_985 = arith.constant 8 : i32
      "tpu.region"() ({
        %run_scoped3A_992 = tpu.sem_alloc : memref<!tpu.dma_semaphore, #tpu.memory_space<semaphore_mem>>
        %dma_start3A_993 = arith.constant 1024 : i32
        %dma_start3A_994 = arith.constant 0 : i32
        %dma_start3A_995 = tpu.memref_slice %arg11[%dma_start3A_993, %dma_start3A_994] : memref<1280x16xf32, #tpu.memory_space<vmem>> -> memref<128x16xf32, #tpu.memory_space<vmem>>
        %dma_start3A_996 = arith.constant 0 : i32
        %dma_start3A_997 = tpu.memref_slice %arg8[%run_scoped3A_985, %dma_start3A_996] : memref<10x128xi32, #tpu.memory_space<vmem>> -> memref<1x128xi32, #tpu.memory_space<vmem>>
        %dma_start3A_998 = tpu.memref_squeeze %dma_start3A_997 : memref<1x128xi32, #tpu.memory_space<vmem>> -> memref<128xi32, #tpu.memory_space<vmem>>
        %dma_start3A_999 = arith.constant 0 : i32
        %dma_start3A_1000 = arith.constant 0 : i32
        %dma_start3A_1001 = tpu.memref_slice %arg16[%dma_start3A_999, %dma_start3A_1000] : memref<51200x16xf32, #tpu.memory_space<vmem_shared>> -> memref<51200x16xf32, #tpu.memory_space<vmem_shared>>
        tpu.enqueue_indirect_dma source(%dma_start3A_995 : memref<128x16xf32, #tpu.memory_space<vmem>>) target(%dma_start3A_1001 : memref<51200x16xf32, #tpu.memory_space<vmem_shared>>) offsets(%dma_start3A_998 : memref<128xi32, #tpu.memory_space<vmem>>) semaphore(%run_scoped3A_992 : memref<!tpu.dma_semaphore, #tpu.memory_space<semaphore_mem>>) {add = true}
        %dma_wait3A_1002 = arith.constant 1024 : i32
        %dma_wait3A_1003 = arith.constant 0 : i32
        %dma_wait3A_1004 = tpu.memref_slice %arg11[%dma_wait3A_1002, %dma_wait3A_1003] : memref<1280x16xf32, #tpu.memory_space<vmem>> -> memref<128x16xf32, #tpu.memory_space<vmem>>
        %dma_wait3A_1005 = arith.constant 0 : i32
        %dma_wait3A_1006 = tpu.memref_slice %arg8[%run_scoped3A_985, %dma_wait3A_1005] : memref<10x128xi32, #tpu.memory_space<vmem>> -> memref<1x128xi32, #tpu.memory_space<vmem>>
        %dma_wait3A_1007 = tpu.memref_squeeze %dma_wait3A_1006 : memref<1x128xi32, #tpu.memory_space<vmem>> -> memref<128xi32, #tpu.memory_space<vmem>>
        %dma_wait3A_1008 = arith.constant 0 : i32
        %dma_wait3A_1009 = arith.constant 0 : i32
        %dma_wait3A_1010 = tpu.memref_slice %arg16[%dma_wait3A_1008, %dma_wait3A_1009] : memref<51200x16xf32, #tpu.memory_space<vmem_shared>> -> memref<51200x16xf32, #tpu.memory_space<vmem_shared>>
        tpu.wait_indirect_dma semaphore(%run_scoped3A_992 : memref<!tpu.dma_semaphore, #tpu.memory_space<semaphore_mem>>) src(%dma_wait3A_1004 : memref<128x16xf32, #tpu.memory_space<vmem>>) dst(%dma_wait3A_1010 : memref<51200x16xf32, #tpu.memory_space<vmem_shared>>)
        tpu.yield
      }) : () -> ()
      %run_scoped3A_986 = arith.constant 9 : i32
      "tpu.region"() ({
        %run_scoped3A_992 = tpu.sem_alloc : memref<!tpu.dma_semaphore, #tpu.memory_space<semaphore_mem>>
        %dma_start3A_993 = arith.constant 1152 : i32
        %dma_start3A_994 = arith.constant 0 : i32
        %dma_start3A_995 = tpu.memref_slice %arg11[%dma_start3A_993, %dma_start3A_994] : memref<1280x16xf32, #tpu.memory_space<vmem>> -> memref<128x16xf32, #tpu.memory_space<vmem>>
        %dma_start3A_996 = arith.constant 0 : i32
        %dma_start3A_997 = tpu.memref_slice %arg8[%run_scoped3A_986, %dma_start3A_996] : memref<10x128xi32, #tpu.memory_space<vmem>> -> memref<1x128xi32, #tpu.memory_space<vmem>>
        %dma_start3A_998 = tpu.memref_squeeze %dma_start3A_997 : memref<1x128xi32, #tpu.memory_space<vmem>> -> memref<128xi32, #tpu.memory_space<vmem>>
        %dma_start3A_999 = arith.constant 0 : i32
        %dma_start3A_1000 = arith.constant 0 : i32
        %dma_start3A_1001 = tpu.memref_slice %arg16[%dma_start3A_999, %dma_start3A_1000] : memref<51200x16xf32, #tpu.memory_space<vmem_shared>> -> memref<51200x16xf32, #tpu.memory_space<vmem_shared>>
        tpu.enqueue_indirect_dma source(%dma_start3A_995 : memref<128x16xf32, #tpu.memory_space<vmem>>) target(%dma_start3A_1001 : memref<51200x16xf32, #tpu.memory_space<vmem_shared>>) offsets(%dma_start3A_998 : memref<128xi32, #tpu.memory_space<vmem>>) semaphore(%run_scoped3A_992 : memref<!tpu.dma_semaphore, #tpu.memory_space<semaphore_mem>>) {add = true}
        %dma_wait3A_1002 = arith.constant 1152 : i32
        %dma_wait3A_1003 = arith.constant 0 : i32
        %dma_wait3A_1004 = tpu.memref_slice %arg11[%dma_wait3A_1002, %dma_wait3A_1003] : memref<1280x16xf32, #tpu.memory_space<vmem>> -> memref<128x16xf32, #tpu.memory_space<vmem>>
        %dma_wait3A_1005 = arith.constant 0 : i32
        %dma_wait3A_1006 = tpu.memref_slice %arg8[%run_scoped3A_986, %dma_wait3A_1005] : memref<10x128xi32, #tpu.memory_space<vmem>> -> memref<1x128xi32, #tpu.memory_space<vmem>>
        %dma_wait3A_1007 = tpu.memref_squeeze %dma_wait3A_1006 : memref<1x128xi32, #tpu.memory_space<vmem>> -> memref<128xi32, #tpu.memory_space<vmem>>
        %dma_wait3A_1008 = arith.constant 0 : i32
        %dma_wait3A_1009 = arith.constant 0 : i32
        %dma_wait3A_1010 = tpu.memref_slice %arg16[%dma_wait3A_1008, %dma_wait3A_1009] : memref<51200x16xf32, #tpu.memory_space<vmem_shared>> -> memref<51200x16xf32, #tpu.memory_space<vmem_shared>>
        tpu.wait_indirect_dma semaphore(%run_scoped3A_992 : memref<!tpu.dma_semaphore, #tpu.memory_space<semaphore_mem>>) src(%dma_wait3A_1004 : memref<128x16xf32, #tpu.memory_space<vmem>>) dst(%dma_wait3A_1010 : memref<51200x16xf32, #tpu.memory_space<vmem_shared>>)
        tpu.yield
      }) : () -> ()
      %add3A_987 = arith.constant 3 : i32
      %add3A_988 = arith.addi %mul3A_561, %add3A_987 : i32
      %mul3A_989 = arith.constant 10 : i32
      %mul3A_990 = arith.muli %add3A_988, %mul3A_989 : i32
      %add3A_991 = arith.addi %select_n3A_8, %mul3A_990 : i32
      "tpu.region"() ({
        %run_scoped3A_992 = tpu.sem_alloc : memref<!tpu.dma_semaphore, #tpu.memory_space<semaphore_mem>>
        %dma_start3A_993 = arith.constant 0 : i32
        %dma_start3A_994 = tpu.memref_slice %arg2[%add3A_991, %dma_start3A_993] : memref<6400x128xi32, #tpu.memory_space<hbm>> -> memref<10x128xi32, #tpu.memory_space<hbm>>
        %dma_start3A_995 = arith.constant 0 : i32
        %dma_start3A_996 = tpu.memref_slice %arg2[%add3A_991, %dma_start3A_995] : memref<6400x128xi32, #tpu.memory_space<hbm>> -> memref<10x128xi32, #tpu.memory_space<hbm>>
        tpu.enqueue_dma source(%dma_start3A_996 : memref<10x128xi32, #tpu.memory_space<hbm>>) target(%arg8 : memref<10x128xi32, #tpu.memory_space<vmem>>) target_semaphore(%run_scoped3A_992 : memref<!tpu.dma_semaphore, #tpu.memory_space<semaphore_mem>>)
        %dma_wait3A_997 = arith.constant 0 : i32
        %dma_wait3A_998 = tpu.memref_slice %arg2[%add3A_991, %dma_wait3A_997] : memref<6400x128xi32, #tpu.memory_space<hbm>> -> memref<10x128xi32, #tpu.memory_space<hbm>>
        %dma_wait3A_999 = arith.constant 0 : i32
        %dma_wait3A_1000 = tpu.memref_slice %arg2[%add3A_991, %dma_wait3A_999] : memref<6400x128xi32, #tpu.memory_space<hbm>> -> memref<10x128xi32, #tpu.memory_space<hbm>>
        tpu.wait_dma2 semaphore(%run_scoped3A_992 : memref<!tpu.dma_semaphore, #tpu.memory_space<semaphore_mem>>) src(%dma_wait3A_1000 : memref<10x128xi32, #tpu.memory_space<hbm>>) dst(%arg8 : memref<10x128xi32, #tpu.memory_space<vmem>>)
        tpu.yield
      }) : () -> ()
      "tpu.region"() ({
        %run_scoped3A_992 = tpu.sem_alloc : memref<!tpu.dma_semaphore, #tpu.memory_space<semaphore_mem>>
        %dma_start3A_993 = arith.constant 0 : i32
        %dma_start3A_994 = tpu.memref_slice %arg3[%add3A_991, %dma_start3A_993] : memref<6400x128xi32, #tpu.memory_space<hbm>> -> memref<10x128xi32, #tpu.memory_space<hbm>>
        %dma_start3A_995 = arith.constant 0 : i32
        %dma_start3A_996 = tpu.memref_slice %arg3[%add3A_991, %dma_start3A_995] : memref<6400x128xi32, #tpu.memory_space<hbm>> -> memref<10x128xi32, #tpu.memory_space<hbm>>
        tpu.enqueue_dma source(%dma_start3A_996 : memref<10x128xi32, #tpu.memory_space<hbm>>) target(%arg9 : memref<10x128xi32, #tpu.memory_space<vmem>>) target_semaphore(%run_scoped3A_992 : memref<!tpu.dma_semaphore, #tpu.memory_space<semaphore_mem>>)
        %dma_wait3A_997 = arith.constant 0 : i32
        %dma_wait3A_998 = tpu.memref_slice %arg3[%add3A_991, %dma_wait3A_997] : memref<6400x128xi32, #tpu.memory_space<hbm>> -> memref<10x128xi32, #tpu.memory_space<hbm>>
        %dma_wait3A_999 = arith.constant 0 : i32
        %dma_wait3A_1000 = tpu.memref_slice %arg3[%add3A_991, %dma_wait3A_999] : memref<6400x128xi32, #tpu.memory_space<hbm>> -> memref<10x128xi32, #tpu.memory_space<hbm>>
        tpu.wait_dma2 semaphore(%run_scoped3A_992 : memref<!tpu.dma_semaphore, #tpu.memory_space<semaphore_mem>>) src(%dma_wait3A_1000 : memref<10x128xi32, #tpu.memory_space<hbm>>) dst(%arg9 : memref<10x128xi32, #tpu.memory_space<vmem>>)
        tpu.yield
      }) : () -> ()
    }
    %while3A_232 = arith.constant 1 : i32
    scf.for %while3A_557 = %while3A_230 to %while3A_226 step %while3A_232  : i32 {
      %mul3A_558 = arith.muli %while3A_557, %while3A : i32
      %add3A_559 = arith.addi %while3A_223, %mul3A_558 : i32
      %mul3A_560 = arith.constant 2 : i32
      %mul3A_561 = arith.muli %mul3A_560, %add3A_559 : i32
      %dma_start3A_562 = arith.constant 0 : i32
      %dma_start3A_563 = arith.constant 0 : i32
      %dma_start3A_564 = arith.constant 0 : i32
      %dma_start3A_565 = tpu.memref_slice %arg11[%dma_start3A_563, %dma_start3A_564] : memref<1280x16xf32, #tpu.memory_space<vmem>> -> memref<128x16xf32, #tpu.memory_space<vmem>>
      %dma_start3A_566 = arith.constant 0 : i32
      %dma_start3A_567 = tpu.memref_slice %arg9[%dma_start3A_562, %dma_start3A_566] : memref<10x128xi32, #tpu.memory_space<vmem>> -> memref<1x128xi32, #tpu.memory_space<vmem>>
      %dma_start3A_568 = tpu.memref_squeeze %dma_start3A_567 : memref<1x128xi32, #tpu.memory_space<vmem>> -> memref<128xi32, #tpu.memory_space<vmem>>
      %dma_start3A_569 = arith.constant 0 : i32
      %dma_start3A_570 = arith.constant 0 : i32
      %dma_start3A_571 = tpu.memref_slice %arg4[%dma_start3A_569, %dma_start3A_570] : memref<200000x16xf32, #tpu.memory_space<hbm>> -> memref<200000x16xf32, #tpu.memory_space<hbm>>
      tpu.enqueue_indirect_dma source(%dma_start3A_571 : memref<200000x16xf32, #tpu.memory_space<hbm>>) target(%dma_start3A_565 : memref<128x16xf32, #tpu.memory_space<vmem>>) offsets(%dma_start3A_568 : memref<128xi32, #tpu.memory_space<vmem>>) semaphore(%arg14 : memref<!tpu.dma_semaphore, #tpu.memory_space<semaphore_mem>>)
      %dma_start3A_572 = arith.constant 1 : i32
      %dma_start3A_573 = arith.constant 128 : i32
      %dma_start3A_574 = arith.constant 0 : i32
      %dma_start3A_575 = tpu.memref_slice %arg11[%dma_start3A_573, %dma_start3A_574] : memref<1280x16xf32, #tpu.memory_space<vmem>> -> memref<128x16xf32, #tpu.memory_space<vmem>>
      %dma_start3A_576 = arith.constant 0 : i32
      %dma_start3A_577 = tpu.memref_slice %arg9[%dma_start3A_572, %dma_start3A_576] : memref<10x128xi32, #tpu.memory_space<vmem>> -> memref<1x128xi32, #tpu.memory_space<vmem>>
      %dma_start3A_578 = tpu.memref_squeeze %dma_start3A_577 : memref<1x128xi32, #tpu.memory_space<vmem>> -> memref<128xi32, #tpu.memory_space<vmem>>
      %dma_start3A_579 = arith.constant 0 : i32
      %dma_start3A_580 = arith.constant 0 : i32
      %dma_start3A_581 = tpu.memref_slice %arg4[%dma_start3A_579, %dma_start3A_580] : memref<200000x16xf32, #tpu.memory_space<hbm>> -> memref<200000x16xf32, #tpu.memory_space<hbm>>
      tpu.enqueue_indirect_dma source(%dma_start3A_581 : memref<200000x16xf32, #tpu.memory_space<hbm>>) target(%dma_start3A_575 : memref<128x16xf32, #tpu.memory_space<vmem>>) offsets(%dma_start3A_578 : memref<128xi32, #tpu.memory_space<vmem>>) semaphore(%arg14 : memref<!tpu.dma_semaphore, #tpu.memory_space<semaphore_mem>>)
      %dma_start3A_582 = arith.constant 2 : i32
      %dma_start3A_583 = arith.constant 256 : i32
      %dma_start3A_584 = arith.constant 0 : i32
      %dma_start3A_585 = tpu.memref_slice %arg11[%dma_start3A_583, %dma_start3A_584] : memref<1280x16xf32, #tpu.memory_space<vmem>> -> memref<128x16xf32, #tpu.memory_space<vmem>>
      %dma_start3A_586 = arith.constant 0 : i32
      %dma_start3A_587 = tpu.memref_slice %arg9[%dma_start3A_582, %dma_start3A_586] : memref<10x128xi32, #tpu.memory_space<vmem>> -> memref<1x128xi32, #tpu.memory_space<vmem>>
      %dma_start3A_588 = tpu.memref_squeeze %dma_start3A_587 : memref<1x128xi32, #tpu.memory_space<vmem>> -> memref<128xi32, #tpu.memory_space<vmem>>
      %dma_start3A_589 = arith.constant 0 : i32
      %dma_start3A_590 = arith.constant 0 : i32
      %dma_start3A_591 = tpu.memref_slice %arg4[%dma_start3A_589, %dma_start3A_590] : memref<200000x16xf32, #tpu.memory_space<hbm>> -> memref<200000x16xf32, #tpu.memory_space<hbm>>
      tpu.enqueue_indirect_dma source(%dma_start3A_591 : memref<200000x16xf32, #tpu.memory_space<hbm>>) target(%dma_start3A_585 : memref<128x16xf32, #tpu.memory_space<vmem>>) offsets(%dma_start3A_588 : memref<128xi32, #tpu.memory_space<vmem>>) semaphore(%arg14 : memref<!tpu.dma_semaphore, #tpu.memory_space<semaphore_mem>>)
      %dma_start3A_592 = arith.constant 3 : i32
      %dma_start3A_593 = arith.constant 384 : i32
      %dma_start3A_594 = arith.constant 0 : i32
      %dma_start3A_595 = tpu.memref_slice %arg11[%dma_start3A_593, %dma_start3A_594] : memref<1280x16xf32, #tpu.memory_space<vmem>> -> memref<128x16xf32, #tpu.memory_space<vmem>>
      %dma_start3A_596 = arith.constant 0 : i32
      %dma_start3A_597 = tpu.memref_slice %arg9[%dma_start3A_592, %dma_start3A_596] : memref<10x128xi32, #tpu.memory_space<vmem>> -> memref<1x128xi32, #tpu.memory_space<vmem>>
      %dma_start3A_598 = tpu.memref_squeeze %dma_start3A_597 : memref<1x128xi32, #tpu.memory_space<vmem>> -> memref<128xi32, #tpu.memory_space<vmem>>
      %dma_start3A_599 = arith.constant 0 : i32
      %dma_start3A_600 = arith.constant 0 : i32
      %dma_start3A_601 = tpu.memref_slice %arg4[%dma_start3A_599, %dma_start3A_600] : memref<200000x16xf32, #tpu.memory_space<hbm>> -> memref<200000x16xf32, #tpu.memory_space<hbm>>
      tpu.enqueue_indirect_dma source(%dma_start3A_601 : memref<200000x16xf32, #tpu.memory_space<hbm>>) target(%dma_start3A_595 : memref<128x16xf32, #tpu.memory_space<vmem>>) offsets(%dma_start3A_598 : memref<128xi32, #tpu.memory_space<vmem>>) semaphore(%arg14 : memref<!tpu.dma_semaphore, #tpu.memory_space<semaphore_mem>>)
      %dma_start3A_602 = arith.constant 4 : i32
      %dma_start3A_603 = arith.constant 512 : i32
      %dma_start3A_604 = arith.constant 0 : i32
      %dma_start3A_605 = tpu.memref_slice %arg11[%dma_start3A_603, %dma_start3A_604] : memref<1280x16xf32, #tpu.memory_space<vmem>> -> memref<128x16xf32, #tpu.memory_space<vmem>>
      %dma_start3A_606 = arith.constant 0 : i32
      %dma_start3A_607 = tpu.memref_slice %arg9[%dma_start3A_602, %dma_start3A_606] : memref<10x128xi32, #tpu.memory_space<vmem>> -> memref<1x128xi32, #tpu.memory_space<vmem>>
      %dma_start3A_608 = tpu.memref_squeeze %dma_start3A_607 : memref<1x128xi32, #tpu.memory_space<vmem>> -> memref<128xi32, #tpu.memory_space<vmem>>
      %dma_start3A_609 = arith.constant 0 : i32
      %dma_start3A_610 = arith.constant 0 : i32
      %dma_start3A_611 = tpu.memref_slice %arg4[%dma_start3A_609, %dma_start3A_610] : memref<200000x16xf32, #tpu.memory_space<hbm>> -> memref<200000x16xf32, #tpu.memory_space<hbm>>
      tpu.enqueue_indirect_dma source(%dma_start3A_611 : memref<200000x16xf32, #tpu.memory_space<hbm>>) target(%dma_start3A_605 : memref<128x16xf32, #tpu.memory_space<vmem>>) offsets(%dma_start3A_608 : memref<128xi32, #tpu.memory_space<vmem>>) semaphore(%arg14 : memref<!tpu.dma_semaphore, #tpu.memory_space<semaphore_mem>>)
      %dma_start3A_612 = arith.constant 5 : i32
      %dma_start3A_613 = arith.constant 640 : i32
      %dma_start3A_614 = arith.constant 0 : i32
      %dma_start3A_615 = tpu.memref_slice %arg11[%dma_start3A_613, %dma_start3A_614] : memref<1280x16xf32, #tpu.memory_space<vmem>> -> memref<128x16xf32, #tpu.memory_space<vmem>>
      %dma_start3A_616 = arith.constant 0 : i32
      %dma_start3A_617 = tpu.memref_slice %arg9[%dma_start3A_612, %dma_start3A_616] : memref<10x128xi32, #tpu.memory_space<vmem>> -> memref<1x128xi32, #tpu.memory_space<vmem>>
      %dma_start3A_618 = tpu.memref_squeeze %dma_start3A_617 : memref<1x128xi32, #tpu.memory_space<vmem>> -> memref<128xi32, #tpu.memory_space<vmem>>
      %dma_start3A_619 = arith.constant 0 : i32
      %dma_start3A_620 = arith.constant 0 : i32
      %dma_start3A_621 = tpu.memref_slice %arg4[%dma_start3A_619, %dma_start3A_620] : memref<200000x16xf32, #tpu.memory_space<hbm>> -> memref<200000x16xf32, #tpu.memory_space<hbm>>
      tpu.enqueue_indirect_dma source(%dma_start3A_621 : memref<200000x16xf32, #tpu.memory_space<hbm>>) target(%dma_start3A_615 : memref<128x16xf32, #tpu.memory_space<vmem>>) offsets(%dma_start3A_618 : memref<128xi32, #tpu.memory_space<vmem>>) semaphore(%arg14 : memref<!tpu.dma_semaphore, #tpu.memory_space<semaphore_mem>>)
      %dma_start3A_622 = arith.constant 6 : i32
      %dma_start3A_623 = arith.constant 768 : i32
      %dma_start3A_624 = arith.constant 0 : i32
      %dma_start3A_625 = tpu.memref_slice %arg11[%dma_start3A_623, %dma_start3A_624] : memref<1280x16xf32, #tpu.memory_space<vmem>> -> memref<128x16xf32, #tpu.memory_space<vmem>>
      %dma_start3A_626 = arith.constant 0 : i32
      %dma_start3A_627 = tpu.memref_slice %arg9[%dma_start3A_622, %dma_start3A_626] : memref<10x128xi32, #tpu.memory_space<vmem>> -> memref<1x128xi32, #tpu.memory_space<vmem>>
      %dma_start3A_628 = tpu.memref_squeeze %dma_start3A_627 : memref<1x128xi32, #tpu.memory_space<vmem>> -> memref<128xi32, #tpu.memory_space<vmem>>
      %dma_start3A_629 = arith.constant 0 : i32
      %dma_start3A_630 = arith.constant 0 : i32
      %dma_start3A_631 = tpu.memref_slice %arg4[%dma_start3A_629, %dma_start3A_630] : memref<200000x16xf32, #tpu.memory_space<hbm>> -> memref<200000x16xf32, #tpu.memory_space<hbm>>
      tpu.enqueue_indirect_dma source(%dma_start3A_631 : memref<200000x16xf32, #tpu.memory_space<hbm>>) target(%dma_start3A_625 : memref<128x16xf32, #tpu.memory_space<vmem>>) offsets(%dma_start3A_628 : memref<128xi32, #tpu.memory_space<vmem>>) semaphore(%arg14 : memref<!tpu.dma_semaphore, #tpu.memory_space<semaphore_mem>>)
      %dma_start3A_632 = arith.constant 7 : i32
      %dma_start3A_633 = arith.constant 896 : i32
      %dma_start3A_634 = arith.constant 0 : i32
      %dma_start3A_635 = tpu.memref_slice %arg11[%dma_start3A_633, %dma_start3A_634] : memref<1280x16xf32, #tpu.memory_space<vmem>> -> memref<128x16xf32, #tpu.memory_space<vmem>>
      %dma_start3A_636 = arith.constant 0 : i32
      %dma_start3A_637 = tpu.memref_slice %arg9[%dma_start3A_632, %dma_start3A_636] : memref<10x128xi32, #tpu.memory_space<vmem>> -> memref<1x128xi32, #tpu.memory_space<vmem>>
      %dma_start3A_638 = tpu.memref_squeeze %dma_start3A_637 : memref<1x128xi32, #tpu.memory_space<vmem>> -> memref<128xi32, #tpu.memory_space<vmem>>
      %dma_start3A_639 = arith.constant 0 : i32
      %dma_start3A_640 = arith.constant 0 : i32
      %dma_start3A_641 = tpu.memref_slice %arg4[%dma_start3A_639, %dma_start3A_640] : memref<200000x16xf32, #tpu.memory_space<hbm>> -> memref<200000x16xf32, #tpu.memory_space<hbm>>
      tpu.enqueue_indirect_dma source(%dma_start3A_641 : memref<200000x16xf32, #tpu.memory_space<hbm>>) target(%dma_start3A_635 : memref<128x16xf32, #tpu.memory_space<vmem>>) offsets(%dma_start3A_638 : memref<128xi32, #tpu.memory_space<vmem>>) semaphore(%arg14 : memref<!tpu.dma_semaphore, #tpu.memory_space<semaphore_mem>>)
      %dma_start3A_642 = arith.constant 8 : i32
      %dma_start3A_643 = arith.constant 1024 : i32
      %dma_start3A_644 = arith.constant 0 : i32
      %dma_start3A_645 = tpu.memref_slice %arg11[%dma_start3A_643, %dma_start3A_644] : memref<1280x16xf32, #tpu.memory_space<vmem>> -> memref<128x16xf32, #tpu.memory_space<vmem>>
      %dma_start3A_646 = arith.constant 0 : i32
      %dma_start3A_647 = tpu.memref_slice %arg9[%dma_start3A_642, %dma_start3A_646] : memref<10x128xi32, #tpu.memory_space<vmem>> -> memref<1x128xi32, #tpu.memory_space<vmem>>
      %dma_start3A_648 = tpu.memref_squeeze %dma_start3A_647 : memref<1x128xi32, #tpu.memory_space<vmem>> -> memref<128xi32, #tpu.memory_space<vmem>>
      %dma_start3A_649 = arith.constant 0 : i32
      %dma_start3A_650 = arith.constant 0 : i32
      %dma_start3A_651 = tpu.memref_slice %arg4[%dma_start3A_649, %dma_start3A_650] : memref<200000x16xf32, #tpu.memory_space<hbm>> -> memref<200000x16xf32, #tpu.memory_space<hbm>>
      tpu.enqueue_indirect_dma source(%dma_start3A_651 : memref<200000x16xf32, #tpu.memory_space<hbm>>) target(%dma_start3A_645 : memref<128x16xf32, #tpu.memory_space<vmem>>) offsets(%dma_start3A_648 : memref<128xi32, #tpu.memory_space<vmem>>) semaphore(%arg14 : memref<!tpu.dma_semaphore, #tpu.memory_space<semaphore_mem>>)
      %dma_start3A_652 = arith.constant 9 : i32
      %dma_start3A_653 = arith.constant 1152 : i32
      %dma_start3A_654 = arith.constant 0 : i32
      %dma_start3A_655 = tpu.memref_slice %arg11[%dma_start3A_653, %dma_start3A_654] : memref<1280x16xf32, #tpu.memory_space<vmem>> -> memref<128x16xf32, #tpu.memory_space<vmem>>
      %dma_start3A_656 = arith.constant 0 : i32
      %dma_start3A_657 = tpu.memref_slice %arg9[%dma_start3A_652, %dma_start3A_656] : memref<10x128xi32, #tpu.memory_space<vmem>> -> memref<1x128xi32, #tpu.memory_space<vmem>>
      %dma_start3A_658 = tpu.memref_squeeze %dma_start3A_657 : memref<1x128xi32, #tpu.memory_space<vmem>> -> memref<128xi32, #tpu.memory_space<vmem>>
      %dma_start3A_659 = arith.constant 0 : i32
      %dma_start3A_660 = arith.constant 0 : i32
      %dma_start3A_661 = tpu.memref_slice %arg4[%dma_start3A_659, %dma_start3A_660] : memref<200000x16xf32, #tpu.memory_space<hbm>> -> memref<200000x16xf32, #tpu.memory_space<hbm>>
      tpu.enqueue_indirect_dma source(%dma_start3A_661 : memref<200000x16xf32, #tpu.memory_space<hbm>>) target(%dma_start3A_655 : memref<128x16xf32, #tpu.memory_space<vmem>>) offsets(%dma_start3A_658 : memref<128xi32, #tpu.memory_space<vmem>>) semaphore(%arg14 : memref<!tpu.dma_semaphore, #tpu.memory_space<semaphore_mem>>)
      %dma_wait3A_662 = arith.constant 0 : i32
      %dma_wait3A_663 = arith.constant 0 : i32
      %dma_wait3A_664 = arith.constant 0 : i32
      %dma_wait3A_665 = tpu.memref_slice %arg10[%dma_wait3A_663, %dma_wait3A_664] : memref<1280x16xf32, #tpu.memory_space<vmem>> -> memref<128x16xf32, #tpu.memory_space<vmem>>
      %dma_wait3A_666 = arith.constant 0 : i32
      %dma_wait3A_667 = tpu.memref_slice %arg7[%dma_wait3A_662, %dma_wait3A_666] : memref<10x128xi32, #tpu.memory_space<vmem>> -> memref<1x128xi32, #tpu.memory_space<vmem>>
      %dma_wait3A_668 = tpu.memref_squeeze %dma_wait3A_667 : memref<1x128xi32, #tpu.memory_space<vmem>> -> memref<128xi32, #tpu.memory_space<vmem>>
      %dma_wait3A_669 = arith.constant 0 : i32
      %dma_wait3A_670 = arith.constant 0 : i32
      %dma_wait3A_671 = tpu.memref_slice %arg4[%dma_wait3A_669, %dma_wait3A_670] : memref<200000x16xf32, #tpu.memory_space<hbm>> -> memref<200000x16xf32, #tpu.memory_space<hbm>>
      tpu.wait_indirect_dma semaphore(%arg13 : memref<!tpu.dma_semaphore, #tpu.memory_space<semaphore_mem>>) src(%dma_wait3A_671 : memref<200000x16xf32, #tpu.memory_space<hbm>>) dst(%dma_wait3A_665 : memref<128x16xf32, #tpu.memory_space<vmem>>)
      %dma_wait3A_672 = arith.constant 1 : i32
      %dma_wait3A_673 = arith.constant 128 : i32
      %dma_wait3A_674 = arith.constant 0 : i32
      %dma_wait3A_675 = tpu.memref_slice %arg10[%dma_wait3A_673, %dma_wait3A_674] : memref<1280x16xf32, #tpu.memory_space<vmem>> -> memref<128x16xf32, #tpu.memory_space<vmem>>
      %dma_wait3A_676 = arith.constant 0 : i32
      %dma_wait3A_677 = tpu.memref_slice %arg7[%dma_wait3A_672, %dma_wait3A_676] : memref<10x128xi32, #tpu.memory_space<vmem>> -> memref<1x128xi32, #tpu.memory_space<vmem>>
      %dma_wait3A_678 = tpu.memref_squeeze %dma_wait3A_677 : memref<1x128xi32, #tpu.memory_space<vmem>> -> memref<128xi32, #tpu.memory_space<vmem>>
      %dma_wait3A_679 = arith.constant 0 : i32
      %dma_wait3A_680 = arith.constant 0 : i32
      %dma_wait3A_681 = tpu.memref_slice %arg4[%dma_wait3A_679, %dma_wait3A_680] : memref<200000x16xf32, #tpu.memory_space<hbm>> -> memref<200000x16xf32, #tpu.memory_space<hbm>>
      tpu.wait_indirect_dma semaphore(%arg13 : memref<!tpu.dma_semaphore, #tpu.memory_space<semaphore_mem>>) src(%dma_wait3A_681 : memref<200000x16xf32, #tpu.memory_space<hbm>>) dst(%dma_wait3A_675 : memref<128x16xf32, #tpu.memory_space<vmem>>)
      %dma_wait3A_682 = arith.constant 2 : i32
      %dma_wait3A_683 = arith.constant 256 : i32
      %dma_wait3A_684 = arith.constant 0 : i32
      %dma_wait3A_685 = tpu.memref_slice %arg10[%dma_wait3A_683, %dma_wait3A_684] : memref<1280x16xf32, #tpu.memory_space<vmem>> -> memref<128x16xf32, #tpu.memory_space<vmem>>
      %dma_wait3A_686 = arith.constant 0 : i32
      %dma_wait3A_687 = tpu.memref_slice %arg7[%dma_wait3A_682, %dma_wait3A_686] : memref<10x128xi32, #tpu.memory_space<vmem>> -> memref<1x128xi32, #tpu.memory_space<vmem>>
      %dma_wait3A_688 = tpu.memref_squeeze %dma_wait3A_687 : memref<1x128xi32, #tpu.memory_space<vmem>> -> memref<128xi32, #tpu.memory_space<vmem>>
      %dma_wait3A_689 = arith.constant 0 : i32
      %dma_wait3A_690 = arith.constant 0 : i32
      %dma_wait3A_691 = tpu.memref_slice %arg4[%dma_wait3A_689, %dma_wait3A_690] : memref<200000x16xf32, #tpu.memory_space<hbm>> -> memref<200000x16xf32, #tpu.memory_space<hbm>>
      tpu.wait_indirect_dma semaphore(%arg13 : memref<!tpu.dma_semaphore, #tpu.memory_space<semaphore_mem>>) src(%dma_wait3A_691 : memref<200000x16xf32, #tpu.memory_space<hbm>>) dst(%dma_wait3A_685 : memref<128x16xf32, #tpu.memory_space<vmem>>)
      %dma_wait3A_692 = arith.constant 3 : i32
      %dma_wait3A_693 = arith.constant 384 : i32
      %dma_wait3A_694 = arith.constant 0 : i32
      %dma_wait3A_695 = tpu.memref_slice %arg10[%dma_wait3A_693, %dma_wait3A_694] : memref<1280x16xf32, #tpu.memory_space<vmem>> -> memref<128x16xf32, #tpu.memory_space<vmem>>
      %dma_wait3A_696 = arith.constant 0 : i32
      %dma_wait3A_697 = tpu.memref_slice %arg7[%dma_wait3A_692, %dma_wait3A_696] : memref<10x128xi32, #tpu.memory_space<vmem>> -> memref<1x128xi32, #tpu.memory_space<vmem>>
      %dma_wait3A_698 = tpu.memref_squeeze %dma_wait3A_697 : memref<1x128xi32, #tpu.memory_space<vmem>> -> memref<128xi32, #tpu.memory_space<vmem>>
      %dma_wait3A_699 = arith.constant 0 : i32
      %dma_wait3A_700 = arith.constant 0 : i32
      %dma_wait3A_701 = tpu.memref_slice %arg4[%dma_wait3A_699, %dma_wait3A_700] : memref<200000x16xf32, #tpu.memory_space<hbm>> -> memref<200000x16xf32, #tpu.memory_space<hbm>>
      tpu.wait_indirect_dma semaphore(%arg13 : memref<!tpu.dma_semaphore, #tpu.memory_space<semaphore_mem>>) src(%dma_wait3A_701 : memref<200000x16xf32, #tpu.memory_space<hbm>>) dst(%dma_wait3A_695 : memref<128x16xf32, #tpu.memory_space<vmem>>)
      %dma_wait3A_702 = arith.constant 4 : i32
      %dma_wait3A_703 = arith.constant 512 : i32
      %dma_wait3A_704 = arith.constant 0 : i32
      %dma_wait3A_705 = tpu.memref_slice %arg10[%dma_wait3A_703, %dma_wait3A_704] : memref<1280x16xf32, #tpu.memory_space<vmem>> -> memref<128x16xf32, #tpu.memory_space<vmem>>
      %dma_wait3A_706 = arith.constant 0 : i32
      %dma_wait3A_707 = tpu.memref_slice %arg7[%dma_wait3A_702, %dma_wait3A_706] : memref<10x128xi32, #tpu.memory_space<vmem>> -> memref<1x128xi32, #tpu.memory_space<vmem>>
      %dma_wait3A_708 = tpu.memref_squeeze %dma_wait3A_707 : memref<1x128xi32, #tpu.memory_space<vmem>> -> memref<128xi32, #tpu.memory_space<vmem>>
      %dma_wait3A_709 = arith.constant 0 : i32
      %dma_wait3A_710 = arith.constant 0 : i32
      %dma_wait3A_711 = tpu.memref_slice %arg4[%dma_wait3A_709, %dma_wait3A_710] : memref<200000x16xf32, #tpu.memory_space<hbm>> -> memref<200000x16xf32, #tpu.memory_space<hbm>>
      tpu.wait_indirect_dma semaphore(%arg13 : memref<!tpu.dma_semaphore, #tpu.memory_space<semaphore_mem>>) src(%dma_wait3A_711 : memref<200000x16xf32, #tpu.memory_space<hbm>>) dst(%dma_wait3A_705 : memref<128x16xf32, #tpu.memory_space<vmem>>)
      %dma_wait3A_712 = arith.constant 5 : i32
      %dma_wait3A_713 = arith.constant 640 : i32
      %dma_wait3A_714 = arith.constant 0 : i32
      %dma_wait3A_715 = tpu.memref_slice %arg10[%dma_wait3A_713, %dma_wait3A_714] : memref<1280x16xf32, #tpu.memory_space<vmem>> -> memref<128x16xf32, #tpu.memory_space<vmem>>
      %dma_wait3A_716 = arith.constant 0 : i32
      %dma_wait3A_717 = tpu.memref_slice %arg7[%dma_wait3A_712, %dma_wait3A_716] : memref<10x128xi32, #tpu.memory_space<vmem>> -> memref<1x128xi32, #tpu.memory_space<vmem>>
      %dma_wait3A_718 = tpu.memref_squeeze %dma_wait3A_717 : memref<1x128xi32, #tpu.memory_space<vmem>> -> memref<128xi32, #tpu.memory_space<vmem>>
      %dma_wait3A_719 = arith.constant 0 : i32
      %dma_wait3A_720 = arith.constant 0 : i32
      %dma_wait3A_721 = tpu.memref_slice %arg4[%dma_wait3A_719, %dma_wait3A_720] : memref<200000x16xf32, #tpu.memory_space<hbm>> -> memref<200000x16xf32, #tpu.memory_space<hbm>>
      tpu.wait_indirect_dma semaphore(%arg13 : memref<!tpu.dma_semaphore, #tpu.memory_space<semaphore_mem>>) src(%dma_wait3A_721 : memref<200000x16xf32, #tpu.memory_space<hbm>>) dst(%dma_wait3A_715 : memref<128x16xf32, #tpu.memory_space<vmem>>)
      %dma_wait3A_722 = arith.constant 6 : i32
      %dma_wait3A_723 = arith.constant 768 : i32
      %dma_wait3A_724 = arith.constant 0 : i32
      %dma_wait3A_725 = tpu.memref_slice %arg10[%dma_wait3A_723, %dma_wait3A_724] : memref<1280x16xf32, #tpu.memory_space<vmem>> -> memref<128x16xf32, #tpu.memory_space<vmem>>
      %dma_wait3A_726 = arith.constant 0 : i32
      %dma_wait3A_727 = tpu.memref_slice %arg7[%dma_wait3A_722, %dma_wait3A_726] : memref<10x128xi32, #tpu.memory_space<vmem>> -> memref<1x128xi32, #tpu.memory_space<vmem>>
      %dma_wait3A_728 = tpu.memref_squeeze %dma_wait3A_727 : memref<1x128xi32, #tpu.memory_space<vmem>> -> memref<128xi32, #tpu.memory_space<vmem>>
      %dma_wait3A_729 = arith.constant 0 : i32
      %dma_wait3A_730 = arith.constant 0 : i32
      %dma_wait3A_731 = tpu.memref_slice %arg4[%dma_wait3A_729, %dma_wait3A_730] : memref<200000x16xf32, #tpu.memory_space<hbm>> -> memref<200000x16xf32, #tpu.memory_space<hbm>>
      tpu.wait_indirect_dma semaphore(%arg13 : memref<!tpu.dma_semaphore, #tpu.memory_space<semaphore_mem>>) src(%dma_wait3A_731 : memref<200000x16xf32, #tpu.memory_space<hbm>>) dst(%dma_wait3A_725 : memref<128x16xf32, #tpu.memory_space<vmem>>)
      %dma_wait3A_732 = arith.constant 7 : i32
      %dma_wait3A_733 = arith.constant 896 : i32
      %dma_wait3A_734 = arith.constant 0 : i32
      %dma_wait3A_735 = tpu.memref_slice %arg10[%dma_wait3A_733, %dma_wait3A_734] : memref<1280x16xf32, #tpu.memory_space<vmem>> -> memref<128x16xf32, #tpu.memory_space<vmem>>
      %dma_wait3A_736 = arith.constant 0 : i32
      %dma_wait3A_737 = tpu.memref_slice %arg7[%dma_wait3A_732, %dma_wait3A_736] : memref<10x128xi32, #tpu.memory_space<vmem>> -> memref<1x128xi32, #tpu.memory_space<vmem>>
      %dma_wait3A_738 = tpu.memref_squeeze %dma_wait3A_737 : memref<1x128xi32, #tpu.memory_space<vmem>> -> memref<128xi32, #tpu.memory_space<vmem>>
      %dma_wait3A_739 = arith.constant 0 : i32
      %dma_wait3A_740 = arith.constant 0 : i32
      %dma_wait3A_741 = tpu.memref_slice %arg4[%dma_wait3A_739, %dma_wait3A_740] : memref<200000x16xf32, #tpu.memory_space<hbm>> -> memref<200000x16xf32, #tpu.memory_space<hbm>>
      tpu.wait_indirect_dma semaphore(%arg13 : memref<!tpu.dma_semaphore, #tpu.memory_space<semaphore_mem>>) src(%dma_wait3A_741 : memref<200000x16xf32, #tpu.memory_space<hbm>>) dst(%dma_wait3A_735 : memref<128x16xf32, #tpu.memory_space<vmem>>)
      %dma_wait3A_742 = arith.constant 8 : i32
      %dma_wait3A_743 = arith.constant 1024 : i32
      %dma_wait3A_744 = arith.constant 0 : i32
      %dma_wait3A_745 = tpu.memref_slice %arg10[%dma_wait3A_743, %dma_wait3A_744] : memref<1280x16xf32, #tpu.memory_space<vmem>> -> memref<128x16xf32, #tpu.memory_space<vmem>>
      %dma_wait3A_746 = arith.constant 0 : i32
      %dma_wait3A_747 = tpu.memref_slice %arg7[%dma_wait3A_742, %dma_wait3A_746] : memref<10x128xi32, #tpu.memory_space<vmem>> -> memref<1x128xi32, #tpu.memory_space<vmem>>
      %dma_wait3A_748 = tpu.memref_squeeze %dma_wait3A_747 : memref<1x128xi32, #tpu.memory_space<vmem>> -> memref<128xi32, #tpu.memory_space<vmem>>
      %dma_wait3A_749 = arith.constant 0 : i32
      %dma_wait3A_750 = arith.constant 0 : i32
      %dma_wait3A_751 = tpu.memref_slice %arg4[%dma_wait3A_749, %dma_wait3A_750] : memref<200000x16xf32, #tpu.memory_space<hbm>> -> memref<200000x16xf32, #tpu.memory_space<hbm>>
      tpu.wait_indirect_dma semaphore(%arg13 : memref<!tpu.dma_semaphore, #tpu.memory_space<semaphore_mem>>) src(%dma_wait3A_751 : memref<200000x16xf32, #tpu.memory_space<hbm>>) dst(%dma_wait3A_745 : memref<128x16xf32, #tpu.memory_space<vmem>>)
      %dma_wait3A_752 = arith.constant 9 : i32
      %dma_wait3A_753 = arith.constant 1152 : i32
      %dma_wait3A_754 = arith.constant 0 : i32
      %dma_wait3A_755 = tpu.memref_slice %arg10[%dma_wait3A_753, %dma_wait3A_754] : memref<1280x16xf32, #tpu.memory_space<vmem>> -> memref<128x16xf32, #tpu.memory_space<vmem>>
      %dma_wait3A_756 = arith.constant 0 : i32
      %dma_wait3A_757 = tpu.memref_slice %arg7[%dma_wait3A_752, %dma_wait3A_756] : memref<10x128xi32, #tpu.memory_space<vmem>> -> memref<1x128xi32, #tpu.memory_space<vmem>>
      %dma_wait3A_758 = tpu.memref_squeeze %dma_wait3A_757 : memref<1x128xi32, #tpu.memory_space<vmem>> -> memref<128xi32, #tpu.memory_space<vmem>>
      %dma_wait3A_759 = arith.constant 0 : i32
      %dma_wait3A_760 = arith.constant 0 : i32
      %dma_wait3A_761 = tpu.memref_slice %arg4[%dma_wait3A_759, %dma_wait3A_760] : memref<200000x16xf32, #tpu.memory_space<hbm>> -> memref<200000x16xf32, #tpu.memory_space<hbm>>
      tpu.wait_indirect_dma semaphore(%arg13 : memref<!tpu.dma_semaphore, #tpu.memory_space<semaphore_mem>>) src(%dma_wait3A_761 : memref<200000x16xf32, #tpu.memory_space<hbm>>) dst(%dma_wait3A_755 : memref<128x16xf32, #tpu.memory_space<vmem>>)
      %run_scoped3A_762 = arith.constant 0 : i32
      "tpu.region"() ({
        %run_scoped3A_992 = tpu.sem_alloc : memref<!tpu.dma_semaphore, #tpu.memory_space<semaphore_mem>>
        %dma_start3A_993 = arith.constant 0 : i32
        %dma_start3A_994 = arith.constant 0 : i32
        %dma_start3A_995 = tpu.memref_slice %arg10[%dma_start3A_993, %dma_start3A_994] : memref<1280x16xf32, #tpu.memory_space<vmem>> -> memref<128x16xf32, #tpu.memory_space<vmem>>
        %dma_start3A_996 = arith.constant 0 : i32
        %dma_start3A_997 = tpu.memref_slice %arg6[%run_scoped3A_762, %dma_start3A_996] : memref<10x128xi32, #tpu.memory_space<vmem>> -> memref<1x128xi32, #tpu.memory_space<vmem>>
        %dma_start3A_998 = tpu.memref_squeeze %dma_start3A_997 : memref<1x128xi32, #tpu.memory_space<vmem>> -> memref<128xi32, #tpu.memory_space<vmem>>
        %dma_start3A_999 = arith.constant 0 : i32
        %dma_start3A_1000 = arith.constant 0 : i32
        %dma_start3A_1001 = tpu.memref_slice %arg16[%dma_start3A_999, %dma_start3A_1000] : memref<51200x16xf32, #tpu.memory_space<vmem_shared>> -> memref<51200x16xf32, #tpu.memory_space<vmem_shared>>
        tpu.enqueue_indirect_dma source(%dma_start3A_995 : memref<128x16xf32, #tpu.memory_space<vmem>>) target(%dma_start3A_1001 : memref<51200x16xf32, #tpu.memory_space<vmem_shared>>) offsets(%dma_start3A_998 : memref<128xi32, #tpu.memory_space<vmem>>) semaphore(%run_scoped3A_992 : memref<!tpu.dma_semaphore, #tpu.memory_space<semaphore_mem>>) {add = true}
        %dma_wait3A_1002 = arith.constant 0 : i32
        %dma_wait3A_1003 = arith.constant 0 : i32
        %dma_wait3A_1004 = tpu.memref_slice %arg10[%dma_wait3A_1002, %dma_wait3A_1003] : memref<1280x16xf32, #tpu.memory_space<vmem>> -> memref<128x16xf32, #tpu.memory_space<vmem>>
        %dma_wait3A_1005 = arith.constant 0 : i32
        %dma_wait3A_1006 = tpu.memref_slice %arg6[%run_scoped3A_762, %dma_wait3A_1005] : memref<10x128xi32, #tpu.memory_space<vmem>> -> memref<1x128xi32, #tpu.memory_space<vmem>>
        %dma_wait3A_1007 = tpu.memref_squeeze %dma_wait3A_1006 : memref<1x128xi32, #tpu.memory_space<vmem>> -> memref<128xi32, #tpu.memory_space<vmem>>
        %dma_wait3A_1008 = arith.constant 0 : i32
        %dma_wait3A_1009 = arith.constant 0 : i32
        %dma_wait3A_1010 = tpu.memref_slice %arg16[%dma_wait3A_1008, %dma_wait3A_1009] : memref<51200x16xf32, #tpu.memory_space<vmem_shared>> -> memref<51200x16xf32, #tpu.memory_space<vmem_shared>>
        tpu.wait_indirect_dma semaphore(%run_scoped3A_992 : memref<!tpu.dma_semaphore, #tpu.memory_space<semaphore_mem>>) src(%dma_wait3A_1004 : memref<128x16xf32, #tpu.memory_space<vmem>>) dst(%dma_wait3A_1010 : memref<51200x16xf32, #tpu.memory_space<vmem_shared>>)
        tpu.yield
      }) : () -> ()
      %run_scoped3A_763 = arith.constant 1 : i32
      "tpu.region"() ({
        %run_scoped3A_992 = tpu.sem_alloc : memref<!tpu.dma_semaphore, #tpu.memory_space<semaphore_mem>>
        %dma_start3A_993 = arith.constant 128 : i32
        %dma_start3A_994 = arith.constant 0 : i32
        %dma_start3A_995 = tpu.memref_slice %arg10[%dma_start3A_993, %dma_start3A_994] : memref<1280x16xf32, #tpu.memory_space<vmem>> -> memref<128x16xf32, #tpu.memory_space<vmem>>
        %dma_start3A_996 = arith.constant 0 : i32
        %dma_start3A_997 = tpu.memref_slice %arg6[%run_scoped3A_763, %dma_start3A_996] : memref<10x128xi32, #tpu.memory_space<vmem>> -> memref<1x128xi32, #tpu.memory_space<vmem>>
        %dma_start3A_998 = tpu.memref_squeeze %dma_start3A_997 : memref<1x128xi32, #tpu.memory_space<vmem>> -> memref<128xi32, #tpu.memory_space<vmem>>
        %dma_start3A_999 = arith.constant 0 : i32
        %dma_start3A_1000 = arith.constant 0 : i32
        %dma_start3A_1001 = tpu.memref_slice %arg16[%dma_start3A_999, %dma_start3A_1000] : memref<51200x16xf32, #tpu.memory_space<vmem_shared>> -> memref<51200x16xf32, #tpu.memory_space<vmem_shared>>
        tpu.enqueue_indirect_dma source(%dma_start3A_995 : memref<128x16xf32, #tpu.memory_space<vmem>>) target(%dma_start3A_1001 : memref<51200x16xf32, #tpu.memory_space<vmem_shared>>) offsets(%dma_start3A_998 : memref<128xi32, #tpu.memory_space<vmem>>) semaphore(%run_scoped3A_992 : memref<!tpu.dma_semaphore, #tpu.memory_space<semaphore_mem>>) {add = true}
        %dma_wait3A_1002 = arith.constant 128 : i32
        %dma_wait3A_1003 = arith.constant 0 : i32
        %dma_wait3A_1004 = tpu.memref_slice %arg10[%dma_wait3A_1002, %dma_wait3A_1003] : memref<1280x16xf32, #tpu.memory_space<vmem>> -> memref<128x16xf32, #tpu.memory_space<vmem>>
        %dma_wait3A_1005 = arith.constant 0 : i32
        %dma_wait3A_1006 = tpu.memref_slice %arg6[%run_scoped3A_763, %dma_wait3A_1005] : memref<10x128xi32, #tpu.memory_space<vmem>> -> memref<1x128xi32, #tpu.memory_space<vmem>>
        %dma_wait3A_1007 = tpu.memref_squeeze %dma_wait3A_1006 : memref<1x128xi32, #tpu.memory_space<vmem>> -> memref<128xi32, #tpu.memory_space<vmem>>
        %dma_wait3A_1008 = arith.constant 0 : i32
        %dma_wait3A_1009 = arith.constant 0 : i32
        %dma_wait3A_1010 = tpu.memref_slice %arg16[%dma_wait3A_1008, %dma_wait3A_1009] : memref<51200x16xf32, #tpu.memory_space<vmem_shared>> -> memref<51200x16xf32, #tpu.memory_space<vmem_shared>>
        tpu.wait_indirect_dma semaphore(%run_scoped3A_992 : memref<!tpu.dma_semaphore, #tpu.memory_space<semaphore_mem>>) src(%dma_wait3A_1004 : memref<128x16xf32, #tpu.memory_space<vmem>>) dst(%dma_wait3A_1010 : memref<51200x16xf32, #tpu.memory_space<vmem_shared>>)
        tpu.yield
      }) : () -> ()
      %run_scoped3A_764 = arith.constant 2 : i32
      "tpu.region"() ({
        %run_scoped3A_992 = tpu.sem_alloc : memref<!tpu.dma_semaphore, #tpu.memory_space<semaphore_mem>>
        %dma_start3A_993 = arith.constant 256 : i32
        %dma_start3A_994 = arith.constant 0 : i32
        %dma_start3A_995 = tpu.memref_slice %arg10[%dma_start3A_993, %dma_start3A_994] : memref<1280x16xf32, #tpu.memory_space<vmem>> -> memref<128x16xf32, #tpu.memory_space<vmem>>
        %dma_start3A_996 = arith.constant 0 : i32
        %dma_start3A_997 = tpu.memref_slice %arg6[%run_scoped3A_764, %dma_start3A_996] : memref<10x128xi32, #tpu.memory_space<vmem>> -> memref<1x128xi32, #tpu.memory_space<vmem>>
        %dma_start3A_998 = tpu.memref_squeeze %dma_start3A_997 : memref<1x128xi32, #tpu.memory_space<vmem>> -> memref<128xi32, #tpu.memory_space<vmem>>
        %dma_start3A_999 = arith.constant 0 : i32
        %dma_start3A_1000 = arith.constant 0 : i32
        %dma_start3A_1001 = tpu.memref_slice %arg16[%dma_start3A_999, %dma_start3A_1000] : memref<51200x16xf32, #tpu.memory_space<vmem_shared>> -> memref<51200x16xf32, #tpu.memory_space<vmem_shared>>
        tpu.enqueue_indirect_dma source(%dma_start3A_995 : memref<128x16xf32, #tpu.memory_space<vmem>>) target(%dma_start3A_1001 : memref<51200x16xf32, #tpu.memory_space<vmem_shared>>) offsets(%dma_start3A_998 : memref<128xi32, #tpu.memory_space<vmem>>) semaphore(%run_scoped3A_992 : memref<!tpu.dma_semaphore, #tpu.memory_space<semaphore_mem>>) {add = true}
        %dma_wait3A_1002 = arith.constant 256 : i32
        %dma_wait3A_1003 = arith.constant 0 : i32
        %dma_wait3A_1004 = tpu.memref_slice %arg10[%dma_wait3A_1002, %dma_wait3A_1003] : memref<1280x16xf32, #tpu.memory_space<vmem>> -> memref<128x16xf32, #tpu.memory_space<vmem>>
        %dma_wait3A_1005 = arith.constant 0 : i32
        %dma_wait3A_1006 = tpu.memref_slice %arg6[%run_scoped3A_764, %dma_wait3A_1005] : memref<10x128xi32, #tpu.memory_space<vmem>> -> memref<1x128xi32, #tpu.memory_space<vmem>>
        %dma_wait3A_1007 = tpu.memref_squeeze %dma_wait3A_1006 : memref<1x128xi32, #tpu.memory_space<vmem>> -> memref<128xi32, #tpu.memory_space<vmem>>
        %dma_wait3A_1008 = arith.constant 0 : i32
        %dma_wait3A_1009 = arith.constant 0 : i32
        %dma_wait3A_1010 = tpu.memref_slice %arg16[%dma_wait3A_1008, %dma_wait3A_1009] : memref<51200x16xf32, #tpu.memory_space<vmem_shared>> -> memref<51200x16xf32, #tpu.memory_space<vmem_shared>>
        tpu.wait_indirect_dma semaphore(%run_scoped3A_992 : memref<!tpu.dma_semaphore, #tpu.memory_space<semaphore_mem>>) src(%dma_wait3A_1004 : memref<128x16xf32, #tpu.memory_space<vmem>>) dst(%dma_wait3A_1010 : memref<51200x16xf32, #tpu.memory_space<vmem_shared>>)
        tpu.yield
      }) : () -> ()
      %run_scoped3A_765 = arith.constant 3 : i32
      "tpu.region"() ({
        %run_scoped3A_992 = tpu.sem_alloc : memref<!tpu.dma_semaphore, #tpu.memory_space<semaphore_mem>>
        %dma_start3A_993 = arith.constant 384 : i32
        %dma_start3A_994 = arith.constant 0 : i32
        %dma_start3A_995 = tpu.memref_slice %arg10[%dma_start3A_993, %dma_start3A_994] : memref<1280x16xf32, #tpu.memory_space<vmem>> -> memref<128x16xf32, #tpu.memory_space<vmem>>
        %dma_start3A_996 = arith.constant 0 : i32
        %dma_start3A_997 = tpu.memref_slice %arg6[%run_scoped3A_765, %dma_start3A_996] : memref<10x128xi32, #tpu.memory_space<vmem>> -> memref<1x128xi32, #tpu.memory_space<vmem>>
        %dma_start3A_998 = tpu.memref_squeeze %dma_start3A_997 : memref<1x128xi32, #tpu.memory_space<vmem>> -> memref<128xi32, #tpu.memory_space<vmem>>
        %dma_start3A_999 = arith.constant 0 : i32
        %dma_start3A_1000 = arith.constant 0 : i32
        %dma_start3A_1001 = tpu.memref_slice %arg16[%dma_start3A_999, %dma_start3A_1000] : memref<51200x16xf32, #tpu.memory_space<vmem_shared>> -> memref<51200x16xf32, #tpu.memory_space<vmem_shared>>
        tpu.enqueue_indirect_dma source(%dma_start3A_995 : memref<128x16xf32, #tpu.memory_space<vmem>>) target(%dma_start3A_1001 : memref<51200x16xf32, #tpu.memory_space<vmem_shared>>) offsets(%dma_start3A_998 : memref<128xi32, #tpu.memory_space<vmem>>) semaphore(%run_scoped3A_992 : memref<!tpu.dma_semaphore, #tpu.memory_space<semaphore_mem>>) {add = true}
        %dma_wait3A_1002 = arith.constant 384 : i32
        %dma_wait3A_1003 = arith.constant 0 : i32
        %dma_wait3A_1004 = tpu.memref_slice %arg10[%dma_wait3A_1002, %dma_wait3A_1003] : memref<1280x16xf32, #tpu.memory_space<vmem>> -> memref<128x16xf32, #tpu.memory_space<vmem>>
        %dma_wait3A_1005 = arith.constant 0 : i32
        %dma_wait3A_1006 = tpu.memref_slice %arg6[%run_scoped3A_765, %dma_wait3A_1005] : memref<10x128xi32, #tpu.memory_space<vmem>> -> memref<1x128xi32, #tpu.memory_space<vmem>>
        %dma_wait3A_1007 = tpu.memref_squeeze %dma_wait3A_1006 : memref<1x128xi32, #tpu.memory_space<vmem>> -> memref<128xi32, #tpu.memory_space<vmem>>
        %dma_wait3A_1008 = arith.constant 0 : i32
        %dma_wait3A_1009 = arith.constant 0 : i32
        %dma_wait3A_1010 = tpu.memref_slice %arg16[%dma_wait3A_1008, %dma_wait3A_1009] : memref<51200x16xf32, #tpu.memory_space<vmem_shared>> -> memref<51200x16xf32, #tpu.memory_space<vmem_shared>>
        tpu.wait_indirect_dma semaphore(%run_scoped3A_992 : memref<!tpu.dma_semaphore, #tpu.memory_space<semaphore_mem>>) src(%dma_wait3A_1004 : memref<128x16xf32, #tpu.memory_space<vmem>>) dst(%dma_wait3A_1010 : memref<51200x16xf32, #tpu.memory_space<vmem_shared>>)
        tpu.yield
      }) : () -> ()
      %run_scoped3A_766 = arith.constant 4 : i32
      "tpu.region"() ({
        %run_scoped3A_992 = tpu.sem_alloc : memref<!tpu.dma_semaphore, #tpu.memory_space<semaphore_mem>>
        %dma_start3A_993 = arith.constant 512 : i32
        %dma_start3A_994 = arith.constant 0 : i32
        %dma_start3A_995 = tpu.memref_slice %arg10[%dma_start3A_993, %dma_start3A_994] : memref<1280x16xf32, #tpu.memory_space<vmem>> -> memref<128x16xf32, #tpu.memory_space<vmem>>
        %dma_start3A_996 = arith.constant 0 : i32
        %dma_start3A_997 = tpu.memref_slice %arg6[%run_scoped3A_766, %dma_start3A_996] : memref<10x128xi32, #tpu.memory_space<vmem>> -> memref<1x128xi32, #tpu.memory_space<vmem>>
        %dma_start3A_998 = tpu.memref_squeeze %dma_start3A_997 : memref<1x128xi32, #tpu.memory_space<vmem>> -> memref<128xi32, #tpu.memory_space<vmem>>
        %dma_start3A_999 = arith.constant 0 : i32
        %dma_start3A_1000 = arith.constant 0 : i32
        %dma_start3A_1001 = tpu.memref_slice %arg16[%dma_start3A_999, %dma_start3A_1000] : memref<51200x16xf32, #tpu.memory_space<vmem_shared>> -> memref<51200x16xf32, #tpu.memory_space<vmem_shared>>
        tpu.enqueue_indirect_dma source(%dma_start3A_995 : memref<128x16xf32, #tpu.memory_space<vmem>>) target(%dma_start3A_1001 : memref<51200x16xf32, #tpu.memory_space<vmem_shared>>) offsets(%dma_start3A_998 : memref<128xi32, #tpu.memory_space<vmem>>) semaphore(%run_scoped3A_992 : memref<!tpu.dma_semaphore, #tpu.memory_space<semaphore_mem>>) {add = true}
        %dma_wait3A_1002 = arith.constant 512 : i32
        %dma_wait3A_1003 = arith.constant 0 : i32
        %dma_wait3A_1004 = tpu.memref_slice %arg10[%dma_wait3A_1002, %dma_wait3A_1003] : memref<1280x16xf32, #tpu.memory_space<vmem>> -> memref<128x16xf32, #tpu.memory_space<vmem>>
        %dma_wait3A_1005 = arith.constant 0 : i32
        %dma_wait3A_1006 = tpu.memref_slice %arg6[%run_scoped3A_766, %dma_wait3A_1005] : memref<10x128xi32, #tpu.memory_space<vmem>> -> memref<1x128xi32, #tpu.memory_space<vmem>>
        %dma_wait3A_1007 = tpu.memref_squeeze %dma_wait3A_1006 : memref<1x128xi32, #tpu.memory_space<vmem>> -> memref<128xi32, #tpu.memory_space<vmem>>
        %dma_wait3A_1008 = arith.constant 0 : i32
        %dma_wait3A_1009 = arith.constant 0 : i32
        %dma_wait3A_1010 = tpu.memref_slice %arg16[%dma_wait3A_1008, %dma_wait3A_1009] : memref<51200x16xf32, #tpu.memory_space<vmem_shared>> -> memref<51200x16xf32, #tpu.memory_space<vmem_shared>>
        tpu.wait_indirect_dma semaphore(%run_scoped3A_992 : memref<!tpu.dma_semaphore, #tpu.memory_space<semaphore_mem>>) src(%dma_wait3A_1004 : memref<128x16xf32, #tpu.memory_space<vmem>>) dst(%dma_wait3A_1010 : memref<51200x16xf32, #tpu.memory_space<vmem_shared>>)
        tpu.yield
      }) : () -> ()
      %run_scoped3A_767 = arith.constant 5 : i32
      "tpu.region"() ({
        %run_scoped3A_992 = tpu.sem_alloc : memref<!tpu.dma_semaphore, #tpu.memory_space<semaphore_mem>>
        %dma_start3A_993 = arith.constant 640 : i32
        %dma_start3A_994 = arith.constant 0 : i32
        %dma_start3A_995 = tpu.memref_slice %arg10[%dma_start3A_993, %dma_start3A_994] : memref<1280x16xf32, #tpu.memory_space<vmem>> -> memref<128x16xf32, #tpu.memory_space<vmem>>
        %dma_start3A_996 = arith.constant 0 : i32
        %dma_start3A_997 = tpu.memref_slice %arg6[%run_scoped3A_767, %dma_start3A_996] : memref<10x128xi32, #tpu.memory_space<vmem>> -> memref<1x128xi32, #tpu.memory_space<vmem>>
        %dma_start3A_998 = tpu.memref_squeeze %dma_start3A_997 : memref<1x128xi32, #tpu.memory_space<vmem>> -> memref<128xi32, #tpu.memory_space<vmem>>
        %dma_start3A_999 = arith.constant 0 : i32
        %dma_start3A_1000 = arith.constant 0 : i32
        %dma_start3A_1001 = tpu.memref_slice %arg16[%dma_start3A_999, %dma_start3A_1000] : memref<51200x16xf32, #tpu.memory_space<vmem_shared>> -> memref<51200x16xf32, #tpu.memory_space<vmem_shared>>
        tpu.enqueue_indirect_dma source(%dma_start3A_995 : memref<128x16xf32, #tpu.memory_space<vmem>>) target(%dma_start3A_1001 : memref<51200x16xf32, #tpu.memory_space<vmem_shared>>) offsets(%dma_start3A_998 : memref<128xi32, #tpu.memory_space<vmem>>) semaphore(%run_scoped3A_992 : memref<!tpu.dma_semaphore, #tpu.memory_space<semaphore_mem>>) {add = true}
        %dma_wait3A_1002 = arith.constant 640 : i32
        %dma_wait3A_1003 = arith.constant 0 : i32
        %dma_wait3A_1004 = tpu.memref_slice %arg10[%dma_wait3A_1002, %dma_wait3A_1003] : memref<1280x16xf32, #tpu.memory_space<vmem>> -> memref<128x16xf32, #tpu.memory_space<vmem>>
        %dma_wait3A_1005 = arith.constant 0 : i32
        %dma_wait3A_1006 = tpu.memref_slice %arg6[%run_scoped3A_767, %dma_wait3A_1005] : memref<10x128xi32, #tpu.memory_space<vmem>> -> memref<1x128xi32, #tpu.memory_space<vmem>>
        %dma_wait3A_1007 = tpu.memref_squeeze %dma_wait3A_1006 : memref<1x128xi32, #tpu.memory_space<vmem>> -> memref<128xi32, #tpu.memory_space<vmem>>
        %dma_wait3A_1008 = arith.constant 0 : i32
        %dma_wait3A_1009 = arith.constant 0 : i32
        %dma_wait3A_1010 = tpu.memref_slice %arg16[%dma_wait3A_1008, %dma_wait3A_1009] : memref<51200x16xf32, #tpu.memory_space<vmem_shared>> -> memref<51200x16xf32, #tpu.memory_space<vmem_shared>>
        tpu.wait_indirect_dma semaphore(%run_scoped3A_992 : memref<!tpu.dma_semaphore, #tpu.memory_space<semaphore_mem>>) src(%dma_wait3A_1004 : memref<128x16xf32, #tpu.memory_space<vmem>>) dst(%dma_wait3A_1010 : memref<51200x16xf32, #tpu.memory_space<vmem_shared>>)
        tpu.yield
      }) : () -> ()
      %run_scoped3A_768 = arith.constant 6 : i32
      "tpu.region"() ({
        %run_scoped3A_992 = tpu.sem_alloc : memref<!tpu.dma_semaphore, #tpu.memory_space<semaphore_mem>>
        %dma_start3A_993 = arith.constant 768 : i32
        %dma_start3A_994 = arith.constant 0 : i32
        %dma_start3A_995 = tpu.memref_slice %arg10[%dma_start3A_993, %dma_start3A_994] : memref<1280x16xf32, #tpu.memory_space<vmem>> -> memref<128x16xf32, #tpu.memory_space<vmem>>
        %dma_start3A_996 = arith.constant 0 : i32
        %dma_start3A_997 = tpu.memref_slice %arg6[%run_scoped3A_768, %dma_start3A_996] : memref<10x128xi32, #tpu.memory_space<vmem>> -> memref<1x128xi32, #tpu.memory_space<vmem>>
        %dma_start3A_998 = tpu.memref_squeeze %dma_start3A_997 : memref<1x128xi32, #tpu.memory_space<vmem>> -> memref<128xi32, #tpu.memory_space<vmem>>
        %dma_start3A_999 = arith.constant 0 : i32
        %dma_start3A_1000 = arith.constant 0 : i32
        %dma_start3A_1001 = tpu.memref_slice %arg16[%dma_start3A_999, %dma_start3A_1000] : memref<51200x16xf32, #tpu.memory_space<vmem_shared>> -> memref<51200x16xf32, #tpu.memory_space<vmem_shared>>
        tpu.enqueue_indirect_dma source(%dma_start3A_995 : memref<128x16xf32, #tpu.memory_space<vmem>>) target(%dma_start3A_1001 : memref<51200x16xf32, #tpu.memory_space<vmem_shared>>) offsets(%dma_start3A_998 : memref<128xi32, #tpu.memory_space<vmem>>) semaphore(%run_scoped3A_992 : memref<!tpu.dma_semaphore, #tpu.memory_space<semaphore_mem>>) {add = true}
        %dma_wait3A_1002 = arith.constant 768 : i32
        %dma_wait3A_1003 = arith.constant 0 : i32
        %dma_wait3A_1004 = tpu.memref_slice %arg10[%dma_wait3A_1002, %dma_wait3A_1003] : memref<1280x16xf32, #tpu.memory_space<vmem>> -> memref<128x16xf32, #tpu.memory_space<vmem>>
        %dma_wait3A_1005 = arith.constant 0 : i32
        %dma_wait3A_1006 = tpu.memref_slice %arg6[%run_scoped3A_768, %dma_wait3A_1005] : memref<10x128xi32, #tpu.memory_space<vmem>> -> memref<1x128xi32, #tpu.memory_space<vmem>>
        %dma_wait3A_1007 = tpu.memref_squeeze %dma_wait3A_1006 : memref<1x128xi32, #tpu.memory_space<vmem>> -> memref<128xi32, #tpu.memory_space<vmem>>
        %dma_wait3A_1008 = arith.constant 0 : i32
        %dma_wait3A_1009 = arith.constant 0 : i32
        %dma_wait3A_1010 = tpu.memref_slice %arg16[%dma_wait3A_1008, %dma_wait3A_1009] : memref<51200x16xf32, #tpu.memory_space<vmem_shared>> -> memref<51200x16xf32, #tpu.memory_space<vmem_shared>>
        tpu.wait_indirect_dma semaphore(%run_scoped3A_992 : memref<!tpu.dma_semaphore, #tpu.memory_space<semaphore_mem>>) src(%dma_wait3A_1004 : memref<128x16xf32, #tpu.memory_space<vmem>>) dst(%dma_wait3A_1010 : memref<51200x16xf32, #tpu.memory_space<vmem_shared>>)
        tpu.yield
      }) : () -> ()
      %run_scoped3A_769 = arith.constant 7 : i32
      "tpu.region"() ({
        %run_scoped3A_992 = tpu.sem_alloc : memref<!tpu.dma_semaphore, #tpu.memory_space<semaphore_mem>>
        %dma_start3A_993 = arith.constant 896 : i32
        %dma_start3A_994 = arith.constant 0 : i32
        %dma_start3A_995 = tpu.memref_slice %arg10[%dma_start3A_993, %dma_start3A_994] : memref<1280x16xf32, #tpu.memory_space<vmem>> -> memref<128x16xf32, #tpu.memory_space<vmem>>
        %dma_start3A_996 = arith.constant 0 : i32
        %dma_start3A_997 = tpu.memref_slice %arg6[%run_scoped3A_769, %dma_start3A_996] : memref<10x128xi32, #tpu.memory_space<vmem>> -> memref<1x128xi32, #tpu.memory_space<vmem>>
        %dma_start3A_998 = tpu.memref_squeeze %dma_start3A_997 : memref<1x128xi32, #tpu.memory_space<vmem>> -> memref<128xi32, #tpu.memory_space<vmem>>
        %dma_start3A_999 = arith.constant 0 : i32
        %dma_start3A_1000 = arith.constant 0 : i32
        %dma_start3A_1001 = tpu.memref_slice %arg16[%dma_start3A_999, %dma_start3A_1000] : memref<51200x16xf32, #tpu.memory_space<vmem_shared>> -> memref<51200x16xf32, #tpu.memory_space<vmem_shared>>
        tpu.enqueue_indirect_dma source(%dma_start3A_995 : memref<128x16xf32, #tpu.memory_space<vmem>>) target(%dma_start3A_1001 : memref<51200x16xf32, #tpu.memory_space<vmem_shared>>) offsets(%dma_start3A_998 : memref<128xi32, #tpu.memory_space<vmem>>) semaphore(%run_scoped3A_992 : memref<!tpu.dma_semaphore, #tpu.memory_space<semaphore_mem>>) {add = true}
        %dma_wait3A_1002 = arith.constant 896 : i32
        %dma_wait3A_1003 = arith.constant 0 : i32
        %dma_wait3A_1004 = tpu.memref_slice %arg10[%dma_wait3A_1002, %dma_wait3A_1003] : memref<1280x16xf32, #tpu.memory_space<vmem>> -> memref<128x16xf32, #tpu.memory_space<vmem>>
        %dma_wait3A_1005 = arith.constant 0 : i32
        %dma_wait3A_1006 = tpu.memref_slice %arg6[%run_scoped3A_769, %dma_wait3A_1005] : memref<10x128xi32, #tpu.memory_space<vmem>> -> memref<1x128xi32, #tpu.memory_space<vmem>>
        %dma_wait3A_1007 = tpu.memref_squeeze %dma_wait3A_1006 : memref<1x128xi32, #tpu.memory_space<vmem>> -> memref<128xi32, #tpu.memory_space<vmem>>
        %dma_wait3A_1008 = arith.constant 0 : i32
        %dma_wait3A_1009 = arith.constant 0 : i32
        %dma_wait3A_1010 = tpu.memref_slice %arg16[%dma_wait3A_1008, %dma_wait3A_1009] : memref<51200x16xf32, #tpu.memory_space<vmem_shared>> -> memref<51200x16xf32, #tpu.memory_space<vmem_shared>>
        tpu.wait_indirect_dma semaphore(%run_scoped3A_992 : memref<!tpu.dma_semaphore, #tpu.memory_space<semaphore_mem>>) src(%dma_wait3A_1004 : memref<128x16xf32, #tpu.memory_space<vmem>>) dst(%dma_wait3A_1010 : memref<51200x16xf32, #tpu.memory_space<vmem_shared>>)
        tpu.yield
      }) : () -> ()
      %run_scoped3A_770 = arith.constant 8 : i32
      "tpu.region"() ({
        %run_scoped3A_992 = tpu.sem_alloc : memref<!tpu.dma_semaphore, #tpu.memory_space<semaphore_mem>>
        %dma_start3A_993 = arith.constant 1024 : i32
        %dma_start3A_994 = arith.constant 0 : i32
        %dma_start3A_995 = tpu.memref_slice %arg10[%dma_start3A_993, %dma_start3A_994] : memref<1280x16xf32, #tpu.memory_space<vmem>> -> memref<128x16xf32, #tpu.memory_space<vmem>>
        %dma_start3A_996 = arith.constant 0 : i32
        %dma_start3A_997 = tpu.memref_slice %arg6[%run_scoped3A_770, %dma_start3A_996] : memref<10x128xi32, #tpu.memory_space<vmem>> -> memref<1x128xi32, #tpu.memory_space<vmem>>
        %dma_start3A_998 = tpu.memref_squeeze %dma_start3A_997 : memref<1x128xi32, #tpu.memory_space<vmem>> -> memref<128xi32, #tpu.memory_space<vmem>>
        %dma_start3A_999 = arith.constant 0 : i32
        %dma_start3A_1000 = arith.constant 0 : i32
        %dma_start3A_1001 = tpu.memref_slice %arg16[%dma_start3A_999, %dma_start3A_1000] : memref<51200x16xf32, #tpu.memory_space<vmem_shared>> -> memref<51200x16xf32, #tpu.memory_space<vmem_shared>>
        tpu.enqueue_indirect_dma source(%dma_start3A_995 : memref<128x16xf32, #tpu.memory_space<vmem>>) target(%dma_start3A_1001 : memref<51200x16xf32, #tpu.memory_space<vmem_shared>>) offsets(%dma_start3A_998 : memref<128xi32, #tpu.memory_space<vmem>>) semaphore(%run_scoped3A_992 : memref<!tpu.dma_semaphore, #tpu.memory_space<semaphore_mem>>) {add = true}
        %dma_wait3A_1002 = arith.constant 1024 : i32
        %dma_wait3A_1003 = arith.constant 0 : i32
        %dma_wait3A_1004 = tpu.memref_slice %arg10[%dma_wait3A_1002, %dma_wait3A_1003] : memref<1280x16xf32, #tpu.memory_space<vmem>> -> memref<128x16xf32, #tpu.memory_space<vmem>>
        %dma_wait3A_1005 = arith.constant 0 : i32
        %dma_wait3A_1006 = tpu.memref_slice %arg6[%run_scoped3A_770, %dma_wait3A_1005] : memref<10x128xi32, #tpu.memory_space<vmem>> -> memref<1x128xi32, #tpu.memory_space<vmem>>
        %dma_wait3A_1007 = tpu.memref_squeeze %dma_wait3A_1006 : memref<1x128xi32, #tpu.memory_space<vmem>> -> memref<128xi32, #tpu.memory_space<vmem>>
        %dma_wait3A_1008 = arith.constant 0 : i32
        %dma_wait3A_1009 = arith.constant 0 : i32
        %dma_wait3A_1010 = tpu.memref_slice %arg16[%dma_wait3A_1008, %dma_wait3A_1009] : memref<51200x16xf32, #tpu.memory_space<vmem_shared>> -> memref<51200x16xf32, #tpu.memory_space<vmem_shared>>
        tpu.wait_indirect_dma semaphore(%run_scoped3A_992 : memref<!tpu.dma_semaphore, #tpu.memory_space<semaphore_mem>>) src(%dma_wait3A_1004 : memref<128x16xf32, #tpu.memory_space<vmem>>) dst(%dma_wait3A_1010 : memref<51200x16xf32, #tpu.memory_space<vmem_shared>>)
        tpu.yield
      }) : () -> ()
      %run_scoped3A_771 = arith.constant 9 : i32
      "tpu.region"() ({
        %run_scoped3A_992 = tpu.sem_alloc : memref<!tpu.dma_semaphore, #tpu.memory_space<semaphore_mem>>
        %dma_start3A_993 = arith.constant 1152 : i32
        %dma_start3A_994 = arith.constant 0 : i32
        %dma_start3A_995 = tpu.memref_slice %arg10[%dma_start3A_993, %dma_start3A_994] : memref<1280x16xf32, #tpu.memory_space<vmem>> -> memref<128x16xf32, #tpu.memory_space<vmem>>
        %dma_start3A_996 = arith.constant 0 : i32
        %dma_start3A_997 = tpu.memref_slice %arg6[%run_scoped3A_771, %dma_start3A_996] : memref<10x128xi32, #tpu.memory_space<vmem>> -> memref<1x128xi32, #tpu.memory_space<vmem>>
        %dma_start3A_998 = tpu.memref_squeeze %dma_start3A_997 : memref<1x128xi32, #tpu.memory_space<vmem>> -> memref<128xi32, #tpu.memory_space<vmem>>
        %dma_start3A_999 = arith.constant 0 : i32
        %dma_start3A_1000 = arith.constant 0 : i32
        %dma_start3A_1001 = tpu.memref_slice %arg16[%dma_start3A_999, %dma_start3A_1000] : memref<51200x16xf32, #tpu.memory_space<vmem_shared>> -> memref<51200x16xf32, #tpu.memory_space<vmem_shared>>
        tpu.enqueue_indirect_dma source(%dma_start3A_995 : memref<128x16xf32, #tpu.memory_space<vmem>>) target(%dma_start3A_1001 : memref<51200x16xf32, #tpu.memory_space<vmem_shared>>) offsets(%dma_start3A_998 : memref<128xi32, #tpu.memory_space<vmem>>) semaphore(%run_scoped3A_992 : memref<!tpu.dma_semaphore, #tpu.memory_space<semaphore_mem>>) {add = true}
        %dma_wait3A_1002 = arith.constant 1152 : i32
        %dma_wait3A_1003 = arith.constant 0 : i32
        %dma_wait3A_1004 = tpu.memref_slice %arg10[%dma_wait3A_1002, %dma_wait3A_1003] : memref<1280x16xf32, #tpu.memory_space<vmem>> -> memref<128x16xf32, #tpu.memory_space<vmem>>
        %dma_wait3A_1005 = arith.constant 0 : i32
        %dma_wait3A_1006 = tpu.memref_slice %arg6[%run_scoped3A_771, %dma_wait3A_1005] : memref<10x128xi32, #tpu.memory_space<vmem>> -> memref<1x128xi32, #tpu.memory_space<vmem>>
        %dma_wait3A_1007 = tpu.memref_squeeze %dma_wait3A_1006 : memref<1x128xi32, #tpu.memory_space<vmem>> -> memref<128xi32, #tpu.memory_space<vmem>>
        %dma_wait3A_1008 = arith.constant 0 : i32
        %dma_wait3A_1009 = arith.constant 0 : i32
        %dma_wait3A_1010 = tpu.memref_slice %arg16[%dma_wait3A_1008, %dma_wait3A_1009] : memref<51200x16xf32, #tpu.memory_space<vmem_shared>> -> memref<51200x16xf32, #tpu.memory_space<vmem_shared>>
        tpu.wait_indirect_dma semaphore(%run_scoped3A_992 : memref<!tpu.dma_semaphore, #tpu.memory_space<semaphore_mem>>) src(%dma_wait3A_1004 : memref<128x16xf32, #tpu.memory_space<vmem>>) dst(%dma_wait3A_1010 : memref<51200x16xf32, #tpu.memory_space<vmem_shared>>)
        tpu.yield
      }) : () -> ()
      %add3A_772 = arith.constant 2 : i32
      %add3A_773 = arith.addi %mul3A_561, %add3A_772 : i32
      %mul3A_774 = arith.constant 10 : i32
      %mul3A_775 = arith.muli %add3A_773, %mul3A_774 : i32
      %add3A_776 = arith.addi %select_n3A_8, %mul3A_775 : i32
      "tpu.region"() ({
        %run_scoped3A_992 = tpu.sem_alloc : memref<!tpu.dma_semaphore, #tpu.memory_space<semaphore_mem>>
        %dma_start3A_993 = arith.constant 0 : i32
        %dma_start3A_994 = tpu.memref_slice %arg2[%add3A_776, %dma_start3A_993] : memref<6400x128xi32, #tpu.memory_space<hbm>> -> memref<10x128xi32, #tpu.memory_space<hbm>>
        %dma_start3A_995 = arith.constant 0 : i32
        %dma_start3A_996 = tpu.memref_slice %arg2[%add3A_776, %dma_start3A_995] : memref<6400x128xi32, #tpu.memory_space<hbm>> -> memref<10x128xi32, #tpu.memory_space<hbm>>
        tpu.enqueue_dma source(%dma_start3A_996 : memref<10x128xi32, #tpu.memory_space<hbm>>) target(%arg6 : memref<10x128xi32, #tpu.memory_space<vmem>>) target_semaphore(%run_scoped3A_992 : memref<!tpu.dma_semaphore, #tpu.memory_space<semaphore_mem>>)
        %dma_wait3A_997 = arith.constant 0 : i32
        %dma_wait3A_998 = tpu.memref_slice %arg2[%add3A_776, %dma_wait3A_997] : memref<6400x128xi32, #tpu.memory_space<hbm>> -> memref<10x128xi32, #tpu.memory_space<hbm>>
        %dma_wait3A_999 = arith.constant 0 : i32
        %dma_wait3A_1000 = tpu.memref_slice %arg2[%add3A_776, %dma_wait3A_999] : memref<6400x128xi32, #tpu.memory_space<hbm>> -> memref<10x128xi32, #tpu.memory_space<hbm>>
        tpu.wait_dma2 semaphore(%run_scoped3A_992 : memref<!tpu.dma_semaphore, #tpu.memory_space<semaphore_mem>>) src(%dma_wait3A_1000 : memref<10x128xi32, #tpu.memory_space<hbm>>) dst(%arg6 : memref<10x128xi32, #tpu.memory_space<vmem>>)
        tpu.yield
      }) : () -> ()
      "tpu.region"() ({
        %run_scoped3A_992 = tpu.sem_alloc : memref<!tpu.dma_semaphore, #tpu.memory_space<semaphore_mem>>
        %dma_start3A_993 = arith.constant 0 : i32
        %dma_start3A_994 = tpu.memref_slice %arg3[%add3A_776, %dma_start3A_993] : memref<6400x128xi32, #tpu.memory_space<hbm>> -> memref<10x128xi32, #tpu.memory_space<hbm>>
        %dma_start3A_995 = arith.constant 0 : i32
        %dma_start3A_996 = tpu.memref_slice %arg3[%add3A_776, %dma_start3A_995] : memref<6400x128xi32, #tpu.memory_space<hbm>> -> memref<10x128xi32, #tpu.memory_space<hbm>>
        tpu.enqueue_dma source(%dma_start3A_996 : memref<10x128xi32, #tpu.memory_space<hbm>>) target(%arg7 : memref<10x128xi32, #tpu.memory_space<vmem>>) target_semaphore(%run_scoped3A_992 : memref<!tpu.dma_semaphore, #tpu.memory_space<semaphore_mem>>)
        %dma_wait3A_997 = arith.constant 0 : i32
        %dma_wait3A_998 = tpu.memref_slice %arg3[%add3A_776, %dma_wait3A_997] : memref<6400x128xi32, #tpu.memory_space<hbm>> -> memref<10x128xi32, #tpu.memory_space<hbm>>
        %dma_wait3A_999 = arith.constant 0 : i32
        %dma_wait3A_1000 = tpu.memref_slice %arg3[%add3A_776, %dma_wait3A_999] : memref<6400x128xi32, #tpu.memory_space<hbm>> -> memref<10x128xi32, #tpu.memory_space<hbm>>
        tpu.wait_dma2 semaphore(%run_scoped3A_992 : memref<!tpu.dma_semaphore, #tpu.memory_space<semaphore_mem>>) src(%dma_wait3A_1000 : memref<10x128xi32, #tpu.memory_space<hbm>>) dst(%arg7 : memref<10x128xi32, #tpu.memory_space<vmem>>)
        tpu.yield
      }) : () -> ()
      %dma_start3A_777 = arith.constant 0 : i32
      %dma_start3A_778 = arith.constant 0 : i32
      %dma_start3A_779 = arith.constant 0 : i32
      %dma_start3A_780 = tpu.memref_slice %arg10[%dma_start3A_778, %dma_start3A_779] : memref<1280x16xf32, #tpu.memory_space<vmem>> -> memref<128x16xf32, #tpu.memory_space<vmem>>
      %dma_start3A_781 = arith.constant 0 : i32
      %dma_start3A_782 = tpu.memref_slice %arg7[%dma_start3A_777, %dma_start3A_781] : memref<10x128xi32, #tpu.memory_space<vmem>> -> memref<1x128xi32, #tpu.memory_space<vmem>>
      %dma_start3A_783 = tpu.memref_squeeze %dma_start3A_782 : memref<1x128xi32, #tpu.memory_space<vmem>> -> memref<128xi32, #tpu.memory_space<vmem>>
      %dma_start3A_784 = arith.constant 0 : i32
      %dma_start3A_785 = arith.constant 0 : i32
      %dma_start3A_786 = tpu.memref_slice %arg4[%dma_start3A_784, %dma_start3A_785] : memref<200000x16xf32, #tpu.memory_space<hbm>> -> memref<200000x16xf32, #tpu.memory_space<hbm>>
      tpu.enqueue_indirect_dma source(%dma_start3A_786 : memref<200000x16xf32, #tpu.memory_space<hbm>>) target(%dma_start3A_780 : memref<128x16xf32, #tpu.memory_space<vmem>>) offsets(%dma_start3A_783 : memref<128xi32, #tpu.memory_space<vmem>>) semaphore(%arg13 : memref<!tpu.dma_semaphore, #tpu.memory_space<semaphore_mem>>)
      %dma_start3A_787 = arith.constant 1 : i32
      %dma_start3A_788 = arith.constant 128 : i32
      %dma_start3A_789 = arith.constant 0 : i32
      %dma_start3A_790 = tpu.memref_slice %arg10[%dma_start3A_788, %dma_start3A_789] : memref<1280x16xf32, #tpu.memory_space<vmem>> -> memref<128x16xf32, #tpu.memory_space<vmem>>
      %dma_start3A_791 = arith.constant 0 : i32
      %dma_start3A_792 = tpu.memref_slice %arg7[%dma_start3A_787, %dma_start3A_791] : memref<10x128xi32, #tpu.memory_space<vmem>> -> memref<1x128xi32, #tpu.memory_space<vmem>>
      %dma_start3A_793 = tpu.memref_squeeze %dma_start3A_792 : memref<1x128xi32, #tpu.memory_space<vmem>> -> memref<128xi32, #tpu.memory_space<vmem>>
      %dma_start3A_794 = arith.constant 0 : i32
      %dma_start3A_795 = arith.constant 0 : i32
      %dma_start3A_796 = tpu.memref_slice %arg4[%dma_start3A_794, %dma_start3A_795] : memref<200000x16xf32, #tpu.memory_space<hbm>> -> memref<200000x16xf32, #tpu.memory_space<hbm>>
      tpu.enqueue_indirect_dma source(%dma_start3A_796 : memref<200000x16xf32, #tpu.memory_space<hbm>>) target(%dma_start3A_790 : memref<128x16xf32, #tpu.memory_space<vmem>>) offsets(%dma_start3A_793 : memref<128xi32, #tpu.memory_space<vmem>>) semaphore(%arg13 : memref<!tpu.dma_semaphore, #tpu.memory_space<semaphore_mem>>)
      %dma_start3A_797 = arith.constant 2 : i32
      %dma_start3A_798 = arith.constant 256 : i32
      %dma_start3A_799 = arith.constant 0 : i32
      %dma_start3A_800 = tpu.memref_slice %arg10[%dma_start3A_798, %dma_start3A_799] : memref<1280x16xf32, #tpu.memory_space<vmem>> -> memref<128x16xf32, #tpu.memory_space<vmem>>
      %dma_start3A_801 = arith.constant 0 : i32
      %dma_start3A_802 = tpu.memref_slice %arg7[%dma_start3A_797, %dma_start3A_801] : memref<10x128xi32, #tpu.memory_space<vmem>> -> memref<1x128xi32, #tpu.memory_space<vmem>>
      %dma_start3A_803 = tpu.memref_squeeze %dma_start3A_802 : memref<1x128xi32, #tpu.memory_space<vmem>> -> memref<128xi32, #tpu.memory_space<vmem>>
      %dma_start3A_804 = arith.constant 0 : i32
      %dma_start3A_805 = arith.constant 0 : i32
      %dma_start3A_806 = tpu.memref_slice %arg4[%dma_start3A_804, %dma_start3A_805] : memref<200000x16xf32, #tpu.memory_space<hbm>> -> memref<200000x16xf32, #tpu.memory_space<hbm>>
      tpu.enqueue_indirect_dma source(%dma_start3A_806 : memref<200000x16xf32, #tpu.memory_space<hbm>>) target(%dma_start3A_800 : memref<128x16xf32, #tpu.memory_space<vmem>>) offsets(%dma_start3A_803 : memref<128xi32, #tpu.memory_space<vmem>>) semaphore(%arg13 : memref<!tpu.dma_semaphore, #tpu.memory_space<semaphore_mem>>)
      %dma_start3A_807 = arith.constant 3 : i32
      %dma_start3A_808 = arith.constant 384 : i32
      %dma_start3A_809 = arith.constant 0 : i32
      %dma_start3A_810 = tpu.memref_slice %arg10[%dma_start3A_808, %dma_start3A_809] : memref<1280x16xf32, #tpu.memory_space<vmem>> -> memref<128x16xf32, #tpu.memory_space<vmem>>
      %dma_start3A_811 = arith.constant 0 : i32
      %dma_start3A_812 = tpu.memref_slice %arg7[%dma_start3A_807, %dma_start3A_811] : memref<10x128xi32, #tpu.memory_space<vmem>> -> memref<1x128xi32, #tpu.memory_space<vmem>>
      %dma_start3A_813 = tpu.memref_squeeze %dma_start3A_812 : memref<1x128xi32, #tpu.memory_space<vmem>> -> memref<128xi32, #tpu.memory_space<vmem>>
      %dma_start3A_814 = arith.constant 0 : i32
      %dma_start3A_815 = arith.constant 0 : i32
      %dma_start3A_816 = tpu.memref_slice %arg4[%dma_start3A_814, %dma_start3A_815] : memref<200000x16xf32, #tpu.memory_space<hbm>> -> memref<200000x16xf32, #tpu.memory_space<hbm>>
      tpu.enqueue_indirect_dma source(%dma_start3A_816 : memref<200000x16xf32, #tpu.memory_space<hbm>>) target(%dma_start3A_810 : memref<128x16xf32, #tpu.memory_space<vmem>>) offsets(%dma_start3A_813 : memref<128xi32, #tpu.memory_space<vmem>>) semaphore(%arg13 : memref<!tpu.dma_semaphore, #tpu.memory_space<semaphore_mem>>)
      %dma_start3A_817 = arith.constant 4 : i32
      %dma_start3A_818 = arith.constant 512 : i32
      %dma_start3A_819 = arith.constant 0 : i32
      %dma_start3A_820 = tpu.memref_slice %arg10[%dma_start3A_818, %dma_start3A_819] : memref<1280x16xf32, #tpu.memory_space<vmem>> -> memref<128x16xf32, #tpu.memory_space<vmem>>
      %dma_start3A_821 = arith.constant 0 : i32
      %dma_start3A_822 = tpu.memref_slice %arg7[%dma_start3A_817, %dma_start3A_821] : memref<10x128xi32, #tpu.memory_space<vmem>> -> memref<1x128xi32, #tpu.memory_space<vmem>>
      %dma_start3A_823 = tpu.memref_squeeze %dma_start3A_822 : memref<1x128xi32, #tpu.memory_space<vmem>> -> memref<128xi32, #tpu.memory_space<vmem>>
      %dma_start3A_824 = arith.constant 0 : i32
      %dma_start3A_825 = arith.constant 0 : i32
      %dma_start3A_826 = tpu.memref_slice %arg4[%dma_start3A_824, %dma_start3A_825] : memref<200000x16xf32, #tpu.memory_space<hbm>> -> memref<200000x16xf32, #tpu.memory_space<hbm>>
      tpu.enqueue_indirect_dma source(%dma_start3A_826 : memref<200000x16xf32, #tpu.memory_space<hbm>>) target(%dma_start3A_820 : memref<128x16xf32, #tpu.memory_space<vmem>>) offsets(%dma_start3A_823 : memref<128xi32, #tpu.memory_space<vmem>>) semaphore(%arg13 : memref<!tpu.dma_semaphore, #tpu.memory_space<semaphore_mem>>)
      %dma_start3A_827 = arith.constant 5 : i32
      %dma_start3A_828 = arith.constant 640 : i32
      %dma_start3A_829 = arith.constant 0 : i32
      %dma_start3A_830 = tpu.memref_slice %arg10[%dma_start3A_828, %dma_start3A_829] : memref<1280x16xf32, #tpu.memory_space<vmem>> -> memref<128x16xf32, #tpu.memory_space<vmem>>
      %dma_start3A_831 = arith.constant 0 : i32
      %dma_start3A_832 = tpu.memref_slice %arg7[%dma_start3A_827, %dma_start3A_831] : memref<10x128xi32, #tpu.memory_space<vmem>> -> memref<1x128xi32, #tpu.memory_space<vmem>>
      %dma_start3A_833 = tpu.memref_squeeze %dma_start3A_832 : memref<1x128xi32, #tpu.memory_space<vmem>> -> memref<128xi32, #tpu.memory_space<vmem>>
      %dma_start3A_834 = arith.constant 0 : i32
      %dma_start3A_835 = arith.constant 0 : i32
      %dma_start3A_836 = tpu.memref_slice %arg4[%dma_start3A_834, %dma_start3A_835] : memref<200000x16xf32, #tpu.memory_space<hbm>> -> memref<200000x16xf32, #tpu.memory_space<hbm>>
      tpu.enqueue_indirect_dma source(%dma_start3A_836 : memref<200000x16xf32, #tpu.memory_space<hbm>>) target(%dma_start3A_830 : memref<128x16xf32, #tpu.memory_space<vmem>>) offsets(%dma_start3A_833 : memref<128xi32, #tpu.memory_space<vmem>>) semaphore(%arg13 : memref<!tpu.dma_semaphore, #tpu.memory_space<semaphore_mem>>)
      %dma_start3A_837 = arith.constant 6 : i32
      %dma_start3A_838 = arith.constant 768 : i32
      %dma_start3A_839 = arith.constant 0 : i32
      %dma_start3A_840 = tpu.memref_slice %arg10[%dma_start3A_838, %dma_start3A_839] : memref<1280x16xf32, #tpu.memory_space<vmem>> -> memref<128x16xf32, #tpu.memory_space<vmem>>
      %dma_start3A_841 = arith.constant 0 : i32
      %dma_start3A_842 = tpu.memref_slice %arg7[%dma_start3A_837, %dma_start3A_841] : memref<10x128xi32, #tpu.memory_space<vmem>> -> memref<1x128xi32, #tpu.memory_space<vmem>>
      %dma_start3A_843 = tpu.memref_squeeze %dma_start3A_842 : memref<1x128xi32, #tpu.memory_space<vmem>> -> memref<128xi32, #tpu.memory_space<vmem>>
      %dma_start3A_844 = arith.constant 0 : i32
      %dma_start3A_845 = arith.constant 0 : i32
      %dma_start3A_846 = tpu.memref_slice %arg4[%dma_start3A_844, %dma_start3A_845] : memref<200000x16xf32, #tpu.memory_space<hbm>> -> memref<200000x16xf32, #tpu.memory_space<hbm>>
      tpu.enqueue_indirect_dma source(%dma_start3A_846 : memref<200000x16xf32, #tpu.memory_space<hbm>>) target(%dma_start3A_840 : memref<128x16xf32, #tpu.memory_space<vmem>>) offsets(%dma_start3A_843 : memref<128xi32, #tpu.memory_space<vmem>>) semaphore(%arg13 : memref<!tpu.dma_semaphore, #tpu.memory_space<semaphore_mem>>)
      %dma_start3A_847 = arith.constant 7 : i32
      %dma_start3A_848 = arith.constant 896 : i32
      %dma_start3A_849 = arith.constant 0 : i32
      %dma_start3A_850 = tpu.memref_slice %arg10[%dma_start3A_848, %dma_start3A_849] : memref<1280x16xf32, #tpu.memory_space<vmem>> -> memref<128x16xf32, #tpu.memory_space<vmem>>
      %dma_start3A_851 = arith.constant 0 : i32
      %dma_start3A_852 = tpu.memref_slice %arg7[%dma_start3A_847, %dma_start3A_851] : memref<10x128xi32, #tpu.memory_space<vmem>> -> memref<1x128xi32, #tpu.memory_space<vmem>>
      %dma_start3A_853 = tpu.memref_squeeze %dma_start3A_852 : memref<1x128xi32, #tpu.memory_space<vmem>> -> memref<128xi32, #tpu.memory_space<vmem>>
      %dma_start3A_854 = arith.constant 0 : i32
      %dma_start3A_855 = arith.constant 0 : i32
      %dma_start3A_856 = tpu.memref_slice %arg4[%dma_start3A_854, %dma_start3A_855] : memref<200000x16xf32, #tpu.memory_space<hbm>> -> memref<200000x16xf32, #tpu.memory_space<hbm>>
      tpu.enqueue_indirect_dma source(%dma_start3A_856 : memref<200000x16xf32, #tpu.memory_space<hbm>>) target(%dma_start3A_850 : memref<128x16xf32, #tpu.memory_space<vmem>>) offsets(%dma_start3A_853 : memref<128xi32, #tpu.memory_space<vmem>>) semaphore(%arg13 : memref<!tpu.dma_semaphore, #tpu.memory_space<semaphore_mem>>)
      %dma_start3A_857 = arith.constant 8 : i32
      %dma_start3A_858 = arith.constant 1024 : i32
      %dma_start3A_859 = arith.constant 0 : i32
      %dma_start3A_860 = tpu.memref_slice %arg10[%dma_start3A_858, %dma_start3A_859] : memref<1280x16xf32, #tpu.memory_space<vmem>> -> memref<128x16xf32, #tpu.memory_space<vmem>>
      %dma_start3A_861 = arith.constant 0 : i32
      %dma_start3A_862 = tpu.memref_slice %arg7[%dma_start3A_857, %dma_start3A_861] : memref<10x128xi32, #tpu.memory_space<vmem>> -> memref<1x128xi32, #tpu.memory_space<vmem>>
      %dma_start3A_863 = tpu.memref_squeeze %dma_start3A_862 : memref<1x128xi32, #tpu.memory_space<vmem>> -> memref<128xi32, #tpu.memory_space<vmem>>
      %dma_start3A_864 = arith.constant 0 : i32
      %dma_start3A_865 = arith.constant 0 : i32
      %dma_start3A_866 = tpu.memref_slice %arg4[%dma_start3A_864, %dma_start3A_865] : memref<200000x16xf32, #tpu.memory_space<hbm>> -> memref<200000x16xf32, #tpu.memory_space<hbm>>
      tpu.enqueue_indirect_dma source(%dma_start3A_866 : memref<200000x16xf32, #tpu.memory_space<hbm>>) target(%dma_start3A_860 : memref<128x16xf32, #tpu.memory_space<vmem>>) offsets(%dma_start3A_863 : memref<128xi32, #tpu.memory_space<vmem>>) semaphore(%arg13 : memref<!tpu.dma_semaphore, #tpu.memory_space<semaphore_mem>>)
      %dma_start3A_867 = arith.constant 9 : i32
      %dma_start3A_868 = arith.constant 1152 : i32
      %dma_start3A_869 = arith.constant 0 : i32
      %dma_start3A_870 = tpu.memref_slice %arg10[%dma_start3A_868, %dma_start3A_869] : memref<1280x16xf32, #tpu.memory_space<vmem>> -> memref<128x16xf32, #tpu.memory_space<vmem>>
      %dma_start3A_871 = arith.constant 0 : i32
      %dma_start3A_872 = tpu.memref_slice %arg7[%dma_start3A_867, %dma_start3A_871] : memref<10x128xi32, #tpu.memory_space<vmem>> -> memref<1x128xi32, #tpu.memory_space<vmem>>
      %dma_start3A_873 = tpu.memref_squeeze %dma_start3A_872 : memref<1x128xi32, #tpu.memory_space<vmem>> -> memref<128xi32, #tpu.memory_space<vmem>>
      %dma_start3A_874 = arith.constant 0 : i32
      %dma_start3A_875 = arith.constant 0 : i32
      %dma_start3A_876 = tpu.memref_slice %arg4[%dma_start3A_874, %dma_start3A_875] : memref<200000x16xf32, #tpu.memory_space<hbm>> -> memref<200000x16xf32, #tpu.memory_space<hbm>>
      tpu.enqueue_indirect_dma source(%dma_start3A_876 : memref<200000x16xf32, #tpu.memory_space<hbm>>) target(%dma_start3A_870 : memref<128x16xf32, #tpu.memory_space<vmem>>) offsets(%dma_start3A_873 : memref<128xi32, #tpu.memory_space<vmem>>) semaphore(%arg13 : memref<!tpu.dma_semaphore, #tpu.memory_space<semaphore_mem>>)
      %dma_wait3A_877 = arith.constant 0 : i32
      %dma_wait3A_878 = arith.constant 0 : i32
      %dma_wait3A_879 = arith.constant 0 : i32
      %dma_wait3A_880 = tpu.memref_slice %arg11[%dma_wait3A_878, %dma_wait3A_879] : memref<1280x16xf32, #tpu.memory_space<vmem>> -> memref<128x16xf32, #tpu.memory_space<vmem>>
      %dma_wait3A_881 = arith.constant 0 : i32
      %dma_wait3A_882 = tpu.memref_slice %arg9[%dma_wait3A_877, %dma_wait3A_881] : memref<10x128xi32, #tpu.memory_space<vmem>> -> memref<1x128xi32, #tpu.memory_space<vmem>>
      %dma_wait3A_883 = tpu.memref_squeeze %dma_wait3A_882 : memref<1x128xi32, #tpu.memory_space<vmem>> -> memref<128xi32, #tpu.memory_space<vmem>>
      %dma_wait3A_884 = arith.constant 0 : i32
      %dma_wait3A_885 = arith.constant 0 : i32
      %dma_wait3A_886 = tpu.memref_slice %arg4[%dma_wait3A_884, %dma_wait3A_885] : memref<200000x16xf32, #tpu.memory_space<hbm>> -> memref<200000x16xf32, #tpu.memory_space<hbm>>
      tpu.wait_indirect_dma semaphore(%arg14 : memref<!tpu.dma_semaphore, #tpu.memory_space<semaphore_mem>>) src(%dma_wait3A_886 : memref<200000x16xf32, #tpu.memory_space<hbm>>) dst(%dma_wait3A_880 : memref<128x16xf32, #tpu.memory_space<vmem>>)
      %dma_wait3A_887 = arith.constant 1 : i32
      %dma_wait3A_888 = arith.constant 128 : i32
      %dma_wait3A_889 = arith.constant 0 : i32
      %dma_wait3A_890 = tpu.memref_slice %arg11[%dma_wait3A_888, %dma_wait3A_889] : memref<1280x16xf32, #tpu.memory_space<vmem>> -> memref<128x16xf32, #tpu.memory_space<vmem>>
      %dma_wait3A_891 = arith.constant 0 : i32
      %dma_wait3A_892 = tpu.memref_slice %arg9[%dma_wait3A_887, %dma_wait3A_891] : memref<10x128xi32, #tpu.memory_space<vmem>> -> memref<1x128xi32, #tpu.memory_space<vmem>>
      %dma_wait3A_893 = tpu.memref_squeeze %dma_wait3A_892 : memref<1x128xi32, #tpu.memory_space<vmem>> -> memref<128xi32, #tpu.memory_space<vmem>>
      %dma_wait3A_894 = arith.constant 0 : i32
      %dma_wait3A_895 = arith.constant 0 : i32
      %dma_wait3A_896 = tpu.memref_slice %arg4[%dma_wait3A_894, %dma_wait3A_895] : memref<200000x16xf32, #tpu.memory_space<hbm>> -> memref<200000x16xf32, #tpu.memory_space<hbm>>
      tpu.wait_indirect_dma semaphore(%arg14 : memref<!tpu.dma_semaphore, #tpu.memory_space<semaphore_mem>>) src(%dma_wait3A_896 : memref<200000x16xf32, #tpu.memory_space<hbm>>) dst(%dma_wait3A_890 : memref<128x16xf32, #tpu.memory_space<vmem>>)
      %dma_wait3A_897 = arith.constant 2 : i32
      %dma_wait3A_898 = arith.constant 256 : i32
      %dma_wait3A_899 = arith.constant 0 : i32
      %dma_wait3A_900 = tpu.memref_slice %arg11[%dma_wait3A_898, %dma_wait3A_899] : memref<1280x16xf32, #tpu.memory_space<vmem>> -> memref<128x16xf32, #tpu.memory_space<vmem>>
      %dma_wait3A_901 = arith.constant 0 : i32
      %dma_wait3A_902 = tpu.memref_slice %arg9[%dma_wait3A_897, %dma_wait3A_901] : memref<10x128xi32, #tpu.memory_space<vmem>> -> memref<1x128xi32, #tpu.memory_space<vmem>>
      %dma_wait3A_903 = tpu.memref_squeeze %dma_wait3A_902 : memref<1x128xi32, #tpu.memory_space<vmem>> -> memref<128xi32, #tpu.memory_space<vmem>>
      %dma_wait3A_904 = arith.constant 0 : i32
      %dma_wait3A_905 = arith.constant 0 : i32
      %dma_wait3A_906 = tpu.memref_slice %arg4[%dma_wait3A_904, %dma_wait3A_905] : memref<200000x16xf32, #tpu.memory_space<hbm>> -> memref<200000x16xf32, #tpu.memory_space<hbm>>
      tpu.wait_indirect_dma semaphore(%arg14 : memref<!tpu.dma_semaphore, #tpu.memory_space<semaphore_mem>>) src(%dma_wait3A_906 : memref<200000x16xf32, #tpu.memory_space<hbm>>) dst(%dma_wait3A_900 : memref<128x16xf32, #tpu.memory_space<vmem>>)
      %dma_wait3A_907 = arith.constant 3 : i32
      %dma_wait3A_908 = arith.constant 384 : i32
      %dma_wait3A_909 = arith.constant 0 : i32
      %dma_wait3A_910 = tpu.memref_slice %arg11[%dma_wait3A_908, %dma_wait3A_909] : memref<1280x16xf32, #tpu.memory_space<vmem>> -> memref<128x16xf32, #tpu.memory_space<vmem>>
      %dma_wait3A_911 = arith.constant 0 : i32
      %dma_wait3A_912 = tpu.memref_slice %arg9[%dma_wait3A_907, %dma_wait3A_911] : memref<10x128xi32, #tpu.memory_space<vmem>> -> memref<1x128xi32, #tpu.memory_space<vmem>>
      %dma_wait3A_913 = tpu.memref_squeeze %dma_wait3A_912 : memref<1x128xi32, #tpu.memory_space<vmem>> -> memref<128xi32, #tpu.memory_space<vmem>>
      %dma_wait3A_914 = arith.constant 0 : i32
      %dma_wait3A_915 = arith.constant 0 : i32
      %dma_wait3A_916 = tpu.memref_slice %arg4[%dma_wait3A_914, %dma_wait3A_915] : memref<200000x16xf32, #tpu.memory_space<hbm>> -> memref<200000x16xf32, #tpu.memory_space<hbm>>
      tpu.wait_indirect_dma semaphore(%arg14 : memref<!tpu.dma_semaphore, #tpu.memory_space<semaphore_mem>>) src(%dma_wait3A_916 : memref<200000x16xf32, #tpu.memory_space<hbm>>) dst(%dma_wait3A_910 : memref<128x16xf32, #tpu.memory_space<vmem>>)
      %dma_wait3A_917 = arith.constant 4 : i32
      %dma_wait3A_918 = arith.constant 512 : i32
      %dma_wait3A_919 = arith.constant 0 : i32
      %dma_wait3A_920 = tpu.memref_slice %arg11[%dma_wait3A_918, %dma_wait3A_919] : memref<1280x16xf32, #tpu.memory_space<vmem>> -> memref<128x16xf32, #tpu.memory_space<vmem>>
      %dma_wait3A_921 = arith.constant 0 : i32
      %dma_wait3A_922 = tpu.memref_slice %arg9[%dma_wait3A_917, %dma_wait3A_921] : memref<10x128xi32, #tpu.memory_space<vmem>> -> memref<1x128xi32, #tpu.memory_space<vmem>>
      %dma_wait3A_923 = tpu.memref_squeeze %dma_wait3A_922 : memref<1x128xi32, #tpu.memory_space<vmem>> -> memref<128xi32, #tpu.memory_space<vmem>>
      %dma_wait3A_924 = arith.constant 0 : i32
      %dma_wait3A_925 = arith.constant 0 : i32
      %dma_wait3A_926 = tpu.memref_slice %arg4[%dma_wait3A_924, %dma_wait3A_925] : memref<200000x16xf32, #tpu.memory_space<hbm>> -> memref<200000x16xf32, #tpu.memory_space<hbm>>
      tpu.wait_indirect_dma semaphore(%arg14 : memref<!tpu.dma_semaphore, #tpu.memory_space<semaphore_mem>>) src(%dma_wait3A_926 : memref<200000x16xf32, #tpu.memory_space<hbm>>) dst(%dma_wait3A_920 : memref<128x16xf32, #tpu.memory_space<vmem>>)
      %dma_wait3A_927 = arith.constant 5 : i32
      %dma_wait3A_928 = arith.constant 640 : i32
      %dma_wait3A_929 = arith.constant 0 : i32
      %dma_wait3A_930 = tpu.memref_slice %arg11[%dma_wait3A_928, %dma_wait3A_929] : memref<1280x16xf32, #tpu.memory_space<vmem>> -> memref<128x16xf32, #tpu.memory_space<vmem>>
      %dma_wait3A_931 = arith.constant 0 : i32
      %dma_wait3A_932 = tpu.memref_slice %arg9[%dma_wait3A_927, %dma_wait3A_931] : memref<10x128xi32, #tpu.memory_space<vmem>> -> memref<1x128xi32, #tpu.memory_space<vmem>>
      %dma_wait3A_933 = tpu.memref_squeeze %dma_wait3A_932 : memref<1x128xi32, #tpu.memory_space<vmem>> -> memref<128xi32, #tpu.memory_space<vmem>>
      %dma_wait3A_934 = arith.constant 0 : i32
      %dma_wait3A_935 = arith.constant 0 : i32
      %dma_wait3A_936 = tpu.memref_slice %arg4[%dma_wait3A_934, %dma_wait3A_935] : memref<200000x16xf32, #tpu.memory_space<hbm>> -> memref<200000x16xf32, #tpu.memory_space<hbm>>
      tpu.wait_indirect_dma semaphore(%arg14 : memref<!tpu.dma_semaphore, #tpu.memory_space<semaphore_mem>>) src(%dma_wait3A_936 : memref<200000x16xf32, #tpu.memory_space<hbm>>) dst(%dma_wait3A_930 : memref<128x16xf32, #tpu.memory_space<vmem>>)
      %dma_wait3A_937 = arith.constant 6 : i32
      %dma_wait3A_938 = arith.constant 768 : i32
      %dma_wait3A_939 = arith.constant 0 : i32
      %dma_wait3A_940 = tpu.memref_slice %arg11[%dma_wait3A_938, %dma_wait3A_939] : memref<1280x16xf32, #tpu.memory_space<vmem>> -> memref<128x16xf32, #tpu.memory_space<vmem>>
      %dma_wait3A_941 = arith.constant 0 : i32
      %dma_wait3A_942 = tpu.memref_slice %arg9[%dma_wait3A_937, %dma_wait3A_941] : memref<10x128xi32, #tpu.memory_space<vmem>> -> memref<1x128xi32, #tpu.memory_space<vmem>>
      %dma_wait3A_943 = tpu.memref_squeeze %dma_wait3A_942 : memref<1x128xi32, #tpu.memory_space<vmem>> -> memref<128xi32, #tpu.memory_space<vmem>>
      %dma_wait3A_944 = arith.constant 0 : i32
      %dma_wait3A_945 = arith.constant 0 : i32
      %dma_wait3A_946 = tpu.memref_slice %arg4[%dma_wait3A_944, %dma_wait3A_945] : memref<200000x16xf32, #tpu.memory_space<hbm>> -> memref<200000x16xf32, #tpu.memory_space<hbm>>
      tpu.wait_indirect_dma semaphore(%arg14 : memref<!tpu.dma_semaphore, #tpu.memory_space<semaphore_mem>>) src(%dma_wait3A_946 : memref<200000x16xf32, #tpu.memory_space<hbm>>) dst(%dma_wait3A_940 : memref<128x16xf32, #tpu.memory_space<vmem>>)
      %dma_wait3A_947 = arith.constant 7 : i32
      %dma_wait3A_948 = arith.constant 896 : i32
      %dma_wait3A_949 = arith.constant 0 : i32
      %dma_wait3A_950 = tpu.memref_slice %arg11[%dma_wait3A_948, %dma_wait3A_949] : memref<1280x16xf32, #tpu.memory_space<vmem>> -> memref<128x16xf32, #tpu.memory_space<vmem>>
      %dma_wait3A_951 = arith.constant 0 : i32
      %dma_wait3A_952 = tpu.memref_slice %arg9[%dma_wait3A_947, %dma_wait3A_951] : memref<10x128xi32, #tpu.memory_space<vmem>> -> memref<1x128xi32, #tpu.memory_space<vmem>>
      %dma_wait3A_953 = tpu.memref_squeeze %dma_wait3A_952 : memref<1x128xi32, #tpu.memory_space<vmem>> -> memref<128xi32, #tpu.memory_space<vmem>>
      %dma_wait3A_954 = arith.constant 0 : i32
      %dma_wait3A_955 = arith.constant 0 : i32
      %dma_wait3A_956 = tpu.memref_slice %arg4[%dma_wait3A_954, %dma_wait3A_955] : memref<200000x16xf32, #tpu.memory_space<hbm>> -> memref<200000x16xf32, #tpu.memory_space<hbm>>
      tpu.wait_indirect_dma semaphore(%arg14 : memref<!tpu.dma_semaphore, #tpu.memory_space<semaphore_mem>>) src(%dma_wait3A_956 : memref<200000x16xf32, #tpu.memory_space<hbm>>) dst(%dma_wait3A_950 : memref<128x16xf32, #tpu.memory_space<vmem>>)
      %dma_wait3A_957 = arith.constant 8 : i32
      %dma_wait3A_958 = arith.constant 1024 : i32
      %dma_wait3A_959 = arith.constant 0 : i32
      %dma_wait3A_960 = tpu.memref_slice %arg11[%dma_wait3A_958, %dma_wait3A_959] : memref<1280x16xf32, #tpu.memory_space<vmem>> -> memref<128x16xf32, #tpu.memory_space<vmem>>
      %dma_wait3A_961 = arith.constant 0 : i32
      %dma_wait3A_962 = tpu.memref_slice %arg9[%dma_wait3A_957, %dma_wait3A_961] : memref<10x128xi32, #tpu.memory_space<vmem>> -> memref<1x128xi32, #tpu.memory_space<vmem>>
      %dma_wait3A_963 = tpu.memref_squeeze %dma_wait3A_962 : memref<1x128xi32, #tpu.memory_space<vmem>> -> memref<128xi32, #tpu.memory_space<vmem>>
      %dma_wait3A_964 = arith.constant 0 : i32
      %dma_wait3A_965 = arith.constant 0 : i32
      %dma_wait3A_966 = tpu.memref_slice %arg4[%dma_wait3A_964, %dma_wait3A_965] : memref<200000x16xf32, #tpu.memory_space<hbm>> -> memref<200000x16xf32, #tpu.memory_space<hbm>>
      tpu.wait_indirect_dma semaphore(%arg14 : memref<!tpu.dma_semaphore, #tpu.memory_space<semaphore_mem>>) src(%dma_wait3A_966 : memref<200000x16xf32, #tpu.memory_space<hbm>>) dst(%dma_wait3A_960 : memref<128x16xf32, #tpu.memory_space<vmem>>)
      %dma_wait3A_967 = arith.constant 9 : i32
      %dma_wait3A_968 = arith.constant 1152 : i32
      %dma_wait3A_969 = arith.constant 0 : i32
      %dma_wait3A_970 = tpu.memref_slice %arg11[%dma_wait3A_968, %dma_wait3A_969] : memref<1280x16xf32, #tpu.memory_space<vmem>> -> memref<128x16xf32, #tpu.memory_space<vmem>>
      %dma_wait3A_971 = arith.constant 0 : i32
      %dma_wait3A_972 = tpu.memref_slice %arg9[%dma_wait3A_967, %dma_wait3A_971] : memref<10x128xi32, #tpu.memory_space<vmem>> -> memref<1x128xi32, #tpu.memory_space<vmem>>
      %dma_wait3A_973 = tpu.memref_squeeze %dma_wait3A_972 : memref<1x128xi32, #tpu.memory_space<vmem>> -> memref<128xi32, #tpu.memory_space<vmem>>
      %dma_wait3A_974 = arith.constant 0 : i32
      %dma_wait3A_975 = arith.constant 0 : i32
      %dma_wait3A_976 = tpu.memref_slice %arg4[%dma_wait3A_974, %dma_wait3A_975] : memref<200000x16xf32, #tpu.memory_space<hbm>> -> memref<200000x16xf32, #tpu.memory_space<hbm>>
      tpu.wait_indirect_dma semaphore(%arg14 : memref<!tpu.dma_semaphore, #tpu.memory_space<semaphore_mem>>) src(%dma_wait3A_976 : memref<200000x16xf32, #tpu.memory_space<hbm>>) dst(%dma_wait3A_970 : memref<128x16xf32, #tpu.memory_space<vmem>>)
      %run_scoped3A_977 = arith.constant 0 : i32
      "tpu.region"() ({
        %run_scoped3A_992 = tpu.sem_alloc : memref<!tpu.dma_semaphore, #tpu.memory_space<semaphore_mem>>
        %dma_start3A_993 = arith.constant 0 : i32
        %dma_start3A_994 = arith.constant 0 : i32
        %dma_start3A_995 = tpu.memref_slice %arg11[%dma_start3A_993, %dma_start3A_994] : memref<1280x16xf32, #tpu.memory_space<vmem>> -> memref<128x16xf32, #tpu.memory_space<vmem>>
        %dma_start3A_996 = arith.constant 0 : i32
        %dma_start3A_997 = tpu.memref_slice %arg8[%run_scoped3A_977, %dma_start3A_996] : memref<10x128xi32, #tpu.memory_space<vmem>> -> memref<1x128xi32, #tpu.memory_space<vmem>>
        %dma_start3A_998 = tpu.memref_squeeze %dma_start3A_997 : memref<1x128xi32, #tpu.memory_space<vmem>> -> memref<128xi32, #tpu.memory_space<vmem>>
        %dma_start3A_999 = arith.constant 0 : i32
        %dma_start3A_1000 = arith.constant 0 : i32
        %dma_start3A_1001 = tpu.memref_slice %arg16[%dma_start3A_999, %dma_start3A_1000] : memref<51200x16xf32, #tpu.memory_space<vmem_shared>> -> memref<51200x16xf32, #tpu.memory_space<vmem_shared>>
        tpu.enqueue_indirect_dma source(%dma_start3A_995 : memref<128x16xf32, #tpu.memory_space<vmem>>) target(%dma_start3A_1001 : memref<51200x16xf32, #tpu.memory_space<vmem_shared>>) offsets(%dma_start3A_998 : memref<128xi32, #tpu.memory_space<vmem>>) semaphore(%run_scoped3A_992 : memref<!tpu.dma_semaphore, #tpu.memory_space<semaphore_mem>>) {add = true}
        %dma_wait3A_1002 = arith.constant 0 : i32
        %dma_wait3A_1003 = arith.constant 0 : i32
        %dma_wait3A_1004 = tpu.memref_slice %arg11[%dma_wait3A_1002, %dma_wait3A_1003] : memref<1280x16xf32, #tpu.memory_space<vmem>> -> memref<128x16xf32, #tpu.memory_space<vmem>>
        %dma_wait3A_1005 = arith.constant 0 : i32
        %dma_wait3A_1006 = tpu.memref_slice %arg8[%run_scoped3A_977, %dma_wait3A_1005] : memref<10x128xi32, #tpu.memory_space<vmem>> -> memref<1x128xi32, #tpu.memory_space<vmem>>
        %dma_wait3A_1007 = tpu.memref_squeeze %dma_wait3A_1006 : memref<1x128xi32, #tpu.memory_space<vmem>> -> memref<128xi32, #tpu.memory_space<vmem>>
        %dma_wait3A_1008 = arith.constant 0 : i32
        %dma_wait3A_1009 = arith.constant 0 : i32
        %dma_wait3A_1010 = tpu.memref_slice %arg16[%dma_wait3A_1008, %dma_wait3A_1009] : memref<51200x16xf32, #tpu.memory_space<vmem_shared>> -> memref<51200x16xf32, #tpu.memory_space<vmem_shared>>
        tpu.wait_indirect_dma semaphore(%run_scoped3A_992 : memref<!tpu.dma_semaphore, #tpu.memory_space<semaphore_mem>>) src(%dma_wait3A_1004 : memref<128x16xf32, #tpu.memory_space<vmem>>) dst(%dma_wait3A_1010 : memref<51200x16xf32, #tpu.memory_space<vmem_shared>>)
        tpu.yield
      }) : () -> ()
      %run_scoped3A_978 = arith.constant 1 : i32
      "tpu.region"() ({
        %run_scoped3A_992 = tpu.sem_alloc : memref<!tpu.dma_semaphore, #tpu.memory_space<semaphore_mem>>
        %dma_start3A_993 = arith.constant 128 : i32
        %dma_start3A_994 = arith.constant 0 : i32
        %dma_start3A_995 = tpu.memref_slice %arg11[%dma_start3A_993, %dma_start3A_994] : memref<1280x16xf32, #tpu.memory_space<vmem>> -> memref<128x16xf32, #tpu.memory_space<vmem>>
        %dma_start3A_996 = arith.constant 0 : i32
        %dma_start3A_997 = tpu.memref_slice %arg8[%run_scoped3A_978, %dma_start3A_996] : memref<10x128xi32, #tpu.memory_space<vmem>> -> memref<1x128xi32, #tpu.memory_space<vmem>>
        %dma_start3A_998 = tpu.memref_squeeze %dma_start3A_997 : memref<1x128xi32, #tpu.memory_space<vmem>> -> memref<128xi32, #tpu.memory_space<vmem>>
        %dma_start3A_999 = arith.constant 0 : i32
        %dma_start3A_1000 = arith.constant 0 : i32
        %dma_start3A_1001 = tpu.memref_slice %arg16[%dma_start3A_999, %dma_start3A_1000] : memref<51200x16xf32, #tpu.memory_space<vmem_shared>> -> memref<51200x16xf32, #tpu.memory_space<vmem_shared>>
        tpu.enqueue_indirect_dma source(%dma_start3A_995 : memref<128x16xf32, #tpu.memory_space<vmem>>) target(%dma_start3A_1001 : memref<51200x16xf32, #tpu.memory_space<vmem_shared>>) offsets(%dma_start3A_998 : memref<128xi32, #tpu.memory_space<vmem>>) semaphore(%run_scoped3A_992 : memref<!tpu.dma_semaphore, #tpu.memory_space<semaphore_mem>>) {add = true}
        %dma_wait3A_1002 = arith.constant 128 : i32
        %dma_wait3A_1003 = arith.constant 0 : i32
        %dma_wait3A_1004 = tpu.memref_slice %arg11[%dma_wait3A_1002, %dma_wait3A_1003] : memref<1280x16xf32, #tpu.memory_space<vmem>> -> memref<128x16xf32, #tpu.memory_space<vmem>>
        %dma_wait3A_1005 = arith.constant 0 : i32
        %dma_wait3A_1006 = tpu.memref_slice %arg8[%run_scoped3A_978, %dma_wait3A_1005] : memref<10x128xi32, #tpu.memory_space<vmem>> -> memref<1x128xi32, #tpu.memory_space<vmem>>
        %dma_wait3A_1007 = tpu.memref_squeeze %dma_wait3A_1006 : memref<1x128xi32, #tpu.memory_space<vmem>> -> memref<128xi32, #tpu.memory_space<vmem>>
        %dma_wait3A_1008 = arith.constant 0 : i32
        %dma_wait3A_1009 = arith.constant 0 : i32
        %dma_wait3A_1010 = tpu.memref_slice %arg16[%dma_wait3A_1008, %dma_wait3A_1009] : memref<51200x16xf32, #tpu.memory_space<vmem_shared>> -> memref<51200x16xf32, #tpu.memory_space<vmem_shared>>
        tpu.wait_indirect_dma semaphore(%run_scoped3A_992 : memref<!tpu.dma_semaphore, #tpu.memory_space<semaphore_mem>>) src(%dma_wait3A_1004 : memref<128x16xf32, #tpu.memory_space<vmem>>) dst(%dma_wait3A_1010 : memref<51200x16xf32, #tpu.memory_space<vmem_shared>>)
        tpu.yield
      }) : () -> ()
      %run_scoped3A_979 = arith.constant 2 : i32
      "tpu.region"() ({
        %run_scoped3A_992 = tpu.sem_alloc : memref<!tpu.dma_semaphore, #tpu.memory_space<semaphore_mem>>
        %dma_start3A_993 = arith.constant 256 : i32
        %dma_start3A_994 = arith.constant 0 : i32
        %dma_start3A_995 = tpu.memref_slice %arg11[%dma_start3A_993, %dma_start3A_994] : memref<1280x16xf32, #tpu.memory_space<vmem>> -> memref<128x16xf32, #tpu.memory_space<vmem>>
        %dma_start3A_996 = arith.constant 0 : i32
        %dma_start3A_997 = tpu.memref_slice %arg8[%run_scoped3A_979, %dma_start3A_996] : memref<10x128xi32, #tpu.memory_space<vmem>> -> memref<1x128xi32, #tpu.memory_space<vmem>>
        %dma_start3A_998 = tpu.memref_squeeze %dma_start3A_997 : memref<1x128xi32, #tpu.memory_space<vmem>> -> memref<128xi32, #tpu.memory_space<vmem>>
        %dma_start3A_999 = arith.constant 0 : i32
        %dma_start3A_1000 = arith.constant 0 : i32
        %dma_start3A_1001 = tpu.memref_slice %arg16[%dma_start3A_999, %dma_start3A_1000] : memref<51200x16xf32, #tpu.memory_space<vmem_shared>> -> memref<51200x16xf32, #tpu.memory_space<vmem_shared>>
        tpu.enqueue_indirect_dma source(%dma_start3A_995 : memref<128x16xf32, #tpu.memory_space<vmem>>) target(%dma_start3A_1001 : memref<51200x16xf32, #tpu.memory_space<vmem_shared>>) offsets(%dma_start3A_998 : memref<128xi32, #tpu.memory_space<vmem>>) semaphore(%run_scoped3A_992 : memref<!tpu.dma_semaphore, #tpu.memory_space<semaphore_mem>>) {add = true}
        %dma_wait3A_1002 = arith.constant 256 : i32
        %dma_wait3A_1003 = arith.constant 0 : i32
        %dma_wait3A_1004 = tpu.memref_slice %arg11[%dma_wait3A_1002, %dma_wait3A_1003] : memref<1280x16xf32, #tpu.memory_space<vmem>> -> memref<128x16xf32, #tpu.memory_space<vmem>>
        %dma_wait3A_1005 = arith.constant 0 : i32
        %dma_wait3A_1006 = tpu.memref_slice %arg8[%run_scoped3A_979, %dma_wait3A_1005] : memref<10x128xi32, #tpu.memory_space<vmem>> -> memref<1x128xi32, #tpu.memory_space<vmem>>
        %dma_wait3A_1007 = tpu.memref_squeeze %dma_wait3A_1006 : memref<1x128xi32, #tpu.memory_space<vmem>> -> memref<128xi32, #tpu.memory_space<vmem>>
        %dma_wait3A_1008 = arith.constant 0 : i32
        %dma_wait3A_1009 = arith.constant 0 : i32
        %dma_wait3A_1010 = tpu.memref_slice %arg16[%dma_wait3A_1008, %dma_wait3A_1009] : memref<51200x16xf32, #tpu.memory_space<vmem_shared>> -> memref<51200x16xf32, #tpu.memory_space<vmem_shared>>
        tpu.wait_indirect_dma semaphore(%run_scoped3A_992 : memref<!tpu.dma_semaphore, #tpu.memory_space<semaphore_mem>>) src(%dma_wait3A_1004 : memref<128x16xf32, #tpu.memory_space<vmem>>) dst(%dma_wait3A_1010 : memref<51200x16xf32, #tpu.memory_space<vmem_shared>>)
        tpu.yield
      }) : () -> ()
      %run_scoped3A_980 = arith.constant 3 : i32
      "tpu.region"() ({
        %run_scoped3A_992 = tpu.sem_alloc : memref<!tpu.dma_semaphore, #tpu.memory_space<semaphore_mem>>
        %dma_start3A_993 = arith.constant 384 : i32
        %dma_start3A_994 = arith.constant 0 : i32
        %dma_start3A_995 = tpu.memref_slice %arg11[%dma_start3A_993, %dma_start3A_994] : memref<1280x16xf32, #tpu.memory_space<vmem>> -> memref<128x16xf32, #tpu.memory_space<vmem>>
        %dma_start3A_996 = arith.constant 0 : i32
        %dma_start3A_997 = tpu.memref_slice %arg8[%run_scoped3A_980, %dma_start3A_996] : memref<10x128xi32, #tpu.memory_space<vmem>> -> memref<1x128xi32, #tpu.memory_space<vmem>>
        %dma_start3A_998 = tpu.memref_squeeze %dma_start3A_997 : memref<1x128xi32, #tpu.memory_space<vmem>> -> memref<128xi32, #tpu.memory_space<vmem>>
        %dma_start3A_999 = arith.constant 0 : i32
        %dma_start3A_1000 = arith.constant 0 : i32
        %dma_start3A_1001 = tpu.memref_slice %arg16[%dma_start3A_999, %dma_start3A_1000] : memref<51200x16xf32, #tpu.memory_space<vmem_shared>> -> memref<51200x16xf32, #tpu.memory_space<vmem_shared>>
        tpu.enqueue_indirect_dma source(%dma_start3A_995 : memref<128x16xf32, #tpu.memory_space<vmem>>) target(%dma_start3A_1001 : memref<51200x16xf32, #tpu.memory_space<vmem_shared>>) offsets(%dma_start3A_998 : memref<128xi32, #tpu.memory_space<vmem>>) semaphore(%run_scoped3A_992 : memref<!tpu.dma_semaphore, #tpu.memory_space<semaphore_mem>>) {add = true}
        %dma_wait3A_1002 = arith.constant 384 : i32
        %dma_wait3A_1003 = arith.constant 0 : i32
        %dma_wait3A_1004 = tpu.memref_slice %arg11[%dma_wait3A_1002, %dma_wait3A_1003] : memref<1280x16xf32, #tpu.memory_space<vmem>> -> memref<128x16xf32, #tpu.memory_space<vmem>>
        %dma_wait3A_1005 = arith.constant 0 : i32
        %dma_wait3A_1006 = tpu.memref_slice %arg8[%run_scoped3A_980, %dma_wait3A_1005] : memref<10x128xi32, #tpu.memory_space<vmem>> -> memref<1x128xi32, #tpu.memory_space<vmem>>
        %dma_wait3A_1007 = tpu.memref_squeeze %dma_wait3A_1006 : memref<1x128xi32, #tpu.memory_space<vmem>> -> memref<128xi32, #tpu.memory_space<vmem>>
        %dma_wait3A_1008 = arith.constant 0 : i32
        %dma_wait3A_1009 = arith.constant 0 : i32
        %dma_wait3A_1010 = tpu.memref_slice %arg16[%dma_wait3A_1008, %dma_wait3A_1009] : memref<51200x16xf32, #tpu.memory_space<vmem_shared>> -> memref<51200x16xf32, #tpu.memory_space<vmem_shared>>
        tpu.wait_indirect_dma semaphore(%run_scoped3A_992 : memref<!tpu.dma_semaphore, #tpu.memory_space<semaphore_mem>>) src(%dma_wait3A_1004 : memref<128x16xf32, #tpu.memory_space<vmem>>) dst(%dma_wait3A_1010 : memref<51200x16xf32, #tpu.memory_space<vmem_shared>>)
        tpu.yield
      }) : () -> ()
      %run_scoped3A_981 = arith.constant 4 : i32
      "tpu.region"() ({
        %run_scoped3A_992 = tpu.sem_alloc : memref<!tpu.dma_semaphore, #tpu.memory_space<semaphore_mem>>
        %dma_start3A_993 = arith.constant 512 : i32
        %dma_start3A_994 = arith.constant 0 : i32
        %dma_start3A_995 = tpu.memref_slice %arg11[%dma_start3A_993, %dma_start3A_994] : memref<1280x16xf32, #tpu.memory_space<vmem>> -> memref<128x16xf32, #tpu.memory_space<vmem>>
        %dma_start3A_996 = arith.constant 0 : i32
        %dma_start3A_997 = tpu.memref_slice %arg8[%run_scoped3A_981, %dma_start3A_996] : memref<10x128xi32, #tpu.memory_space<vmem>> -> memref<1x128xi32, #tpu.memory_space<vmem>>
        %dma_start3A_998 = tpu.memref_squeeze %dma_start3A_997 : memref<1x128xi32, #tpu.memory_space<vmem>> -> memref<128xi32, #tpu.memory_space<vmem>>
        %dma_start3A_999 = arith.constant 0 : i32
        %dma_start3A_1000 = arith.constant 0 : i32
        %dma_start3A_1001 = tpu.memref_slice %arg16[%dma_start3A_999, %dma_start3A_1000] : memref<51200x16xf32, #tpu.memory_space<vmem_shared>> -> memref<51200x16xf32, #tpu.memory_space<vmem_shared>>
        tpu.enqueue_indirect_dma source(%dma_start3A_995 : memref<128x16xf32, #tpu.memory_space<vmem>>) target(%dma_start3A_1001 : memref<51200x16xf32, #tpu.memory_space<vmem_shared>>) offsets(%dma_start3A_998 : memref<128xi32, #tpu.memory_space<vmem>>) semaphore(%run_scoped3A_992 : memref<!tpu.dma_semaphore, #tpu.memory_space<semaphore_mem>>) {add = true}
        %dma_wait3A_1002 = arith.constant 512 : i32
        %dma_wait3A_1003 = arith.constant 0 : i32
        %dma_wait3A_1004 = tpu.memref_slice %arg11[%dma_wait3A_1002, %dma_wait3A_1003] : memref<1280x16xf32, #tpu.memory_space<vmem>> -> memref<128x16xf32, #tpu.memory_space<vmem>>
        %dma_wait3A_1005 = arith.constant 0 : i32
        %dma_wait3A_1006 = tpu.memref_slice %arg8[%run_scoped3A_981, %dma_wait3A_1005] : memref<10x128xi32, #tpu.memory_space<vmem>> -> memref<1x128xi32, #tpu.memory_space<vmem>>
        %dma_wait3A_1007 = tpu.memref_squeeze %dma_wait3A_1006 : memref<1x128xi32, #tpu.memory_space<vmem>> -> memref<128xi32, #tpu.memory_space<vmem>>
        %dma_wait3A_1008 = arith.constant 0 : i32
        %dma_wait3A_1009 = arith.constant 0 : i32
        %dma_wait3A_1010 = tpu.memref_slice %arg16[%dma_wait3A_1008, %dma_wait3A_1009] : memref<51200x16xf32, #tpu.memory_space<vmem_shared>> -> memref<51200x16xf32, #tpu.memory_space<vmem_shared>>
        tpu.wait_indirect_dma semaphore(%run_scoped3A_992 : memref<!tpu.dma_semaphore, #tpu.memory_space<semaphore_mem>>) src(%dma_wait3A_1004 : memref<128x16xf32, #tpu.memory_space<vmem>>) dst(%dma_wait3A_1010 : memref<51200x16xf32, #tpu.memory_space<vmem_shared>>)
        tpu.yield
      }) : () -> ()
      %run_scoped3A_982 = arith.constant 5 : i32
      "tpu.region"() ({
        %run_scoped3A_992 = tpu.sem_alloc : memref<!tpu.dma_semaphore, #tpu.memory_space<semaphore_mem>>
        %dma_start3A_993 = arith.constant 640 : i32
        %dma_start3A_994 = arith.constant 0 : i32
        %dma_start3A_995 = tpu.memref_slice %arg11[%dma_start3A_993, %dma_start3A_994] : memref<1280x16xf32, #tpu.memory_space<vmem>> -> memref<128x16xf32, #tpu.memory_space<vmem>>
        %dma_start3A_996 = arith.constant 0 : i32
        %dma_start3A_997 = tpu.memref_slice %arg8[%run_scoped3A_982, %dma_start3A_996] : memref<10x128xi32, #tpu.memory_space<vmem>> -> memref<1x128xi32, #tpu.memory_space<vmem>>
        %dma_start3A_998 = tpu.memref_squeeze %dma_start3A_997 : memref<1x128xi32, #tpu.memory_space<vmem>> -> memref<128xi32, #tpu.memory_space<vmem>>
        %dma_start3A_999 = arith.constant 0 : i32
        %dma_start3A_1000 = arith.constant 0 : i32
        %dma_start3A_1001 = tpu.memref_slice %arg16[%dma_start3A_999, %dma_start3A_1000] : memref<51200x16xf32, #tpu.memory_space<vmem_shared>> -> memref<51200x16xf32, #tpu.memory_space<vmem_shared>>
        tpu.enqueue_indirect_dma source(%dma_start3A_995 : memref<128x16xf32, #tpu.memory_space<vmem>>) target(%dma_start3A_1001 : memref<51200x16xf32, #tpu.memory_space<vmem_shared>>) offsets(%dma_start3A_998 : memref<128xi32, #tpu.memory_space<vmem>>) semaphore(%run_scoped3A_992 : memref<!tpu.dma_semaphore, #tpu.memory_space<semaphore_mem>>) {add = true}
        %dma_wait3A_1002 = arith.constant 640 : i32
        %dma_wait3A_1003 = arith.constant 0 : i32
        %dma_wait3A_1004 = tpu.memref_slice %arg11[%dma_wait3A_1002, %dma_wait3A_1003] : memref<1280x16xf32, #tpu.memory_space<vmem>> -> memref<128x16xf32, #tpu.memory_space<vmem>>
        %dma_wait3A_1005 = arith.constant 0 : i32
        %dma_wait3A_1006 = tpu.memref_slice %arg8[%run_scoped3A_982, %dma_wait3A_1005] : memref<10x128xi32, #tpu.memory_space<vmem>> -> memref<1x128xi32, #tpu.memory_space<vmem>>
        %dma_wait3A_1007 = tpu.memref_squeeze %dma_wait3A_1006 : memref<1x128xi32, #tpu.memory_space<vmem>> -> memref<128xi32, #tpu.memory_space<vmem>>
        %dma_wait3A_1008 = arith.constant 0 : i32
        %dma_wait3A_1009 = arith.constant 0 : i32
        %dma_wait3A_1010 = tpu.memref_slice %arg16[%dma_wait3A_1008, %dma_wait3A_1009] : memref<51200x16xf32, #tpu.memory_space<vmem_shared>> -> memref<51200x16xf32, #tpu.memory_space<vmem_shared>>
        tpu.wait_indirect_dma semaphore(%run_scoped3A_992 : memref<!tpu.dma_semaphore, #tpu.memory_space<semaphore_mem>>) src(%dma_wait3A_1004 : memref<128x16xf32, #tpu.memory_space<vmem>>) dst(%dma_wait3A_1010 : memref<51200x16xf32, #tpu.memory_space<vmem_shared>>)
        tpu.yield
      }) : () -> ()
      %run_scoped3A_983 = arith.constant 6 : i32
      "tpu.region"() ({
        %run_scoped3A_992 = tpu.sem_alloc : memref<!tpu.dma_semaphore, #tpu.memory_space<semaphore_mem>>
        %dma_start3A_993 = arith.constant 768 : i32
        %dma_start3A_994 = arith.constant 0 : i32
        %dma_start3A_995 = tpu.memref_slice %arg11[%dma_start3A_993, %dma_start3A_994] : memref<1280x16xf32, #tpu.memory_space<vmem>> -> memref<128x16xf32, #tpu.memory_space<vmem>>
        %dma_start3A_996 = arith.constant 0 : i32
        %dma_start3A_997 = tpu.memref_slice %arg8[%run_scoped3A_983, %dma_start3A_996] : memref<10x128xi32, #tpu.memory_space<vmem>> -> memref<1x128xi32, #tpu.memory_space<vmem>>
        %dma_start3A_998 = tpu.memref_squeeze %dma_start3A_997 : memref<1x128xi32, #tpu.memory_space<vmem>> -> memref<128xi32, #tpu.memory_space<vmem>>
        %dma_start3A_999 = arith.constant 0 : i32
        %dma_start3A_1000 = arith.constant 0 : i32
        %dma_start3A_1001 = tpu.memref_slice %arg16[%dma_start3A_999, %dma_start3A_1000] : memref<51200x16xf32, #tpu.memory_space<vmem_shared>> -> memref<51200x16xf32, #tpu.memory_space<vmem_shared>>
        tpu.enqueue_indirect_dma source(%dma_start3A_995 : memref<128x16xf32, #tpu.memory_space<vmem>>) target(%dma_start3A_1001 : memref<51200x16xf32, #tpu.memory_space<vmem_shared>>) offsets(%dma_start3A_998 : memref<128xi32, #tpu.memory_space<vmem>>) semaphore(%run_scoped3A_992 : memref<!tpu.dma_semaphore, #tpu.memory_space<semaphore_mem>>) {add = true}
        %dma_wait3A_1002 = arith.constant 768 : i32
        %dma_wait3A_1003 = arith.constant 0 : i32
        %dma_wait3A_1004 = tpu.memref_slice %arg11[%dma_wait3A_1002, %dma_wait3A_1003] : memref<1280x16xf32, #tpu.memory_space<vmem>> -> memref<128x16xf32, #tpu.memory_space<vmem>>
        %dma_wait3A_1005 = arith.constant 0 : i32
        %dma_wait3A_1006 = tpu.memref_slice %arg8[%run_scoped3A_983, %dma_wait3A_1005] : memref<10x128xi32, #tpu.memory_space<vmem>> -> memref<1x128xi32, #tpu.memory_space<vmem>>
        %dma_wait3A_1007 = tpu.memref_squeeze %dma_wait3A_1006 : memref<1x128xi32, #tpu.memory_space<vmem>> -> memref<128xi32, #tpu.memory_space<vmem>>
        %dma_wait3A_1008 = arith.constant 0 : i32
        %dma_wait3A_1009 = arith.constant 0 : i32
        %dma_wait3A_1010 = tpu.memref_slice %arg16[%dma_wait3A_1008, %dma_wait3A_1009] : memref<51200x16xf32, #tpu.memory_space<vmem_shared>> -> memref<51200x16xf32, #tpu.memory_space<vmem_shared>>
        tpu.wait_indirect_dma semaphore(%run_scoped3A_992 : memref<!tpu.dma_semaphore, #tpu.memory_space<semaphore_mem>>) src(%dma_wait3A_1004 : memref<128x16xf32, #tpu.memory_space<vmem>>) dst(%dma_wait3A_1010 : memref<51200x16xf32, #tpu.memory_space<vmem_shared>>)
        tpu.yield
      }) : () -> ()
      %run_scoped3A_984 = arith.constant 7 : i32
      "tpu.region"() ({
        %run_scoped3A_992 = tpu.sem_alloc : memref<!tpu.dma_semaphore, #tpu.memory_space<semaphore_mem>>
        %dma_start3A_993 = arith.constant 896 : i32
        %dma_start3A_994 = arith.constant 0 : i32
        %dma_start3A_995 = tpu.memref_slice %arg11[%dma_start3A_993, %dma_start3A_994] : memref<1280x16xf32, #tpu.memory_space<vmem>> -> memref<128x16xf32, #tpu.memory_space<vmem>>
        %dma_start3A_996 = arith.constant 0 : i32
        %dma_start3A_997 = tpu.memref_slice %arg8[%run_scoped3A_984, %dma_start3A_996] : memref<10x128xi32, #tpu.memory_space<vmem>> -> memref<1x128xi32, #tpu.memory_space<vmem>>
        %dma_start3A_998 = tpu.memref_squeeze %dma_start3A_997 : memref<1x128xi32, #tpu.memory_space<vmem>> -> memref<128xi32, #tpu.memory_space<vmem>>
        %dma_start3A_999 = arith.constant 0 : i32
        %dma_start3A_1000 = arith.constant 0 : i32
        %dma_start3A_1001 = tpu.memref_slice %arg16[%dma_start3A_999, %dma_start3A_1000] : memref<51200x16xf32, #tpu.memory_space<vmem_shared>> -> memref<51200x16xf32, #tpu.memory_space<vmem_shared>>
        tpu.enqueue_indirect_dma source(%dma_start3A_995 : memref<128x16xf32, #tpu.memory_space<vmem>>) target(%dma_start3A_1001 : memref<51200x16xf32, #tpu.memory_space<vmem_shared>>) offsets(%dma_start3A_998 : memref<128xi32, #tpu.memory_space<vmem>>) semaphore(%run_scoped3A_992 : memref<!tpu.dma_semaphore, #tpu.memory_space<semaphore_mem>>) {add = true}
        %dma_wait3A_1002 = arith.constant 896 : i32
        %dma_wait3A_1003 = arith.constant 0 : i32
        %dma_wait3A_1004 = tpu.memref_slice %arg11[%dma_wait3A_1002, %dma_wait3A_1003] : memref<1280x16xf32, #tpu.memory_space<vmem>> -> memref<128x16xf32, #tpu.memory_space<vmem>>
        %dma_wait3A_1005 = arith.constant 0 : i32
        %dma_wait3A_1006 = tpu.memref_slice %arg8[%run_scoped3A_984, %dma_wait3A_1005] : memref<10x128xi32, #tpu.memory_space<vmem>> -> memref<1x128xi32, #tpu.memory_space<vmem>>
        %dma_wait3A_1007 = tpu.memref_squeeze %dma_wait3A_1006 : memref<1x128xi32, #tpu.memory_space<vmem>> -> memref<128xi32, #tpu.memory_space<vmem>>
        %dma_wait3A_1008 = arith.constant 0 : i32
        %dma_wait3A_1009 = arith.constant 0 : i32
        %dma_wait3A_1010 = tpu.memref_slice %arg16[%dma_wait3A_1008, %dma_wait3A_1009] : memref<51200x16xf32, #tpu.memory_space<vmem_shared>> -> memref<51200x16xf32, #tpu.memory_space<vmem_shared>>
        tpu.wait_indirect_dma semaphore(%run_scoped3A_992 : memref<!tpu.dma_semaphore, #tpu.memory_space<semaphore_mem>>) src(%dma_wait3A_1004 : memref<128x16xf32, #tpu.memory_space<vmem>>) dst(%dma_wait3A_1010 : memref<51200x16xf32, #tpu.memory_space<vmem_shared>>)
        tpu.yield
      }) : () -> ()
      %run_scoped3A_985 = arith.constant 8 : i32
      "tpu.region"() ({
        %run_scoped3A_992 = tpu.sem_alloc : memref<!tpu.dma_semaphore, #tpu.memory_space<semaphore_mem>>
        %dma_start3A_993 = arith.constant 1024 : i32
        %dma_start3A_994 = arith.constant 0 : i32
        %dma_start3A_995 = tpu.memref_slice %arg11[%dma_start3A_993, %dma_start3A_994] : memref<1280x16xf32, #tpu.memory_space<vmem>> -> memref<128x16xf32, #tpu.memory_space<vmem>>
        %dma_start3A_996 = arith.constant 0 : i32
        %dma_start3A_997 = tpu.memref_slice %arg8[%run_scoped3A_985, %dma_start3A_996] : memref<10x128xi32, #tpu.memory_space<vmem>> -> memref<1x128xi32, #tpu.memory_space<vmem>>
        %dma_start3A_998 = tpu.memref_squeeze %dma_start3A_997 : memref<1x128xi32, #tpu.memory_space<vmem>> -> memref<128xi32, #tpu.memory_space<vmem>>
        %dma_start3A_999 = arith.constant 0 : i32
        %dma_start3A_1000 = arith.constant 0 : i32
        %dma_start3A_1001 = tpu.memref_slice %arg16[%dma_start3A_999, %dma_start3A_1000] : memref<51200x16xf32, #tpu.memory_space<vmem_shared>> -> memref<51200x16xf32, #tpu.memory_space<vmem_shared>>
        tpu.enqueue_indirect_dma source(%dma_start3A_995 : memref<128x16xf32, #tpu.memory_space<vmem>>) target(%dma_start3A_1001 : memref<51200x16xf32, #tpu.memory_space<vmem_shared>>) offsets(%dma_start3A_998 : memref<128xi32, #tpu.memory_space<vmem>>) semaphore(%run_scoped3A_992 : memref<!tpu.dma_semaphore, #tpu.memory_space<semaphore_mem>>) {add = true}
        %dma_wait3A_1002 = arith.constant 1024 : i32
        %dma_wait3A_1003 = arith.constant 0 : i32
        %dma_wait3A_1004 = tpu.memref_slice %arg11[%dma_wait3A_1002, %dma_wait3A_1003] : memref<1280x16xf32, #tpu.memory_space<vmem>> -> memref<128x16xf32, #tpu.memory_space<vmem>>
        %dma_wait3A_1005 = arith.constant 0 : i32
        %dma_wait3A_1006 = tpu.memref_slice %arg8[%run_scoped3A_985, %dma_wait3A_1005] : memref<10x128xi32, #tpu.memory_space<vmem>> -> memref<1x128xi32, #tpu.memory_space<vmem>>
        %dma_wait3A_1007 = tpu.memref_squeeze %dma_wait3A_1006 : memref<1x128xi32, #tpu.memory_space<vmem>> -> memref<128xi32, #tpu.memory_space<vmem>>
        %dma_wait3A_1008 = arith.constant 0 : i32
        %dma_wait3A_1009 = arith.constant 0 : i32
        %dma_wait3A_1010 = tpu.memref_slice %arg16[%dma_wait3A_1008, %dma_wait3A_1009] : memref<51200x16xf32, #tpu.memory_space<vmem_shared>> -> memref<51200x16xf32, #tpu.memory_space<vmem_shared>>
        tpu.wait_indirect_dma semaphore(%run_scoped3A_992 : memref<!tpu.dma_semaphore, #tpu.memory_space<semaphore_mem>>) src(%dma_wait3A_1004 : memref<128x16xf32, #tpu.memory_space<vmem>>) dst(%dma_wait3A_1010 : memref<51200x16xf32, #tpu.memory_space<vmem_shared>>)
        tpu.yield
      }) : () -> ()
      %run_scoped3A_986 = arith.constant 9 : i32
      "tpu.region"() ({
        %run_scoped3A_992 = tpu.sem_alloc : memref<!tpu.dma_semaphore, #tpu.memory_space<semaphore_mem>>
        %dma_start3A_993 = arith.constant 1152 : i32
        %dma_start3A_994 = arith.constant 0 : i32
        %dma_start3A_995 = tpu.memref_slice %arg11[%dma_start3A_993, %dma_start3A_994] : memref<1280x16xf32, #tpu.memory_space<vmem>> -> memref<128x16xf32, #tpu.memory_space<vmem>>
        %dma_start3A_996 = arith.constant 0 : i32
        %dma_start3A_997 = tpu.memref_slice %arg8[%run_scoped3A_986, %dma_start3A_996] : memref<10x128xi32, #tpu.memory_space<vmem>> -> memref<1x128xi32, #tpu.memory_space<vmem>>
        %dma_start3A_998 = tpu.memref_squeeze %dma_start3A_997 : memref<1x128xi32, #tpu.memory_space<vmem>> -> memref<128xi32, #tpu.memory_space<vmem>>
        %dma_start3A_999 = arith.constant 0 : i32
        %dma_start3A_1000 = arith.constant 0 : i32
        %dma_start3A_1001 = tpu.memref_slice %arg16[%dma_start3A_999, %dma_start3A_1000] : memref<51200x16xf32, #tpu.memory_space<vmem_shared>> -> memref<51200x16xf32, #tpu.memory_space<vmem_shared>>
        tpu.enqueue_indirect_dma source(%dma_start3A_995 : memref<128x16xf32, #tpu.memory_space<vmem>>) target(%dma_start3A_1001 : memref<51200x16xf32, #tpu.memory_space<vmem_shared>>) offsets(%dma_start3A_998 : memref<128xi32, #tpu.memory_space<vmem>>) semaphore(%run_scoped3A_992 : memref<!tpu.dma_semaphore, #tpu.memory_space<semaphore_mem>>) {add = true}
        %dma_wait3A_1002 = arith.constant 1152 : i32
        %dma_wait3A_1003 = arith.constant 0 : i32
        %dma_wait3A_1004 = tpu.memref_slice %arg11[%dma_wait3A_1002, %dma_wait3A_1003] : memref<1280x16xf32, #tpu.memory_space<vmem>> -> memref<128x16xf32, #tpu.memory_space<vmem>>
        %dma_wait3A_1005 = arith.constant 0 : i32
        %dma_wait3A_1006 = tpu.memref_slice %arg8[%run_scoped3A_986, %dma_wait3A_1005] : memref<10x128xi32, #tpu.memory_space<vmem>> -> memref<1x128xi32, #tpu.memory_space<vmem>>
        %dma_wait3A_1007 = tpu.memref_squeeze %dma_wait3A_1006 : memref<1x128xi32, #tpu.memory_space<vmem>> -> memref<128xi32, #tpu.memory_space<vmem>>
        %dma_wait3A_1008 = arith.constant 0 : i32
        %dma_wait3A_1009 = arith.constant 0 : i32
        %dma_wait3A_1010 = tpu.memref_slice %arg16[%dma_wait3A_1008, %dma_wait3A_1009] : memref<51200x16xf32, #tpu.memory_space<vmem_shared>> -> memref<51200x16xf32, #tpu.memory_space<vmem_shared>>
        tpu.wait_indirect_dma semaphore(%run_scoped3A_992 : memref<!tpu.dma_semaphore, #tpu.memory_space<semaphore_mem>>) src(%dma_wait3A_1004 : memref<128x16xf32, #tpu.memory_space<vmem>>) dst(%dma_wait3A_1010 : memref<51200x16xf32, #tpu.memory_space<vmem_shared>>)
        tpu.yield
      }) : () -> ()
      %add3A_987 = arith.constant 3 : i32
      %add3A_988 = arith.addi %mul3A_561, %add3A_987 : i32
      %mul3A_989 = arith.constant 10 : i32
      %mul3A_990 = arith.muli %add3A_988, %mul3A_989 : i32
      %add3A_991 = arith.addi %select_n3A_8, %mul3A_990 : i32
      "tpu.region"() ({
        %run_scoped3A_992 = tpu.sem_alloc : memref<!tpu.dma_semaphore, #tpu.memory_space<semaphore_mem>>
        %dma_start3A_993 = arith.constant 0 : i32
        %dma_start3A_994 = tpu.memref_slice %arg2[%add3A_991, %dma_start3A_993] : memref<6400x128xi32, #tpu.memory_space<hbm>> -> memref<10x128xi32, #tpu.memory_space<hbm>>
        %dma_start3A_995 = arith.constant 0 : i32
        %dma_start3A_996 = tpu.memref_slice %arg2[%add3A_991, %dma_start3A_995] : memref<6400x128xi32, #tpu.memory_space<hbm>> -> memref<10x128xi32, #tpu.memory_space<hbm>>
        tpu.enqueue_dma source(%dma_start3A_996 : memref<10x128xi32, #tpu.memory_space<hbm>>) target(%arg8 : memref<10x128xi32, #tpu.memory_space<vmem>>) target_semaphore(%run_scoped3A_992 : memref<!tpu.dma_semaphore, #tpu.memory_space<semaphore_mem>>)
        %dma_wait3A_997 = arith.constant 0 : i32
        %dma_wait3A_998 = tpu.memref_slice %arg2[%add3A_991, %dma_wait3A_997] : memref<6400x128xi32, #tpu.memory_space<hbm>> -> memref<10x128xi32, #tpu.memory_space<hbm>>
        %dma_wait3A_999 = arith.constant 0 : i32
        %dma_wait3A_1000 = tpu.memref_slice %arg2[%add3A_991, %dma_wait3A_999] : memref<6400x128xi32, #tpu.memory_space<hbm>> -> memref<10x128xi32, #tpu.memory_space<hbm>>
        tpu.wait_dma2 semaphore(%run_scoped3A_992 : memref<!tpu.dma_semaphore, #tpu.memory_space<semaphore_mem>>) src(%dma_wait3A_1000 : memref<10x128xi32, #tpu.memory_space<hbm>>) dst(%arg8 : memref<10x128xi32, #tpu.memory_space<vmem>>)
        tpu.yield
      }) : () -> ()
      "tpu.region"() ({
        %run_scoped3A_992 = tpu.sem_alloc : memref<!tpu.dma_semaphore, #tpu.memory_space<semaphore_mem>>
        %dma_start3A_993 = arith.constant 0 : i32
        %dma_start3A_994 = tpu.memref_slice %arg3[%add3A_991, %dma_start3A_993] : memref<6400x128xi32, #tpu.memory_space<hbm>> -> memref<10x128xi32, #tpu.memory_space<hbm>>
        %dma_start3A_995 = arith.constant 0 : i32
        %dma_start3A_996 = tpu.memref_slice %arg3[%add3A_991, %dma_start3A_995] : memref<6400x128xi32, #tpu.memory_space<hbm>> -> memref<10x128xi32, #tpu.memory_space<hbm>>
        tpu.enqueue_dma source(%dma_start3A_996 : memref<10x128xi32, #tpu.memory_space<hbm>>) target(%arg9 : memref<10x128xi32, #tpu.memory_space<vmem>>) target_semaphore(%run_scoped3A_992 : memref<!tpu.dma_semaphore, #tpu.memory_space<semaphore_mem>>)
        %dma_wait3A_997 = arith.constant 0 : i32
        %dma_wait3A_998 = tpu.memref_slice %arg3[%add3A_991, %dma_wait3A_997] : memref<6400x128xi32, #tpu.memory_space<hbm>> -> memref<10x128xi32, #tpu.memory_space<hbm>>
        %dma_wait3A_999 = arith.constant 0 : i32
        %dma_wait3A_1000 = tpu.memref_slice %arg3[%add3A_991, %dma_wait3A_999] : memref<6400x128xi32, #tpu.memory_space<hbm>> -> memref<10x128xi32, #tpu.memory_space<hbm>>
        tpu.wait_dma2 semaphore(%run_scoped3A_992 : memref<!tpu.dma_semaphore, #tpu.memory_space<semaphore_mem>>) src(%dma_wait3A_1000 : memref<10x128xi32, #tpu.memory_space<hbm>>) dst(%arg9 : memref<10x128xi32, #tpu.memory_space<vmem>>)
        tpu.yield
      }) : () -> ()
    }
    %dma_start3A_233 = arith.constant 0 : i32
    %dma_start3A_234 = arith.constant 0 : i32
    %dma_start3A_235 = arith.constant 0 : i32
    %dma_start3A_236 = tpu.memref_slice %arg11[%dma_start3A_234, %dma_start3A_235] : memref<1280x16xf32, #tpu.memory_space<vmem>> -> memref<128x16xf32, #tpu.memory_space<vmem>>
    %dma_start3A_237 = arith.constant 0 : i32
    %dma_start3A_238 = tpu.memref_slice %arg9[%dma_start3A_233, %dma_start3A_237] : memref<10x128xi32, #tpu.memory_space<vmem>> -> memref<1x128xi32, #tpu.memory_space<vmem>>
    %dma_start3A_239 = tpu.memref_squeeze %dma_start3A_238 : memref<1x128xi32, #tpu.memory_space<vmem>> -> memref<128xi32, #tpu.memory_space<vmem>>
    %dma_start3A_240 = arith.constant 0 : i32
    %dma_start3A_241 = arith.constant 0 : i32
    %dma_start3A_242 = tpu.memref_slice %arg4[%dma_start3A_240, %dma_start3A_241] : memref<200000x16xf32, #tpu.memory_space<hbm>> -> memref<200000x16xf32, #tpu.memory_space<hbm>>
    tpu.enqueue_indirect_dma source(%dma_start3A_242 : memref<200000x16xf32, #tpu.memory_space<hbm>>) target(%dma_start3A_236 : memref<128x16xf32, #tpu.memory_space<vmem>>) offsets(%dma_start3A_239 : memref<128xi32, #tpu.memory_space<vmem>>) semaphore(%arg14 : memref<!tpu.dma_semaphore, #tpu.memory_space<semaphore_mem>>)
    %dma_start3A_243 = arith.constant 1 : i32
    %dma_start3A_244 = arith.constant 128 : i32
    %dma_start3A_245 = arith.constant 0 : i32
    %dma_start3A_246 = tpu.memref_slice %arg11[%dma_start3A_244, %dma_start3A_245] : memref<1280x16xf32, #tpu.memory_space<vmem>> -> memref<128x16xf32, #tpu.memory_space<vmem>>
    %dma_start3A_247 = arith.constant 0 : i32
    %dma_start3A_248 = tpu.memref_slice %arg9[%dma_start3A_243, %dma_start3A_247] : memref<10x128xi32, #tpu.memory_space<vmem>> -> memref<1x128xi32, #tpu.memory_space<vmem>>
    %dma_start3A_249 = tpu.memref_squeeze %dma_start3A_248 : memref<1x128xi32, #tpu.memory_space<vmem>> -> memref<128xi32, #tpu.memory_space<vmem>>
    %dma_start3A_250 = arith.constant 0 : i32
    %dma_start3A_251 = arith.constant 0 : i32
    %dma_start3A_252 = tpu.memref_slice %arg4[%dma_start3A_250, %dma_start3A_251] : memref<200000x16xf32, #tpu.memory_space<hbm>> -> memref<200000x16xf32, #tpu.memory_space<hbm>>
    tpu.enqueue_indirect_dma source(%dma_start3A_252 : memref<200000x16xf32, #tpu.memory_space<hbm>>) target(%dma_start3A_246 : memref<128x16xf32, #tpu.memory_space<vmem>>) offsets(%dma_start3A_249 : memref<128xi32, #tpu.memory_space<vmem>>) semaphore(%arg14 : memref<!tpu.dma_semaphore, #tpu.memory_space<semaphore_mem>>)
    %dma_start3A_253 = arith.constant 2 : i32
    %dma_start3A_254 = arith.constant 256 : i32
    %dma_start3A_255 = arith.constant 0 : i32
    %dma_start3A_256 = tpu.memref_slice %arg11[%dma_start3A_254, %dma_start3A_255] : memref<1280x16xf32, #tpu.memory_space<vmem>> -> memref<128x16xf32, #tpu.memory_space<vmem>>
    %dma_start3A_257 = arith.constant 0 : i32
    %dma_start3A_258 = tpu.memref_slice %arg9[%dma_start3A_253, %dma_start3A_257] : memref<10x128xi32, #tpu.memory_space<vmem>> -> memref<1x128xi32, #tpu.memory_space<vmem>>
    %dma_start3A_259 = tpu.memref_squeeze %dma_start3A_258 : memref<1x128xi32, #tpu.memory_space<vmem>> -> memref<128xi32, #tpu.memory_space<vmem>>
    %dma_start3A_260 = arith.constant 0 : i32
    %dma_start3A_261 = arith.constant 0 : i32
    %dma_start3A_262 = tpu.memref_slice %arg4[%dma_start3A_260, %dma_start3A_261] : memref<200000x16xf32, #tpu.memory_space<hbm>> -> memref<200000x16xf32, #tpu.memory_space<hbm>>
    tpu.enqueue_indirect_dma source(%dma_start3A_262 : memref<200000x16xf32, #tpu.memory_space<hbm>>) target(%dma_start3A_256 : memref<128x16xf32, #tpu.memory_space<vmem>>) offsets(%dma_start3A_259 : memref<128xi32, #tpu.memory_space<vmem>>) semaphore(%arg14 : memref<!tpu.dma_semaphore, #tpu.memory_space<semaphore_mem>>)
    %dma_start3A_263 = arith.constant 3 : i32
    %dma_start3A_264 = arith.constant 384 : i32
    %dma_start3A_265 = arith.constant 0 : i32
    %dma_start3A_266 = tpu.memref_slice %arg11[%dma_start3A_264, %dma_start3A_265] : memref<1280x16xf32, #tpu.memory_space<vmem>> -> memref<128x16xf32, #tpu.memory_space<vmem>>
    %dma_start3A_267 = arith.constant 0 : i32
    %dma_start3A_268 = tpu.memref_slice %arg9[%dma_start3A_263, %dma_start3A_267] : memref<10x128xi32, #tpu.memory_space<vmem>> -> memref<1x128xi32, #tpu.memory_space<vmem>>
    %dma_start3A_269 = tpu.memref_squeeze %dma_start3A_268 : memref<1x128xi32, #tpu.memory_space<vmem>> -> memref<128xi32, #tpu.memory_space<vmem>>
    %dma_start3A_270 = arith.constant 0 : i32
    %dma_start3A_271 = arith.constant 0 : i32
    %dma_start3A_272 = tpu.memref_slice %arg4[%dma_start3A_270, %dma_start3A_271] : memref<200000x16xf32, #tpu.memory_space<hbm>> -> memref<200000x16xf32, #tpu.memory_space<hbm>>
    tpu.enqueue_indirect_dma source(%dma_start3A_272 : memref<200000x16xf32, #tpu.memory_space<hbm>>) target(%dma_start3A_266 : memref<128x16xf32, #tpu.memory_space<vmem>>) offsets(%dma_start3A_269 : memref<128xi32, #tpu.memory_space<vmem>>) semaphore(%arg14 : memref<!tpu.dma_semaphore, #tpu.memory_space<semaphore_mem>>)
    %dma_start3A_273 = arith.constant 4 : i32
    %dma_start3A_274 = arith.constant 512 : i32
    %dma_start3A_275 = arith.constant 0 : i32
    %dma_start3A_276 = tpu.memref_slice %arg11[%dma_start3A_274, %dma_start3A_275] : memref<1280x16xf32, #tpu.memory_space<vmem>> -> memref<128x16xf32, #tpu.memory_space<vmem>>
    %dma_start3A_277 = arith.constant 0 : i32
    %dma_start3A_278 = tpu.memref_slice %arg9[%dma_start3A_273, %dma_start3A_277] : memref<10x128xi32, #tpu.memory_space<vmem>> -> memref<1x128xi32, #tpu.memory_space<vmem>>
    %dma_start3A_279 = tpu.memref_squeeze %dma_start3A_278 : memref<1x128xi32, #tpu.memory_space<vmem>> -> memref<128xi32, #tpu.memory_space<vmem>>
    %dma_start3A_280 = arith.constant 0 : i32
    %dma_start3A_281 = arith.constant 0 : i32
    %dma_start3A_282 = tpu.memref_slice %arg4[%dma_start3A_280, %dma_start3A_281] : memref<200000x16xf32, #tpu.memory_space<hbm>> -> memref<200000x16xf32, #tpu.memory_space<hbm>>
    tpu.enqueue_indirect_dma source(%dma_start3A_282 : memref<200000x16xf32, #tpu.memory_space<hbm>>) target(%dma_start3A_276 : memref<128x16xf32, #tpu.memory_space<vmem>>) offsets(%dma_start3A_279 : memref<128xi32, #tpu.memory_space<vmem>>) semaphore(%arg14 : memref<!tpu.dma_semaphore, #tpu.memory_space<semaphore_mem>>)
    %dma_start3A_283 = arith.constant 5 : i32
    %dma_start3A_284 = arith.constant 640 : i32
    %dma_start3A_285 = arith.constant 0 : i32
    %dma_start3A_286 = tpu.memref_slice %arg11[%dma_start3A_284, %dma_start3A_285] : memref<1280x16xf32, #tpu.memory_space<vmem>> -> memref<128x16xf32, #tpu.memory_space<vmem>>
    %dma_start3A_287 = arith.constant 0 : i32
    %dma_start3A_288 = tpu.memref_slice %arg9[%dma_start3A_283, %dma_start3A_287] : memref<10x128xi32, #tpu.memory_space<vmem>> -> memref<1x128xi32, #tpu.memory_space<vmem>>
    %dma_start3A_289 = tpu.memref_squeeze %dma_start3A_288 : memref<1x128xi32, #tpu.memory_space<vmem>> -> memref<128xi32, #tpu.memory_space<vmem>>
    %dma_start3A_290 = arith.constant 0 : i32
    %dma_start3A_291 = arith.constant 0 : i32
    %dma_start3A_292 = tpu.memref_slice %arg4[%dma_start3A_290, %dma_start3A_291] : memref<200000x16xf32, #tpu.memory_space<hbm>> -> memref<200000x16xf32, #tpu.memory_space<hbm>>
    tpu.enqueue_indirect_dma source(%dma_start3A_292 : memref<200000x16xf32, #tpu.memory_space<hbm>>) target(%dma_start3A_286 : memref<128x16xf32, #tpu.memory_space<vmem>>) offsets(%dma_start3A_289 : memref<128xi32, #tpu.memory_space<vmem>>) semaphore(%arg14 : memref<!tpu.dma_semaphore, #tpu.memory_space<semaphore_mem>>)
    %dma_start3A_293 = arith.constant 6 : i32
    %dma_start3A_294 = arith.constant 768 : i32
    %dma_start3A_295 = arith.constant 0 : i32
    %dma_start3A_296 = tpu.memref_slice %arg11[%dma_start3A_294, %dma_start3A_295] : memref<1280x16xf32, #tpu.memory_space<vmem>> -> memref<128x16xf32, #tpu.memory_space<vmem>>
    %dma_start3A_297 = arith.constant 0 : i32
    %dma_start3A_298 = tpu.memref_slice %arg9[%dma_start3A_293, %dma_start3A_297] : memref<10x128xi32, #tpu.memory_space<vmem>> -> memref<1x128xi32, #tpu.memory_space<vmem>>
    %dma_start3A_299 = tpu.memref_squeeze %dma_start3A_298 : memref<1x128xi32, #tpu.memory_space<vmem>> -> memref<128xi32, #tpu.memory_space<vmem>>
    %dma_start3A_300 = arith.constant 0 : i32
    %dma_start3A_301 = arith.constant 0 : i32
    %dma_start3A_302 = tpu.memref_slice %arg4[%dma_start3A_300, %dma_start3A_301] : memref<200000x16xf32, #tpu.memory_space<hbm>> -> memref<200000x16xf32, #tpu.memory_space<hbm>>
    tpu.enqueue_indirect_dma source(%dma_start3A_302 : memref<200000x16xf32, #tpu.memory_space<hbm>>) target(%dma_start3A_296 : memref<128x16xf32, #tpu.memory_space<vmem>>) offsets(%dma_start3A_299 : memref<128xi32, #tpu.memory_space<vmem>>) semaphore(%arg14 : memref<!tpu.dma_semaphore, #tpu.memory_space<semaphore_mem>>)
    %dma_start3A_303 = arith.constant 7 : i32
    %dma_start3A_304 = arith.constant 896 : i32
    %dma_start3A_305 = arith.constant 0 : i32
    %dma_start3A_306 = tpu.memref_slice %arg11[%dma_start3A_304, %dma_start3A_305] : memref<1280x16xf32, #tpu.memory_space<vmem>> -> memref<128x16xf32, #tpu.memory_space<vmem>>
    %dma_start3A_307 = arith.constant 0 : i32
    %dma_start3A_308 = tpu.memref_slice %arg9[%dma_start3A_303, %dma_start3A_307] : memref<10x128xi32, #tpu.memory_space<vmem>> -> memref<1x128xi32, #tpu.memory_space<vmem>>
    %dma_start3A_309 = tpu.memref_squeeze %dma_start3A_308 : memref<1x128xi32, #tpu.memory_space<vmem>> -> memref<128xi32, #tpu.memory_space<vmem>>
    %dma_start3A_310 = arith.constant 0 : i32
    %dma_start3A_311 = arith.constant 0 : i32
    %dma_start3A_312 = tpu.memref_slice %arg4[%dma_start3A_310, %dma_start3A_311] : memref<200000x16xf32, #tpu.memory_space<hbm>> -> memref<200000x16xf32, #tpu.memory_space<hbm>>
    tpu.enqueue_indirect_dma source(%dma_start3A_312 : memref<200000x16xf32, #tpu.memory_space<hbm>>) target(%dma_start3A_306 : memref<128x16xf32, #tpu.memory_space<vmem>>) offsets(%dma_start3A_309 : memref<128xi32, #tpu.memory_space<vmem>>) semaphore(%arg14 : memref<!tpu.dma_semaphore, #tpu.memory_space<semaphore_mem>>)
    %dma_start3A_313 = arith.constant 8 : i32
    %dma_start3A_314 = arith.constant 1024 : i32
    %dma_start3A_315 = arith.constant 0 : i32
    %dma_start3A_316 = tpu.memref_slice %arg11[%dma_start3A_314, %dma_start3A_315] : memref<1280x16xf32, #tpu.memory_space<vmem>> -> memref<128x16xf32, #tpu.memory_space<vmem>>
    %dma_start3A_317 = arith.constant 0 : i32
    %dma_start3A_318 = tpu.memref_slice %arg9[%dma_start3A_313, %dma_start3A_317] : memref<10x128xi32, #tpu.memory_space<vmem>> -> memref<1x128xi32, #tpu.memory_space<vmem>>
    %dma_start3A_319 = tpu.memref_squeeze %dma_start3A_318 : memref<1x128xi32, #tpu.memory_space<vmem>> -> memref<128xi32, #tpu.memory_space<vmem>>
    %dma_start3A_320 = arith.constant 0 : i32
    %dma_start3A_321 = arith.constant 0 : i32
    %dma_start3A_322 = tpu.memref_slice %arg4[%dma_start3A_320, %dma_start3A_321] : memref<200000x16xf32, #tpu.memory_space<hbm>> -> memref<200000x16xf32, #tpu.memory_space<hbm>>
    tpu.enqueue_indirect_dma source(%dma_start3A_322 : memref<200000x16xf32, #tpu.memory_space<hbm>>) target(%dma_start3A_316 : memref<128x16xf32, #tpu.memory_space<vmem>>) offsets(%dma_start3A_319 : memref<128xi32, #tpu.memory_space<vmem>>) semaphore(%arg14 : memref<!tpu.dma_semaphore, #tpu.memory_space<semaphore_mem>>)
    %dma_start3A_323 = arith.constant 9 : i32
    %dma_start3A_324 = arith.constant 1152 : i32
    %dma_start3A_325 = arith.constant 0 : i32
    %dma_start3A_326 = tpu.memref_slice %arg11[%dma_start3A_324, %dma_start3A_325] : memref<1280x16xf32, #tpu.memory_space<vmem>> -> memref<128x16xf32, #tpu.memory_space<vmem>>
    %dma_start3A_327 = arith.constant 0 : i32
    %dma_start3A_328 = tpu.memref_slice %arg9[%dma_start3A_323, %dma_start3A_327] : memref<10x128xi32, #tpu.memory_space<vmem>> -> memref<1x128xi32, #tpu.memory_space<vmem>>
    %dma_start3A_329 = tpu.memref_squeeze %dma_start3A_328 : memref<1x128xi32, #tpu.memory_space<vmem>> -> memref<128xi32, #tpu.memory_space<vmem>>
    %dma_start3A_330 = arith.constant 0 : i32
    %dma_start3A_331 = arith.constant 0 : i32
    %dma_start3A_332 = tpu.memref_slice %arg4[%dma_start3A_330, %dma_start3A_331] : memref<200000x16xf32, #tpu.memory_space<hbm>> -> memref<200000x16xf32, #tpu.memory_space<hbm>>
    tpu.enqueue_indirect_dma source(%dma_start3A_332 : memref<200000x16xf32, #tpu.memory_space<hbm>>) target(%dma_start3A_326 : memref<128x16xf32, #tpu.memory_space<vmem>>) offsets(%dma_start3A_329 : memref<128xi32, #tpu.memory_space<vmem>>) semaphore(%arg14 : memref<!tpu.dma_semaphore, #tpu.memory_space<semaphore_mem>>)
    %dma_wait3A_333 = arith.constant 0 : i32
    %dma_wait3A_334 = arith.constant 0 : i32
    %dma_wait3A_335 = arith.constant 0 : i32
    %dma_wait3A_336 = tpu.memref_slice %arg10[%dma_wait3A_334, %dma_wait3A_335] : memref<1280x16xf32, #tpu.memory_space<vmem>> -> memref<128x16xf32, #tpu.memory_space<vmem>>
    %dma_wait3A_337 = arith.constant 0 : i32
    %dma_wait3A_338 = tpu.memref_slice %arg7[%dma_wait3A_333, %dma_wait3A_337] : memref<10x128xi32, #tpu.memory_space<vmem>> -> memref<1x128xi32, #tpu.memory_space<vmem>>
    %dma_wait3A_339 = tpu.memref_squeeze %dma_wait3A_338 : memref<1x128xi32, #tpu.memory_space<vmem>> -> memref<128xi32, #tpu.memory_space<vmem>>
    %dma_wait3A_340 = arith.constant 0 : i32
    %dma_wait3A_341 = arith.constant 0 : i32
    %dma_wait3A_342 = tpu.memref_slice %arg4[%dma_wait3A_340, %dma_wait3A_341] : memref<200000x16xf32, #tpu.memory_space<hbm>> -> memref<200000x16xf32, #tpu.memory_space<hbm>>
    tpu.wait_indirect_dma semaphore(%arg13 : memref<!tpu.dma_semaphore, #tpu.memory_space<semaphore_mem>>) src(%dma_wait3A_342 : memref<200000x16xf32, #tpu.memory_space<hbm>>) dst(%dma_wait3A_336 : memref<128x16xf32, #tpu.memory_space<vmem>>)
    %dma_wait3A_343 = arith.constant 1 : i32
    %dma_wait3A_344 = arith.constant 128 : i32
    %dma_wait3A_345 = arith.constant 0 : i32
    %dma_wait3A_346 = tpu.memref_slice %arg10[%dma_wait3A_344, %dma_wait3A_345] : memref<1280x16xf32, #tpu.memory_space<vmem>> -> memref<128x16xf32, #tpu.memory_space<vmem>>
    %dma_wait3A_347 = arith.constant 0 : i32
    %dma_wait3A_348 = tpu.memref_slice %arg7[%dma_wait3A_343, %dma_wait3A_347] : memref<10x128xi32, #tpu.memory_space<vmem>> -> memref<1x128xi32, #tpu.memory_space<vmem>>
    %dma_wait3A_349 = tpu.memref_squeeze %dma_wait3A_348 : memref<1x128xi32, #tpu.memory_space<vmem>> -> memref<128xi32, #tpu.memory_space<vmem>>
    %dma_wait3A_350 = arith.constant 0 : i32
    %dma_wait3A_351 = arith.constant 0 : i32
    %dma_wait3A_352 = tpu.memref_slice %arg4[%dma_wait3A_350, %dma_wait3A_351] : memref<200000x16xf32, #tpu.memory_space<hbm>> -> memref<200000x16xf32, #tpu.memory_space<hbm>>
    tpu.wait_indirect_dma semaphore(%arg13 : memref<!tpu.dma_semaphore, #tpu.memory_space<semaphore_mem>>) src(%dma_wait3A_352 : memref<200000x16xf32, #tpu.memory_space<hbm>>) dst(%dma_wait3A_346 : memref<128x16xf32, #tpu.memory_space<vmem>>)
    %dma_wait3A_353 = arith.constant 2 : i32
    %dma_wait3A_354 = arith.constant 256 : i32
    %dma_wait3A_355 = arith.constant 0 : i32
    %dma_wait3A_356 = tpu.memref_slice %arg10[%dma_wait3A_354, %dma_wait3A_355] : memref<1280x16xf32, #tpu.memory_space<vmem>> -> memref<128x16xf32, #tpu.memory_space<vmem>>
    %dma_wait3A_357 = arith.constant 0 : i32
    %dma_wait3A_358 = tpu.memref_slice %arg7[%dma_wait3A_353, %dma_wait3A_357] : memref<10x128xi32, #tpu.memory_space<vmem>> -> memref<1x128xi32, #tpu.memory_space<vmem>>
    %dma_wait3A_359 = tpu.memref_squeeze %dma_wait3A_358 : memref<1x128xi32, #tpu.memory_space<vmem>> -> memref<128xi32, #tpu.memory_space<vmem>>
    %dma_wait3A_360 = arith.constant 0 : i32
    %dma_wait3A_361 = arith.constant 0 : i32
    %dma_wait3A_362 = tpu.memref_slice %arg4[%dma_wait3A_360, %dma_wait3A_361] : memref<200000x16xf32, #tpu.memory_space<hbm>> -> memref<200000x16xf32, #tpu.memory_space<hbm>>
    tpu.wait_indirect_dma semaphore(%arg13 : memref<!tpu.dma_semaphore, #tpu.memory_space<semaphore_mem>>) src(%dma_wait3A_362 : memref<200000x16xf32, #tpu.memory_space<hbm>>) dst(%dma_wait3A_356 : memref<128x16xf32, #tpu.memory_space<vmem>>)
    %dma_wait3A_363 = arith.constant 3 : i32
    %dma_wait3A_364 = arith.constant 384 : i32
    %dma_wait3A_365 = arith.constant 0 : i32
    %dma_wait3A_366 = tpu.memref_slice %arg10[%dma_wait3A_364, %dma_wait3A_365] : memref<1280x16xf32, #tpu.memory_space<vmem>> -> memref<128x16xf32, #tpu.memory_space<vmem>>
    %dma_wait3A_367 = arith.constant 0 : i32
    %dma_wait3A_368 = tpu.memref_slice %arg7[%dma_wait3A_363, %dma_wait3A_367] : memref<10x128xi32, #tpu.memory_space<vmem>> -> memref<1x128xi32, #tpu.memory_space<vmem>>
    %dma_wait3A_369 = tpu.memref_squeeze %dma_wait3A_368 : memref<1x128xi32, #tpu.memory_space<vmem>> -> memref<128xi32, #tpu.memory_space<vmem>>
    %dma_wait3A_370 = arith.constant 0 : i32
    %dma_wait3A_371 = arith.constant 0 : i32
    %dma_wait3A_372 = tpu.memref_slice %arg4[%dma_wait3A_370, %dma_wait3A_371] : memref<200000x16xf32, #tpu.memory_space<hbm>> -> memref<200000x16xf32, #tpu.memory_space<hbm>>
    tpu.wait_indirect_dma semaphore(%arg13 : memref<!tpu.dma_semaphore, #tpu.memory_space<semaphore_mem>>) src(%dma_wait3A_372 : memref<200000x16xf32, #tpu.memory_space<hbm>>) dst(%dma_wait3A_366 : memref<128x16xf32, #tpu.memory_space<vmem>>)
    %dma_wait3A_373 = arith.constant 4 : i32
    %dma_wait3A_374 = arith.constant 512 : i32
    %dma_wait3A_375 = arith.constant 0 : i32
    %dma_wait3A_376 = tpu.memref_slice %arg10[%dma_wait3A_374, %dma_wait3A_375] : memref<1280x16xf32, #tpu.memory_space<vmem>> -> memref<128x16xf32, #tpu.memory_space<vmem>>
    %dma_wait3A_377 = arith.constant 0 : i32
    %dma_wait3A_378 = tpu.memref_slice %arg7[%dma_wait3A_373, %dma_wait3A_377] : memref<10x128xi32, #tpu.memory_space<vmem>> -> memref<1x128xi32, #tpu.memory_space<vmem>>
    %dma_wait3A_379 = tpu.memref_squeeze %dma_wait3A_378 : memref<1x128xi32, #tpu.memory_space<vmem>> -> memref<128xi32, #tpu.memory_space<vmem>>
    %dma_wait3A_380 = arith.constant 0 : i32
    %dma_wait3A_381 = arith.constant 0 : i32
    %dma_wait3A_382 = tpu.memref_slice %arg4[%dma_wait3A_380, %dma_wait3A_381] : memref<200000x16xf32, #tpu.memory_space<hbm>> -> memref<200000x16xf32, #tpu.memory_space<hbm>>
    tpu.wait_indirect_dma semaphore(%arg13 : memref<!tpu.dma_semaphore, #tpu.memory_space<semaphore_mem>>) src(%dma_wait3A_382 : memref<200000x16xf32, #tpu.memory_space<hbm>>) dst(%dma_wait3A_376 : memref<128x16xf32, #tpu.memory_space<vmem>>)
    %dma_wait3A_383 = arith.constant 5 : i32
    %dma_wait3A_384 = arith.constant 640 : i32
    %dma_wait3A_385 = arith.constant 0 : i32
    %dma_wait3A_386 = tpu.memref_slice %arg10[%dma_wait3A_384, %dma_wait3A_385] : memref<1280x16xf32, #tpu.memory_space<vmem>> -> memref<128x16xf32, #tpu.memory_space<vmem>>
    %dma_wait3A_387 = arith.constant 0 : i32
    %dma_wait3A_388 = tpu.memref_slice %arg7[%dma_wait3A_383, %dma_wait3A_387] : memref<10x128xi32, #tpu.memory_space<vmem>> -> memref<1x128xi32, #tpu.memory_space<vmem>>
    %dma_wait3A_389 = tpu.memref_squeeze %dma_wait3A_388 : memref<1x128xi32, #tpu.memory_space<vmem>> -> memref<128xi32, #tpu.memory_space<vmem>>
    %dma_wait3A_390 = arith.constant 0 : i32
    %dma_wait3A_391 = arith.constant 0 : i32
    %dma_wait3A_392 = tpu.memref_slice %arg4[%dma_wait3A_390, %dma_wait3A_391] : memref<200000x16xf32, #tpu.memory_space<hbm>> -> memref<200000x16xf32, #tpu.memory_space<hbm>>
    tpu.wait_indirect_dma semaphore(%arg13 : memref<!tpu.dma_semaphore, #tpu.memory_space<semaphore_mem>>) src(%dma_wait3A_392 : memref<200000x16xf32, #tpu.memory_space<hbm>>) dst(%dma_wait3A_386 : memref<128x16xf32, #tpu.memory_space<vmem>>)
    %dma_wait3A_393 = arith.constant 6 : i32
    %dma_wait3A_394 = arith.constant 768 : i32
    %dma_wait3A_395 = arith.constant 0 : i32
    %dma_wait3A_396 = tpu.memref_slice %arg10[%dma_wait3A_394, %dma_wait3A_395] : memref<1280x16xf32, #tpu.memory_space<vmem>> -> memref<128x16xf32, #tpu.memory_space<vmem>>
    %dma_wait3A_397 = arith.constant 0 : i32
    %dma_wait3A_398 = tpu.memref_slice %arg7[%dma_wait3A_393, %dma_wait3A_397] : memref<10x128xi32, #tpu.memory_space<vmem>> -> memref<1x128xi32, #tpu.memory_space<vmem>>
    %dma_wait3A_399 = tpu.memref_squeeze %dma_wait3A_398 : memref<1x128xi32, #tpu.memory_space<vmem>> -> memref<128xi32, #tpu.memory_space<vmem>>
    %dma_wait3A_400 = arith.constant 0 : i32
    %dma_wait3A_401 = arith.constant 0 : i32
    %dma_wait3A_402 = tpu.memref_slice %arg4[%dma_wait3A_400, %dma_wait3A_401] : memref<200000x16xf32, #tpu.memory_space<hbm>> -> memref<200000x16xf32, #tpu.memory_space<hbm>>
    tpu.wait_indirect_dma semaphore(%arg13 : memref<!tpu.dma_semaphore, #tpu.memory_space<semaphore_mem>>) src(%dma_wait3A_402 : memref<200000x16xf32, #tpu.memory_space<hbm>>) dst(%dma_wait3A_396 : memref<128x16xf32, #tpu.memory_space<vmem>>)
    %dma_wait3A_403 = arith.constant 7 : i32
    %dma_wait3A_404 = arith.constant 896 : i32
    %dma_wait3A_405 = arith.constant 0 : i32
    %dma_wait3A_406 = tpu.memref_slice %arg10[%dma_wait3A_404, %dma_wait3A_405] : memref<1280x16xf32, #tpu.memory_space<vmem>> -> memref<128x16xf32, #tpu.memory_space<vmem>>
    %dma_wait3A_407 = arith.constant 0 : i32
    %dma_wait3A_408 = tpu.memref_slice %arg7[%dma_wait3A_403, %dma_wait3A_407] : memref<10x128xi32, #tpu.memory_space<vmem>> -> memref<1x128xi32, #tpu.memory_space<vmem>>
    %dma_wait3A_409 = tpu.memref_squeeze %dma_wait3A_408 : memref<1x128xi32, #tpu.memory_space<vmem>> -> memref<128xi32, #tpu.memory_space<vmem>>
    %dma_wait3A_410 = arith.constant 0 : i32
    %dma_wait3A_411 = arith.constant 0 : i32
    %dma_wait3A_412 = tpu.memref_slice %arg4[%dma_wait3A_410, %dma_wait3A_411] : memref<200000x16xf32, #tpu.memory_space<hbm>> -> memref<200000x16xf32, #tpu.memory_space<hbm>>
    tpu.wait_indirect_dma semaphore(%arg13 : memref<!tpu.dma_semaphore, #tpu.memory_space<semaphore_mem>>) src(%dma_wait3A_412 : memref<200000x16xf32, #tpu.memory_space<hbm>>) dst(%dma_wait3A_406 : memref<128x16xf32, #tpu.memory_space<vmem>>)
    %dma_wait3A_413 = arith.constant 8 : i32
    %dma_wait3A_414 = arith.constant 1024 : i32
    %dma_wait3A_415 = arith.constant 0 : i32
    %dma_wait3A_416 = tpu.memref_slice %arg10[%dma_wait3A_414, %dma_wait3A_415] : memref<1280x16xf32, #tpu.memory_space<vmem>> -> memref<128x16xf32, #tpu.memory_space<vmem>>
    %dma_wait3A_417 = arith.constant 0 : i32
    %dma_wait3A_418 = tpu.memref_slice %arg7[%dma_wait3A_413, %dma_wait3A_417] : memref<10x128xi32, #tpu.memory_space<vmem>> -> memref<1x128xi32, #tpu.memory_space<vmem>>
    %dma_wait3A_419 = tpu.memref_squeeze %dma_wait3A_418 : memref<1x128xi32, #tpu.memory_space<vmem>> -> memref<128xi32, #tpu.memory_space<vmem>>
    %dma_wait3A_420 = arith.constant 0 : i32
    %dma_wait3A_421 = arith.constant 0 : i32
    %dma_wait3A_422 = tpu.memref_slice %arg4[%dma_wait3A_420, %dma_wait3A_421] : memref<200000x16xf32, #tpu.memory_space<hbm>> -> memref<200000x16xf32, #tpu.memory_space<hbm>>
    tpu.wait_indirect_dma semaphore(%arg13 : memref<!tpu.dma_semaphore, #tpu.memory_space<semaphore_mem>>) src(%dma_wait3A_422 : memref<200000x16xf32, #tpu.memory_space<hbm>>) dst(%dma_wait3A_416 : memref<128x16xf32, #tpu.memory_space<vmem>>)
    %dma_wait3A_423 = arith.constant 9 : i32
    %dma_wait3A_424 = arith.constant 1152 : i32
    %dma_wait3A_425 = arith.constant 0 : i32
    %dma_wait3A_426 = tpu.memref_slice %arg10[%dma_wait3A_424, %dma_wait3A_425] : memref<1280x16xf32, #tpu.memory_space<vmem>> -> memref<128x16xf32, #tpu.memory_space<vmem>>
    %dma_wait3A_427 = arith.constant 0 : i32
    %dma_wait3A_428 = tpu.memref_slice %arg7[%dma_wait3A_423, %dma_wait3A_427] : memref<10x128xi32, #tpu.memory_space<vmem>> -> memref<1x128xi32, #tpu.memory_space<vmem>>
    %dma_wait3A_429 = tpu.memref_squeeze %dma_wait3A_428 : memref<1x128xi32, #tpu.memory_space<vmem>> -> memref<128xi32, #tpu.memory_space<vmem>>
    %dma_wait3A_430 = arith.constant 0 : i32
    %dma_wait3A_431 = arith.constant 0 : i32
    %dma_wait3A_432 = tpu.memref_slice %arg4[%dma_wait3A_430, %dma_wait3A_431] : memref<200000x16xf32, #tpu.memory_space<hbm>> -> memref<200000x16xf32, #tpu.memory_space<hbm>>
    tpu.wait_indirect_dma semaphore(%arg13 : memref<!tpu.dma_semaphore, #tpu.memory_space<semaphore_mem>>) src(%dma_wait3A_432 : memref<200000x16xf32, #tpu.memory_space<hbm>>) dst(%dma_wait3A_426 : memref<128x16xf32, #tpu.memory_space<vmem>>)
    %run_scoped3A = arith.constant 0 : i32
    "tpu.region"() ({
      %run_scoped3A_557 = tpu.sem_alloc : memref<!tpu.dma_semaphore, #tpu.memory_space<semaphore_mem>>
      %dma_start3A_558 = arith.constant 0 : i32
      %dma_start3A_559 = arith.constant 0 : i32
      %dma_start3A_560 = tpu.memref_slice %arg10[%dma_start3A_558, %dma_start3A_559] : memref<1280x16xf32, #tpu.memory_space<vmem>> -> memref<128x16xf32, #tpu.memory_space<vmem>>
      %dma_start3A_561 = arith.constant 0 : i32
      %dma_start3A_562 = tpu.memref_slice %arg6[%run_scoped3A, %dma_start3A_561] : memref<10x128xi32, #tpu.memory_space<vmem>> -> memref<1x128xi32, #tpu.memory_space<vmem>>
      %dma_start3A_563 = tpu.memref_squeeze %dma_start3A_562 : memref<1x128xi32, #tpu.memory_space<vmem>> -> memref<128xi32, #tpu.memory_space<vmem>>
      %dma_start3A_564 = arith.constant 0 : i32
      %dma_start3A_565 = arith.constant 0 : i32
      %dma_start3A_566 = tpu.memref_slice %arg16[%dma_start3A_564, %dma_start3A_565] : memref<51200x16xf32, #tpu.memory_space<vmem_shared>> -> memref<51200x16xf32, #tpu.memory_space<vmem_shared>>
      tpu.enqueue_indirect_dma source(%dma_start3A_560 : memref<128x16xf32, #tpu.memory_space<vmem>>) target(%dma_start3A_566 : memref<51200x16xf32, #tpu.memory_space<vmem_shared>>) offsets(%dma_start3A_563 : memref<128xi32, #tpu.memory_space<vmem>>) semaphore(%run_scoped3A_557 : memref<!tpu.dma_semaphore, #tpu.memory_space<semaphore_mem>>) {add = true}
      %dma_wait3A_567 = arith.constant 0 : i32
      %dma_wait3A_568 = arith.constant 0 : i32
      %dma_wait3A_569 = tpu.memref_slice %arg10[%dma_wait3A_567, %dma_wait3A_568] : memref<1280x16xf32, #tpu.memory_space<vmem>> -> memref<128x16xf32, #tpu.memory_space<vmem>>
      %dma_wait3A_570 = arith.constant 0 : i32
      %dma_wait3A_571 = tpu.memref_slice %arg6[%run_scoped3A, %dma_wait3A_570] : memref<10x128xi32, #tpu.memory_space<vmem>> -> memref<1x128xi32, #tpu.memory_space<vmem>>
      %dma_wait3A_572 = tpu.memref_squeeze %dma_wait3A_571 : memref<1x128xi32, #tpu.memory_space<vmem>> -> memref<128xi32, #tpu.memory_space<vmem>>
      %dma_wait3A_573 = arith.constant 0 : i32
      %dma_wait3A_574 = arith.constant 0 : i32
      %dma_wait3A_575 = tpu.memref_slice %arg16[%dma_wait3A_573, %dma_wait3A_574] : memref<51200x16xf32, #tpu.memory_space<vmem_shared>> -> memref<51200x16xf32, #tpu.memory_space<vmem_shared>>
      tpu.wait_indirect_dma semaphore(%run_scoped3A_557 : memref<!tpu.dma_semaphore, #tpu.memory_space<semaphore_mem>>) src(%dma_wait3A_569 : memref<128x16xf32, #tpu.memory_space<vmem>>) dst(%dma_wait3A_575 : memref<51200x16xf32, #tpu.memory_space<vmem_shared>>)
      tpu.yield
    }) : () -> ()
    %run_scoped3A_433 = arith.constant 1 : i32
    "tpu.region"() ({
      %run_scoped3A_557 = tpu.sem_alloc : memref<!tpu.dma_semaphore, #tpu.memory_space<semaphore_mem>>
      %dma_start3A_558 = arith.constant 128 : i32
      %dma_start3A_559 = arith.constant 0 : i32
      %dma_start3A_560 = tpu.memref_slice %arg10[%dma_start3A_558, %dma_start3A_559] : memref<1280x16xf32, #tpu.memory_space<vmem>> -> memref<128x16xf32, #tpu.memory_space<vmem>>
      %dma_start3A_561 = arith.constant 0 : i32
      %dma_start3A_562 = tpu.memref_slice %arg6[%run_scoped3A_433, %dma_start3A_561] : memref<10x128xi32, #tpu.memory_space<vmem>> -> memref<1x128xi32, #tpu.memory_space<vmem>>
      %dma_start3A_563 = tpu.memref_squeeze %dma_start3A_562 : memref<1x128xi32, #tpu.memory_space<vmem>> -> memref<128xi32, #tpu.memory_space<vmem>>
      %dma_start3A_564 = arith.constant 0 : i32
      %dma_start3A_565 = arith.constant 0 : i32
      %dma_start3A_566 = tpu.memref_slice %arg16[%dma_start3A_564, %dma_start3A_565] : memref<51200x16xf32, #tpu.memory_space<vmem_shared>> -> memref<51200x16xf32, #tpu.memory_space<vmem_shared>>
      tpu.enqueue_indirect_dma source(%dma_start3A_560 : memref<128x16xf32, #tpu.memory_space<vmem>>) target(%dma_start3A_566 : memref<51200x16xf32, #tpu.memory_space<vmem_shared>>) offsets(%dma_start3A_563 : memref<128xi32, #tpu.memory_space<vmem>>) semaphore(%run_scoped3A_557 : memref<!tpu.dma_semaphore, #tpu.memory_space<semaphore_mem>>) {add = true}
      %dma_wait3A_567 = arith.constant 128 : i32
      %dma_wait3A_568 = arith.constant 0 : i32
      %dma_wait3A_569 = tpu.memref_slice %arg10[%dma_wait3A_567, %dma_wait3A_568] : memref<1280x16xf32, #tpu.memory_space<vmem>> -> memref<128x16xf32, #tpu.memory_space<vmem>>
      %dma_wait3A_570 = arith.constant 0 : i32
      %dma_wait3A_571 = tpu.memref_slice %arg6[%run_scoped3A_433, %dma_wait3A_570] : memref<10x128xi32, #tpu.memory_space<vmem>> -> memref<1x128xi32, #tpu.memory_space<vmem>>
      %dma_wait3A_572 = tpu.memref_squeeze %dma_wait3A_571 : memref<1x128xi32, #tpu.memory_space<vmem>> -> memref<128xi32, #tpu.memory_space<vmem>>
      %dma_wait3A_573 = arith.constant 0 : i32
      %dma_wait3A_574 = arith.constant 0 : i32
      %dma_wait3A_575 = tpu.memref_slice %arg16[%dma_wait3A_573, %dma_wait3A_574] : memref<51200x16xf32, #tpu.memory_space<vmem_shared>> -> memref<51200x16xf32, #tpu.memory_space<vmem_shared>>
      tpu.wait_indirect_dma semaphore(%run_scoped3A_557 : memref<!tpu.dma_semaphore, #tpu.memory_space<semaphore_mem>>) src(%dma_wait3A_569 : memref<128x16xf32, #tpu.memory_space<vmem>>) dst(%dma_wait3A_575 : memref<51200x16xf32, #tpu.memory_space<vmem_shared>>)
      tpu.yield
    }) : () -> ()
    %run_scoped3A_434 = arith.constant 2 : i32
    "tpu.region"() ({
      %run_scoped3A_557 = tpu.sem_alloc : memref<!tpu.dma_semaphore, #tpu.memory_space<semaphore_mem>>
      %dma_start3A_558 = arith.constant 256 : i32
      %dma_start3A_559 = arith.constant 0 : i32
      %dma_start3A_560 = tpu.memref_slice %arg10[%dma_start3A_558, %dma_start3A_559] : memref<1280x16xf32, #tpu.memory_space<vmem>> -> memref<128x16xf32, #tpu.memory_space<vmem>>
      %dma_start3A_561 = arith.constant 0 : i32
      %dma_start3A_562 = tpu.memref_slice %arg6[%run_scoped3A_434, %dma_start3A_561] : memref<10x128xi32, #tpu.memory_space<vmem>> -> memref<1x128xi32, #tpu.memory_space<vmem>>
      %dma_start3A_563 = tpu.memref_squeeze %dma_start3A_562 : memref<1x128xi32, #tpu.memory_space<vmem>> -> memref<128xi32, #tpu.memory_space<vmem>>
      %dma_start3A_564 = arith.constant 0 : i32
      %dma_start3A_565 = arith.constant 0 : i32
      %dma_start3A_566 = tpu.memref_slice %arg16[%dma_start3A_564, %dma_start3A_565] : memref<51200x16xf32, #tpu.memory_space<vmem_shared>> -> memref<51200x16xf32, #tpu.memory_space<vmem_shared>>
      tpu.enqueue_indirect_dma source(%dma_start3A_560 : memref<128x16xf32, #tpu.memory_space<vmem>>) target(%dma_start3A_566 : memref<51200x16xf32, #tpu.memory_space<vmem_shared>>) offsets(%dma_start3A_563 : memref<128xi32, #tpu.memory_space<vmem>>) semaphore(%run_scoped3A_557 : memref<!tpu.dma_semaphore, #tpu.memory_space<semaphore_mem>>) {add = true}
      %dma_wait3A_567 = arith.constant 256 : i32
      %dma_wait3A_568 = arith.constant 0 : i32
      %dma_wait3A_569 = tpu.memref_slice %arg10[%dma_wait3A_567, %dma_wait3A_568] : memref<1280x16xf32, #tpu.memory_space<vmem>> -> memref<128x16xf32, #tpu.memory_space<vmem>>
      %dma_wait3A_570 = arith.constant 0 : i32
      %dma_wait3A_571 = tpu.memref_slice %arg6[%run_scoped3A_434, %dma_wait3A_570] : memref<10x128xi32, #tpu.memory_space<vmem>> -> memref<1x128xi32, #tpu.memory_space<vmem>>
      %dma_wait3A_572 = tpu.memref_squeeze %dma_wait3A_571 : memref<1x128xi32, #tpu.memory_space<vmem>> -> memref<128xi32, #tpu.memory_space<vmem>>
      %dma_wait3A_573 = arith.constant 0 : i32
      %dma_wait3A_574 = arith.constant 0 : i32
      %dma_wait3A_575 = tpu.memref_slice %arg16[%dma_wait3A_573, %dma_wait3A_574] : memref<51200x16xf32, #tpu.memory_space<vmem_shared>> -> memref<51200x16xf32, #tpu.memory_space<vmem_shared>>
      tpu.wait_indirect_dma semaphore(%run_scoped3A_557 : memref<!tpu.dma_semaphore, #tpu.memory_space<semaphore_mem>>) src(%dma_wait3A_569 : memref<128x16xf32, #tpu.memory_space<vmem>>) dst(%dma_wait3A_575 : memref<51200x16xf32, #tpu.memory_space<vmem_shared>>)
      tpu.yield
    }) : () -> ()
    %run_scoped3A_435 = arith.constant 3 : i32
    "tpu.region"() ({
      %run_scoped3A_557 = tpu.sem_alloc : memref<!tpu.dma_semaphore, #tpu.memory_space<semaphore_mem>>
      %dma_start3A_558 = arith.constant 384 : i32
      %dma_start3A_559 = arith.constant 0 : i32
      %dma_start3A_560 = tpu.memref_slice %arg10[%dma_start3A_558, %dma_start3A_559] : memref<1280x16xf32, #tpu.memory_space<vmem>> -> memref<128x16xf32, #tpu.memory_space<vmem>>
      %dma_start3A_561 = arith.constant 0 : i32
      %dma_start3A_562 = tpu.memref_slice %arg6[%run_scoped3A_435, %dma_start3A_561] : memref<10x128xi32, #tpu.memory_space<vmem>> -> memref<1x128xi32, #tpu.memory_space<vmem>>
      %dma_start3A_563 = tpu.memref_squeeze %dma_start3A_562 : memref<1x128xi32, #tpu.memory_space<vmem>> -> memref<128xi32, #tpu.memory_space<vmem>>
      %dma_start3A_564 = arith.constant 0 : i32
      %dma_start3A_565 = arith.constant 0 : i32
      %dma_start3A_566 = tpu.memref_slice %arg16[%dma_start3A_564, %dma_start3A_565] : memref<51200x16xf32, #tpu.memory_space<vmem_shared>> -> memref<51200x16xf32, #tpu.memory_space<vmem_shared>>
      tpu.enqueue_indirect_dma source(%dma_start3A_560 : memref<128x16xf32, #tpu.memory_space<vmem>>) target(%dma_start3A_566 : memref<51200x16xf32, #tpu.memory_space<vmem_shared>>) offsets(%dma_start3A_563 : memref<128xi32, #tpu.memory_space<vmem>>) semaphore(%run_scoped3A_557 : memref<!tpu.dma_semaphore, #tpu.memory_space<semaphore_mem>>) {add = true}
      %dma_wait3A_567 = arith.constant 384 : i32
      %dma_wait3A_568 = arith.constant 0 : i32
      %dma_wait3A_569 = tpu.memref_slice %arg10[%dma_wait3A_567, %dma_wait3A_568] : memref<1280x16xf32, #tpu.memory_space<vmem>> -> memref<128x16xf32, #tpu.memory_space<vmem>>
      %dma_wait3A_570 = arith.constant 0 : i32
      %dma_wait3A_571 = tpu.memref_slice %arg6[%run_scoped3A_435, %dma_wait3A_570] : memref<10x128xi32, #tpu.memory_space<vmem>> -> memref<1x128xi32, #tpu.memory_space<vmem>>
      %dma_wait3A_572 = tpu.memref_squeeze %dma_wait3A_571 : memref<1x128xi32, #tpu.memory_space<vmem>> -> memref<128xi32, #tpu.memory_space<vmem>>
      %dma_wait3A_573 = arith.constant 0 : i32
      %dma_wait3A_574 = arith.constant 0 : i32
      %dma_wait3A_575 = tpu.memref_slice %arg16[%dma_wait3A_573, %dma_wait3A_574] : memref<51200x16xf32, #tpu.memory_space<vmem_shared>> -> memref<51200x16xf32, #tpu.memory_space<vmem_shared>>
      tpu.wait_indirect_dma semaphore(%run_scoped3A_557 : memref<!tpu.dma_semaphore, #tpu.memory_space<semaphore_mem>>) src(%dma_wait3A_569 : memref<128x16xf32, #tpu.memory_space<vmem>>) dst(%dma_wait3A_575 : memref<51200x16xf32, #tpu.memory_space<vmem_shared>>)
      tpu.yield
    }) : () -> ()
    %run_scoped3A_436 = arith.constant 4 : i32
    "tpu.region"() ({
      %run_scoped3A_557 = tpu.sem_alloc : memref<!tpu.dma_semaphore, #tpu.memory_space<semaphore_mem>>
      %dma_start3A_558 = arith.constant 512 : i32
      %dma_start3A_559 = arith.constant 0 : i32
      %dma_start3A_560 = tpu.memref_slice %arg10[%dma_start3A_558, %dma_start3A_559] : memref<1280x16xf32, #tpu.memory_space<vmem>> -> memref<128x16xf32, #tpu.memory_space<vmem>>
      %dma_start3A_561 = arith.constant 0 : i32
      %dma_start3A_562 = tpu.memref_slice %arg6[%run_scoped3A_436, %dma_start3A_561] : memref<10x128xi32, #tpu.memory_space<vmem>> -> memref<1x128xi32, #tpu.memory_space<vmem>>
      %dma_start3A_563 = tpu.memref_squeeze %dma_start3A_562 : memref<1x128xi32, #tpu.memory_space<vmem>> -> memref<128xi32, #tpu.memory_space<vmem>>
      %dma_start3A_564 = arith.constant 0 : i32
      %dma_start3A_565 = arith.constant 0 : i32
      %dma_start3A_566 = tpu.memref_slice %arg16[%dma_start3A_564, %dma_start3A_565] : memref<51200x16xf32, #tpu.memory_space<vmem_shared>> -> memref<51200x16xf32, #tpu.memory_space<vmem_shared>>
      tpu.enqueue_indirect_dma source(%dma_start3A_560 : memref<128x16xf32, #tpu.memory_space<vmem>>) target(%dma_start3A_566 : memref<51200x16xf32, #tpu.memory_space<vmem_shared>>) offsets(%dma_start3A_563 : memref<128xi32, #tpu.memory_space<vmem>>) semaphore(%run_scoped3A_557 : memref<!tpu.dma_semaphore, #tpu.memory_space<semaphore_mem>>) {add = true}
      %dma_wait3A_567 = arith.constant 512 : i32
      %dma_wait3A_568 = arith.constant 0 : i32
      %dma_wait3A_569 = tpu.memref_slice %arg10[%dma_wait3A_567, %dma_wait3A_568] : memref<1280x16xf32, #tpu.memory_space<vmem>> -> memref<128x16xf32, #tpu.memory_space<vmem>>
      %dma_wait3A_570 = arith.constant 0 : i32
      %dma_wait3A_571 = tpu.memref_slice %arg6[%run_scoped3A_436, %dma_wait3A_570] : memref<10x128xi32, #tpu.memory_space<vmem>> -> memref<1x128xi32, #tpu.memory_space<vmem>>
      %dma_wait3A_572 = tpu.memref_squeeze %dma_wait3A_571 : memref<1x128xi32, #tpu.memory_space<vmem>> -> memref<128xi32, #tpu.memory_space<vmem>>
      %dma_wait3A_573 = arith.constant 0 : i32
      %dma_wait3A_574 = arith.constant 0 : i32
      %dma_wait3A_575 = tpu.memref_slice %arg16[%dma_wait3A_573, %dma_wait3A_574] : memref<51200x16xf32, #tpu.memory_space<vmem_shared>> -> memref<51200x16xf32, #tpu.memory_space<vmem_shared>>
      tpu.wait_indirect_dma semaphore(%run_scoped3A_557 : memref<!tpu.dma_semaphore, #tpu.memory_space<semaphore_mem>>) src(%dma_wait3A_569 : memref<128x16xf32, #tpu.memory_space<vmem>>) dst(%dma_wait3A_575 : memref<51200x16xf32, #tpu.memory_space<vmem_shared>>)
      tpu.yield
    }) : () -> ()
    %run_scoped3A_437 = arith.constant 5 : i32
    "tpu.region"() ({
      %run_scoped3A_557 = tpu.sem_alloc : memref<!tpu.dma_semaphore, #tpu.memory_space<semaphore_mem>>
      %dma_start3A_558 = arith.constant 640 : i32
      %dma_start3A_559 = arith.constant 0 : i32
      %dma_start3A_560 = tpu.memref_slice %arg10[%dma_start3A_558, %dma_start3A_559] : memref<1280x16xf32, #tpu.memory_space<vmem>> -> memref<128x16xf32, #tpu.memory_space<vmem>>
      %dma_start3A_561 = arith.constant 0 : i32
      %dma_start3A_562 = tpu.memref_slice %arg6[%run_scoped3A_437, %dma_start3A_561] : memref<10x128xi32, #tpu.memory_space<vmem>> -> memref<1x128xi32, #tpu.memory_space<vmem>>
      %dma_start3A_563 = tpu.memref_squeeze %dma_start3A_562 : memref<1x128xi32, #tpu.memory_space<vmem>> -> memref<128xi32, #tpu.memory_space<vmem>>
      %dma_start3A_564 = arith.constant 0 : i32
      %dma_start3A_565 = arith.constant 0 : i32
      %dma_start3A_566 = tpu.memref_slice %arg16[%dma_start3A_564, %dma_start3A_565] : memref<51200x16xf32, #tpu.memory_space<vmem_shared>> -> memref<51200x16xf32, #tpu.memory_space<vmem_shared>>
      tpu.enqueue_indirect_dma source(%dma_start3A_560 : memref<128x16xf32, #tpu.memory_space<vmem>>) target(%dma_start3A_566 : memref<51200x16xf32, #tpu.memory_space<vmem_shared>>) offsets(%dma_start3A_563 : memref<128xi32, #tpu.memory_space<vmem>>) semaphore(%run_scoped3A_557 : memref<!tpu.dma_semaphore, #tpu.memory_space<semaphore_mem>>) {add = true}
      %dma_wait3A_567 = arith.constant 640 : i32
      %dma_wait3A_568 = arith.constant 0 : i32
      %dma_wait3A_569 = tpu.memref_slice %arg10[%dma_wait3A_567, %dma_wait3A_568] : memref<1280x16xf32, #tpu.memory_space<vmem>> -> memref<128x16xf32, #tpu.memory_space<vmem>>
      %dma_wait3A_570 = arith.constant 0 : i32
      %dma_wait3A_571 = tpu.memref_slice %arg6[%run_scoped3A_437, %dma_wait3A_570] : memref<10x128xi32, #tpu.memory_space<vmem>> -> memref<1x128xi32, #tpu.memory_space<vmem>>
      %dma_wait3A_572 = tpu.memref_squeeze %dma_wait3A_571 : memref<1x128xi32, #tpu.memory_space<vmem>> -> memref<128xi32, #tpu.memory_space<vmem>>
      %dma_wait3A_573 = arith.constant 0 : i32
      %dma_wait3A_574 = arith.constant 0 : i32
      %dma_wait3A_575 = tpu.memref_slice %arg16[%dma_wait3A_573, %dma_wait3A_574] : memref<51200x16xf32, #tpu.memory_space<vmem_shared>> -> memref<51200x16xf32, #tpu.memory_space<vmem_shared>>
      tpu.wait_indirect_dma semaphore(%run_scoped3A_557 : memref<!tpu.dma_semaphore, #tpu.memory_space<semaphore_mem>>) src(%dma_wait3A_569 : memref<128x16xf32, #tpu.memory_space<vmem>>) dst(%dma_wait3A_575 : memref<51200x16xf32, #tpu.memory_space<vmem_shared>>)
      tpu.yield
    }) : () -> ()
    %run_scoped3A_438 = arith.constant 6 : i32
    "tpu.region"() ({
      %run_scoped3A_557 = tpu.sem_alloc : memref<!tpu.dma_semaphore, #tpu.memory_space<semaphore_mem>>
      %dma_start3A_558 = arith.constant 768 : i32
      %dma_start3A_559 = arith.constant 0 : i32
      %dma_start3A_560 = tpu.memref_slice %arg10[%dma_start3A_558, %dma_start3A_559] : memref<1280x16xf32, #tpu.memory_space<vmem>> -> memref<128x16xf32, #tpu.memory_space<vmem>>
      %dma_start3A_561 = arith.constant 0 : i32
      %dma_start3A_562 = tpu.memref_slice %arg6[%run_scoped3A_438, %dma_start3A_561] : memref<10x128xi32, #tpu.memory_space<vmem>> -> memref<1x128xi32, #tpu.memory_space<vmem>>
      %dma_start3A_563 = tpu.memref_squeeze %dma_start3A_562 : memref<1x128xi32, #tpu.memory_space<vmem>> -> memref<128xi32, #tpu.memory_space<vmem>>
      %dma_start3A_564 = arith.constant 0 : i32
      %dma_start3A_565 = arith.constant 0 : i32
      %dma_start3A_566 = tpu.memref_slice %arg16[%dma_start3A_564, %dma_start3A_565] : memref<51200x16xf32, #tpu.memory_space<vmem_shared>> -> memref<51200x16xf32, #tpu.memory_space<vmem_shared>>
      tpu.enqueue_indirect_dma source(%dma_start3A_560 : memref<128x16xf32, #tpu.memory_space<vmem>>) target(%dma_start3A_566 : memref<51200x16xf32, #tpu.memory_space<vmem_shared>>) offsets(%dma_start3A_563 : memref<128xi32, #tpu.memory_space<vmem>>) semaphore(%run_scoped3A_557 : memref<!tpu.dma_semaphore, #tpu.memory_space<semaphore_mem>>) {add = true}
      %dma_wait3A_567 = arith.constant 768 : i32
      %dma_wait3A_568 = arith.constant 0 : i32
      %dma_wait3A_569 = tpu.memref_slice %arg10[%dma_wait3A_567, %dma_wait3A_568] : memref<1280x16xf32, #tpu.memory_space<vmem>> -> memref<128x16xf32, #tpu.memory_space<vmem>>
      %dma_wait3A_570 = arith.constant 0 : i32
      %dma_wait3A_571 = tpu.memref_slice %arg6[%run_scoped3A_438, %dma_wait3A_570] : memref<10x128xi32, #tpu.memory_space<vmem>> -> memref<1x128xi32, #tpu.memory_space<vmem>>
      %dma_wait3A_572 = tpu.memref_squeeze %dma_wait3A_571 : memref<1x128xi32, #tpu.memory_space<vmem>> -> memref<128xi32, #tpu.memory_space<vmem>>
      %dma_wait3A_573 = arith.constant 0 : i32
      %dma_wait3A_574 = arith.constant 0 : i32
      %dma_wait3A_575 = tpu.memref_slice %arg16[%dma_wait3A_573, %dma_wait3A_574] : memref<51200x16xf32, #tpu.memory_space<vmem_shared>> -> memref<51200x16xf32, #tpu.memory_space<vmem_shared>>
      tpu.wait_indirect_dma semaphore(%run_scoped3A_557 : memref<!tpu.dma_semaphore, #tpu.memory_space<semaphore_mem>>) src(%dma_wait3A_569 : memref<128x16xf32, #tpu.memory_space<vmem>>) dst(%dma_wait3A_575 : memref<51200x16xf32, #tpu.memory_space<vmem_shared>>)
      tpu.yield
    }) : () -> ()
    %run_scoped3A_439 = arith.constant 7 : i32
    "tpu.region"() ({
      %run_scoped3A_557 = tpu.sem_alloc : memref<!tpu.dma_semaphore, #tpu.memory_space<semaphore_mem>>
      %dma_start3A_558 = arith.constant 896 : i32
      %dma_start3A_559 = arith.constant 0 : i32
      %dma_start3A_560 = tpu.memref_slice %arg10[%dma_start3A_558, %dma_start3A_559] : memref<1280x16xf32, #tpu.memory_space<vmem>> -> memref<128x16xf32, #tpu.memory_space<vmem>>
      %dma_start3A_561 = arith.constant 0 : i32
      %dma_start3A_562 = tpu.memref_slice %arg6[%run_scoped3A_439, %dma_start3A_561] : memref<10x128xi32, #tpu.memory_space<vmem>> -> memref<1x128xi32, #tpu.memory_space<vmem>>
      %dma_start3A_563 = tpu.memref_squeeze %dma_start3A_562 : memref<1x128xi32, #tpu.memory_space<vmem>> -> memref<128xi32, #tpu.memory_space<vmem>>
      %dma_start3A_564 = arith.constant 0 : i32
      %dma_start3A_565 = arith.constant 0 : i32
      %dma_start3A_566 = tpu.memref_slice %arg16[%dma_start3A_564, %dma_start3A_565] : memref<51200x16xf32, #tpu.memory_space<vmem_shared>> -> memref<51200x16xf32, #tpu.memory_space<vmem_shared>>
      tpu.enqueue_indirect_dma source(%dma_start3A_560 : memref<128x16xf32, #tpu.memory_space<vmem>>) target(%dma_start3A_566 : memref<51200x16xf32, #tpu.memory_space<vmem_shared>>) offsets(%dma_start3A_563 : memref<128xi32, #tpu.memory_space<vmem>>) semaphore(%run_scoped3A_557 : memref<!tpu.dma_semaphore, #tpu.memory_space<semaphore_mem>>) {add = true}
      %dma_wait3A_567 = arith.constant 896 : i32
      %dma_wait3A_568 = arith.constant 0 : i32
      %dma_wait3A_569 = tpu.memref_slice %arg10[%dma_wait3A_567, %dma_wait3A_568] : memref<1280x16xf32, #tpu.memory_space<vmem>> -> memref<128x16xf32, #tpu.memory_space<vmem>>
      %dma_wait3A_570 = arith.constant 0 : i32
      %dma_wait3A_571 = tpu.memref_slice %arg6[%run_scoped3A_439, %dma_wait3A_570] : memref<10x128xi32, #tpu.memory_space<vmem>> -> memref<1x128xi32, #tpu.memory_space<vmem>>
      %dma_wait3A_572 = tpu.memref_squeeze %dma_wait3A_571 : memref<1x128xi32, #tpu.memory_space<vmem>> -> memref<128xi32, #tpu.memory_space<vmem>>
      %dma_wait3A_573 = arith.constant 0 : i32
      %dma_wait3A_574 = arith.constant 0 : i32
      %dma_wait3A_575 = tpu.memref_slice %arg16[%dma_wait3A_573, %dma_wait3A_574] : memref<51200x16xf32, #tpu.memory_space<vmem_shared>> -> memref<51200x16xf32, #tpu.memory_space<vmem_shared>>
      tpu.wait_indirect_dma semaphore(%run_scoped3A_557 : memref<!tpu.dma_semaphore, #tpu.memory_space<semaphore_mem>>) src(%dma_wait3A_569 : memref<128x16xf32, #tpu.memory_space<vmem>>) dst(%dma_wait3A_575 : memref<51200x16xf32, #tpu.memory_space<vmem_shared>>)
      tpu.yield
    }) : () -> ()
    %run_scoped3A_440 = arith.constant 8 : i32
    "tpu.region"() ({
      %run_scoped3A_557 = tpu.sem_alloc : memref<!tpu.dma_semaphore, #tpu.memory_space<semaphore_mem>>
      %dma_start3A_558 = arith.constant 1024 : i32
      %dma_start3A_559 = arith.constant 0 : i32
      %dma_start3A_560 = tpu.memref_slice %arg10[%dma_start3A_558, %dma_start3A_559] : memref<1280x16xf32, #tpu.memory_space<vmem>> -> memref<128x16xf32, #tpu.memory_space<vmem>>
      %dma_start3A_561 = arith.constant 0 : i32
      %dma_start3A_562 = tpu.memref_slice %arg6[%run_scoped3A_440, %dma_start3A_561] : memref<10x128xi32, #tpu.memory_space<vmem>> -> memref<1x128xi32, #tpu.memory_space<vmem>>
      %dma_start3A_563 = tpu.memref_squeeze %dma_start3A_562 : memref<1x128xi32, #tpu.memory_space<vmem>> -> memref<128xi32, #tpu.memory_space<vmem>>
      %dma_start3A_564 = arith.constant 0 : i32
      %dma_start3A_565 = arith.constant 0 : i32
      %dma_start3A_566 = tpu.memref_slice %arg16[%dma_start3A_564, %dma_start3A_565] : memref<51200x16xf32, #tpu.memory_space<vmem_shared>> -> memref<51200x16xf32, #tpu.memory_space<vmem_shared>>
      tpu.enqueue_indirect_dma source(%dma_start3A_560 : memref<128x16xf32, #tpu.memory_space<vmem>>) target(%dma_start3A_566 : memref<51200x16xf32, #tpu.memory_space<vmem_shared>>) offsets(%dma_start3A_563 : memref<128xi32, #tpu.memory_space<vmem>>) semaphore(%run_scoped3A_557 : memref<!tpu.dma_semaphore, #tpu.memory_space<semaphore_mem>>) {add = true}
      %dma_wait3A_567 = arith.constant 1024 : i32
      %dma_wait3A_568 = arith.constant 0 : i32
      %dma_wait3A_569 = tpu.memref_slice %arg10[%dma_wait3A_567, %dma_wait3A_568] : memref<1280x16xf32, #tpu.memory_space<vmem>> -> memref<128x16xf32, #tpu.memory_space<vmem>>
      %dma_wait3A_570 = arith.constant 0 : i32
      %dma_wait3A_571 = tpu.memref_slice %arg6[%run_scoped3A_440, %dma_wait3A_570] : memref<10x128xi32, #tpu.memory_space<vmem>> -> memref<1x128xi32, #tpu.memory_space<vmem>>
      %dma_wait3A_572 = tpu.memref_squeeze %dma_wait3A_571 : memref<1x128xi32, #tpu.memory_space<vmem>> -> memref<128xi32, #tpu.memory_space<vmem>>
      %dma_wait3A_573 = arith.constant 0 : i32
      %dma_wait3A_574 = arith.constant 0 : i32
      %dma_wait3A_575 = tpu.memref_slice %arg16[%dma_wait3A_573, %dma_wait3A_574] : memref<51200x16xf32, #tpu.memory_space<vmem_shared>> -> memref<51200x16xf32, #tpu.memory_space<vmem_shared>>
      tpu.wait_indirect_dma semaphore(%run_scoped3A_557 : memref<!tpu.dma_semaphore, #tpu.memory_space<semaphore_mem>>) src(%dma_wait3A_569 : memref<128x16xf32, #tpu.memory_space<vmem>>) dst(%dma_wait3A_575 : memref<51200x16xf32, #tpu.memory_space<vmem_shared>>)
      tpu.yield
    }) : () -> ()
    %run_scoped3A_441 = arith.constant 9 : i32
    "tpu.region"() ({
      %run_scoped3A_557 = tpu.sem_alloc : memref<!tpu.dma_semaphore, #tpu.memory_space<semaphore_mem>>
      %dma_start3A_558 = arith.constant 1152 : i32
      %dma_start3A_559 = arith.constant 0 : i32
      %dma_start3A_560 = tpu.memref_slice %arg10[%dma_start3A_558, %dma_start3A_559] : memref<1280x16xf32, #tpu.memory_space<vmem>> -> memref<128x16xf32, #tpu.memory_space<vmem>>
      %dma_start3A_561 = arith.constant 0 : i32
      %dma_start3A_562 = tpu.memref_slice %arg6[%run_scoped3A_441, %dma_start3A_561] : memref<10x128xi32, #tpu.memory_space<vmem>> -> memref<1x128xi32, #tpu.memory_space<vmem>>
      %dma_start3A_563 = tpu.memref_squeeze %dma_start3A_562 : memref<1x128xi32, #tpu.memory_space<vmem>> -> memref<128xi32, #tpu.memory_space<vmem>>
      %dma_start3A_564 = arith.constant 0 : i32
      %dma_start3A_565 = arith.constant 0 : i32
      %dma_start3A_566 = tpu.memref_slice %arg16[%dma_start3A_564, %dma_start3A_565] : memref<51200x16xf32, #tpu.memory_space<vmem_shared>> -> memref<51200x16xf32, #tpu.memory_space<vmem_shared>>
      tpu.enqueue_indirect_dma source(%dma_start3A_560 : memref<128x16xf32, #tpu.memory_space<vmem>>) target(%dma_start3A_566 : memref<51200x16xf32, #tpu.memory_space<vmem_shared>>) offsets(%dma_start3A_563 : memref<128xi32, #tpu.memory_space<vmem>>) semaphore(%run_scoped3A_557 : memref<!tpu.dma_semaphore, #tpu.memory_space<semaphore_mem>>) {add = true}
      %dma_wait3A_567 = arith.constant 1152 : i32
      %dma_wait3A_568 = arith.constant 0 : i32
      %dma_wait3A_569 = tpu.memref_slice %arg10[%dma_wait3A_567, %dma_wait3A_568] : memref<1280x16xf32, #tpu.memory_space<vmem>> -> memref<128x16xf32, #tpu.memory_space<vmem>>
      %dma_wait3A_570 = arith.constant 0 : i32
      %dma_wait3A_571 = tpu.memref_slice %arg6[%run_scoped3A_441, %dma_wait3A_570] : memref<10x128xi32, #tpu.memory_space<vmem>> -> memref<1x128xi32, #tpu.memory_space<vmem>>
      %dma_wait3A_572 = tpu.memref_squeeze %dma_wait3A_571 : memref<1x128xi32, #tpu.memory_space<vmem>> -> memref<128xi32, #tpu.memory_space<vmem>>
      %dma_wait3A_573 = arith.constant 0 : i32
      %dma_wait3A_574 = arith.constant 0 : i32
      %dma_wait3A_575 = tpu.memref_slice %arg16[%dma_wait3A_573, %dma_wait3A_574] : memref<51200x16xf32, #tpu.memory_space<vmem_shared>> -> memref<51200x16xf32, #tpu.memory_space<vmem_shared>>
      tpu.wait_indirect_dma semaphore(%run_scoped3A_557 : memref<!tpu.dma_semaphore, #tpu.memory_space<semaphore_mem>>) src(%dma_wait3A_569 : memref<128x16xf32, #tpu.memory_space<vmem>>) dst(%dma_wait3A_575 : memref<51200x16xf32, #tpu.memory_space<vmem_shared>>)
      tpu.yield
    }) : () -> ()
    %dma_wait3A_442 = arith.constant 0 : i32
    %dma_wait3A_443 = arith.constant 0 : i32
    %dma_wait3A_444 = arith.constant 0 : i32
    %dma_wait3A_445 = tpu.memref_slice %arg11[%dma_wait3A_443, %dma_wait3A_444] : memref<1280x16xf32, #tpu.memory_space<vmem>> -> memref<128x16xf32, #tpu.memory_space<vmem>>
    %dma_wait3A_446 = arith.constant 0 : i32
    %dma_wait3A_447 = tpu.memref_slice %arg9[%dma_wait3A_442, %dma_wait3A_446] : memref<10x128xi32, #tpu.memory_space<vmem>> -> memref<1x128xi32, #tpu.memory_space<vmem>>
    %dma_wait3A_448 = tpu.memref_squeeze %dma_wait3A_447 : memref<1x128xi32, #tpu.memory_space<vmem>> -> memref<128xi32, #tpu.memory_space<vmem>>
    %dma_wait3A_449 = arith.constant 0 : i32
    %dma_wait3A_450 = arith.constant 0 : i32
    %dma_wait3A_451 = tpu.memref_slice %arg4[%dma_wait3A_449, %dma_wait3A_450] : memref<200000x16xf32, #tpu.memory_space<hbm>> -> memref<200000x16xf32, #tpu.memory_space<hbm>>
    tpu.wait_indirect_dma semaphore(%arg14 : memref<!tpu.dma_semaphore, #tpu.memory_space<semaphore_mem>>) src(%dma_wait3A_451 : memref<200000x16xf32, #tpu.memory_space<hbm>>) dst(%dma_wait3A_445 : memref<128x16xf32, #tpu.memory_space<vmem>>)
    %dma_wait3A_452 = arith.constant 1 : i32
    %dma_wait3A_453 = arith.constant 128 : i32
    %dma_wait3A_454 = arith.constant 0 : i32
    %dma_wait3A_455 = tpu.memref_slice %arg11[%dma_wait3A_453, %dma_wait3A_454] : memref<1280x16xf32, #tpu.memory_space<vmem>> -> memref<128x16xf32, #tpu.memory_space<vmem>>
    %dma_wait3A_456 = arith.constant 0 : i32
    %dma_wait3A_457 = tpu.memref_slice %arg9[%dma_wait3A_452, %dma_wait3A_456] : memref<10x128xi32, #tpu.memory_space<vmem>> -> memref<1x128xi32, #tpu.memory_space<vmem>>
    %dma_wait3A_458 = tpu.memref_squeeze %dma_wait3A_457 : memref<1x128xi32, #tpu.memory_space<vmem>> -> memref<128xi32, #tpu.memory_space<vmem>>
    %dma_wait3A_459 = arith.constant 0 : i32
    %dma_wait3A_460 = arith.constant 0 : i32
    %dma_wait3A_461 = tpu.memref_slice %arg4[%dma_wait3A_459, %dma_wait3A_460] : memref<200000x16xf32, #tpu.memory_space<hbm>> -> memref<200000x16xf32, #tpu.memory_space<hbm>>
    tpu.wait_indirect_dma semaphore(%arg14 : memref<!tpu.dma_semaphore, #tpu.memory_space<semaphore_mem>>) src(%dma_wait3A_461 : memref<200000x16xf32, #tpu.memory_space<hbm>>) dst(%dma_wait3A_455 : memref<128x16xf32, #tpu.memory_space<vmem>>)
    %dma_wait3A_462 = arith.constant 2 : i32
    %dma_wait3A_463 = arith.constant 256 : i32
    %dma_wait3A_464 = arith.constant 0 : i32
    %dma_wait3A_465 = tpu.memref_slice %arg11[%dma_wait3A_463, %dma_wait3A_464] : memref<1280x16xf32, #tpu.memory_space<vmem>> -> memref<128x16xf32, #tpu.memory_space<vmem>>
    %dma_wait3A_466 = arith.constant 0 : i32
    %dma_wait3A_467 = tpu.memref_slice %arg9[%dma_wait3A_462, %dma_wait3A_466] : memref<10x128xi32, #tpu.memory_space<vmem>> -> memref<1x128xi32, #tpu.memory_space<vmem>>
    %dma_wait3A_468 = tpu.memref_squeeze %dma_wait3A_467 : memref<1x128xi32, #tpu.memory_space<vmem>> -> memref<128xi32, #tpu.memory_space<vmem>>
    %dma_wait3A_469 = arith.constant 0 : i32
    %dma_wait3A_470 = arith.constant 0 : i32
    %dma_wait3A_471 = tpu.memref_slice %arg4[%dma_wait3A_469, %dma_wait3A_470] : memref<200000x16xf32, #tpu.memory_space<hbm>> -> memref<200000x16xf32, #tpu.memory_space<hbm>>
    tpu.wait_indirect_dma semaphore(%arg14 : memref<!tpu.dma_semaphore, #tpu.memory_space<semaphore_mem>>) src(%dma_wait3A_471 : memref<200000x16xf32, #tpu.memory_space<hbm>>) dst(%dma_wait3A_465 : memref<128x16xf32, #tpu.memory_space<vmem>>)
    %dma_wait3A_472 = arith.constant 3 : i32
    %dma_wait3A_473 = arith.constant 384 : i32
    %dma_wait3A_474 = arith.constant 0 : i32
    %dma_wait3A_475 = tpu.memref_slice %arg11[%dma_wait3A_473, %dma_wait3A_474] : memref<1280x16xf32, #tpu.memory_space<vmem>> -> memref<128x16xf32, #tpu.memory_space<vmem>>
    %dma_wait3A_476 = arith.constant 0 : i32
    %dma_wait3A_477 = tpu.memref_slice %arg9[%dma_wait3A_472, %dma_wait3A_476] : memref<10x128xi32, #tpu.memory_space<vmem>> -> memref<1x128xi32, #tpu.memory_space<vmem>>
    %dma_wait3A_478 = tpu.memref_squeeze %dma_wait3A_477 : memref<1x128xi32, #tpu.memory_space<vmem>> -> memref<128xi32, #tpu.memory_space<vmem>>
    %dma_wait3A_479 = arith.constant 0 : i32
    %dma_wait3A_480 = arith.constant 0 : i32
    %dma_wait3A_481 = tpu.memref_slice %arg4[%dma_wait3A_479, %dma_wait3A_480] : memref<200000x16xf32, #tpu.memory_space<hbm>> -> memref<200000x16xf32, #tpu.memory_space<hbm>>
    tpu.wait_indirect_dma semaphore(%arg14 : memref<!tpu.dma_semaphore, #tpu.memory_space<semaphore_mem>>) src(%dma_wait3A_481 : memref<200000x16xf32, #tpu.memory_space<hbm>>) dst(%dma_wait3A_475 : memref<128x16xf32, #tpu.memory_space<vmem>>)
    %dma_wait3A_482 = arith.constant 4 : i32
    %dma_wait3A_483 = arith.constant 512 : i32
    %dma_wait3A_484 = arith.constant 0 : i32
    %dma_wait3A_485 = tpu.memref_slice %arg11[%dma_wait3A_483, %dma_wait3A_484] : memref<1280x16xf32, #tpu.memory_space<vmem>> -> memref<128x16xf32, #tpu.memory_space<vmem>>
    %dma_wait3A_486 = arith.constant 0 : i32
    %dma_wait3A_487 = tpu.memref_slice %arg9[%dma_wait3A_482, %dma_wait3A_486] : memref<10x128xi32, #tpu.memory_space<vmem>> -> memref<1x128xi32, #tpu.memory_space<vmem>>
    %dma_wait3A_488 = tpu.memref_squeeze %dma_wait3A_487 : memref<1x128xi32, #tpu.memory_space<vmem>> -> memref<128xi32, #tpu.memory_space<vmem>>
    %dma_wait3A_489 = arith.constant 0 : i32
    %dma_wait3A_490 = arith.constant 0 : i32
    %dma_wait3A_491 = tpu.memref_slice %arg4[%dma_wait3A_489, %dma_wait3A_490] : memref<200000x16xf32, #tpu.memory_space<hbm>> -> memref<200000x16xf32, #tpu.memory_space<hbm>>
    tpu.wait_indirect_dma semaphore(%arg14 : memref<!tpu.dma_semaphore, #tpu.memory_space<semaphore_mem>>) src(%dma_wait3A_491 : memref<200000x16xf32, #tpu.memory_space<hbm>>) dst(%dma_wait3A_485 : memref<128x16xf32, #tpu.memory_space<vmem>>)
    %dma_wait3A_492 = arith.constant 5 : i32
    %dma_wait3A_493 = arith.constant 640 : i32
    %dma_wait3A_494 = arith.constant 0 : i32
    %dma_wait3A_495 = tpu.memref_slice %arg11[%dma_wait3A_493, %dma_wait3A_494] : memref<1280x16xf32, #tpu.memory_space<vmem>> -> memref<128x16xf32, #tpu.memory_space<vmem>>
    %dma_wait3A_496 = arith.constant 0 : i32
    %dma_wait3A_497 = tpu.memref_slice %arg9[%dma_wait3A_492, %dma_wait3A_496] : memref<10x128xi32, #tpu.memory_space<vmem>> -> memref<1x128xi32, #tpu.memory_space<vmem>>
    %dma_wait3A_498 = tpu.memref_squeeze %dma_wait3A_497 : memref<1x128xi32, #tpu.memory_space<vmem>> -> memref<128xi32, #tpu.memory_space<vmem>>
    %dma_wait3A_499 = arith.constant 0 : i32
    %dma_wait3A_500 = arith.constant 0 : i32
    %dma_wait3A_501 = tpu.memref_slice %arg4[%dma_wait3A_499, %dma_wait3A_500] : memref<200000x16xf32, #tpu.memory_space<hbm>> -> memref<200000x16xf32, #tpu.memory_space<hbm>>
    tpu.wait_indirect_dma semaphore(%arg14 : memref<!tpu.dma_semaphore, #tpu.memory_space<semaphore_mem>>) src(%dma_wait3A_501 : memref<200000x16xf32, #tpu.memory_space<hbm>>) dst(%dma_wait3A_495 : memref<128x16xf32, #tpu.memory_space<vmem>>)
    %dma_wait3A_502 = arith.constant 6 : i32
    %dma_wait3A_503 = arith.constant 768 : i32
    %dma_wait3A_504 = arith.constant 0 : i32
    %dma_wait3A_505 = tpu.memref_slice %arg11[%dma_wait3A_503, %dma_wait3A_504] : memref<1280x16xf32, #tpu.memory_space<vmem>> -> memref<128x16xf32, #tpu.memory_space<vmem>>
    %dma_wait3A_506 = arith.constant 0 : i32
    %dma_wait3A_507 = tpu.memref_slice %arg9[%dma_wait3A_502, %dma_wait3A_506] : memref<10x128xi32, #tpu.memory_space<vmem>> -> memref<1x128xi32, #tpu.memory_space<vmem>>
    %dma_wait3A_508 = tpu.memref_squeeze %dma_wait3A_507 : memref<1x128xi32, #tpu.memory_space<vmem>> -> memref<128xi32, #tpu.memory_space<vmem>>
    %dma_wait3A_509 = arith.constant 0 : i32
    %dma_wait3A_510 = arith.constant 0 : i32
    %dma_wait3A_511 = tpu.memref_slice %arg4[%dma_wait3A_509, %dma_wait3A_510] : memref<200000x16xf32, #tpu.memory_space<hbm>> -> memref<200000x16xf32, #tpu.memory_space<hbm>>
    tpu.wait_indirect_dma semaphore(%arg14 : memref<!tpu.dma_semaphore, #tpu.memory_space<semaphore_mem>>) src(%dma_wait3A_511 : memref<200000x16xf32, #tpu.memory_space<hbm>>) dst(%dma_wait3A_505 : memref<128x16xf32, #tpu.memory_space<vmem>>)
    %dma_wait3A_512 = arith.constant 7 : i32
    %dma_wait3A_513 = arith.constant 896 : i32
    %dma_wait3A_514 = arith.constant 0 : i32
    %dma_wait3A_515 = tpu.memref_slice %arg11[%dma_wait3A_513, %dma_wait3A_514] : memref<1280x16xf32, #tpu.memory_space<vmem>> -> memref<128x16xf32, #tpu.memory_space<vmem>>
    %dma_wait3A_516 = arith.constant 0 : i32
    %dma_wait3A_517 = tpu.memref_slice %arg9[%dma_wait3A_512, %dma_wait3A_516] : memref<10x128xi32, #tpu.memory_space<vmem>> -> memref<1x128xi32, #tpu.memory_space<vmem>>
    %dma_wait3A_518 = tpu.memref_squeeze %dma_wait3A_517 : memref<1x128xi32, #tpu.memory_space<vmem>> -> memref<128xi32, #tpu.memory_space<vmem>>
    %dma_wait3A_519 = arith.constant 0 : i32
    %dma_wait3A_520 = arith.constant 0 : i32
    %dma_wait3A_521 = tpu.memref_slice %arg4[%dma_wait3A_519, %dma_wait3A_520] : memref<200000x16xf32, #tpu.memory_space<hbm>> -> memref<200000x16xf32, #tpu.memory_space<hbm>>
    tpu.wait_indirect_dma semaphore(%arg14 : memref<!tpu.dma_semaphore, #tpu.memory_space<semaphore_mem>>) src(%dma_wait3A_521 : memref<200000x16xf32, #tpu.memory_space<hbm>>) dst(%dma_wait3A_515 : memref<128x16xf32, #tpu.memory_space<vmem>>)
    %dma_wait3A_522 = arith.constant 8 : i32
    %dma_wait3A_523 = arith.constant 1024 : i32
    %dma_wait3A_524 = arith.constant 0 : i32
    %dma_wait3A_525 = tpu.memref_slice %arg11[%dma_wait3A_523, %dma_wait3A_524] : memref<1280x16xf32, #tpu.memory_space<vmem>> -> memref<128x16xf32, #tpu.memory_space<vmem>>
    %dma_wait3A_526 = arith.constant 0 : i32
    %dma_wait3A_527 = tpu.memref_slice %arg9[%dma_wait3A_522, %dma_wait3A_526] : memref<10x128xi32, #tpu.memory_space<vmem>> -> memref<1x128xi32, #tpu.memory_space<vmem>>
    %dma_wait3A_528 = tpu.memref_squeeze %dma_wait3A_527 : memref<1x128xi32, #tpu.memory_space<vmem>> -> memref<128xi32, #tpu.memory_space<vmem>>
    %dma_wait3A_529 = arith.constant 0 : i32
    %dma_wait3A_530 = arith.constant 0 : i32
    %dma_wait3A_531 = tpu.memref_slice %arg4[%dma_wait3A_529, %dma_wait3A_530] : memref<200000x16xf32, #tpu.memory_space<hbm>> -> memref<200000x16xf32, #tpu.memory_space<hbm>>
    tpu.wait_indirect_dma semaphore(%arg14 : memref<!tpu.dma_semaphore, #tpu.memory_space<semaphore_mem>>) src(%dma_wait3A_531 : memref<200000x16xf32, #tpu.memory_space<hbm>>) dst(%dma_wait3A_525 : memref<128x16xf32, #tpu.memory_space<vmem>>)
    %dma_wait3A_532 = arith.constant 9 : i32
    %dma_wait3A_533 = arith.constant 1152 : i32
    %dma_wait3A_534 = arith.constant 0 : i32
    %dma_wait3A_535 = tpu.memref_slice %arg11[%dma_wait3A_533, %dma_wait3A_534] : memref<1280x16xf32, #tpu.memory_space<vmem>> -> memref<128x16xf32, #tpu.memory_space<vmem>>
    %dma_wait3A_536 = arith.constant 0 : i32
    %dma_wait3A_537 = tpu.memref_slice %arg9[%dma_wait3A_532, %dma_wait3A_536] : memref<10x128xi32, #tpu.memory_space<vmem>> -> memref<1x128xi32, #tpu.memory_space<vmem>>
    %dma_wait3A_538 = tpu.memref_squeeze %dma_wait3A_537 : memref<1x128xi32, #tpu.memory_space<vmem>> -> memref<128xi32, #tpu.memory_space<vmem>>
    %dma_wait3A_539 = arith.constant 0 : i32
    %dma_wait3A_540 = arith.constant 0 : i32
    %dma_wait3A_541 = tpu.memref_slice %arg4[%dma_wait3A_539, %dma_wait3A_540] : memref<200000x16xf32, #tpu.memory_space<hbm>> -> memref<200000x16xf32, #tpu.memory_space<hbm>>
    tpu.wait_indirect_dma semaphore(%arg14 : memref<!tpu.dma_semaphore, #tpu.memory_space<semaphore_mem>>) src(%dma_wait3A_541 : memref<200000x16xf32, #tpu.memory_space<hbm>>) dst(%dma_wait3A_535 : memref<128x16xf32, #tpu.memory_space<vmem>>)
    %run_scoped3A_542 = arith.constant 0 : i32
    "tpu.region"() ({
      %run_scoped3A_557 = tpu.sem_alloc : memref<!tpu.dma_semaphore, #tpu.memory_space<semaphore_mem>>
      %dma_start3A_558 = arith.constant 0 : i32
      %dma_start3A_559 = arith.constant 0 : i32
      %dma_start3A_560 = tpu.memref_slice %arg11[%dma_start3A_558, %dma_start3A_559] : memref<1280x16xf32, #tpu.memory_space<vmem>> -> memref<128x16xf32, #tpu.memory_space<vmem>>
      %dma_start3A_561 = arith.constant 0 : i32
      %dma_start3A_562 = tpu.memref_slice %arg8[%run_scoped3A_542, %dma_start3A_561] : memref<10x128xi32, #tpu.memory_space<vmem>> -> memref<1x128xi32, #tpu.memory_space<vmem>>
      %dma_start3A_563 = tpu.memref_squeeze %dma_start3A_562 : memref<1x128xi32, #tpu.memory_space<vmem>> -> memref<128xi32, #tpu.memory_space<vmem>>
      %dma_start3A_564 = arith.constant 0 : i32
      %dma_start3A_565 = arith.constant 0 : i32
      %dma_start3A_566 = tpu.memref_slice %arg16[%dma_start3A_564, %dma_start3A_565] : memref<51200x16xf32, #tpu.memory_space<vmem_shared>> -> memref<51200x16xf32, #tpu.memory_space<vmem_shared>>
      tpu.enqueue_indirect_dma source(%dma_start3A_560 : memref<128x16xf32, #tpu.memory_space<vmem>>) target(%dma_start3A_566 : memref<51200x16xf32, #tpu.memory_space<vmem_shared>>) offsets(%dma_start3A_563 : memref<128xi32, #tpu.memory_space<vmem>>) semaphore(%run_scoped3A_557 : memref<!tpu.dma_semaphore, #tpu.memory_space<semaphore_mem>>) {add = true}
      %dma_wait3A_567 = arith.constant 0 : i32
      %dma_wait3A_568 = arith.constant 0 : i32
      %dma_wait3A_569 = tpu.memref_slice %arg11[%dma_wait3A_567, %dma_wait3A_568] : memref<1280x16xf32, #tpu.memory_space<vmem>> -> memref<128x16xf32, #tpu.memory_space<vmem>>
      %dma_wait3A_570 = arith.constant 0 : i32
      %dma_wait3A_571 = tpu.memref_slice %arg8[%run_scoped3A_542, %dma_wait3A_570] : memref<10x128xi32, #tpu.memory_space<vmem>> -> memref<1x128xi32, #tpu.memory_space<vmem>>
      %dma_wait3A_572 = tpu.memref_squeeze %dma_wait3A_571 : memref<1x128xi32, #tpu.memory_space<vmem>> -> memref<128xi32, #tpu.memory_space<vmem>>
      %dma_wait3A_573 = arith.constant 0 : i32
      %dma_wait3A_574 = arith.constant 0 : i32
      %dma_wait3A_575 = tpu.memref_slice %arg16[%dma_wait3A_573, %dma_wait3A_574] : memref<51200x16xf32, #tpu.memory_space<vmem_shared>> -> memref<51200x16xf32, #tpu.memory_space<vmem_shared>>
      tpu.wait_indirect_dma semaphore(%run_scoped3A_557 : memref<!tpu.dma_semaphore, #tpu.memory_space<semaphore_mem>>) src(%dma_wait3A_569 : memref<128x16xf32, #tpu.memory_space<vmem>>) dst(%dma_wait3A_575 : memref<51200x16xf32, #tpu.memory_space<vmem_shared>>)
      tpu.yield
    }) : () -> ()
    %run_scoped3A_543 = arith.constant 1 : i32
    "tpu.region"() ({
      %run_scoped3A_557 = tpu.sem_alloc : memref<!tpu.dma_semaphore, #tpu.memory_space<semaphore_mem>>
      %dma_start3A_558 = arith.constant 128 : i32
      %dma_start3A_559 = arith.constant 0 : i32
      %dma_start3A_560 = tpu.memref_slice %arg11[%dma_start3A_558, %dma_start3A_559] : memref<1280x16xf32, #tpu.memory_space<vmem>> -> memref<128x16xf32, #tpu.memory_space<vmem>>
      %dma_start3A_561 = arith.constant 0 : i32
      %dma_start3A_562 = tpu.memref_slice %arg8[%run_scoped3A_543, %dma_start3A_561] : memref<10x128xi32, #tpu.memory_space<vmem>> -> memref<1x128xi32, #tpu.memory_space<vmem>>
      %dma_start3A_563 = tpu.memref_squeeze %dma_start3A_562 : memref<1x128xi32, #tpu.memory_space<vmem>> -> memref<128xi32, #tpu.memory_space<vmem>>
      %dma_start3A_564 = arith.constant 0 : i32
      %dma_start3A_565 = arith.constant 0 : i32
      %dma_start3A_566 = tpu.memref_slice %arg16[%dma_start3A_564, %dma_start3A_565] : memref<51200x16xf32, #tpu.memory_space<vmem_shared>> -> memref<51200x16xf32, #tpu.memory_space<vmem_shared>>
      tpu.enqueue_indirect_dma source(%dma_start3A_560 : memref<128x16xf32, #tpu.memory_space<vmem>>) target(%dma_start3A_566 : memref<51200x16xf32, #tpu.memory_space<vmem_shared>>) offsets(%dma_start3A_563 : memref<128xi32, #tpu.memory_space<vmem>>) semaphore(%run_scoped3A_557 : memref<!tpu.dma_semaphore, #tpu.memory_space<semaphore_mem>>) {add = true}
      %dma_wait3A_567 = arith.constant 128 : i32
      %dma_wait3A_568 = arith.constant 0 : i32
      %dma_wait3A_569 = tpu.memref_slice %arg11[%dma_wait3A_567, %dma_wait3A_568] : memref<1280x16xf32, #tpu.memory_space<vmem>> -> memref<128x16xf32, #tpu.memory_space<vmem>>
      %dma_wait3A_570 = arith.constant 0 : i32
      %dma_wait3A_571 = tpu.memref_slice %arg8[%run_scoped3A_543, %dma_wait3A_570] : memref<10x128xi32, #tpu.memory_space<vmem>> -> memref<1x128xi32, #tpu.memory_space<vmem>>
      %dma_wait3A_572 = tpu.memref_squeeze %dma_wait3A_571 : memref<1x128xi32, #tpu.memory_space<vmem>> -> memref<128xi32, #tpu.memory_space<vmem>>
      %dma_wait3A_573 = arith.constant 0 : i32
      %dma_wait3A_574 = arith.constant 0 : i32
      %dma_wait3A_575 = tpu.memref_slice %arg16[%dma_wait3A_573, %dma_wait3A_574] : memref<51200x16xf32, #tpu.memory_space<vmem_shared>> -> memref<51200x16xf32, #tpu.memory_space<vmem_shared>>
      tpu.wait_indirect_dma semaphore(%run_scoped3A_557 : memref<!tpu.dma_semaphore, #tpu.memory_space<semaphore_mem>>) src(%dma_wait3A_569 : memref<128x16xf32, #tpu.memory_space<vmem>>) dst(%dma_wait3A_575 : memref<51200x16xf32, #tpu.memory_space<vmem_shared>>)
      tpu.yield
    }) : () -> ()
    %run_scoped3A_544 = arith.constant 2 : i32
    "tpu.region"() ({
      %run_scoped3A_557 = tpu.sem_alloc : memref<!tpu.dma_semaphore, #tpu.memory_space<semaphore_mem>>
      %dma_start3A_558 = arith.constant 256 : i32
      %dma_start3A_559 = arith.constant 0 : i32
      %dma_start3A_560 = tpu.memref_slice %arg11[%dma_start3A_558, %dma_start3A_559] : memref<1280x16xf32, #tpu.memory_space<vmem>> -> memref<128x16xf32, #tpu.memory_space<vmem>>
      %dma_start3A_561 = arith.constant 0 : i32
      %dma_start3A_562 = tpu.memref_slice %arg8[%run_scoped3A_544, %dma_start3A_561] : memref<10x128xi32, #tpu.memory_space<vmem>> -> memref<1x128xi32, #tpu.memory_space<vmem>>
      %dma_start3A_563 = tpu.memref_squeeze %dma_start3A_562 : memref<1x128xi32, #tpu.memory_space<vmem>> -> memref<128xi32, #tpu.memory_space<vmem>>
      %dma_start3A_564 = arith.constant 0 : i32
      %dma_start3A_565 = arith.constant 0 : i32
      %dma_start3A_566 = tpu.memref_slice %arg16[%dma_start3A_564, %dma_start3A_565] : memref<51200x16xf32, #tpu.memory_space<vmem_shared>> -> memref<51200x16xf32, #tpu.memory_space<vmem_shared>>
      tpu.enqueue_indirect_dma source(%dma_start3A_560 : memref<128x16xf32, #tpu.memory_space<vmem>>) target(%dma_start3A_566 : memref<51200x16xf32, #tpu.memory_space<vmem_shared>>) offsets(%dma_start3A_563 : memref<128xi32, #tpu.memory_space<vmem>>) semaphore(%run_scoped3A_557 : memref<!tpu.dma_semaphore, #tpu.memory_space<semaphore_mem>>) {add = true}
      %dma_wait3A_567 = arith.constant 256 : i32
      %dma_wait3A_568 = arith.constant 0 : i32
      %dma_wait3A_569 = tpu.memref_slice %arg11[%dma_wait3A_567, %dma_wait3A_568] : memref<1280x16xf32, #tpu.memory_space<vmem>> -> memref<128x16xf32, #tpu.memory_space<vmem>>
      %dma_wait3A_570 = arith.constant 0 : i32
      %dma_wait3A_571 = tpu.memref_slice %arg8[%run_scoped3A_544, %dma_wait3A_570] : memref<10x128xi32, #tpu.memory_space<vmem>> -> memref<1x128xi32, #tpu.memory_space<vmem>>
      %dma_wait3A_572 = tpu.memref_squeeze %dma_wait3A_571 : memref<1x128xi32, #tpu.memory_space<vmem>> -> memref<128xi32, #tpu.memory_space<vmem>>
      %dma_wait3A_573 = arith.constant 0 : i32
      %dma_wait3A_574 = arith.constant 0 : i32
      %dma_wait3A_575 = tpu.memref_slice %arg16[%dma_wait3A_573, %dma_wait3A_574] : memref<51200x16xf32, #tpu.memory_space<vmem_shared>> -> memref<51200x16xf32, #tpu.memory_space<vmem_shared>>
      tpu.wait_indirect_dma semaphore(%run_scoped3A_557 : memref<!tpu.dma_semaphore, #tpu.memory_space<semaphore_mem>>) src(%dma_wait3A_569 : memref<128x16xf32, #tpu.memory_space<vmem>>) dst(%dma_wait3A_575 : memref<51200x16xf32, #tpu.memory_space<vmem_shared>>)
      tpu.yield
    }) : () -> ()
    %run_scoped3A_545 = arith.constant 3 : i32
    "tpu.region"() ({
      %run_scoped3A_557 = tpu.sem_alloc : memref<!tpu.dma_semaphore, #tpu.memory_space<semaphore_mem>>
      %dma_start3A_558 = arith.constant 384 : i32
      %dma_start3A_559 = arith.constant 0 : i32
      %dma_start3A_560 = tpu.memref_slice %arg11[%dma_start3A_558, %dma_start3A_559] : memref<1280x16xf32, #tpu.memory_space<vmem>> -> memref<128x16xf32, #tpu.memory_space<vmem>>
      %dma_start3A_561 = arith.constant 0 : i32
      %dma_start3A_562 = tpu.memref_slice %arg8[%run_scoped3A_545, %dma_start3A_561] : memref<10x128xi32, #tpu.memory_space<vmem>> -> memref<1x128xi32, #tpu.memory_space<vmem>>
      %dma_start3A_563 = tpu.memref_squeeze %dma_start3A_562 : memref<1x128xi32, #tpu.memory_space<vmem>> -> memref<128xi32, #tpu.memory_space<vmem>>
      %dma_start3A_564 = arith.constant 0 : i32
      %dma_start3A_565 = arith.constant 0 : i32
      %dma_start3A_566 = tpu.memref_slice %arg16[%dma_start3A_564, %dma_start3A_565] : memref<51200x16xf32, #tpu.memory_space<vmem_shared>> -> memref<51200x16xf32, #tpu.memory_space<vmem_shared>>
      tpu.enqueue_indirect_dma source(%dma_start3A_560 : memref<128x16xf32, #tpu.memory_space<vmem>>) target(%dma_start3A_566 : memref<51200x16xf32, #tpu.memory_space<vmem_shared>>) offsets(%dma_start3A_563 : memref<128xi32, #tpu.memory_space<vmem>>) semaphore(%run_scoped3A_557 : memref<!tpu.dma_semaphore, #tpu.memory_space<semaphore_mem>>) {add = true}
      %dma_wait3A_567 = arith.constant 384 : i32
      %dma_wait3A_568 = arith.constant 0 : i32
      %dma_wait3A_569 = tpu.memref_slice %arg11[%dma_wait3A_567, %dma_wait3A_568] : memref<1280x16xf32, #tpu.memory_space<vmem>> -> memref<128x16xf32, #tpu.memory_space<vmem>>
      %dma_wait3A_570 = arith.constant 0 : i32
      %dma_wait3A_571 = tpu.memref_slice %arg8[%run_scoped3A_545, %dma_wait3A_570] : memref<10x128xi32, #tpu.memory_space<vmem>> -> memref<1x128xi32, #tpu.memory_space<vmem>>
      %dma_wait3A_572 = tpu.memref_squeeze %dma_wait3A_571 : memref<1x128xi32, #tpu.memory_space<vmem>> -> memref<128xi32, #tpu.memory_space<vmem>>
      %dma_wait3A_573 = arith.constant 0 : i32
      %dma_wait3A_574 = arith.constant 0 : i32
      %dma_wait3A_575 = tpu.memref_slice %arg16[%dma_wait3A_573, %dma_wait3A_574] : memref<51200x16xf32, #tpu.memory_space<vmem_shared>> -> memref<51200x16xf32, #tpu.memory_space<vmem_shared>>
      tpu.wait_indirect_dma semaphore(%run_scoped3A_557 : memref<!tpu.dma_semaphore, #tpu.memory_space<semaphore_mem>>) src(%dma_wait3A_569 : memref<128x16xf32, #tpu.memory_space<vmem>>) dst(%dma_wait3A_575 : memref<51200x16xf32, #tpu.memory_space<vmem_shared>>)
      tpu.yield
    }) : () -> ()
    %run_scoped3A_546 = arith.constant 4 : i32
    "tpu.region"() ({
      %run_scoped3A_557 = tpu.sem_alloc : memref<!tpu.dma_semaphore, #tpu.memory_space<semaphore_mem>>
      %dma_start3A_558 = arith.constant 512 : i32
      %dma_start3A_559 = arith.constant 0 : i32
      %dma_start3A_560 = tpu.memref_slice %arg11[%dma_start3A_558, %dma_start3A_559] : memref<1280x16xf32, #tpu.memory_space<vmem>> -> memref<128x16xf32, #tpu.memory_space<vmem>>
      %dma_start3A_561 = arith.constant 0 : i32
      %dma_start3A_562 = tpu.memref_slice %arg8[%run_scoped3A_546, %dma_start3A_561] : memref<10x128xi32, #tpu.memory_space<vmem>> -> memref<1x128xi32, #tpu.memory_space<vmem>>
      %dma_start3A_563 = tpu.memref_squeeze %dma_start3A_562 : memref<1x128xi32, #tpu.memory_space<vmem>> -> memref<128xi32, #tpu.memory_space<vmem>>
      %dma_start3A_564 = arith.constant 0 : i32
      %dma_start3A_565 = arith.constant 0 : i32
      %dma_start3A_566 = tpu.memref_slice %arg16[%dma_start3A_564, %dma_start3A_565] : memref<51200x16xf32, #tpu.memory_space<vmem_shared>> -> memref<51200x16xf32, #tpu.memory_space<vmem_shared>>
      tpu.enqueue_indirect_dma source(%dma_start3A_560 : memref<128x16xf32, #tpu.memory_space<vmem>>) target(%dma_start3A_566 : memref<51200x16xf32, #tpu.memory_space<vmem_shared>>) offsets(%dma_start3A_563 : memref<128xi32, #tpu.memory_space<vmem>>) semaphore(%run_scoped3A_557 : memref<!tpu.dma_semaphore, #tpu.memory_space<semaphore_mem>>) {add = true}
      %dma_wait3A_567 = arith.constant 512 : i32
      %dma_wait3A_568 = arith.constant 0 : i32
      %dma_wait3A_569 = tpu.memref_slice %arg11[%dma_wait3A_567, %dma_wait3A_568] : memref<1280x16xf32, #tpu.memory_space<vmem>> -> memref<128x16xf32, #tpu.memory_space<vmem>>
      %dma_wait3A_570 = arith.constant 0 : i32
      %dma_wait3A_571 = tpu.memref_slice %arg8[%run_scoped3A_546, %dma_wait3A_570] : memref<10x128xi32, #tpu.memory_space<vmem>> -> memref<1x128xi32, #tpu.memory_space<vmem>>
      %dma_wait3A_572 = tpu.memref_squeeze %dma_wait3A_571 : memref<1x128xi32, #tpu.memory_space<vmem>> -> memref<128xi32, #tpu.memory_space<vmem>>
      %dma_wait3A_573 = arith.constant 0 : i32
      %dma_wait3A_574 = arith.constant 0 : i32
      %dma_wait3A_575 = tpu.memref_slice %arg16[%dma_wait3A_573, %dma_wait3A_574] : memref<51200x16xf32, #tpu.memory_space<vmem_shared>> -> memref<51200x16xf32, #tpu.memory_space<vmem_shared>>
      tpu.wait_indirect_dma semaphore(%run_scoped3A_557 : memref<!tpu.dma_semaphore, #tpu.memory_space<semaphore_mem>>) src(%dma_wait3A_569 : memref<128x16xf32, #tpu.memory_space<vmem>>) dst(%dma_wait3A_575 : memref<51200x16xf32, #tpu.memory_space<vmem_shared>>)
      tpu.yield
    }) : () -> ()
    %run_scoped3A_547 = arith.constant 5 : i32
    "tpu.region"() ({
      %run_scoped3A_557 = tpu.sem_alloc : memref<!tpu.dma_semaphore, #tpu.memory_space<semaphore_mem>>
      %dma_start3A_558 = arith.constant 640 : i32
      %dma_start3A_559 = arith.constant 0 : i32
      %dma_start3A_560 = tpu.memref_slice %arg11[%dma_start3A_558, %dma_start3A_559] : memref<1280x16xf32, #tpu.memory_space<vmem>> -> memref<128x16xf32, #tpu.memory_space<vmem>>
      %dma_start3A_561 = arith.constant 0 : i32
      %dma_start3A_562 = tpu.memref_slice %arg8[%run_scoped3A_547, %dma_start3A_561] : memref<10x128xi32, #tpu.memory_space<vmem>> -> memref<1x128xi32, #tpu.memory_space<vmem>>
      %dma_start3A_563 = tpu.memref_squeeze %dma_start3A_562 : memref<1x128xi32, #tpu.memory_space<vmem>> -> memref<128xi32, #tpu.memory_space<vmem>>
      %dma_start3A_564 = arith.constant 0 : i32
      %dma_start3A_565 = arith.constant 0 : i32
      %dma_start3A_566 = tpu.memref_slice %arg16[%dma_start3A_564, %dma_start3A_565] : memref<51200x16xf32, #tpu.memory_space<vmem_shared>> -> memref<51200x16xf32, #tpu.memory_space<vmem_shared>>
      tpu.enqueue_indirect_dma source(%dma_start3A_560 : memref<128x16xf32, #tpu.memory_space<vmem>>) target(%dma_start3A_566 : memref<51200x16xf32, #tpu.memory_space<vmem_shared>>) offsets(%dma_start3A_563 : memref<128xi32, #tpu.memory_space<vmem>>) semaphore(%run_scoped3A_557 : memref<!tpu.dma_semaphore, #tpu.memory_space<semaphore_mem>>) {add = true}
      %dma_wait3A_567 = arith.constant 640 : i32
      %dma_wait3A_568 = arith.constant 0 : i32
      %dma_wait3A_569 = tpu.memref_slice %arg11[%dma_wait3A_567, %dma_wait3A_568] : memref<1280x16xf32, #tpu.memory_space<vmem>> -> memref<128x16xf32, #tpu.memory_space<vmem>>
      %dma_wait3A_570 = arith.constant 0 : i32
      %dma_wait3A_571 = tpu.memref_slice %arg8[%run_scoped3A_547, %dma_wait3A_570] : memref<10x128xi32, #tpu.memory_space<vmem>> -> memref<1x128xi32, #tpu.memory_space<vmem>>
      %dma_wait3A_572 = tpu.memref_squeeze %dma_wait3A_571 : memref<1x128xi32, #tpu.memory_space<vmem>> -> memref<128xi32, #tpu.memory_space<vmem>>
      %dma_wait3A_573 = arith.constant 0 : i32
      %dma_wait3A_574 = arith.constant 0 : i32
      %dma_wait3A_575 = tpu.memref_slice %arg16[%dma_wait3A_573, %dma_wait3A_574] : memref<51200x16xf32, #tpu.memory_space<vmem_shared>> -> memref<51200x16xf32, #tpu.memory_space<vmem_shared>>
      tpu.wait_indirect_dma semaphore(%run_scoped3A_557 : memref<!tpu.dma_semaphore, #tpu.memory_space<semaphore_mem>>) src(%dma_wait3A_569 : memref<128x16xf32, #tpu.memory_space<vmem>>) dst(%dma_wait3A_575 : memref<51200x16xf32, #tpu.memory_space<vmem_shared>>)
      tpu.yield
    }) : () -> ()
    %run_scoped3A_548 = arith.constant 6 : i32
    "tpu.region"() ({
      %run_scoped3A_557 = tpu.sem_alloc : memref<!tpu.dma_semaphore, #tpu.memory_space<semaphore_mem>>
      %dma_start3A_558 = arith.constant 768 : i32
      %dma_start3A_559 = arith.constant 0 : i32
      %dma_start3A_560 = tpu.memref_slice %arg11[%dma_start3A_558, %dma_start3A_559] : memref<1280x16xf32, #tpu.memory_space<vmem>> -> memref<128x16xf32, #tpu.memory_space<vmem>>
      %dma_start3A_561 = arith.constant 0 : i32
      %dma_start3A_562 = tpu.memref_slice %arg8[%run_scoped3A_548, %dma_start3A_561] : memref<10x128xi32, #tpu.memory_space<vmem>> -> memref<1x128xi32, #tpu.memory_space<vmem>>
      %dma_start3A_563 = tpu.memref_squeeze %dma_start3A_562 : memref<1x128xi32, #tpu.memory_space<vmem>> -> memref<128xi32, #tpu.memory_space<vmem>>
      %dma_start3A_564 = arith.constant 0 : i32
      %dma_start3A_565 = arith.constant 0 : i32
      %dma_start3A_566 = tpu.memref_slice %arg16[%dma_start3A_564, %dma_start3A_565] : memref<51200x16xf32, #tpu.memory_space<vmem_shared>> -> memref<51200x16xf32, #tpu.memory_space<vmem_shared>>
      tpu.enqueue_indirect_dma source(%dma_start3A_560 : memref<128x16xf32, #tpu.memory_space<vmem>>) target(%dma_start3A_566 : memref<51200x16xf32, #tpu.memory_space<vmem_shared>>) offsets(%dma_start3A_563 : memref<128xi32, #tpu.memory_space<vmem>>) semaphore(%run_scoped3A_557 : memref<!tpu.dma_semaphore, #tpu.memory_space<semaphore_mem>>) {add = true}
      %dma_wait3A_567 = arith.constant 768 : i32
      %dma_wait3A_568 = arith.constant 0 : i32
      %dma_wait3A_569 = tpu.memref_slice %arg11[%dma_wait3A_567, %dma_wait3A_568] : memref<1280x16xf32, #tpu.memory_space<vmem>> -> memref<128x16xf32, #tpu.memory_space<vmem>>
      %dma_wait3A_570 = arith.constant 0 : i32
      %dma_wait3A_571 = tpu.memref_slice %arg8[%run_scoped3A_548, %dma_wait3A_570] : memref<10x128xi32, #tpu.memory_space<vmem>> -> memref<1x128xi32, #tpu.memory_space<vmem>>
      %dma_wait3A_572 = tpu.memref_squeeze %dma_wait3A_571 : memref<1x128xi32, #tpu.memory_space<vmem>> -> memref<128xi32, #tpu.memory_space<vmem>>
      %dma_wait3A_573 = arith.constant 0 : i32
      %dma_wait3A_574 = arith.constant 0 : i32
      %dma_wait3A_575 = tpu.memref_slice %arg16[%dma_wait3A_573, %dma_wait3A_574] : memref<51200x16xf32, #tpu.memory_space<vmem_shared>> -> memref<51200x16xf32, #tpu.memory_space<vmem_shared>>
      tpu.wait_indirect_dma semaphore(%run_scoped3A_557 : memref<!tpu.dma_semaphore, #tpu.memory_space<semaphore_mem>>) src(%dma_wait3A_569 : memref<128x16xf32, #tpu.memory_space<vmem>>) dst(%dma_wait3A_575 : memref<51200x16xf32, #tpu.memory_space<vmem_shared>>)
      tpu.yield
    }) : () -> ()
    %run_scoped3A_549 = arith.constant 7 : i32
    "tpu.region"() ({
      %run_scoped3A_557 = tpu.sem_alloc : memref<!tpu.dma_semaphore, #tpu.memory_space<semaphore_mem>>
      %dma_start3A_558 = arith.constant 896 : i32
      %dma_start3A_559 = arith.constant 0 : i32
      %dma_start3A_560 = tpu.memref_slice %arg11[%dma_start3A_558, %dma_start3A_559] : memref<1280x16xf32, #tpu.memory_space<vmem>> -> memref<128x16xf32, #tpu.memory_space<vmem>>
      %dma_start3A_561 = arith.constant 0 : i32
      %dma_start3A_562 = tpu.memref_slice %arg8[%run_scoped3A_549, %dma_start3A_561] : memref<10x128xi32, #tpu.memory_space<vmem>> -> memref<1x128xi32, #tpu.memory_space<vmem>>
      %dma_start3A_563 = tpu.memref_squeeze %dma_start3A_562 : memref<1x128xi32, #tpu.memory_space<vmem>> -> memref<128xi32, #tpu.memory_space<vmem>>
      %dma_start3A_564 = arith.constant 0 : i32
      %dma_start3A_565 = arith.constant 0 : i32
      %dma_start3A_566 = tpu.memref_slice %arg16[%dma_start3A_564, %dma_start3A_565] : memref<51200x16xf32, #tpu.memory_space<vmem_shared>> -> memref<51200x16xf32, #tpu.memory_space<vmem_shared>>
      tpu.enqueue_indirect_dma source(%dma_start3A_560 : memref<128x16xf32, #tpu.memory_space<vmem>>) target(%dma_start3A_566 : memref<51200x16xf32, #tpu.memory_space<vmem_shared>>) offsets(%dma_start3A_563 : memref<128xi32, #tpu.memory_space<vmem>>) semaphore(%run_scoped3A_557 : memref<!tpu.dma_semaphore, #tpu.memory_space<semaphore_mem>>) {add = true}
      %dma_wait3A_567 = arith.constant 896 : i32
      %dma_wait3A_568 = arith.constant 0 : i32
      %dma_wait3A_569 = tpu.memref_slice %arg11[%dma_wait3A_567, %dma_wait3A_568] : memref<1280x16xf32, #tpu.memory_space<vmem>> -> memref<128x16xf32, #tpu.memory_space<vmem>>
      %dma_wait3A_570 = arith.constant 0 : i32
      %dma_wait3A_571 = tpu.memref_slice %arg8[%run_scoped3A_549, %dma_wait3A_570] : memref<10x128xi32, #tpu.memory_space<vmem>> -> memref<1x128xi32, #tpu.memory_space<vmem>>
      %dma_wait3A_572 = tpu.memref_squeeze %dma_wait3A_571 : memref<1x128xi32, #tpu.memory_space<vmem>> -> memref<128xi32, #tpu.memory_space<vmem>>
      %dma_wait3A_573 = arith.constant 0 : i32
      %dma_wait3A_574 = arith.constant 0 : i32
      %dma_wait3A_575 = tpu.memref_slice %arg16[%dma_wait3A_573, %dma_wait3A_574] : memref<51200x16xf32, #tpu.memory_space<vmem_shared>> -> memref<51200x16xf32, #tpu.memory_space<vmem_shared>>
      tpu.wait_indirect_dma semaphore(%run_scoped3A_557 : memref<!tpu.dma_semaphore, #tpu.memory_space<semaphore_mem>>) src(%dma_wait3A_569 : memref<128x16xf32, #tpu.memory_space<vmem>>) dst(%dma_wait3A_575 : memref<51200x16xf32, #tpu.memory_space<vmem_shared>>)
      tpu.yield
    }) : () -> ()
    %run_scoped3A_550 = arith.constant 8 : i32
    "tpu.region"() ({
      %run_scoped3A_557 = tpu.sem_alloc : memref<!tpu.dma_semaphore, #tpu.memory_space<semaphore_mem>>
      %dma_start3A_558 = arith.constant 1024 : i32
      %dma_start3A_559 = arith.constant 0 : i32
      %dma_start3A_560 = tpu.memref_slice %arg11[%dma_start3A_558, %dma_start3A_559] : memref<1280x16xf32, #tpu.memory_space<vmem>> -> memref<128x16xf32, #tpu.memory_space<vmem>>
      %dma_start3A_561 = arith.constant 0 : i32
      %dma_start3A_562 = tpu.memref_slice %arg8[%run_scoped3A_550, %dma_start3A_561] : memref<10x128xi32, #tpu.memory_space<vmem>> -> memref<1x128xi32, #tpu.memory_space<vmem>>
      %dma_start3A_563 = tpu.memref_squeeze %dma_start3A_562 : memref<1x128xi32, #tpu.memory_space<vmem>> -> memref<128xi32, #tpu.memory_space<vmem>>
      %dma_start3A_564 = arith.constant 0 : i32
      %dma_start3A_565 = arith.constant 0 : i32
      %dma_start3A_566 = tpu.memref_slice %arg16[%dma_start3A_564, %dma_start3A_565] : memref<51200x16xf32, #tpu.memory_space<vmem_shared>> -> memref<51200x16xf32, #tpu.memory_space<vmem_shared>>
      tpu.enqueue_indirect_dma source(%dma_start3A_560 : memref<128x16xf32, #tpu.memory_space<vmem>>) target(%dma_start3A_566 : memref<51200x16xf32, #tpu.memory_space<vmem_shared>>) offsets(%dma_start3A_563 : memref<128xi32, #tpu.memory_space<vmem>>) semaphore(%run_scoped3A_557 : memref<!tpu.dma_semaphore, #tpu.memory_space<semaphore_mem>>) {add = true}
      %dma_wait3A_567 = arith.constant 1024 : i32
      %dma_wait3A_568 = arith.constant 0 : i32
      %dma_wait3A_569 = tpu.memref_slice %arg11[%dma_wait3A_567, %dma_wait3A_568] : memref<1280x16xf32, #tpu.memory_space<vmem>> -> memref<128x16xf32, #tpu.memory_space<vmem>>
      %dma_wait3A_570 = arith.constant 0 : i32
      %dma_wait3A_571 = tpu.memref_slice %arg8[%run_scoped3A_550, %dma_wait3A_570] : memref<10x128xi32, #tpu.memory_space<vmem>> -> memref<1x128xi32, #tpu.memory_space<vmem>>
      %dma_wait3A_572 = tpu.memref_squeeze %dma_wait3A_571 : memref<1x128xi32, #tpu.memory_space<vmem>> -> memref<128xi32, #tpu.memory_space<vmem>>
      %dma_wait3A_573 = arith.constant 0 : i32
      %dma_wait3A_574 = arith.constant 0 : i32
      %dma_wait3A_575 = tpu.memref_slice %arg16[%dma_wait3A_573, %dma_wait3A_574] : memref<51200x16xf32, #tpu.memory_space<vmem_shared>> -> memref<51200x16xf32, #tpu.memory_space<vmem_shared>>
      tpu.wait_indirect_dma semaphore(%run_scoped3A_557 : memref<!tpu.dma_semaphore, #tpu.memory_space<semaphore_mem>>) src(%dma_wait3A_569 : memref<128x16xf32, #tpu.memory_space<vmem>>) dst(%dma_wait3A_575 : memref<51200x16xf32, #tpu.memory_space<vmem_shared>>)
      tpu.yield
    }) : () -> ()
    %run_scoped3A_551 = arith.constant 9 : i32
    "tpu.region"() ({
      %run_scoped3A_557 = tpu.sem_alloc : memref<!tpu.dma_semaphore, #tpu.memory_space<semaphore_mem>>
      %dma_start3A_558 = arith.constant 1152 : i32
      %dma_start3A_559 = arith.constant 0 : i32
      %dma_start3A_560 = tpu.memref_slice %arg11[%dma_start3A_558, %dma_start3A_559] : memref<1280x16xf32, #tpu.memory_space<vmem>> -> memref<128x16xf32, #tpu.memory_space<vmem>>
      %dma_start3A_561 = arith.constant 0 : i32
      %dma_start3A_562 = tpu.memref_slice %arg8[%run_scoped3A_551, %dma_start3A_561] : memref<10x128xi32, #tpu.memory_space<vmem>> -> memref<1x128xi32, #tpu.memory_space<vmem>>
      %dma_start3A_563 = tpu.memref_squeeze %dma_start3A_562 : memref<1x128xi32, #tpu.memory_space<vmem>> -> memref<128xi32, #tpu.memory_space<vmem>>
      %dma_start3A_564 = arith.constant 0 : i32
      %dma_start3A_565 = arith.constant 0 : i32
      %dma_start3A_566 = tpu.memref_slice %arg16[%dma_start3A_564, %dma_start3A_565] : memref<51200x16xf32, #tpu.memory_space<vmem_shared>> -> memref<51200x16xf32, #tpu.memory_space<vmem_shared>>
      tpu.enqueue_indirect_dma source(%dma_start3A_560 : memref<128x16xf32, #tpu.memory_space<vmem>>) target(%dma_start3A_566 : memref<51200x16xf32, #tpu.memory_space<vmem_shared>>) offsets(%dma_start3A_563 : memref<128xi32, #tpu.memory_space<vmem>>) semaphore(%run_scoped3A_557 : memref<!tpu.dma_semaphore, #tpu.memory_space<semaphore_mem>>) {add = true}
      %dma_wait3A_567 = arith.constant 1152 : i32
      %dma_wait3A_568 = arith.constant 0 : i32
      %dma_wait3A_569 = tpu.memref_slice %arg11[%dma_wait3A_567, %dma_wait3A_568] : memref<1280x16xf32, #tpu.memory_space<vmem>> -> memref<128x16xf32, #tpu.memory_space<vmem>>
      %dma_wait3A_570 = arith.constant 0 : i32
      %dma_wait3A_571 = tpu.memref_slice %arg8[%run_scoped3A_551, %dma_wait3A_570] : memref<10x128xi32, #tpu.memory_space<vmem>> -> memref<1x128xi32, #tpu.memory_space<vmem>>
      %dma_wait3A_572 = tpu.memref_squeeze %dma_wait3A_571 : memref<1x128xi32, #tpu.memory_space<vmem>> -> memref<128xi32, #tpu.memory_space<vmem>>
      %dma_wait3A_573 = arith.constant 0 : i32
      %dma_wait3A_574 = arith.constant 0 : i32
      %dma_wait3A_575 = tpu.memref_slice %arg16[%dma_wait3A_573, %dma_wait3A_574] : memref<51200x16xf32, #tpu.memory_space<vmem_shared>> -> memref<51200x16xf32, #tpu.memory_space<vmem_shared>>
      tpu.wait_indirect_dma semaphore(%run_scoped3A_557 : memref<!tpu.dma_semaphore, #tpu.memory_space<semaphore_mem>>) src(%dma_wait3A_569 : memref<128x16xf32, #tpu.memory_space<vmem>>) dst(%dma_wait3A_575 : memref<51200x16xf32, #tpu.memory_space<vmem_shared>>)
      tpu.yield
    }) : () -> ()
    %barrier3A_552 = arith.constant 0 : index
    tpu.barrier barrier_id(%barrier3A_552)
    %mul3A_553 = arith.constant 3200 : i32
    %mul3A_554 = arith.muli %arg1, %mul3A_553 : i32
    %mul3A_555 = arith.constant 3200 : i32
    %mul3A_556 = arith.muli %arg1, %mul3A_555 : i32
    "tpu.region"() ({
      %run_scoped3A_557 = tpu.sem_alloc : memref<!tpu.dma_semaphore, #tpu.memory_space<semaphore_mem>>
      %dma_start3A_558 = arith.constant 0 : i32
      %dma_start3A_559 = tpu.memref_slice %arg5[%arg0, %mul3A_556, %dma_start3A_558] : memref<2x51200x16xf32, #tpu.memory_space<hbm>> -> memref<1x3200x16xf32, #tpu.memory_space<hbm>>
      %dma_start3A_560 = tpu.memref_squeeze %dma_start3A_559 : memref<1x3200x16xf32, #tpu.memory_space<hbm>> -> memref<3200x16xf32, #tpu.memory_space<hbm>>
      %dma_start3A_561 = arith.constant 0 : i32
      %dma_start3A_562 = tpu.memref_slice %arg16[%mul3A_554, %dma_start3A_561] : memref<51200x16xf32, #tpu.memory_space<vmem_shared>> -> memref<3200x16xf32, #tpu.memory_space<vmem_shared>>
      tpu.enqueue_dma source(%dma_start3A_562 : memref<3200x16xf32, #tpu.memory_space<vmem_shared>>) target(%dma_start3A_560 : memref<3200x16xf32, #tpu.memory_space<hbm>>) target_semaphore(%run_scoped3A_557 : memref<!tpu.dma_semaphore, #tpu.memory_space<semaphore_mem>>)
      %dma_wait3A_563 = arith.constant 0 : i32
      %dma_wait3A_564 = tpu.memref_slice %arg5[%arg0, %mul3A_556, %dma_wait3A_563] : memref<2x51200x16xf32, #tpu.memory_space<hbm>> -> memref<1x3200x16xf32, #tpu.memory_space<hbm>>
      %dma_wait3A_565 = tpu.memref_squeeze %dma_wait3A_564 : memref<1x3200x16xf32, #tpu.memory_space<hbm>> -> memref<3200x16xf32, #tpu.memory_space<hbm>>
      %dma_wait3A_566 = arith.constant 0 : i32
      %dma_wait3A_567 = tpu.memref_slice %arg16[%mul3A_554, %dma_wait3A_566] : memref<51200x16xf32, #tpu.memory_space<vmem_shared>> -> memref<3200x16xf32, #tpu.memory_space<vmem_shared>>
      tpu.wait_dma2 semaphore(%run_scoped3A_557 : memref<!tpu.dma_semaphore, #tpu.memory_space<semaphore_mem>>) src(%dma_wait3A_567 : memref<3200x16xf32, #tpu.memory_space<vmem_shared>>) dst(%dma_wait3A_565 : memref<3200x16xf32, #tpu.memory_space<hbm>>)
      tpu.yield
    }) : () -> ()
    return
  }
}

module attributes {stable_mosaic.version = 14 : i64} {
  func.func @_pre_body(%arg0: i32, %arg1: memref<5000x10xf32, #tpu.memory_space<vmem>>, %arg2: memref<10x64xf32, #tpu.memory_space<vmem>>, %arg3: memref<1x64xf32, #tpu.memory_space<vmem>>, %arg4: memref<5000x1xi32, #tpu.memory_space<vmem>>, %arg5: memref<32x16xf32, #tpu.memory_space<vmem>>, %arg6: memref<2x81920xi32, #tpu.memory_space<vmem>>, %arg7: memref<81920xi32, #tpu.memory_space<vmem>>, %arg8: memref<5000x64xf32, #tpu.memory_space<vmem>>, %arg9: memref<5000x16xf32, #tpu.memory_space<vmem>>, %arg10: memref<640x128xi32, #tpu.memory_space<vmem>>, %arg11: memref<640x128xi32, #tpu.memory_space<vmem>>) attributes {dimension_semantics = [#tpu.dimension_semantics<arbitrary>], iteration_bounds = array<i64: 10>, scalar_prefetch = 0 : i64, scratch_operands = 0 : i64, tpu.core_type = #tpu.core_type<tc>, window_params = [{transform_indices = @transform_0, window_bounds = array<i64: 5000, 10>}, {pipeline_mode = #tpu.pipeline_mode<synchronous>, transform_indices = @transform_1, window_bounds = array<i64: 10, 64>}, {pipeline_mode = #tpu.pipeline_mode<synchronous>, transform_indices = @transform_2, window_bounds = array<i64: 1, 64>}, {transform_indices = @transform_3, window_bounds = array<i64: 5000, 1>}, {pipeline_mode = #tpu.pipeline_mode<synchronous>, transform_indices = @transform_4, window_bounds = array<i64: 32, 16>}, {transform_indices = @transform_5, window_bounds = array<i64: 2, 81920>}, {transform_indices = @transform_6, window_bounds = array<i64: 81920>}, {transform_indices = @transform_7, window_bounds = array<i64: 5000, 64>}, {transform_indices = @transform_8, window_bounds = array<i64: 5000, 16>}, {transform_indices = @transform_9, window_bounds = array<i64: 640, 128>}, {transform_indices = @transform_10, window_bounds = array<i64: 640, 128>}]} {
    %get3A = arith.constant 0 : index
    %get3A_0 = arith.constant 0 : index
    %get3A_1 = vector.load %arg1[%get3A, %get3A_0] : memref<5000x10xf32, #tpu.memory_space<vmem>>, vector<5000x10xf32>
    %get3A_2 = arith.constant 0 : index
    %get3A_3 = arith.constant 0 : index
    %get3A_4 = vector.load %arg2[%get3A_2, %get3A_3] : memref<10x64xf32, #tpu.memory_space<vmem>>, vector<10x64xf32>
    %dot_general3A = arith.constant dense<0.000000e+00> : vector<5000x64xf32>
    %dot_general3A_5 = tpu.matmul %get3A_1, %get3A_4, %dot_general3A {dimension_numbers = #tpu.dot_dimension_numbers<[1], [0], [0], [1], [0, 0, 1, 1], [], []>, transpose_lhs_hint = false} : vector<5000x10xf32>, vector<10x64xf32>, vector<5000x64xf32> -> vector<5000x64xf32>
    %get3A_6 = arith.constant 0 : index
    %get3A_7 = arith.constant 0 : index
    %get3A_8 = vector.load %arg3[%get3A_6, %get3A_7] : memref<1x64xf32, #tpu.memory_space<vmem>>, vector<1x64xf32>
    %add3A = vector.broadcast %get3A_8 : vector<1x64xf32> to vector<5000x64xf32>
    %add3A_9 = arith.addf %dot_general3A_5, %add3A : vector<5000x64xf32>
    %swap3A = arith.constant 0 : index
    %swap3A_10 = arith.constant 0 : index
    %swap3A_11 = vector.load %arg8[%swap3A, %swap3A_10] : memref<5000x64xf32, #tpu.memory_space<vmem>>, vector<5000x64xf32>
    tpu.vector_store %arg8[%swap3A, %swap3A_10], %add3A_9 {strides = array<i32>} : memref<5000x64xf32, #tpu.memory_space<vmem>>, vector<5000x64xf32>,
    %get3A_12 = arith.constant 0 : index
    %get3A_13 = arith.constant 0 : index
    %get3A_14 = vector.load %arg4[%get3A_12, %get3A_13] : memref<5000x1xi32, #tpu.memory_space<vmem>>, vector<5000x1xi32>
    %iota3A = tpu.iota {dimensions = array<i32: 1>} : vector<1x32xi32>
    %eq3A = vector.broadcast %get3A_14 : vector<5000x1xi32> to vector<5000x32xi32>
    %eq3A_15 = vector.broadcast %iota3A : vector<1x32xi32> to vector<5000x32xi32>
    %eq3A_16 = arith.cmpi eq, %eq3A, %eq3A_15 : vector<5000x32xi32>
    %convert_element_type3A = arith.extui %eq3A_16 : vector<5000x32xi1> to vector<5000x32xi32>
    %convert_element_type3A_17 = arith.sitofp %convert_element_type3A : vector<5000x32xi32> to vector<5000x32xf32>
    %get3A_18 = arith.constant 0 : index
    %get3A_19 = arith.constant 0 : index
    %get3A_20 = vector.load %arg5[%get3A_18, %get3A_19] : memref<32x16xf32, #tpu.memory_space<vmem>>, vector<32x16xf32>
    %dot_general3A_21 = arith.constant dense<0.000000e+00> : vector<5000x16xf32>
    %dot_general3A_22 = tpu.matmul %convert_element_type3A_17, %get3A_20, %dot_general3A_21 {dimension_numbers = #tpu.dot_dimension_numbers<[1], [0], [0], [1], [0, 0, 1, 1], [], []>, transpose_lhs_hint = false} : vector<5000x32xf32>, vector<32x16xf32>, vector<5000x16xf32> -> vector<5000x16xf32>
    %swap3A_23 = arith.constant 0 : index
    %swap3A_24 = arith.constant 0 : index
    %swap3A_25 = vector.load %arg9[%swap3A_23, %swap3A_24] : memref<5000x16xf32, #tpu.memory_space<vmem>>, vector<5000x16xf32>
    tpu.vector_store %arg9[%swap3A_23, %swap3A_24], %dot_general3A_22 {strides = array<i32>} : memref<5000x16xf32, #tpu.memory_space<vmem>>, vector<5000x16xf32>,
    %get3A_26 = arith.constant 0 : index
    %get3A_27 = arith.constant 0 : index
    %get3A_28 = vector.load %arg6[%get3A_26, %get3A_27] : memref<2x81920xi32, #tpu.memory_space<vmem>>, vector<1x81920xi32>
    %get3A_29 = vector.shape_cast %get3A_28 : vector<1x81920xi32> to vector<81920xi32>
    %reshape3A = vector.shape_cast %get3A_29 : vector<81920xi32> to vector<640x128xi32>
    %get3A_30 = arith.constant 1 : index
    %get3A_31 = arith.constant 0 : index
    %get3A_32 = vector.load %arg6[%get3A_30, %get3A_31] : memref<2x81920xi32, #tpu.memory_space<vmem>>, vector<1x81920xi32>
    %get3A_33 = vector.shape_cast %get3A_32 : vector<1x81920xi32> to vector<81920xi32>
    %reshape3A_34 = vector.shape_cast %get3A_33 : vector<81920xi32> to vector<640x128xi32>
    %get3A_35 = arith.constant 0 : index
    %get3A_36 = vector.load %arg7[%get3A_35] : memref<81920xi32, #tpu.memory_space<vmem>>, vector<81920xi32>
    %reshape3A_37 = vector.shape_cast %get3A_36 : vector<81920xi32> to vector<640x128xi32>
    %mul3A = arith.constant 640 : i32
    %mul3A_38 = arith.muli %arg0, %mul3A : i32
    %iota3A_39 = tpu.iota {dimensions = array<i32: 0>} : vector<640x128xi32>
    %add3A_40 = vector.broadcast %mul3A_38 : i32 to vector<640x128xi32>
    %add3A_41 = arith.addi %add3A_40, %iota3A_39 : vector<640x128xi32>
    %mul3A_42 = arith.constant 128 : i32
    %mul3A_43 = vector.broadcast %mul3A_42 : i32 to vector<640x128xi32>
    %mul3A_44 = arith.muli %add3A_41, %mul3A_43 : vector<640x128xi32>
    %iota3A_45 = tpu.iota {dimensions = array<i32: 1>} : vector<640x128xi32>
    %add3A_46 = arith.addi %mul3A_44, %iota3A_45 : vector<640x128xi32>
    %lt3A = arith.constant 800000 : i32
    %lt3A_47 = vector.broadcast %lt3A : i32 to vector<640x128xi32>
    %lt3A_48 = arith.cmpi slt, %add3A_46, %lt3A_47 : vector<640x128xi32>
    %and3A = arith.constant 1023 : i32
    %and3A_49 = vector.broadcast %and3A : i32 to vector<640x128xi32>
    %and3A_50 = arith.andi %add3A_46, %and3A_49 : vector<640x128xi32>
    %add3A_51 = arith.constant 50000 : i32
    %add3A_52 = vector.broadcast %add3A_51 : i32 to vector<640x128xi32>
    %add3A_53 = arith.addi %add3A_52, %and3A_50 : vector<640x128xi32>
    %select_n3A = arith.select %lt3A_48, %reshape3A, %add3A_53 : vector<640x128xi1>, vector<640x128xi32>
    %swap3A_54 = arith.constant 0 : index
    %swap3A_55 = arith.constant 0 : index
    %swap3A_56 = vector.load %arg10[%swap3A_54, %swap3A_55] : memref<640x128xi32, #tpu.memory_space<vmem>>, vector<640x128xi32>
    tpu.vector_store %arg10[%swap3A_54, %swap3A_55], %select_n3A {strides = array<i32>} : memref<640x128xi32, #tpu.memory_space<vmem>>, vector<640x128xi32>,
    %mul3A_57 = arith.constant 4 : i32
    %mul3A_58 = vector.broadcast %mul3A_57 : i32 to vector<640x128xi32>
    %mul3A_59 = arith.muli %reshape3A_34, %mul3A_58 : vector<640x128xi32>
    %add3A_60 = arith.addi %mul3A_59, %reshape3A_37 : vector<640x128xi32>
    %jit3A = arith.constant 0 : i32
    %broadcast_in_dim3A = vector.broadcast %jit3A : i32 to vector<640x128xi32>
    %select_n3A_61 = arith.select %lt3A_48, %add3A_60, %broadcast_in_dim3A : vector<640x128xi1>, vector<640x128xi32>
    %swap3A_62 = arith.constant 0 : index
    %swap3A_63 = arith.constant 0 : index
    %swap3A_64 = vector.load %arg11[%swap3A_62, %swap3A_63] : memref<640x128xi32, #tpu.memory_space<vmem>>, vector<640x128xi32>
    tpu.vector_store %arg11[%swap3A_62, %swap3A_63], %select_n3A_61 {strides = array<i32>} : memref<640x128xi32, #tpu.memory_space<vmem>>, vector<640x128xi32>,
    return
  }
  func.func @transform_0(%arg0: i32) -> (i32, i32) {
    %c0_i32 = arith.constant 0 : i32
    %c0_i32_0 = arith.constant 0 : i32
    return %arg0, %c0_i32 : i32, i32
  }
  func.func @transform_1(%arg0: i32) -> (i32, i32) {
    %c0_i32 = arith.constant 0 : i32
    %c0_i32_0 = arith.constant 0 : i32
    %c0_i32_1 = arith.constant 0 : i32
    return %c0_i32, %c0_i32_0 : i32, i32
  }
  func.func @transform_2(%arg0: i32) -> (i32, i32) {
    %c0_i32 = arith.constant 0 : i32
    %c0_i32_0 = arith.constant 0 : i32
    %c0_i32_1 = arith.constant 0 : i32
    return %c0_i32, %c0_i32_0 : i32, i32
  }
  func.func @transform_3(%arg0: i32) -> (i32, i32) {
    %c0_i32 = arith.constant 0 : i32
    %c0_i32_0 = arith.constant 0 : i32
    return %arg0, %c0_i32 : i32, i32
  }
  func.func @transform_4(%arg0: i32) -> (i32, i32) {
    %c0_i32 = arith.constant 0 : i32
    %c0_i32_0 = arith.constant 0 : i32
    %c0_i32_1 = arith.constant 0 : i32
    return %c0_i32, %c0_i32_0 : i32, i32
  }
  func.func @transform_5(%arg0: i32) -> (i32, i32) {
    %c0_i32 = arith.constant 0 : i32
    %c0_i32_0 = arith.constant 0 : i32
    return %c0_i32, %arg0 : i32, i32
  }
  func.func @transform_6(%arg0: i32) -> i32 {
    %c0_i32 = arith.constant 0 : i32
    return %arg0 : i32
  }
  func.func @transform_7(%arg0: i32) -> (i32, i32) {
    %c0_i32 = arith.constant 0 : i32
    %c0_i32_0 = arith.constant 0 : i32
    return %arg0, %c0_i32 : i32, i32
  }
  func.func @transform_8(%arg0: i32) -> (i32, i32) {
    %c0_i32 = arith.constant 0 : i32
    %c0_i32_0 = arith.constant 0 : i32
    return %arg0, %c0_i32 : i32, i32
  }
  func.func @transform_9(%arg0: i32) -> (i32, i32) {
    %c0_i32 = arith.constant 0 : i32
    %c0_i32_0 = arith.constant 0 : i32
    return %arg0, %c0_i32 : i32, i32
  }
  func.func @transform_10(%arg0: i32) -> (i32, i32) {
    %c0_i32 = arith.constant 0 : i32
    %c0_i32_0 = arith.constant 0 : i32
    return %arg0, %c0_i32 : i32, i32
  }
}

module attributes {stable_mosaic.version = 14 : i64} {
  func.func @_post_body(%arg0: i32, %arg1: memref<1x5000x16xf32, #tpu.memory_space<vmem>>, %arg2: memref<1x5000x16xf32, #tpu.memory_space<vmem>>, %arg3: memref<5000x16xf32, #tpu.memory_space<vmem>>, %arg4: memref<16x2xf32, #tpu.memory_space<vmem>>, %arg5: memref<2x16xf32, #tpu.memory_space<vmem>>, %arg6: memref<5000x16xf32, #tpu.memory_space<vmem>>) attributes {dimension_semantics = [#tpu.dimension_semantics<arbitrary>], iteration_bounds = array<i64: 10>, scalar_prefetch = 0 : i64, scratch_operands = 0 : i64, tpu.core_type = #tpu.core_type<tc>, window_params = [{transform_indices = @transform_0, window_bounds = array<i64: 1, 5000, 16>}, {transform_indices = @transform_1, window_bounds = array<i64: 1, 5000, 16>}, {transform_indices = @transform_2, window_bounds = array<i64: 5000, 16>}, {pipeline_mode = #tpu.pipeline_mode<synchronous>, transform_indices = @transform_3, window_bounds = array<i64: 16, 2>}, {pipeline_mode = #tpu.pipeline_mode<synchronous>, transform_indices = @transform_4, window_bounds = array<i64: 2, 16>}, {transform_indices = @transform_5, window_bounds = array<i64: 5000, 16>}]} {
    %get3A = arith.constant 0 : index
    %get3A_0 = arith.constant 0 : index
    %get3A_1 = arith.constant 0 : index
    %get3A_2 = vector.load %arg1[%get3A, %get3A_0, %get3A_1] : memref<1x5000x16xf32, #tpu.memory_space<vmem>>, vector<1x5000x16xf32>
    %get3A_3 = vector.shape_cast %get3A_2 : vector<1x5000x16xf32> to vector<5000x16xf32>
    %get3A_4 = arith.constant 0 : index
    %get3A_5 = arith.constant 0 : index
    %get3A_6 = arith.constant 0 : index
    %get3A_7 = vector.load %arg2[%get3A_4, %get3A_5, %get3A_6] : memref<1x5000x16xf32, #tpu.memory_space<vmem>>, vector<1x5000x16xf32>
    %get3A_8 = vector.shape_cast %get3A_7 : vector<1x5000x16xf32> to vector<5000x16xf32>
    %add3A = arith.addf %get3A_3, %get3A_8 : vector<5000x16xf32>
    %get3A_9 = arith.constant 0 : index
    %get3A_10 = arith.constant 0 : index
    %get3A_11 = vector.load %arg3[%get3A_9, %get3A_10] : memref<5000x16xf32, #tpu.memory_space<vmem>>, vector<5000x16xf32>
    %mul3A = arith.mulf %get3A_11, %add3A : vector<5000x16xf32>
    %get3A_12 = arith.constant 0 : index
    %get3A_13 = arith.constant 0 : index
    %get3A_14 = vector.load %arg4[%get3A_12, %get3A_13] : memref<16x2xf32, #tpu.memory_space<vmem>>, vector<16x2xf32>
    %dot_general3A = arith.constant dense<0.000000e+00> : vector<5000x2xf32>
    %dot_general3A_15 = tpu.matmul %mul3A, %get3A_14, %dot_general3A {dimension_numbers = #tpu.dot_dimension_numbers<[1], [0], [0], [1], [0, 0, 1, 1], [], []>, transpose_lhs_hint = false} : vector<5000x16xf32>, vector<16x2xf32>, vector<5000x2xf32> -> vector<5000x2xf32>
    %slice3A = vector.extract_strided_slice %add3A {offsets = [0, 15], sizes = [5000, 1], strides = [1, 1]} : vector<5000x16xf32> to vector<5000x1xf32>
    %max3A = arith.constant 1.000000e+00 : f32
    %max3A_16 = vector.broadcast %max3A : f32 to vector<5000x1xf32>
    %max3A_17 = arith.maximumf %slice3A, %max3A_16 : vector<5000x1xf32>
    %div3A = vector.broadcast %max3A_17 : vector<5000x1xf32> to vector<5000x2xf32>
    %div3A_18 = arith.divf %dot_general3A_15, %div3A : vector<5000x2xf32>
    %get3A_19 = arith.constant 0 : index
    %get3A_20 = arith.constant 0 : index
    %get3A_21 = vector.load %arg5[%get3A_19, %get3A_20] : memref<2x16xf32, #tpu.memory_space<vmem>>, vector<2x16xf32>
    %dot_general3A_22 = arith.constant dense<0.000000e+00> : vector<5000x16xf32>
    %dot_general3A_23 = tpu.matmul %div3A_18, %get3A_21, %dot_general3A_22 {dimension_numbers = #tpu.dot_dimension_numbers<[1], [0], [0], [1], [0, 0, 1, 1], [], []>, transpose_lhs_hint = false} : vector<5000x2xf32>, vector<2x16xf32>, vector<5000x16xf32> -> vector<5000x16xf32>
    %add3A_24 = arith.constant 1.000000e-16 : f32
    %add3A_25 = vector.broadcast %add3A_24 : f32 to vector<5000x16xf32>
    %add3A_26 = arith.addf %dot_general3A_23, %add3A_25 : vector<5000x16xf32>
    %div3A_27 = arith.divf %mul3A, %add3A_26 : vector<5000x16xf32>
    %slice3A_28 = vector.extract_strided_slice %div3A_27 {offsets = [0, 0], sizes = [5000, 10], strides = [1, 1]} : vector<5000x16xf32> to vector<5000x10xf32>
    %log3A = math.log %div3A_18 : vector<5000x2xf32>
    %broadcast_in_dim3A = arith.constant 0.000000e+00 : f32
    %broadcast_in_dim3A_29 = vector.broadcast %broadcast_in_dim3A : f32 to vector<5000x4xf32>
    %concatenate3A = tpu.concatenate %slice3A_28, %log3A, %broadcast_in_dim3A_29 in 1 : vector<5000x10xf32>, vector<5000x2xf32>, vector<5000x4xf32> -> vector<5000x16xf32>
    %swap3A = arith.constant 0 : index
    %swap3A_30 = arith.constant 0 : index
    %swap3A_31 = vector.load %arg6[%swap3A, %swap3A_30] : memref<5000x16xf32, #tpu.memory_space<vmem>>, vector<5000x16xf32>
    tpu.vector_store %arg6[%swap3A, %swap3A_30], %concatenate3A {strides = array<i32>} : memref<5000x16xf32, #tpu.memory_space<vmem>>, vector<5000x16xf32>,
    return
  }
  func.func @transform_0(%arg0: i32) -> (i32, i32, i32) {
    %c0_i32 = arith.constant 0 : i32
    %c0_i32_0 = arith.constant 0 : i32
    %c0_i32_1 = arith.constant 0 : i32
    return %c0_i32, %arg0, %c0_i32_0 : i32, i32, i32
  }
  func.func @transform_1(%arg0: i32) -> (i32, i32, i32) {
    %c1_i32 = arith.constant 1 : i32
    %c0_i32 = arith.constant 0 : i32
    %c0_i32_0 = arith.constant 0 : i32
    return %c1_i32, %arg0, %c0_i32 : i32, i32, i32
  }
  func.func @transform_2(%arg0: i32) -> (i32, i32) {
    %c0_i32 = arith.constant 0 : i32
    %c0_i32_0 = arith.constant 0 : i32
    return %arg0, %c0_i32 : i32, i32
  }
  func.func @transform_3(%arg0: i32) -> (i32, i32) {
    %c0_i32 = arith.constant 0 : i32
    %c0_i32_0 = arith.constant 0 : i32
    %c0_i32_1 = arith.constant 0 : i32
    return %c0_i32, %c0_i32_0 : i32, i32
  }
  func.func @transform_4(%arg0: i32) -> (i32, i32) {
    %c0_i32 = arith.constant 0 : i32
    %c0_i32_0 = arith.constant 0 : i32
    %c0_i32_1 = arith.constant 0 : i32
    return %c0_i32, %c0_i32_0 : i32, i32
  }
  func.func @transform_5(%arg0: i32) -> (i32, i32) {
    %c0_i32 = arith.constant 0 : i32
    %c0_i32_0 = arith.constant 0 : i32
    return %arg0, %c0_i32 : i32, i32
  }
}

</mosaic_0001>

<sc_bundles>
// kernel: kernel.5.cloned.1.call-start
scs
__scs_entry_jumppad:
0x0: {  	(pc) =	sbr.rel $0x88, $3  }
0x1: {  	(tag) =	ssettag $0x0;
	lr =	simm.s32 $0x1  }
0x2: {  	[smem:$0x3F9B] =	sst lr;
	_ =	strace $0xD0000000  }
0x3: {  	_ = 	snop  }
0x4: {  	_ = 	snop  }
0x5: {  	_ = 	snop  }
0x6: {  	_ = 	snop  }
0x7: {  	_ = 	snop  }
__scs_overlays_trampoline_lowered:
0x8: {  	[smem:$0x3FAA] =	sst s0  }
0x9: {  	[smem:$0x3FAB] =	sst s1  }
0xa: {  	[smem:$0x3FAC] =	sst s2  }
0xb: {  	[smem:$0x3FAD] =	sst s3  }
0xc: {  	[smem:$0x3FAE] =	sst s4  }
0xd: {  	[smem:$0x3FAF] =	sst s5  }
0xe: {  	[smem:$0x3FB0] =	sst s6  }
0xf: {  	[smem:$0x3FB1] =	sst s7  }
0x10: {  	[smem:$0x3FB2] =	sst s8  }
0x11: {  	[smem:$0x3FB3] =	sst s9;
	s0 =	simm.s32 @!p0 $0x0  }
0x12: {  	s1 =	sld [smem:$0x3F99];
	s0 =	simm.s32 @p0 $0x1  }
0x13: {  	[smem:$0x3FB4] =	sst s0;
	s0 =	simm.s32 @!p1 $0x0  }
0x14: {  	s2 =	sld [smem:$0x3F98];
	s0 =	simm.s32 @p1 $0x1  }
0x15: {  	[smem:$0x3FB5] =	sst s0;
	s0 =	simm.s32 @!p2 $0x0  }
0x16: {  	s3 =	sld [smem:$0x3FDB];
	s0 =	simm.s32 @p2 $0x1  }
0x17: {  	s4 =	simm.s32 $0x1BF5;
	[smem:$0x3FB7] =	sst s0  }
0x18: {  	s0 =	sld [smem:$0x3F9A];
	_ =	swait.ge [sflag:s4], $0x0  }
0x19: {  	s7 =	sld [smem:$0x3F9B]  }
0x1a: {  	s8 =	sadd.s32 $0xFFFFE003, lr  }
0x1b: {  	s9 =	sadd.s32 $0xFFFFFEF7, lr;
	s5 =	simm.s32 $0xFFFFFFFF;
	p2 =	slt.u32 s8, $0xFFFFF086  }
0x1c: {  	p1 =	slt.u32 s9, $0xF7A;
	s5 =	simm.s32 @!p2 $0x0  }
0x1d: {  	s5 =	simm.s32 @p1 $0x1;
	p0 =	seq.s32 s7, s2  }
0x1e: {  	s7 =	smul.u32 @!p0 $0xF7A, s2;
	p2 =	seq.s32 @!p0 s5, $0x0  }
0x1f: {  	s9 =	smul.u32 $0xF7A, s1;
	s8 =	simm.s32 @!p0 $0x1BF5;
	p2 =	por !p2, p0  }
0x20: {  	[sflag:s8] =	ssyncset.s32 @!p0 $0xFFFFF086;
	s6 =	sadd.s32 @!p0 s3, s7;
	s7 =	simm.s32 @!p0 $0x108  }
0x21: {  	s3 =	sadd.s32 s3, s9;
	s6 =	sadd.s32 @!p0 $0x88, s6;
	s7 =	simm.s32 @p2 $0x1082  }
0x22: {  	[simem:s7], [sflag:s8] =	dma.local @!p0 [hbm:s6], $0xF7A  }
0x23: {  	s9 =	sor.u32 $0xD0000000, s2;
	s6 =	simm.s32 $0x108;
	_ =	swait.ge @!p0 [sflag:s8], $0x0  }
0x24: {  	s3 =	sadd.s32 $0x88, s3;
	s6 =	simm.s32 @!p1 $0x1082;
	[sflag:s4] =	ssyncset.s32 $0xFFFFF086  }
0x25: {  	[simem:s6], [sflag:s4] =	dma.local [hbm:s3], $0xF7A  }
0x26: {  	[smem:$0x3F9B] =	sst s1;
	(tag) =	ssettag s2;
	_ =	strace s9  }
0x27: {  	s1 =	sld [smem:$0x3FAB]  }
0x28: {  	s2 =	sld [smem:$0x3FAC]  }
0x29: {  	s4 =	sld [smem:$0x3FAE]  }
0x2a: {  	p0 =	seq.s32 s5, $0x0;
	s5 =	sld [smem:$0x3FAF]  }
0x2b: {  	s6 =	sld [smem:$0x3FB0]  }
0x2c: {  	s7 =	sld [smem:$0x3FB1]  }
0x2d: {  	s3 =	simm.s32 $0x108;
	s8 =	sld [smem:$0x3FB2]  }
0x2e: {  	s3 =	simm.s32 @!p0 $0x1082;
	s9 =	sld [smem:$0x3FB3]  }
0x2f: {  	lr =	sadd.s32 s0, s3;
	s0 =	sld [smem:$0x3FAA]  }
0x30: {  	s3 =	sld [smem:$0x3FAD]  }
0x31: {  	[smem:$0x3FB6] =	sst s10  }
0x32: {  	s10 =	sld [smem:$0x3FB4];
	_ =	sdelay $0x3  }
0x33: {  	p0 =	seq.s32 s10, $0x1;
	s10 =	sld [smem:$0x3FB6];
	_ =	sdelay $0x3  }
0x34: {  	[smem:$0x3FB6] =	sst s10  }
0x35: {  	s10 =	sld [smem:$0x3FB5];
	_ =	sdelay $0x3  }
0x36: {  	p1 =	seq.s32 s10, $0x1;
	s10 =	sld [smem:$0x3FB6];
	_ =	sdelay $0x3  }
0x37: {  	[smem:$0x3FB6] =	sst s10  }
0x38: {  	s10 =	sld [smem:$0x3FB7]  }
0x39: {  	_ = 	snop;
	(pc) =	sbr.ind lr, $3  }
0x3a: {  	_ = 	snop  }
0x3b: {  	_ = 	snop  }
0x3c: {  	p2 =	seq.s32 s10, $0x1;
	s10 =	sld [smem:$0x3FB6]  }
0x3d: {  	_ =	shalt  }
0x3e: {  	_ =	shalt  }
0x3f: {  	_ =	shalt  }
0x40: {  	_ =	shalt  }
0x41: {  	_ =	shalt  }
0x42: {  	_ =	shalt  }
0x43: {  	_ =	shalt  }
0x44: {  	_ =	shalt  }
0x45: {  	_ =	shalt  }
0x46: {  	_ =	shalt  }
0x47: {  	_ =	shalt  }
0x48: {  	_ =	shalt  }
0x49: {  	_ =	shalt  }
0x4a: {  	_ =	shalt  }
0x4b: {  	_ =	shalt  }
0x4c: {  	_ =	shalt  }
0x4d: {  	_ =	shalt  }
0x4e: {  	_ =	shalt  }
0x4f: {  	_ =	shalt  }
0x50: {  	_ =	shalt  }
0x51: {  	_ =	shalt  }
0x52: {  	_ =	shalt  }
0x53: {  	_ =	shalt  }
0x54: {  	_ =	shalt  }
0x55: {  	_ =	shalt  }
0x56: {  	_ =	shalt  }
0x57: {  	_ =	shalt  }
0x58: {  	_ =	shalt  }
0x59: {  	_ =	shalt  }
0x5a: {  	_ =	shalt  }
0x5b: {  	_ =	shalt  }
0x5c: {  	_ =	shalt  }
0x5d: {  	_ =	shalt  }
0x5e: {  	_ =	shalt  }
0x5f: {  	_ =	shalt  }
0x60: {  	_ =	shalt  }
0x61: {  	_ =	shalt  }
0x62: {  	_ =	shalt  }
0x63: {  	_ =	shalt  }
0x64: {  	_ =	shalt  }
0x65: {  	_ =	shalt  }
0x66: {  	_ =	shalt  }
0x67: {  	_ =	shalt  }
0x68: {  	_ =	shalt  }
0x69: {  	_ =	shalt  }
0x6a: {  	_ =	shalt  }
0x6b: {  	_ =	shalt  }
0x6c: {  	_ =	shalt  }
0x6d: {  	_ =	shalt  }
0x6e: {  	_ =	shalt  }
0x6f: {  	_ =	shalt  }
0x70: {  	_ =	shalt  }
0x71: {  	_ =	shalt  }
0x72: {  	_ =	shalt  }
0x73: {  	_ =	shalt  }
0x74: {  	_ =	shalt  }
0x75: {  	_ =	shalt  }
0x76: {  	_ =	shalt  }
0x77: {  	_ =	shalt  }
0x78: {  	_ =	shalt  }
0x79: {  	_ =	shalt  }
0x7a: {  	_ =	shalt  }
0x7b: {  	_ =	shalt  }
0x7c: {  	_ =	shalt  }
0x7d: {  	_ =	shalt  }
0x7e: {  	_ =	shalt  }
0x7f: {  	_ =	shalt  }
0x80: {  	_ =	shalt  }
0x81: {  	_ =	shalt  }
0x82: {  	_ =	shalt  }
0x83: {  	_ =	shalt  }
0x84: {  	_ =	shalt  }
0x85: {  	_ =	shalt  }
0x86: {  	_ =	shalt  }
0x87: {  	_ =	shalt  }
.Lfunc_end0:
.L_simem_size_0:
called_computation_lowered:
.L_overlay_start_0:
0x88: {  	s2 =	sld [smem:$0x3FD9]  }
0x89: {  	s3 =	sld [smem:$0x3FFE];
	_ =	sdelay $0x1  }
0x8a: {  	s1 =	srdreg.scid  }
0x8b: {  	s0 =	sand.u32 $0x1, s1  }
0x8c: {  	s16 =	sshll.u32 s0, $0xA;
	s2 =	sadd.s32 s3, s2  }
0x8d: {  	s2 =	sadd.s32 s2, s16  }
0x8e: {  	[smem:$0x3FC2] =	sst s2  }
0x8f: {  	_ = 	snop  }
0x90: {  	(tm) =	ssettm $0x1  }
0x91: {  	s17 =	sld [smem:$0x3FFB];
	_ =	sdelay $0x3  }
0x92: {  	_ =	strace s17  }
0x93: {  	s2 =	sld [smem:$0x3FFC];
	_ =	sdelay $0x3  }
0x94: {  	_ =	strace s2  }
0x95: {  	s2 =	sld [smem:$0x3FFD];
	_ =	sdelay $0x3  }
0x96: {  	_ =	strace s2  }
0x97: {  	_ =	strace $0x8FFFFFFF  }
0x98: {  	s18 =	sld [smem:$0x3FDB];
	_ =	sdelay $0x1  }
0x99: {  	s19 =	simm.s32 $_scs_section_size  }
0x9a: {  	s4 =	simm.s32 $_size__tile_overlayer_lowered;
	s5 =	simm.s32 $_tile_overlayer_lowered  }
0x9b: {  	s22 =	simm.s32 $0x1BFF;
	s21 =	sshll.u32 s5, $0x1;
	s2 =	sadd.s32 s19, s18  }
0x9c: {  	s6 =	simm.s32 $0x0;
	s20 =	sshll.u32 s4, $0x1;
	s4 =	sadd.s32 s21, s2  }
0x9d: {  	[timem:s6], [sflag:s22] =	dma.local [hbm:s4], s20  }
0x9e: {  	_ =	swait.ge [sflag:s22], s20  }
0x9f: {  	s3 =	ssub.s32 $0x0, s20;
	[sflag:s22] =	ssyncset.done $0x0  }
0xa0: {  	[sflag:s22] =	ssyncadd.s32 s3;
	_ =	sdelay $0x1  }
0xa1: {  	s23 =	simm.s32 $0x1B8B  }
0xa2: {  	_ =	swait.ge [sflag:s23], $0x1  }
0xa3: {  	[sflag:s23] =	ssyncset.done $0x0  }
0xa4: {  	s25 =	simm.s32 $0x1B8E;
	s24 =	sld [smem:$0x3FFE];
	[sflag:s23] =	ssyncadd.s32 $0xFFFFFFFF  }
0xa5: {  	s26 =	simm.s32 $execute0_lowered;
	[smem:$0x3FD2] =	sst s25  }
0xa6: {  	s4 =	sshll.u32 s26, $0x1;
	_ =	strace $0x80000046;
	[dreg:$0x1] =	wrdreg $0xFFFFFFFF  }
0xa7: {  	s28 =	simm.s32 $_size_execute0_lowered;
	s2 =	sadd.s32 s2, s4;
	[dreg:$0x0] =	wrdreg $0x0  }
0xa8: {  	s4 =	sshll.u32 s28, $0x1;
	[dreg:$0x2] =	wrdreg s2  }
0xa9: {  	[dreg:$0x3] =	wrdreg s4  }
0xaa: {  	[dreg:$0x4] =	wrdreg $0xC0  }
0xab: {  	_ =	task [dreg:s6], $0x5FFFF  }
0xac: {  	[dreg:$0x1] =	wrdreg $0xFFFFFFFF  }
0xad: {  	[dreg:$0x0] =	wrdreg $0x60  }
0xae: {  	[dreg:$0x2] =	wrdreg s24  }
0xaf: {  	[dreg:$0x3] =	wrdreg $0xDC000  }
0xb0: {  	[dreg:$0x4] =	wrdreg $0x9  }
0xb1: {  	_ =	task.clear_ibuf [dreg:s6], $0x5FFFF;
	_ =	strace $0x90000046  }
0xb2: {  	s29 =	simm.s32 $0x9;
	_ =	strace $0x80000048  }
0xb3: {  	_ =	swait.ge [sflag:s29], $0x1  }
0xb4: {  	[sflag:s29] =	ssyncadd.s32 $0xFFFFFFFF  }
0xb5: {  	_ =	strace $0x90000048  }
0xb6: {  	_ =	sfence  }
0xb7: {  	s30 =	sld [smem:$0x0];
	_ =	sdelay $0x2  }
0xb8: {  	s31 =	sshll.u32 s1, $0xD;
	s1 =	sshrl.u32 s1, $0x2  }
0xb9: {  	s3 =	sand.u32 $0x4000, s31;
	s1 =	sadd.s32 s1, s30  }
0xba: {  	s0 =	sor.u32 s3, s0;
	s1 =	sshll.u32 s1, $0x11  }
0xbb: {  	s0 =	sor.u32 s1, s0  }
0xbc: {  	s0 =	sadd.s32 $0x8F2B, s0  }
0xbd: {  	[sflag:s0] =	ssyncadd.remote.s32 $0x1  }
0xbe: {  	_ =	sfence.sel $0xFFFF  }
0xbf: {  	[dreg:$0x0] =	wrdreg $0xFFFFFFFF;
	(pc) =	sbr.abs _section_cstart, $3  }
0xc0: {  	[dreg:$0x1] =	wrdreg $0xFFFFFFFF  }
0xc1: {  	_ =	task.clear_ibuf [dreg:s6], $0x2FFFF;
	_ =	strace $0x9FFFFFFF  }
0xc2: {  	(tm) =	ssettm $0x7FFFFFFF  }
0xc3: {  	_ =	shalt  }
tec
execute0_lowered:
.L_overlay_start_1:
0x0: {  	(tag) =	ssettag $0x1  }
0x1: {  	s0 =	rddreg [dreg:$0x0]  }
0x2: {  	s2 =	rddreg [dreg:$0x1]  }
0x3: {  	s3 =	simm.s32 $0x0;
	s1 =	srdreg.scid;
	s13 =	stileid.u32  }
0x4: {  	s28 =	simm.s32 $0x1400;
	s14 =	simm.s32 $0x680;
	s29 =	simm.s32 $0x4400  }
0x5: {  	s31 =	simm.s32 $0x900;
	s30 =	simm.s32 $0x5C00;
	[smem:$0x7FF] =	sst s3  }
0x6: {  	s1 =	sand.u32 $0x1, s1;
	s5 =	smul.u32 $0xC800, s13;
	s7 =	sadd.s32 $0x1600, s0  }
0x7: {  	s8 =	sadd.s32 $0x1A600, s0;
	s4 =	sadd.s32 $0x33600, s0;
	s10 =	smul.u32 $0x78, s13  }
0x8: {  	s12 =	smul.u32 $0x32000, s13;
	_ =	strace $0x80000047;
	s9 =	ssub.s32 $0x2, s1  }
0x9: {  	s6 =	smul.u32 $0xC8000, s1;
	p0 =	seq.s32 s1, $0x0;
	s11 =	sshrl.u32 s9, $0x1  }
0xa: {  	s1 =	sadd.s32 $0x1180, s10;
	s16 =	sshrl.u32 s12, $0x2;
	s23 =	sadd.s32 s5, s2  }
0xb: {  	s10 =	simm.s32 $0xD;
	s12 =	simm.s32 $0x600;
	s6 =	sadd.s32 s5, s6  }
0xc: {  	s15 =	ssub.s32 s9, s11;
	s9 =	smul.u32 $0x118, s13;
	s17 =	sadd.s32 s16, s2  }
0xd: {  	s10 =	simm.s32 @!p0 $0x5;
	s11 =	simm.s32 $0x580;
	s13 =	simm.s32 $0x2400  }
0xe: {  	s16 =	simm.s32 $0x5400;
	[dreg:$0x3] =	wrdreg s23;
	s6 =	sshrl.u32 s6, $0x3  }
0xf: {  	s18 =	sadd.s32 $0x2800, s17;
	s19 =	sadd.s32 $0x5000, s17;
	[dreg:$0xa] =	wrdreg s10  }
0x10: {  	s20 =	sadd.s32 $0x7800, s17;
	s5 =	sadd.s32 $0xA000, s17;
	[dreg:$0x4] =	wrdreg s18  }
0x11: {  	s24 =	smax.u32 s15, $0x1;
	s10 =	simm.s32 $0x2C00;
	[dreg:$0x5] =	wrdreg s19  }
0x12: {  	s15 =	simm.s32 $0x700;
	s17 =	simm.s32 $0x1;
	[dreg:$0x6] =	wrdreg s20  }
0x13: {  	s0 =	sadd.s32 s6, s0;
	s1 =	smov.u32 @p0 s9;
	[dreg:$0x7] =	wrdreg s5  }
0x14: {  	[dreg:$0xe] =	wrdreg s24;
	s20 =	simm.s32 $0x4;
	s6 =	simm.s32 $0x1C00  }
0x15: {  	s5 =	simm.s32 $0x3400;
	s1 =	sshll.u32 s1, $0x4;
	s0 =	sadd.s32 $0x95200, s0  }
0x16: {  	s19 =	simm.s32 $0x780;
	s22 =	sadd.s32 s8, s1;
	[dreg:$0xd] =	wrdreg s0  }
0x17: {  	s21 =	sadd.s32 s7, s1;
	s1 =	sadd.s32 $0xA0, s1;
	[dreg:$0x9] =	wrdreg s22  }
0x18: {  	s18 =	simm.s32 $0x3C00;
	s7 =	sadd.s32 s7, s1;
	[dreg:$0x8] =	wrdreg s21  }
0x19: {  	s24 =	simm.s32 $0x800;
	s1 =	sadd.s32 s8, s1;
	[dreg:$0xb] =	wrdreg s7  }
0x1a: {  	s9 =	simm.s32 $0x4C00;
	s25 =	sadd.s32 $0x1E0, s22;
	[dreg:$0xc] =	wrdreg s1  }
0x1b: {  	s0 =	simm.s32 $0x980;
	s26 =	sadd.s32 $0x1E0, s21;
	[dreg:$0xf] =	wrdreg s25  }
0x1c: {  	s22 =	simm.s32 $0x80;
	s8 =	simm.s32 $0xA00;
	[dreg:$0x10] =	wrdreg s26  }
0x1d: {  	v0 =	vimm.f32 $0.0e+00;
	s25 =	simm.s32 $0x500;
	s26 =	simm.s32 $0x2;
	s1 =	simm.s32 $0x0  }
.LBB2_1:
0x1e: {  	[dreg:$0x11] =	wrdreg s1;
	s7 =	simm.s32 $0x40;
	s21 =	simm.s32 $0x0  }
.LBB2_2:
0x1f: {  	p0 =	sne.s32 s7, $0x9FC0;
	[tilespmem:s21+$0xB400] =	vst v0;
	s21 =	smov.u32 s7;
	s7 =	sadd.s32 $0x40, s7  }
.Ltmp0:
0x20: {  	(pc) =	sbr.rel @p0 .LBB2_2-.Ltmp0, $2  }
0x21: {  	_ =	sdelay $0x2  }
0x22: {  	s21 =	sshra.s32 s21, $0x2  }
0x23: {  	[tilespmem:s21+$0xB400] =	vst v0;
	s21 =	simm.s32 $0xB400  }
0x24: {  	[spmem:s23] =	stream.linear.scatter [tilespmem:s21], [sflag:$0x3], $0x2800, $0x38;
	[tilespmem:$0x1A400] =	vst v63  }
0x25: {  	s7 =	rddreg [dreg:$0x4]  }
0x26: {  	[spmem:s7] =	stream.linear.scatter [tilespmem:s21], [sflag:$0x3], $0x2800, $0x38;
	[tilespmem:$0x1A400] =	vst v63  }
0x27: {  	s23 =	rddreg [dreg:$0x5]  }
0x28: {  	[spmem:s23] =	stream.linear.scatter [tilespmem:s21], [sflag:$0x3], $0x2800, $0x38;
	[tilespmem:$0x1A400] =	vst v63  }
0x29: {  	s1 =	rddreg [dreg:$0x6]  }
0x2a: {  	[spmem:s1] =	stream.linear.scatter [tilespmem:s21], [sflag:$0x3], $0x2800, $0x38;
	[tilespmem:$0x1A400] =	vst v63  }
0x2b: {  	s3 =	rddreg [dreg:$0x7]  }
0x2c: {  	[spmem:s3] =	stream.linear.scatter [tilespmem:s21], [sflag:$0x3], $0x2800, $0x38;
	[tilespmem:$0x1A400] =	vst v63  }
0x2d: {  	s21 =	rddreg [dreg:$0x8];
	s3 =	simm.s32 $0x0  }
0x2e: {  	[tilespmem:s3], [sflag:$0x4] =	stream.linear.gather [hbm4b:s21+s3], $0x500, $0x38;
	[tilespmem:$0x1A400] =	vst v63  }
0x2f: {  	_ =	swait.ge [sflag:s20], $0x500  }
0x30: {  	[sflag:s20] =	ssyncset.done $0x0  }
0x31: {  	s23 =	rddreg [dreg:$0x9];
	[sflag:s20] =	ssyncadd.s32 $0xFFFFFB00  }
0x32: {  	[tilespmem:s25], [sflag:$0x4] =	stream.linear.gather [hbm4b:s23+s3], $0x500, $0x38;
	[tilespmem:$0x1A400] =	vst v63  }
0x33: {  	_ =	swait.ge [sflag:s20], $0x500  }
0x34: {  	[sflag:s20] =	ssyncset.done $0x0  }
0x35: {  	[sflag:s20] =	ssyncadd.s32 $0xFFFFFB00  }
0x36: {  	[tilespmem:s28], [sflag:$0x1] =	stream.indirect.gather [hbm4b:s4+s22], $0x10, s25, s22, $0xb8;
	[tilespmem:$0x1A400] =	vst v63  }
0x37: {  	_ = 	snop  }
0x38: {  	[tilespmem:s6], [sflag:$0x1] =	stream.indirect.gather [hbm4b:s4+s22], $0x10, s11, s22, $0xb8;
	[tilespmem:$0x1A400] =	vst v63  }
0x39: {  	_ = 	snop  }
0x3a: {  	[tilespmem:s13], [sflag:$0x1] =	stream.indirect.gather [hbm4b:s4+s22], $0x10, s12, s22, $0xb8;
	[tilespmem:$0x1A400] =	vst v63  }
0x3b: {  	_ = 	snop  }
0x3c: {  	[tilespmem:s10], [sflag:$0x1] =	stream.indirect.gather [hbm4b:s4+s22], $0x10, s14, s22, $0xb8;
	[tilespmem:$0x1A400] =	vst v63  }
0x3d: {  	_ = 	snop  }
0x3e: {  	[tilespmem:s5], [sflag:$0x1] =	stream.indirect.gather [hbm4b:s4+s22], $0x10, s15, s22, $0xb8;
	[tilespmem:$0x1A400] =	vst v63  }
0x3f: {  	_ = 	snop  }
0x40: {  	[tilespmem:s18], [sflag:$0x1] =	stream.indirect.gather [hbm4b:s4+s22], $0x10, s19, s22, $0xb8;
	[tilespmem:$0x1A400] =	vst v63  }
0x41: {  	_ = 	snop  }
0x42: {  	[tilespmem:s29], [sflag:$0x1] =	stream.indirect.gather [hbm4b:s4+s22], $0x10, s24, s22, $0xb8;
	[tilespmem:$0x1A400] =	vst v63  }
0x43: {  	s1 =	simm.s32 $0x880  }
0x44: {  	[tilespmem:s9], [sflag:$0x1] =	stream.indirect.gather [hbm4b:s4+s22], $0x10, s1, s22, $0xb8;
	[tilespmem:$0x1A400] =	vst v63  }
0x45: {  	_ = 	snop  }
0x46: {  	[tilespmem:s16], [sflag:$0x1] =	stream.indirect.gather [hbm4b:s4+s22], $0x10, s31, s22, $0xb8;
	[tilespmem:$0x1A400] =	vst v63  }
0x47: {  	_ = 	snop  }
0x48: {  	[tilespmem:s30], [sflag:$0x1] =	stream.indirect.gather [hbm4b:s4+s22], $0x10, s0, s22, $0xb8;
	[tilespmem:$0x1A400] =	vst v63  }
0x49: {  	s24 =	rddreg [dreg:$0xb]  }
0x4a: {  	[tilespmem:s8], [sflag:$0x4] =	stream.linear.gather [hbm4b:s24+s3], $0x500, $0x38;
	[tilespmem:$0x1A400] =	vst v63  }
0x4b: {  	_ =	swait.ge [sflag:s20], $0x500  }
0x4c: {  	[sflag:s20] =	ssyncset.done $0x0  }
0x4d: {  	s12 =	simm.s32 $0xF00;
	s11 =	rddreg [dreg:$0xc];
	[sflag:s20] =	ssyncadd.s32 $0xFFFFFB00  }
0x4e: {  	[tilespmem:s12], [sflag:$0x4] =	stream.linear.gather [hbm4b:s11+s3], $0x500, $0x38;
	[tilespmem:$0x1A400] =	vst v63  }
0x4f: {  	_ =	swait.ge [sflag:s20], $0x500  }
0x50: {  	[sflag:s20] =	ssyncset.done $0x0  }
0x51: {  	s14 =	simm.s32 $0x3;
	[sflag:s20] =	ssyncadd.s32 $0xFFFFFB00  }
0x52: {  	_ =	swait.ge [sflag:s14], $0x2800  }
0x53: {  	[sflag:s14] =	ssyncset.done $0x0  }
0x54: {  	[sflag:s14] =	ssyncadd.s32 $0xFFFFD800  }
0x55: {  	_ =	swait.ge [sflag:s14], $0x2800  }
0x56: {  	[sflag:s14] =	ssyncset.done $0x0  }
0x57: {  	[sflag:s14] =	ssyncadd.s32 $0xFFFFD800  }
0x58: {  	_ =	swait.ge [sflag:s14], $0x2800  }
0x59: {  	[sflag:s14] =	ssyncset.done $0x0  }
0x5a: {  	[sflag:s14] =	ssyncadd.s32 $0xFFFFD800  }
0x5b: {  	_ =	swait.ge [sflag:s14], $0x2800  }
0x5c: {  	[sflag:s14] =	ssyncset.done $0x0  }
0x5d: {  	[sflag:s14] =	ssyncadd.s32 $0xFFFFD800  }
0x5e: {  	_ =	swait.ge [sflag:s14], $0x2800  }
0x5f: {  	[sflag:s14] =	ssyncset.done $0x0  }
0x60: {  	[sflag:s14] =	ssyncadd.s32 $0xFFFFD800  }
0x61: {  	s8 =	simm.s32 $0x6400;
	[bflag:$0x0] =	sbarrier.arrive $0xFFFF  }
0x62: {  	[tilespmem:s8], [sflag:$0x2] =	stream.indirect.gather [hbm4b:s4+s22], $0x10, s12, s22, $0xb8;
	[tilespmem:$0x1A400] =	vst v63  }
0x63: {  	s15 =	simm.s32 $0xF80;
	s11 =	simm.s32 $0x6C00  }
0x64: {  	[tilespmem:s11], [sflag:$0x2] =	stream.indirect.gather [hbm4b:s4+s22], $0x10, s15, s22, $0xb8;
	[tilespmem:$0x1A400] =	vst v63  }
0x65: {  	s19 =	simm.s32 $0x1000;
	s12 =	simm.s32 $0x7400  }
0x66: {  	[tilespmem:s12], [sflag:$0x2] =	stream.indirect.gather [hbm4b:s4+s22], $0x10, s19, s22, $0xb8;
	[tilespmem:$0x1A400] =	vst v63  }
0x67: {  	s21 =	simm.s32 $0x1080;
	s15 =	simm.s32 $0x7C00  }
0x68: {  	[tilespmem:s15], [sflag:$0x2] =	stream.indirect.gather [hbm4b:s4+s22], $0x10, s21, s22, $0xb8;
	[tilespmem:$0x1A400] =	vst v63  }
0x69: {  	s23 =	simm.s32 $0x1100;
	s14 =	simm.s32 $0x8400  }
0x6a: {  	[tilespmem:s14], [sflag:$0x2] =	stream.indirect.gather [hbm4b:s4+s22], $0x10, s23, s22, $0xb8;
	[tilespmem:$0x1A400] =	vst v63  }
0x6b: {  	s7 =	simm.s32 $0x8C00;
	s23 =	simm.s32 $0x1180  }
0x6c: {  	[tilespmem:s7], [sflag:$0x2] =	stream.indirect.gather [hbm4b:s4+s22], $0x10, s23, s22, $0xb8;
	[tilespmem:$0x1A400] =	vst v63  }
0x6d: {  	s7 =	simm.s32 $0x9400;
	s23 =	simm.s32 $0x1200  }
0x6e: {  	[tilespmem:s7], [sflag:$0x2] =	stream.indirect.gather [hbm4b:s4+s22], $0x10, s23, s22, $0xb8;
	[tilespmem:$0x1A400] =	vst v63  }
0x6f: {  	s7 =	simm.s32 $0x9C00;
	s23 =	simm.s32 $0x1280  }
0x70: {  	[tilespmem:s7], [sflag:$0x2] =	stream.indirect.gather [hbm4b:s4+s22], $0x10, s23, s22, $0xb8;
	[tilespmem:$0x1A400] =	vst v63  }
0x71: {  	s7 =	simm.s32 $0xA400;
	s23 =	simm.s32 $0x1300  }
0x72: {  	[tilespmem:s7], [sflag:$0x2] =	stream.indirect.gather [hbm4b:s4+s22], $0x10, s23, s22, $0xb8;
	[tilespmem:$0x1A400] =	vst v63  }
0x73: {  	s7 =	simm.s32 $0xAC00;
	s23 =	simm.s32 $0x1380  }
0x74: {  	[tilespmem:s7], [sflag:$0x2] =	stream.indirect.gather [hbm4b:s4+s22], $0x10, s23, s22, $0xb8;
	[tilespmem:$0x1A400] =	vst v63  }
0x75: {  	_ =	swait.ge [sflag:s17], $0x800  }
0x76: {  	[sflag:s17] =	ssyncset.done $0x0  }
0x77: {  	[sflag:s17] =	ssyncadd.s32 $0xFFFFF800  }
0x78: {  	_ =	swait.ge [sflag:s17], $0x800  }
0x79: {  	[sflag:s17] =	ssyncset.done $0x0  }
0x7a: {  	[sflag:s17] =	ssyncadd.s32 $0xFFFFF800  }
0x7b: {  	_ =	swait.ge [sflag:s17], $0x800  }
0x7c: {  	[sflag:s17] =	ssyncset.done $0x0  }
0x7d: {  	[sflag:s17] =	ssyncadd.s32 $0xFFFFF800  }
0x7e: {  	_ =	swait.ge [sflag:s17], $0x800  }
0x7f: {  	[sflag:s17] =	ssyncset.done $0x0  }
0x80: {  	[sflag:s17] =	ssyncadd.s32 $0xFFFFF800  }
0x81: {  	_ =	swait.ge [sflag:s17], $0x800  }
0x82: {  	[sflag:s17] =	ssyncset.done $0x0  }
0x83: {  	[sflag:s17] =	ssyncadd.s32 $0xFFFFF800  }
0x84: {  	_ =	swait.ge [sflag:s17], $0x800  }
0x85: {  	[sflag:s17] =	ssyncset.done $0x0  }
0x86: {  	[sflag:s17] =	ssyncadd.s32 $0xFFFFF800  }
0x87: {  	_ =	swait.ge [sflag:s17], $0x800  }
0x88: {  	[sflag:s17] =	ssyncset.done $0x0  }
0x89: {  	[sflag:s17] =	ssyncadd.s32 $0xFFFFF800  }
0x8a: {  	_ =	swait.ge [sflag:s17], $0x800  }
0x8b: {  	[sflag:s17] =	ssyncset.done $0x0  }
0x8c: {  	[sflag:s17] =	ssyncadd.s32 $0xFFFFF800  }
0x8d: {  	_ =	swait.ge [sflag:s17], $0x800  }
0x8e: {  	[sflag:s17] =	ssyncset.done $0x0  }
0x8f: {  	[sflag:s17] =	ssyncadd.s32 $0xFFFFF800  }
0x90: {  	_ =	swait.ge [sflag:s17], $0x800  }
0x91: {  	[sflag:s17] =	ssyncset.done $0x0  }
0x92: {  	[sflag:s17] =	ssyncadd.s32 $0xFFFFF800  }
0x93: {  	[spmem:s2] =	stream.indirect.scatter.add.f32 [tilespmem:s28], [sflag:$0x4], $0x10, s3, s22, $0xb8;
	[tilespmem:$0x1A400] =	vst v63  }
0x94: {  	_ =	swait.ge [sflag:s20], $0x800  }
0x95: {  	[sflag:s20] =	ssyncset.done $0x0  }
0x96: {  	[sflag:s20] =	ssyncadd.s32 $0xFFFFF800  }
0x97: {  	[spmem:s2] =	stream.indirect.scatter.add.f32 [tilespmem:s6], [sflag:$0x4], $0x10, s22, s22, $0xb8;
	[tilespmem:$0x1A400] =	vst v63  }
0x98: {  	_ =	swait.ge [sflag:s20], $0x800  }
0x99: {  	[sflag:s20] =	ssyncset.done $0x0  }
0x9a: {  	s21 =	simm.s32 $0x100;
	[sflag:s20] =	ssyncadd.s32 $0xFFFFF800  }
0x9b: {  	[spmem:s2] =	stream.indirect.scatter.add.f32 [tilespmem:s13], [sflag:$0x4], $0x10, s21, s22, $0xb8;
	[tilespmem:$0x1A400] =	vst v63  }
0x9c: {  	_ =	swait.ge [sflag:s20], $0x800  }
0x9d: {  	[sflag:s20] =	ssyncset.done $0x0  }
0x9e: {  	s23 =	simm.s32 $0x180;
	[sflag:s20] =	ssyncadd.s32 $0xFFFFF800  }
0x9f: {  	[spmem:s2] =	stream.indirect.scatter.add.f32 [tilespmem:s10], [sflag:$0x4], $0x10, s23, s22, $0xb8;
	[tilespmem:$0x1A400] =	vst v63  }
0xa0: {  	_ =	swait.ge [sflag:s20], $0x800  }
0xa1: {  	[sflag:s20] =	ssyncset.done $0x0  }
0xa2: {  	s21 =	simm.s32 $0x200;
	[sflag:s20] =	ssyncadd.s32 $0xFFFFF800  }
0xa3: {  	[spmem:s2] =	stream.indirect.scatter.add.f32 [tilespmem:s5], [sflag:$0x4], $0x10, s21, s22, $0xb8;
	[tilespmem:$0x1A400] =	vst v63  }
0xa4: {  	_ =	swait.ge [sflag:s20], $0x800  }
0xa5: {  	[sflag:s20] =	ssyncset.done $0x0  }
0xa6: {  	s23 =	simm.s32 $0x280;
	[sflag:s20] =	ssyncadd.s32 $0xFFFFF800  }
0xa7: {  	[spmem:s2] =	stream.indirect.scatter.add.f32 [tilespmem:s18], [sflag:$0x4], $0x10, s23, s22, $0xb8;
	[tilespmem:$0x1A400] =	vst v63  }
0xa8: {  	_ =	swait.ge [sflag:s20], $0x800  }
0xa9: {  	[sflag:s20] =	ssyncset.done $0x0  }
0xaa: {  	s21 =	simm.s32 $0x300;
	[sflag:s20] =	ssyncadd.s32 $0xFFFFF800  }
0xab: {  	[spmem:s2] =	stream.indirect.scatter.add.f32 [tilespmem:s29], [sflag:$0x4], $0x10, s21, s22, $0xb8;
	[tilespmem:$0x1A400] =	vst v63  }
0xac: {  	_ =	swait.ge [sflag:s20], $0x800  }
0xad: {  	[sflag:s20] =	ssyncset.done $0x0  }
0xae: {  	s23 =	simm.s32 $0x380;
	[sflag:s20] =	ssyncadd.s32 $0xFFFFF800  }
0xaf: {  	[spmem:s2] =	stream.indirect.scatter.add.f32 [tilespmem:s9], [sflag:$0x4], $0x10, s23, s22, $0xb8;
	[tilespmem:$0x1A400] =	vst v63  }
0xb0: {  	_ =	swait.ge [sflag:s20], $0x800  }
0xb1: {  	[sflag:s20] =	ssyncset.done $0x0  }
0xb2: {  	s21 =	simm.s32 $0x400;
	[sflag:s20] =	ssyncadd.s32 $0xFFFFF800  }
0xb3: {  	[spmem:s2] =	stream.indirect.scatter.add.f32 [tilespmem:s16], [sflag:$0x4], $0x10, s21, s22, $0xb8;
	[tilespmem:$0x1A400] =	vst v63  }
0xb4: {  	_ =	swait.ge [sflag:s20], $0x800  }
0xb5: {  	[sflag:s20] =	ssyncset.done $0x0  }
0xb6: {  	s23 =	simm.s32 $0x480;
	[sflag:s20] =	ssyncadd.s32 $0xFFFFF800  }
0xb7: {  	[spmem:s2] =	stream.indirect.scatter.add.f32 [tilespmem:s30], [sflag:$0x4], $0x10, s23, s22, $0xb8;
	[tilespmem:$0x1A400] =	vst v63  }
0xb8: {  	_ =	swait.ge [sflag:s20], $0x800  }
0xb9: {  	[sflag:s20] =	ssyncset.done $0x0;
	s23 =	rddreg [dreg:$0x10]  }
0xba: {  	[sflag:s20] =	ssyncadd.s32 $0xFFFFF800;
	s21 =	sadd.s32 $0xFFFFFF60, s23  }
0xbb: {  	[tilespmem:s3], [sflag:$0x4] =	stream.linear.gather [hbm4b:s21+s3], $0x500, $0x38;
	[tilespmem:$0x1A400] =	vst v63  }
0xbc: {  	_ =	swait.ge [sflag:s20], $0x500  }
0xbd: {  	[sflag:s20] =	ssyncset.done $0x0;
	s21 =	rddreg [dreg:$0xf]  }
0xbe: {  	[sflag:s20] =	ssyncadd.s32 $0xFFFFFB00;
	s7 =	sadd.s32 $0xFFFFFF60, s21  }
0xbf: {  	[tilespmem:s25], [sflag:$0x4] =	stream.linear.gather [hbm4b:s7+s3], $0x500, $0x38;
	[tilespmem:$0x1A400] =	vst v63  }
0xc0: {  	_ =	swait.ge [sflag:s20], $0x500  }
0xc1: {  	[sflag:s20] =	ssyncset.done $0x0  }
0xc2: {  	[sflag:s20] =	ssyncadd.s32 $0xFFFFFB00  }
0xc3: {  	[tilespmem:s28], [sflag:$0x1] =	stream.indirect.gather [hbm4b:s4+s22], $0x10, s25, s22, $0xb8;
	[tilespmem:$0x1A400] =	vst v63  }
0xc4: {  	s7 =	simm.s32 $0x580  }
0xc5: {  	[tilespmem:s6], [sflag:$0x1] =	stream.indirect.gather [hbm4b:s4+s22], $0x10, s7, s22, $0xb8;
	[tilespmem:$0x1A400] =	vst v63  }
0xc6: {  	s19 =	simm.s32 $0x600  }
0xc7: {  	[tilespmem:s13], [sflag:$0x1] =	stream.indirect.gather [hbm4b:s4+s22], $0x10, s19, s22, $0xb8;
	[tilespmem:$0x1A400] =	vst v63  }
0xc8: {  	s24 =	simm.s32 $0x680  }
0xc9: {  	[tilespmem:s10], [sflag:$0x1] =	stream.indirect.gather [hbm4b:s4+s22], $0x10, s24, s22, $0xb8;
	[tilespmem:$0x1A400] =	vst v63  }
0xca: {  	s13 =	simm.s32 $0x700  }
0xcb: {  	[tilespmem:s5], [sflag:$0x1] =	stream.indirect.gather [hbm4b:s4+s22], $0x10, s13, s22, $0xb8;
	[tilespmem:$0x1A400] =	vst v63  }
0xcc: {  	s19 =	simm.s32 $0x780  }
0xcd: {  	[tilespmem:s18], [sflag:$0x1] =	stream.indirect.gather [hbm4b:s4+s22], $0x10, s19, s22, $0xb8;
	[tilespmem:$0x1A400] =	vst v63  }
0xce: {  	s24 =	simm.s32 $0x800  }
0xcf: {  	[tilespmem:s29], [sflag:$0x1] =	stream.indirect.gather [hbm4b:s4+s22], $0x10, s24, s22, $0xb8;
	[tilespmem:$0x1A400] =	vst v63  }
0xd0: {  	_ = 	snop  }
0xd1: {  	[tilespmem:s9], [sflag:$0x1] =	stream.indirect.gather [hbm4b:s4+s22], $0x10, s1, s22, $0xb8;
	[tilespmem:$0x1A400] =	vst v63  }
0xd2: {  	_ = 	snop  }
0xd3: {  	[tilespmem:s16], [sflag:$0x1] =	stream.indirect.gather [hbm4b:s4+s22], $0x10, s31, s22, $0xb8;
	[tilespmem:$0x1A400] =	vst v63  }
0xd4: {  	_ = 	snop  }
0xd5: {  	[tilespmem:s30], [sflag:$0x1] =	stream.indirect.gather [hbm4b:s4+s22], $0x10, s0, s22, $0xb8;
	[tilespmem:$0x1A400] =	vst v63  }
0xd6: {  	_ =	swait.ge [sflag:s26], $0x800  }
0xd7: {  	[sflag:s26] =	ssyncset.done $0x0  }
0xd8: {  	[sflag:s26] =	ssyncadd.s32 $0xFFFFF800  }
0xd9: {  	_ =	swait.ge [sflag:s26], $0x800  }
0xda: {  	[sflag:s26] =	ssyncset.done $0x0  }
0xdb: {  	[sflag:s26] =	ssyncadd.s32 $0xFFFFF800  }
0xdc: {  	_ =	swait.ge [sflag:s26], $0x800  }
0xdd: {  	[sflag:s26] =	ssyncset.done $0x0  }
0xde: {  	[sflag:s26] =	ssyncadd.s32 $0xFFFFF800  }
0xdf: {  	_ =	swait.ge [sflag:s26], $0x800  }
0xe0: {  	[sflag:s26] =	ssyncset.done $0x0  }
0xe1: {  	[sflag:s26] =	ssyncadd.s32 $0xFFFFF800  }
0xe2: {  	_ =	swait.ge [sflag:s26], $0x800  }
0xe3: {  	[sflag:s26] =	ssyncset.done $0x0  }
0xe4: {  	[sflag:s26] =	ssyncadd.s32 $0xFFFFF800  }
0xe5: {  	_ =	swait.ge [sflag:s26], $0x800  }
0xe6: {  	[sflag:s26] =	ssyncset.done $0x0  }
0xe7: {  	[sflag:s26] =	ssyncadd.s32 $0xFFFFF800  }
0xe8: {  	_ =	swait.ge [sflag:s26], $0x800  }
0xe9: {  	[sflag:s26] =	ssyncset.done $0x0  }
0xea: {  	[sflag:s26] =	ssyncadd.s32 $0xFFFFF800  }
0xeb: {  	_ =	swait.ge [sflag:s26], $0x800  }
0xec: {  	[sflag:s26] =	ssyncset.done $0x0  }
0xed: {  	[sflag:s26] =	ssyncadd.s32 $0xFFFFF800  }
0xee: {  	_ =	swait.ge [sflag:s26], $0x800  }
0xef: {  	[sflag:s26] =	ssyncset.done $0x0  }
0xf0: {  	[sflag:s26] =	ssyncadd.s32 $0xFFFFF800  }
0xf1: {  	_ =	swait.ge [sflag:s26], $0x800  }
0xf2: {  	[sflag:s26] =	ssyncset.done $0x0  }
0xf3: {  	s31 =	simm.s32 $0xA00;
	[sflag:s26] =	ssyncadd.s32 $0xFFFFF800  }
0xf4: {  	[spmem:s2] =	stream.indirect.scatter.add.f32 [tilespmem:s8], [sflag:$0x4], $0x10, s31, s22, $0xb8;
	[tilespmem:$0x1A400] =	vst v63  }
0xf5: {  	_ =	swait.ge [sflag:s20], $0x800  }
0xf6: {  	[sflag:s20] =	ssyncset.done $0x0  }
0xf7: {  	s5 =	simm.s32 $0xA80;
	[sflag:s20] =	ssyncadd.s32 $0xFFFFF800  }
0xf8: {  	[spmem:s2] =	stream.indirect.scatter.add.f32 [tilespmem:s11], [sflag:$0x4], $0x10, s5, s22, $0xb8;
	[tilespmem:$0x1A400] =	vst v63  }
0xf9: {  	_ =	swait.ge [sflag:s20], $0x800  }
0xfa: {  	[sflag:s20] =	ssyncset.done $0x0  }
0xfb: {  	s6 =	simm.s32 $0xB00;
	[sflag:s20] =	ssyncadd.s32 $0xFFFFF800  }
0xfc: {  	[spmem:s2] =	stream.indirect.scatter.add.f32 [tilespmem:s12], [sflag:$0x4], $0x10, s6, s22, $0xb8;
	[tilespmem:$0x1A400] =	vst v63  }
0xfd: {  	_ =	swait.ge [sflag:s20], $0x800  }
0xfe: {  	[sflag:s20] =	ssyncset.done $0x0  }
0xff: {  	s7 =	simm.s32 $0xB80;
	[sflag:s20] =	ssyncadd.s32 $0xFFFFF800  }
0x100: {  	[spmem:s2] =	stream.indirect.scatter.add.f32 [tilespmem:s15], [sflag:$0x4], $0x10, s7, s22, $0xb8;
	[tilespmem:$0x1A400] =	vst v63  }
0x101: {  	_ =	swait.ge [sflag:s20], $0x800  }
0x102: {  	[sflag:s20] =	ssyncset.done $0x0  }
0x103: {  	s8 =	simm.s32 $0xC00;
	[sflag:s20] =	ssyncadd.s32 $0xFFFFF800  }
0x104: {  	[spmem:s2] =	stream.indirect.scatter.add.f32 [tilespmem:s14], [sflag:$0x4], $0x10, s8, s22, $0xb8;
	[tilespmem:$0x1A400] =	vst v63  }
0x105: {  	_ =	swait.ge [sflag:s20], $0x800  }
0x106: {  	[sflag:s20] =	ssyncset.done $0x0  }
0x107: {  	s10 =	simm.s32 $0x8C00;
	s9 =	simm.s32 $0xC80;
	[sflag:s20] =	ssyncadd.s32 $0xFFFFF800  }
0x108: {  	[spmem:s2] =	stream.indirect.scatter.add.f32 [tilespmem:s10], [sflag:$0x4], $0x10, s9, s22, $0xb8;
	[tilespmem:$0x1A400] =	vst v63  }
0x109: {  	_ =	swait.ge [sflag:s20], $0x800  }
0x10a: {  	[sflag:s20] =	ssyncset.done $0x0  }
0x10b: {  	s11 =	simm.s32 $0xD00;
	s12 =	simm.s32 $0x9400;
	[sflag:s20] =	ssyncadd.s32 $0xFFFFF800  }
0x10c: {  	[spmem:s2] =	stream.indirect.scatter.add.f32 [tilespmem:s12], [sflag:$0x4], $0x10, s11, s22, $0xb8;
	[tilespmem:$0x1A400] =	vst v63  }
0x10d: {  	_ =	swait.ge [sflag:s20], $0x800  }
0x10e: {  	[sflag:s20] =	ssyncset.done $0x0  }
0x10f: {  	s13 =	simm.s32 $0xD80;
	s14 =	simm.s32 $0x9C00;
	[sflag:s20] =	ssyncadd.s32 $0xFFFFF800  }
0x110: {  	[spmem:s2] =	stream.indirect.scatter.add.f32 [tilespmem:s14], [sflag:$0x4], $0x10, s13, s22, $0xb8;
	[tilespmem:$0x1A400] =	vst v63  }
0x111: {  	_ =	swait.ge [sflag:s20], $0x800  }
0x112: {  	[sflag:s20] =	ssyncset.done $0x0  }
0x113: {  	s18 =	simm.s32 $0xA400;
	s15 =	simm.s32 $0xE00;
	[sflag:s20] =	ssyncadd.s32 $0xFFFFF800  }
0x114: {  	[spmem:s2] =	stream.indirect.scatter.add.f32 [tilespmem:s18], [sflag:$0x4], $0x10, s15, s22, $0xb8;
	[tilespmem:$0x1A400] =	vst v63  }
0x115: {  	_ =	swait.ge [sflag:s20], $0x800  }
0x116: {  	[sflag:s20] =	ssyncset.done $0x0  }
0x117: {  	s19 =	simm.s32 $0xE80;
	s24 =	simm.s32 $0xAC00;
	[sflag:s20] =	ssyncadd.s32 $0xFFFFF800  }
0x118: {  	[spmem:s2] =	stream.indirect.scatter.add.f32 [tilespmem:s24], [sflag:$0x4], $0x10, s19, s22, $0xb8;
	[tilespmem:$0x1A400] =	vst v63  }
0x119: {  	_ =	swait.ge [sflag:s20], $0x800  }
0x11a: {  	[sflag:s20] =	ssyncset.done $0x0  }
0x11b: {  	s16 =	simm.s32 $0x0;
	[sflag:s20] =	ssyncadd.s32 $0xFFFFF800  }
0x11c: {  	[tilespmem:s31], [sflag:$0x4] =	stream.linear.gather [hbm4b:s23+s16], $0x500, $0x38;
	[tilespmem:$0x1A400] =	vst v63  }
0x11d: {  	s3 =	simm.s32 $0x1400;
	s25 =	simm.s32 $0xF00;
	_ =	swait.ge [sflag:s20], $0x500  }
0x11e: {  	s28 =	simm.s32 $0x2400;
	s29 =	simm.s32 $0x5400;
	s31 =	rddreg [dreg:$0xa]  }
0x11f: {  	s30 =	simm.s32 $0x2C00;
	s5 =	simm.s32 $0x3400;
	p0 =	sne.s32 s31, $0x1  }
.Ltmp1:
0x120: {  	s6 =	simm.s32 $0x1C00;
	[sflag:s20] =	ssyncset.done $0x0;
	(pc) =	sbr.rel @!p0 .LBB2_5-.Ltmp1, $4  }
0x121: {  	s10 =	simm.s32 $0x4400;
	s9 =	simm.s32 $0x5C00;
	[sflag:s20] =	ssyncadd.s32 $0xFFFFFB00  }
0x122: {  	[tilespmem:s25], [sflag:$0x4] =	stream.linear.gather [hbm4b:s21+s16], $0x500, $0x38;
	[tilespmem:$0x1A400] =	vst v63  }
0x123: {  	s13 =	simm.s32 $0x3C00;
	s18 =	simm.s32 $0x4C00;
	_ =	swait.ge [sflag:s20], $0x500  }
0x124: {  	s24 =	simm.s32 $0xA00;
	s7 =	sadd.s32 $0xFFFFFFFF, s31;
	[sflag:s20] =	ssyncset.done $0x0  }
.LBB2_4:
0x125: {  	[sflag:s20] =	ssyncadd.s32 $0xFFFFFB00;
	s21 =	sadd.s32 $0x140, s21  }
0x126: {  	s23 =	sadd.s32 $0x140, s23;
	s31 =	simm.s32 $0x6400;
	p0 =	sne.s32 s7, $0x1  }
0x127: {  	[tilespmem:s31], [sflag:$0x2] =	stream.indirect.gather [hbm4b:s4+s22], $0x10, s25, s22, $0xb8;
	[tilespmem:$0x1A400] =	vst v63  }
0x128: {  	s7 =	sadd.s32 $0xFFFFFFFF, s7;
	s0 =	simm.s32 $0x6C00;
	s1 =	simm.s32 $0xF80  }
0x129: {  	[tilespmem:s0], [sflag:$0x2] =	stream.indirect.gather [hbm4b:s4+s22], $0x10, s1, s22, $0xb8;
	[tilespmem:$0x1A400] =	vst v63  }
0x12a: {  	s8 =	simm.s32 $0x7400;
	s1 =	simm.s32 $0x1000  }
0x12b: {  	[tilespmem:s8], [sflag:$0x2] =	stream.indirect.gather [hbm4b:s4+s22], $0x10, s1, s22, $0xb8;
	[tilespmem:$0x1A400] =	vst v63  }
0x12c: {  	s15 =	simm.s32 $0x7C00;
	s1 =	simm.s32 $0x1080  }
0x12d: {  	[tilespmem:s15], [sflag:$0x2] =	stream.indirect.gather [hbm4b:s4+s22], $0x10, s1, s22, $0xb8;
	[tilespmem:$0x1A400] =	vst v63  }
0x12e: {  	s11 =	simm.s32 $0x8400;
	s1 =	simm.s32 $0x1100  }
0x12f: {  	[tilespmem:s11], [sflag:$0x2] =	stream.indirect.gather [hbm4b:s4+s22], $0x10, s1, s22, $0xb8;
	[tilespmem:$0x1A400] =	vst v63  }
0x130: {  	s19 =	simm.s32 $0x8C00;
	s1 =	simm.s32 $0x1180  }
0x131: {  	[tilespmem:s19], [sflag:$0x2] =	stream.indirect.gather [hbm4b:s4+s22], $0x10, s1, s22, $0xb8;
	[tilespmem:$0x1A400] =	vst v63  }
0x132: {  	s24 =	simm.s32 $0x9400;
	s1 =	simm.s32 $0x1200  }
0x133: {  	[tilespmem:s24], [sflag:$0x2] =	stream.indirect.gather [hbm4b:s4+s22], $0x10, s1, s22, $0xb8;
	[tilespmem:$0x1A400] =	vst v63  }
0x134: {  	s12 =	simm.s32 $0x1280;
	s1 =	simm.s32 $0x9C00  }
0x135: {  	[tilespmem:s1], [sflag:$0x2] =	stream.indirect.gather [hbm4b:s4+s22], $0x10, s12, s22, $0xb8;
	[tilespmem:$0x1A400] =	vst v63  }
0x136: {  	s14 =	simm.s32 $0x1300;
	s12 =	simm.s32 $0xA400  }
0x137: {  	[tilespmem:s12], [sflag:$0x2] =	stream.indirect.gather [hbm4b:s4+s22], $0x10, s14, s22, $0xb8;
	[tilespmem:$0x1A400] =	vst v63  }
0x138: {  	s25 =	simm.s32 $0x1380;
	s1 =	simm.s32 $0xAC00  }
0x139: {  	[tilespmem:s1], [sflag:$0x2] =	stream.indirect.gather [hbm4b:s4+s22], $0x10, s25, s22, $0xb8;
	[tilespmem:$0x1A400] =	vst v63  }
0x13a: {  	_ =	swait.ge [sflag:s17], $0x800  }
0x13b: {  	[sflag:s17] =	ssyncset.done $0x0  }
0x13c: {  	[sflag:s17] =	ssyncadd.s32 $0xFFFFF800  }
0x13d: {  	_ =	swait.ge [sflag:s17], $0x800  }
0x13e: {  	[sflag:s17] =	ssyncset.done $0x0  }
0x13f: {  	[sflag:s17] =	ssyncadd.s32 $0xFFFFF800  }
0x140: {  	_ =	swait.ge [sflag:s17], $0x800  }
0x141: {  	[sflag:s17] =	ssyncset.done $0x0  }
0x142: {  	[sflag:s17] =	ssyncadd.s32 $0xFFFFF800  }
0x143: {  	_ =	swait.ge [sflag:s17], $0x800  }
0x144: {  	[sflag:s17] =	ssyncset.done $0x0  }
0x145: {  	[sflag:s17] =	ssyncadd.s32 $0xFFFFF800  }
0x146: {  	_ =	swait.ge [sflag:s17], $0x800  }
0x147: {  	[sflag:s17] =	ssyncset.done $0x0  }
0x148: {  	[sflag:s17] =	ssyncadd.s32 $0xFFFFF800  }
0x149: {  	_ =	swait.ge [sflag:s17], $0x800  }
0x14a: {  	[sflag:s17] =	ssyncset.done $0x0  }
0x14b: {  	[sflag:s17] =	ssyncadd.s32 $0xFFFFF800  }
0x14c: {  	_ =	swait.ge [sflag:s17], $0x800  }
0x14d: {  	[sflag:s17] =	ssyncset.done $0x0  }
0x14e: {  	[sflag:s17] =	ssyncadd.s32 $0xFFFFF800  }
0x14f: {  	_ =	swait.ge [sflag:s17], $0x800  }
0x150: {  	[sflag:s17] =	ssyncset.done $0x0  }
0x151: {  	[sflag:s17] =	ssyncadd.s32 $0xFFFFF800  }
0x152: {  	_ =	swait.ge [sflag:s17], $0x800  }
0x153: {  	[sflag:s17] =	ssyncset.done $0x0  }
0x154: {  	[sflag:s17] =	ssyncadd.s32 $0xFFFFF800  }
0x155: {  	_ =	swait.ge [sflag:s17], $0x800  }
0x156: {  	[sflag:s17] =	ssyncset.done $0x0  }
0x157: {  	s6 =	simm.s32 $0x1400;
	[sflag:s17] =	ssyncadd.s32 $0xFFFFF800  }
0x158: {  	[spmem:s2] =	stream.indirect.scatter.add.f32 [tilespmem:s6], [sflag:$0x4], $0x10, s16, s22, $0xb8;
	[tilespmem:$0x1A400] =	vst v63  }
0x159: {  	_ =	swait.ge [sflag:s20], $0x800  }
0x15a: {  	[sflag:s20] =	ssyncset.done $0x0  }
0x15b: {  	s28 =	simm.s32 $0x1C00;
	[sflag:s20] =	ssyncadd.s32 $0xFFFFF800  }
0x15c: {  	[spmem:s2] =	stream.indirect.scatter.add.f32 [tilespmem:s28], [sflag:$0x4], $0x10, s22, s22, $0xb8;
	[tilespmem:$0x1A400] =	vst v63  }
0x15d: {  	_ =	swait.ge [sflag:s20], $0x800  }
0x15e: {  	[sflag:s20] =	ssyncset.done $0x0  }
0x15f: {  	s30 =	simm.s32 $0x2400;
	s25 =	simm.s32 $0x100;
	[sflag:s20] =	ssyncadd.s32 $0xFFFFF800  }
0x160: {  	[spmem:s2] =	stream.indirect.scatter.add.f32 [tilespmem:s30], [sflag:$0x4], $0x10, s25, s22, $0xb8;
	[tilespmem:$0x1A400] =	vst v63  }
0x161: {  	_ =	swait.ge [sflag:s20], $0x800  }
0x162: {  	[sflag:s20] =	ssyncset.done $0x0  }
0x163: {  	s5 =	simm.s32 $0x2C00;
	s25 =	simm.s32 $0x180;
	[sflag:s20] =	ssyncadd.s32 $0xFFFFF800  }
0x164: {  	[spmem:s2] =	stream.indirect.scatter.add.f32 [tilespmem:s5], [sflag:$0x4], $0x10, s25, s22, $0xb8;
	[tilespmem:$0x1A400] =	vst v63  }
0x165: {  	_ =	swait.ge [sflag:s20], $0x800  }
0x166: {  	[sflag:s20] =	ssyncset.done $0x0  }
0x167: {  	s13 =	simm.s32 $0x3400;
	s25 =	simm.s32 $0x200;
	[sflag:s20] =	ssyncadd.s32 $0xFFFFF800  }
0x168: {  	[spmem:s2] =	stream.indirect.scatter.add.f32 [tilespmem:s13], [sflag:$0x4], $0x10, s25, s22, $0xb8;
	[tilespmem:$0x1A400] =	vst v63  }
0x169: {  	_ =	swait.ge [sflag:s20], $0x800  }
0x16a: {  	[sflag:s20] =	ssyncset.done $0x0  }
0x16b: {  	s10 =	simm.s32 $0x3C00;
	s25 =	simm.s32 $0x280;
	[sflag:s20] =	ssyncadd.s32 $0xFFFFF800  }
0x16c: {  	[spmem:s2] =	stream.indirect.scatter.add.f32 [tilespmem:s10], [sflag:$0x4], $0x10, s25, s22, $0xb8;
	[tilespmem:$0x1A400] =	vst v63  }
0x16d: {  	_ =	swait.ge [sflag:s20], $0x800  }
0x16e: {  	[sflag:s20] =	ssyncset.done $0x0  }
0x16f: {  	s18 =	simm.s32 $0x4400;
	s25 =	simm.s32 $0x300;
	[sflag:s20] =	ssyncadd.s32 $0xFFFFF800  }
0x170: {  	[spmem:s2] =	stream.indirect.scatter.add.f32 [tilespmem:s18], [sflag:$0x4], $0x10, s25, s22, $0xb8;
	[tilespmem:$0x1A400] =	vst v63  }
0x171: {  	_ =	swait.ge [sflag:s20], $0x800  }
0x172: {  	[sflag:s20] =	ssyncset.done $0x0  }
0x173: {  	s29 =	simm.s32 $0x4C00;
	s25 =	simm.s32 $0x380;
	[sflag:s20] =	ssyncadd.s32 $0xFFFFF800  }
0x174: {  	[spmem:s2] =	stream.indirect.scatter.add.f32 [tilespmem:s29], [sflag:$0x4], $0x10, s25, s22, $0xb8;
	[tilespmem:$0x1A400] =	vst v63  }
0x175: {  	_ =	swait.ge [sflag:s20], $0x800  }
0x176: {  	[sflag:s20] =	ssyncset.done $0x0  }
0x177: {  	s9 =	simm.s32 $0x5400;
	s25 =	simm.s32 $0x400;
	[sflag:s20] =	ssyncadd.s32 $0xFFFFF800  }
0x178: {  	[spmem:s2] =	stream.indirect.scatter.add.f32 [tilespmem:s9], [sflag:$0x4], $0x10, s25, s22, $0xb8;
	[tilespmem:$0x1A400] =	vst v63  }
0x179: {  	_ =	swait.ge [sflag:s20], $0x800  }
0x17a: {  	s1 =	simm.s32 $0x0;
	[sflag:s20] =	ssyncset.done $0x0  }
0x17b: {  	s16 =	simm.s32 $0x5C00;
	s25 =	simm.s32 $0x480;
	[sflag:s20] =	ssyncadd.s32 $0xFFFFF800  }
0x17c: {  	[spmem:s2] =	stream.indirect.scatter.add.f32 [tilespmem:s16], [sflag:$0x4], $0x10, s25, s22, $0xb8;
	[tilespmem:$0x1A400] =	vst v63  }
0x17d: {  	_ =	swait.ge [sflag:s20], $0x800  }
0x17e: {  	[sflag:s20] =	ssyncset.done $0x0  }
0x17f: {  	s25 =	sadd.s32 $0xFFFFFF60, s23;
	[sflag:s20] =	ssyncadd.s32 $0xFFFFF800  }
0x180: {  	[tilespmem:s1], [sflag:$0x4] =	stream.linear.gather [hbm4b:s25+s1], $0x500, $0x38;
	[tilespmem:$0x1A400] =	vst v63  }
0x181: {  	_ =	swait.ge [sflag:s20], $0x500  }
0x182: {  	[sflag:s20] =	ssyncset.done $0x0  }
0x183: {  	s14 =	simm.s32 $0x500;
	s25 =	sadd.s32 $0xFFFFFF60, s21;
	[sflag:s20] =	ssyncadd.s32 $0xFFFFFB00  }
0x184: {  	[tilespmem:s14], [sflag:$0x4] =	stream.linear.gather [hbm4b:s25+s1], $0x500, $0x38;
	[tilespmem:$0x1A400] =	vst v63  }
0x185: {  	s25 =	simm.s32 $0xF00  }
0x186: {  	_ =	swait.ge [sflag:s20], $0x500  }
0x187: {  	[sflag:s20] =	ssyncset.done $0x0  }
0x188: {  	s3 =	simm.s32 $0x1400;
	[sflag:s20] =	ssyncadd.s32 $0xFFFFFB00  }
0x189: {  	[tilespmem:s6], [sflag:$0x1] =	stream.indirect.gather [hbm4b:s4+s22], $0x10, s14, s22, $0xb8;
	[tilespmem:$0x1A400] =	vst v63  }
0x18a: {  	s6 =	simm.s32 $0x1C00;
	s14 =	simm.s32 $0x580  }
0x18b: {  	[tilespmem:s28], [sflag:$0x1] =	stream.indirect.gather [hbm4b:s4+s22], $0x10, s14, s22, $0xb8;
	[tilespmem:$0x1A400] =	vst v63  }
0x18c: {  	s28 =	simm.s32 $0x2400;
	s14 =	simm.s32 $0x600  }
0x18d: {  	[tilespmem:s30], [sflag:$0x1] =	stream.indirect.gather [hbm4b:s4+s22], $0x10, s14, s22, $0xb8;
	[tilespmem:$0x1A400] =	vst v63  }
0x18e: {  	s30 =	simm.s32 $0x2C00;
	s14 =	simm.s32 $0x680  }
0x18f: {  	[tilespmem:s5], [sflag:$0x1] =	stream.indirect.gather [hbm4b:s4+s22], $0x10, s14, s22, $0xb8;
	[tilespmem:$0x1A400] =	vst v63  }
0x190: {  	s5 =	simm.s32 $0x3400;
	s14 =	simm.s32 $0x700  }
0x191: {  	[tilespmem:s13], [sflag:$0x1] =	stream.indirect.gather [hbm4b:s4+s22], $0x10, s14, s22, $0xb8;
	[tilespmem:$0x1A400] =	vst v63  }
0x192: {  	s13 =	simm.s32 $0x3C00;
	s14 =	simm.s32 $0x780  }
0x193: {  	[tilespmem:s10], [sflag:$0x1] =	stream.indirect.gather [hbm4b:s4+s22], $0x10, s14, s22, $0xb8;
	[tilespmem:$0x1A400] =	vst v63  }
0x194: {  	s10 =	simm.s32 $0x4400;
	s14 =	simm.s32 $0x800  }
0x195: {  	[tilespmem:s18], [sflag:$0x1] =	stream.indirect.gather [hbm4b:s4+s22], $0x10, s14, s22, $0xb8;
	[tilespmem:$0x1A400] =	vst v63  }
0x196: {  	s18 =	simm.s32 $0x4C00;
	s14 =	simm.s32 $0x880  }
0x197: {  	[tilespmem:s29], [sflag:$0x1] =	stream.indirect.gather [hbm4b:s4+s22], $0x10, s14, s22, $0xb8;
	[tilespmem:$0x1A400] =	vst v63  }
0x198: {  	s29 =	simm.s32 $0x5400;
	s14 =	simm.s32 $0x900  }
0x199: {  	[tilespmem:s9], [sflag:$0x1] =	stream.indirect.gather [hbm4b:s4+s22], $0x10, s14, s22, $0xb8;
	[tilespmem:$0x1A400] =	vst v63  }
0x19a: {  	s9 =	simm.s32 $0x5C00;
	s14 =	simm.s32 $0x980  }
0x19b: {  	[tilespmem:s16], [sflag:$0x1] =	stream.indirect.gather [hbm4b:s4+s22], $0x10, s14, s22, $0xb8;
	[tilespmem:$0x1A400] =	vst v63  }
0x19c: {  	_ =	swait.ge [sflag:s26], $0x800  }
0x19d: {  	[sflag:s26] =	ssyncset.done $0x0  }
0x19e: {  	[sflag:s26] =	ssyncadd.s32 $0xFFFFF800  }
0x19f: {  	_ =	swait.ge [sflag:s26], $0x800  }
0x1a0: {  	[sflag:s26] =	ssyncset.done $0x0  }
0x1a1: {  	[sflag:s26] =	ssyncadd.s32 $0xFFFFF800  }
0x1a2: {  	_ =	swait.ge [sflag:s26], $0x800  }
0x1a3: {  	[sflag:s26] =	ssyncset.done $0x0  }
0x1a4: {  	[sflag:s26] =	ssyncadd.s32 $0xFFFFF800  }
0x1a5: {  	_ =	swait.ge [sflag:s26], $0x800  }
0x1a6: {  	[sflag:s26] =	ssyncset.done $0x0  }
0x1a7: {  	[sflag:s26] =	ssyncadd.s32 $0xFFFFF800  }
0x1a8: {  	_ =	swait.ge [sflag:s26], $0x800  }
0x1a9: {  	[sflag:s26] =	ssyncset.done $0x0  }
0x1aa: {  	[sflag:s26] =	ssyncadd.s32 $0xFFFFF800  }
0x1ab: {  	_ =	swait.ge [sflag:s26], $0x800  }
0x1ac: {  	[sflag:s26] =	ssyncset.done $0x0  }
0x1ad: {  	[sflag:s26] =	ssyncadd.s32 $0xFFFFF800  }
0x1ae: {  	_ =	swait.ge [sflag:s26], $0x800  }
0x1af: {  	[sflag:s26] =	ssyncset.done $0x0  }
0x1b0: {  	[sflag:s26] =	ssyncadd.s32 $0xFFFFF800  }
0x1b1: {  	_ =	swait.ge [sflag:s26], $0x800  }
0x1b2: {  	[sflag:s26] =	ssyncset.done $0x0  }
0x1b3: {  	[sflag:s26] =	ssyncadd.s32 $0xFFFFF800  }
0x1b4: {  	_ =	swait.ge [sflag:s26], $0x800  }
0x1b5: {  	[sflag:s26] =	ssyncset.done $0x0  }
0x1b6: {  	[sflag:s26] =	ssyncadd.s32 $0xFFFFF800  }
0x1b7: {  	_ =	swait.ge [sflag:s26], $0x800  }
0x1b8: {  	[sflag:s26] =	ssyncset.done $0x0  }
0x1b9: {  	s16 =	simm.s32 $0xA00;
	[sflag:s26] =	ssyncadd.s32 $0xFFFFF800  }
0x1ba: {  	[spmem:s2] =	stream.indirect.scatter.add.f32 [tilespmem:s31], [sflag:$0x4], $0x10, s16, s22, $0xb8;
	[tilespmem:$0x1A400] =	vst v63  }
0x1bb: {  	_ =	swait.ge [sflag:s20], $0x800  }
0x1bc: {  	[sflag:s20] =	ssyncset.done $0x0  }
0x1bd: {  	s31 =	simm.s32 $0xA80;
	[sflag:s20] =	ssyncadd.s32 $0xFFFFF800  }
0x1be: {  	[spmem:s2] =	stream.indirect.scatter.add.f32 [tilespmem:s0], [sflag:$0x4], $0x10, s31, s22, $0xb8;
	[tilespmem:$0x1A400] =	vst v63  }
0x1bf: {  	_ =	swait.ge [sflag:s20], $0x800  }
0x1c0: {  	[sflag:s20] =	ssyncset.done $0x0  }
0x1c1: {  	s0 =	simm.s32 $0xB00;
	[sflag:s20] =	ssyncadd.s32 $0xFFFFF800  }
0x1c2: {  	[spmem:s2] =	stream.indirect.scatter.add.f32 [tilespmem:s8], [sflag:$0x4], $0x10, s0, s22, $0xb8;
	[tilespmem:$0x1A400] =	vst v63  }
0x1c3: {  	_ =	swait.ge [sflag:s20], $0x800  }
0x1c4: {  	[sflag:s20] =	ssyncset.done $0x0  }
0x1c5: {  	s0 =	simm.s32 $0xB80;
	[sflag:s20] =	ssyncadd.s32 $0xFFFFF800  }
0x1c6: {  	[spmem:s2] =	stream.indirect.scatter.add.f32 [tilespmem:s15], [sflag:$0x4], $0x10, s0, s22, $0xb8;
	[tilespmem:$0x1A400] =	vst v63  }
0x1c7: {  	_ =	swait.ge [sflag:s20], $0x800  }
0x1c8: {  	[sflag:s20] =	ssyncset.done $0x0  }
0x1c9: {  	s0 =	simm.s32 $0xC00;
	[sflag:s20] =	ssyncadd.s32 $0xFFFFF800  }
0x1ca: {  	[spmem:s2] =	stream.indirect.scatter.add.f32 [tilespmem:s11], [sflag:$0x4], $0x10, s0, s22, $0xb8;
	[tilespmem:$0x1A400] =	vst v63  }
0x1cb: {  	_ =	swait.ge [sflag:s20], $0x800  }
0x1cc: {  	[sflag:s20] =	ssyncset.done $0x0  }
0x1cd: {  	s0 =	simm.s32 $0xC80;
	[sflag:s20] =	ssyncadd.s32 $0xFFFFF800  }
0x1ce: {  	[spmem:s2] =	stream.indirect.scatter.add.f32 [tilespmem:s19], [sflag:$0x4], $0x10, s0, s22, $0xb8;
	[tilespmem:$0x1A400] =	vst v63  }
0x1cf: {  	_ =	swait.ge [sflag:s20], $0x800  }
0x1d0: {  	[sflag:s20] =	ssyncset.done $0x0  }
0x1d1: {  	s0 =	simm.s32 $0xD00;
	[sflag:s20] =	ssyncadd.s32 $0xFFFFF800  }
0x1d2: {  	[spmem:s2] =	stream.indirect.scatter.add.f32 [tilespmem:s24], [sflag:$0x4], $0x10, s0, s22, $0xb8;
	[tilespmem:$0x1A400] =	vst v63  }
0x1d3: {  	_ =	swait.ge [sflag:s20], $0x800  }
0x1d4: {  	[sflag:s20] =	ssyncset.done $0x0  }
0x1d5: {  	s8 =	simm.s32 $0x9C00;
	s0 =	simm.s32 $0xD80;
	[sflag:s20] =	ssyncadd.s32 $0xFFFFF800  }
0x1d6: {  	[spmem:s2] =	stream.indirect.scatter.add.f32 [tilespmem:s8], [sflag:$0x4], $0x10, s0, s22, $0xb8;
	[tilespmem:$0x1A400] =	vst v63  }
0x1d7: {  	_ =	swait.ge [sflag:s20], $0x800  }
0x1d8: {  	[sflag:s20] =	ssyncset.done $0x0  }
0x1d9: {  	s0 =	simm.s32 $0xE00;
	[sflag:s20] =	ssyncadd.s32 $0xFFFFF800  }
0x1da: {  	[spmem:s2] =	stream.indirect.scatter.add.f32 [tilespmem:s12], [sflag:$0x4], $0x10, s0, s22, $0xb8;
	[tilespmem:$0x1A400] =	vst v63  }
0x1db: {  	_ =	swait.ge [sflag:s20], $0x800  }
0x1dc: {  	[sflag:s20] =	ssyncset.done $0x0  }
0x1dd: {  	s8 =	simm.s32 $0xAC00;
	s0 =	simm.s32 $0xE80;
	[sflag:s20] =	ssyncadd.s32 $0xFFFFF800  }
0x1de: {  	[spmem:s2] =	stream.indirect.scatter.add.f32 [tilespmem:s8], [sflag:$0x4], $0x10, s0, s22, $0xb8;
	[tilespmem:$0x1A400] =	vst v63  }
0x1df: {  	_ =	swait.ge [sflag:s20], $0x800  }
0x1e0: {  	[sflag:s20] =	ssyncset.done $0x0  }
0x1e1: {  	[sflag:s20] =	ssyncadd.s32 $0xFFFFF800  }
0x1e2: {  	[tilespmem:s16], [sflag:$0x4] =	stream.linear.gather [hbm4b:s23+s1], $0x500, $0x38;
	[tilespmem:$0x1A400] =	vst v63  }
0x1e3: {  	s24 =	simm.s32 $0xA00;
	s16 =	simm.s32 $0x0  }
0x1e4: {  	_ =	swait.ge [sflag:s20], $0x500  }
.Ltmp2:
0x1e5: {  	[sflag:s20] =	ssyncset.done $0x0;
	(pc) =	sbr.rel @p0 .LBB2_4-.Ltmp2, $4  }
0x1e6: {  	[sflag:s20] =	ssyncadd.s32 $0xFFFFFB00  }
0x1e7: {  	[tilespmem:s25], [sflag:$0x4] =	stream.linear.gather [hbm4b:s21+s16], $0x500, $0x38;
	[tilespmem:$0x1A400] =	vst v63  }
0x1e8: {  	_ =	swait.ge [sflag:s20], $0x500  }
0x1e9: {  	[sflag:s20] =	ssyncset.done $0x0  }
.LBB2_5:
0x1ea: {  	[sflag:s20] =	ssyncadd.s32 $0xFFFFFB00;
	s21 =	simm.s32 $0x6400  }
0x1eb: {  	[tilespmem:s21], [sflag:$0x2] =	stream.indirect.gather [hbm4b:s4+s22], $0x10, s25, s22, $0xb8;
	[tilespmem:$0x1A400] =	vst v63  }
0x1ec: {  	s0 =	simm.s32 $0x6C00;
	s1 =	simm.s32 $0xF80  }
0x1ed: {  	[tilespmem:s0], [sflag:$0x2] =	stream.indirect.gather [hbm4b:s4+s22], $0x10, s1, s22, $0xb8;
	[tilespmem:$0x1A400] =	vst v63  }
0x1ee: {  	s8 =	simm.s32 $0x7400;
	s7 =	simm.s32 $0x1000  }
0x1ef: {  	[tilespmem:s8], [sflag:$0x2] =	stream.indirect.gather [hbm4b:s4+s22], $0x10, s7, s22, $0xb8;
	[tilespmem:$0x1A400] =	vst v63  }
0x1f0: {  	s15 =	simm.s32 $0x7C00;
	s11 =	simm.s32 $0x1080  }
0x1f1: {  	[tilespmem:s15], [sflag:$0x2] =	stream.indirect.gather [hbm4b:s4+s22], $0x10, s11, s22, $0xb8;
	[tilespmem:$0x1A400] =	vst v63  }
0x1f2: {  	s12 =	simm.s32 $0x1100;
	s11 =	simm.s32 $0x8400  }
0x1f3: {  	[tilespmem:s11], [sflag:$0x2] =	stream.indirect.gather [hbm4b:s4+s22], $0x10, s12, s22, $0xb8;
	[tilespmem:$0x1A400] =	vst v63  }
0x1f4: {  	s19 =	simm.s32 $0x8C00;
	s14 =	simm.s32 $0x1180  }
0x1f5: {  	[tilespmem:s19], [sflag:$0x2] =	stream.indirect.gather [hbm4b:s4+s22], $0x10, s14, s22, $0xb8;
	[tilespmem:$0x1A400] =	vst v63  }
0x1f6: {  	s23 =	simm.s32 $0x1200;
	s14 =	simm.s32 $0x9400  }
0x1f7: {  	[tilespmem:s14], [sflag:$0x2] =	stream.indirect.gather [hbm4b:s4+s22], $0x10, s23, s22, $0xb8;
	[tilespmem:$0x1A400] =	vst v63  }
0x1f8: {  	s1 =	simm.s32 $0x9C00;
	s7 =	simm.s32 $0x1280  }
0x1f9: {  	[tilespmem:s1], [sflag:$0x2] =	stream.indirect.gather [hbm4b:s4+s22], $0x10, s7, s22, $0xb8;
	[tilespmem:$0x1A400] =	vst v63  }
0x1fa: {  	s25 =	simm.s32 $0x1300;
	s12 =	simm.s32 $0xA400  }
0x1fb: {  	[tilespmem:s12], [sflag:$0x2] =	stream.indirect.gather [hbm4b:s4+s22], $0x10, s25, s22, $0xb8;
	[tilespmem:$0x1A400] =	vst v63  }
0x1fc: {  	s23 =	simm.s32 $0x1380;
	s7 =	simm.s32 $0xAC00  }
0x1fd: {  	[tilespmem:s7], [sflag:$0x2] =	stream.indirect.gather [hbm4b:s4+s22], $0x10, s23, s22, $0xb8;
	[tilespmem:$0x1A400] =	vst v63  }
0x1fe: {  	_ =	swait.ge [sflag:s17], $0x800  }
0x1ff: {  	[sflag:s17] =	ssyncset.done $0x0  }
0x200: {  	[sflag:s17] =	ssyncadd.s32 $0xFFFFF800  }
0x201: {  	_ =	swait.ge [sflag:s17], $0x800  }
0x202: {  	[sflag:s17] =	ssyncset.done $0x0  }
0x203: {  	[sflag:s17] =	ssyncadd.s32 $0xFFFFF800  }
0x204: {  	_ =	swait.ge [sflag:s17], $0x800  }
0x205: {  	[sflag:s17] =	ssyncset.done $0x0  }
0x206: {  	[sflag:s17] =	ssyncadd.s32 $0xFFFFF800  }
0x207: {  	_ =	swait.ge [sflag:s17], $0x800  }
0x208: {  	[sflag:s17] =	ssyncset.done $0x0  }
0x209: {  	[sflag:s17] =	ssyncadd.s32 $0xFFFFF800  }
0x20a: {  	_ =	swait.ge [sflag:s17], $0x800  }
0x20b: {  	[sflag:s17] =	ssyncset.done $0x0  }
0x20c: {  	[sflag:s17] =	ssyncadd.s32 $0xFFFFF800  }
0x20d: {  	_ =	swait.ge [sflag:s17], $0x800  }
0x20e: {  	[sflag:s17] =	ssyncset.done $0x0  }
0x20f: {  	[sflag:s17] =	ssyncadd.s32 $0xFFFFF800  }
0x210: {  	_ =	swait.ge [sflag:s17], $0x800  }
0x211: {  	[sflag:s17] =	ssyncset.done $0x0  }
0x212: {  	[sflag:s17] =	ssyncadd.s32 $0xFFFFF800  }
0x213: {  	_ =	swait.ge [sflag:s17], $0x800  }
0x214: {  	[sflag:s17] =	ssyncset.done $0x0  }
0x215: {  	[sflag:s17] =	ssyncadd.s32 $0xFFFFF800  }
0x216: {  	_ =	swait.ge [sflag:s17], $0x800  }
0x217: {  	[sflag:s17] =	ssyncset.done $0x0  }
0x218: {  	[sflag:s17] =	ssyncadd.s32 $0xFFFFF800  }
0x219: {  	_ =	swait.ge [sflag:s17], $0x800  }
0x21a: {  	[sflag:s17] =	ssyncset.done $0x0  }
0x21b: {  	[sflag:s17] =	ssyncadd.s32 $0xFFFFF800  }
0x21c: {  	[spmem:s2] =	stream.indirect.scatter.add.f32 [tilespmem:s3], [sflag:$0x4], $0x10, s16, s22, $0xb8;
	[tilespmem:$0x1A400] =	vst v63  }
0x21d: {  	_ =	swait.ge [sflag:s20], $0x800  }
0x21e: {  	[sflag:s20] =	ssyncset.done $0x0  }
0x21f: {  	[sflag:s20] =	ssyncadd.s32 $0xFFFFF800  }
0x220: {  	[spmem:s2] =	stream.indirect.scatter.add.f32 [tilespmem:s6], [sflag:$0x4], $0x10, s22, s22, $0xb8;
	[tilespmem:$0x1A400] =	vst v63  }
0x221: {  	_ =	swait.ge [sflag:s20], $0x800  }
0x222: {  	[sflag:s20] =	ssyncset.done $0x0  }
0x223: {  	s23 =	simm.s32 $0x100;
	[sflag:s20] =	ssyncadd.s32 $0xFFFFF800  }
0x224: {  	[spmem:s2] =	stream.indirect.scatter.add.f32 [tilespmem:s28], [sflag:$0x4], $0x10, s23, s22, $0xb8;
	[tilespmem:$0x1A400] =	vst v63  }
0x225: {  	_ =	swait.ge [sflag:s20], $0x800  }
0x226: {  	[sflag:s20] =	ssyncset.done $0x0  }
0x227: {  	s25 =	simm.s32 $0x180;
	[sflag:s20] =	ssyncadd.s32 $0xFFFFF800  }
0x228: {  	[spmem:s2] =	stream.indirect.scatter.add.f32 [tilespmem:s30], [sflag:$0x4], $0x10, s25, s22, $0xb8;
	[tilespmem:$0x1A400] =	vst v63  }
0x229: {  	_ =	swait.ge [sflag:s20], $0x800  }
0x22a: {  	[sflag:s20] =	ssyncset.done $0x0  }
0x22b: {  	s3 =	simm.s32 $0x200;
	[sflag:s20] =	ssyncadd.s32 $0xFFFFF800  }
0x22c: {  	[spmem:s2] =	stream.indirect.scatter.add.f32 [tilespmem:s5], [sflag:$0x4], $0x10, s3, s22, $0xb8;
	[tilespmem:$0x1A400] =	vst v63  }
0x22d: {  	_ =	swait.ge [sflag:s20], $0x800  }
0x22e: {  	[sflag:s20] =	ssyncset.done $0x0  }
0x22f: {  	s6 =	simm.s32 $0x280;
	[sflag:s20] =	ssyncadd.s32 $0xFFFFF800  }
0x230: {  	[spmem:s2] =	stream.indirect.scatter.add.f32 [tilespmem:s13], [sflag:$0x4], $0x10, s6, s22, $0xb8;
	[tilespmem:$0x1A400] =	vst v63  }
0x231: {  	_ =	swait.ge [sflag:s20], $0x800  }
0x232: {  	[sflag:s20] =	ssyncset.done $0x0  }
0x233: {  	s13 =	simm.s32 $0x300;
	[sflag:s20] =	ssyncadd.s32 $0xFFFFF800  }
0x234: {  	[spmem:s2] =	stream.indirect.scatter.add.f32 [tilespmem:s10], [sflag:$0x4], $0x10, s13, s22, $0xb8;
	[tilespmem:$0x1A400] =	vst v63  }
0x235: {  	_ =	swait.ge [sflag:s20], $0x800  }
0x236: {  	[sflag:s20] =	ssyncset.done $0x0  }
0x237: {  	s16 =	simm.s32 $0x380;
	[sflag:s20] =	ssyncadd.s32 $0xFFFFF800  }
0x238: {  	[spmem:s2] =	stream.indirect.scatter.add.f32 [tilespmem:s18], [sflag:$0x4], $0x10, s16, s22, $0xb8;
	[tilespmem:$0x1A400] =	vst v63  }
0x239: {  	_ =	swait.ge [sflag:s20], $0x800  }
0x23a: {  	[sflag:s20] =	ssyncset.done $0x0  }
0x23b: {  	s23 =	simm.s32 $0x400;
	[sflag:s20] =	ssyncadd.s32 $0xFFFFF800  }
0x23c: {  	[spmem:s2] =	stream.indirect.scatter.add.f32 [tilespmem:s29], [sflag:$0x4], $0x10, s23, s22, $0xb8;
	[tilespmem:$0x1A400] =	vst v63  }
0x23d: {  	_ =	swait.ge [sflag:s20], $0x800  }
0x23e: {  	[sflag:s20] =	ssyncset.done $0x0  }
0x23f: {  	s25 =	simm.s32 $0x480;
	[sflag:s20] =	ssyncadd.s32 $0xFFFFF800  }
0x240: {  	[spmem:s2] =	stream.indirect.scatter.add.f32 [tilespmem:s9], [sflag:$0x4], $0x10, s25, s22, $0xb8;
	[tilespmem:$0x1A400] =	vst v63  }
0x241: {  	_ =	swait.ge [sflag:s20], $0x800  }
0x242: {  	[sflag:s20] =	ssyncset.done $0x0  }
0x243: {  	[sflag:s20] =	ssyncadd.s32 $0xFFFFF800  }
0x244: {  	_ =	swait.ge [sflag:s26], $0x800  }
0x245: {  	[sflag:s26] =	ssyncset.done $0x0  }
0x246: {  	[sflag:s26] =	ssyncadd.s32 $0xFFFFF800  }
0x247: {  	_ =	swait.ge [sflag:s26], $0x800  }
0x248: {  	[sflag:s26] =	ssyncset.done $0x0  }
0x249: {  	[sflag:s26] =	ssyncadd.s32 $0xFFFFF800  }
0x24a: {  	_ =	swait.ge [sflag:s26], $0x800  }
0x24b: {  	[sflag:s26] =	ssyncset.done $0x0  }
0x24c: {  	[sflag:s26] =	ssyncadd.s32 $0xFFFFF800  }
0x24d: {  	_ =	swait.ge [sflag:s26], $0x800  }
0x24e: {  	[sflag:s26] =	ssyncset.done $0x0  }
0x24f: {  	[sflag:s26] =	ssyncadd.s32 $0xFFFFF800  }
0x250: {  	_ =	swait.ge [sflag:s26], $0x800  }
0x251: {  	[sflag:s26] =	ssyncset.done $0x0  }
0x252: {  	[sflag:s26] =	ssyncadd.s32 $0xFFFFF800  }
0x253: {  	_ =	swait.ge [sflag:s26], $0x800  }
0x254: {  	[sflag:s26] =	ssyncset.done $0x0  }
0x255: {  	[sflag:s26] =	ssyncadd.s32 $0xFFFFF800  }
0x256: {  	_ =	swait.ge [sflag:s26], $0x800  }
0x257: {  	[sflag:s26] =	ssyncset.done $0x0  }
0x258: {  	[sflag:s26] =	ssyncadd.s32 $0xFFFFF800  }
0x259: {  	_ =	swait.ge [sflag:s26], $0x800  }
0x25a: {  	[sflag:s26] =	ssyncset.done $0x0  }
0x25b: {  	[sflag:s26] =	ssyncadd.s32 $0xFFFFF800  }
0x25c: {  	_ =	swait.ge [sflag:s26], $0x800  }
0x25d: {  	[sflag:s26] =	ssyncset.done $0x0  }
0x25e: {  	[sflag:s26] =	ssyncadd.s32 $0xFFFFF800  }
0x25f: {  	_ =	swait.ge [sflag:s26], $0x800  }
0x260: {  	[sflag:s26] =	ssyncset.done $0x0  }
0x261: {  	[sflag:s26] =	ssyncadd.s32 $0xFFFFF800  }
0x262: {  	[spmem:s2] =	stream.indirect.scatter.add.f32 [tilespmem:s21], [sflag:$0x4], $0x10, s24, s22, $0xb8;
	[tilespmem:$0x1A400] =	vst v63  }
0x263: {  	_ =	swait.ge [sflag:s20], $0x800  }
0x264: {  	[sflag:s20] =	ssyncset.done $0x0  }
0x265: {  	s3 =	simm.s32 $0xA80;
	[sflag:s20] =	ssyncadd.s32 $0xFFFFF800  }
0x266: {  	[spmem:s2] =	stream.indirect.scatter.add.f32 [tilespmem:s0], [sflag:$0x4], $0x10, s3, s22, $0xb8;
	[tilespmem:$0x1A400] =	vst v63  }
0x267: {  	_ =	swait.ge [sflag:s20], $0x800  }
0x268: {  	[sflag:s20] =	ssyncset.done $0x0  }
0x269: {  	s6 =	simm.s32 $0xB00;
	[sflag:s20] =	ssyncadd.s32 $0xFFFFF800  }
0x26a: {  	[spmem:s2] =	stream.indirect.scatter.add.f32 [tilespmem:s8], [sflag:$0x4], $0x10, s6, s22, $0xb8;
	[tilespmem:$0x1A400] =	vst v63  }
0x26b: {  	_ =	swait.ge [sflag:s20], $0x800  }
0x26c: {  	[sflag:s20] =	ssyncset.done $0x0  }
0x26d: {  	s8 =	simm.s32 $0xB80;
	[sflag:s20] =	ssyncadd.s32 $0xFFFFF800  }
0x26e: {  	[spmem:s2] =	stream.indirect.scatter.add.f32 [tilespmem:s15], [sflag:$0x4], $0x10, s8, s22, $0xb8;
	[tilespmem:$0x1A400] =	vst v63  }
0x26f: {  	_ =	swait.ge [sflag:s20], $0x800  }
0x270: {  	[sflag:s20] =	ssyncset.done $0x0  }
0x271: {  	s9 =	simm.s32 $0xC00;
	[sflag:s20] =	ssyncadd.s32 $0xFFFFF800  }
0x272: {  	[spmem:s2] =	stream.indirect.scatter.add.f32 [tilespmem:s11], [sflag:$0x4], $0x10, s9, s22, $0xb8;
	[tilespmem:$0x1A400] =	vst v63  }
0x273: {  	_ =	swait.ge [sflag:s20], $0x800  }
0x274: {  	[sflag:s20] =	ssyncset.done $0x0  }
0x275: {  	s10 =	simm.s32 $0xC80;
	[sflag:s20] =	ssyncadd.s32 $0xFFFFF800  }
0x276: {  	[spmem:s2] =	stream.indirect.scatter.add.f32 [tilespmem:s19], [sflag:$0x4], $0x10, s10, s22, $0xb8;
	[tilespmem:$0x1A400] =	vst v63  }
0x277: {  	_ =	swait.ge [sflag:s20], $0x800  }
0x278: {  	[sflag:s20] =	ssyncset.done $0x0  }
0x279: {  	s11 =	simm.s32 $0xD00;
	[sflag:s20] =	ssyncadd.s32 $0xFFFFF800  }
0x27a: {  	[spmem:s2] =	stream.indirect.scatter.add.f32 [tilespmem:s14], [sflag:$0x4], $0x10, s11, s22, $0xb8;
	[tilespmem:$0x1A400] =	vst v63  }
0x27b: {  	_ =	swait.ge [sflag:s20], $0x800  }
0x27c: {  	[sflag:s20] =	ssyncset.done $0x0  }
0x27d: {  	s13 =	simm.s32 $0xD80;
	[sflag:s20] =	ssyncadd.s32 $0xFFFFF800  }
0x27e: {  	[spmem:s2] =	stream.indirect.scatter.add.f32 [tilespmem:s1], [sflag:$0x4], $0x10, s13, s22, $0xb8;
	[tilespmem:$0x1A400] =	vst v63  }
0x27f: {  	_ =	swait.ge [sflag:s20], $0x800  }
0x280: {  	[sflag:s20] =	ssyncset.done $0x0  }
0x281: {  	s14 =	simm.s32 $0xE00;
	[sflag:s20] =	ssyncadd.s32 $0xFFFFF800  }
0x282: {  	[spmem:s2] =	stream.indirect.scatter.add.f32 [tilespmem:s12], [sflag:$0x4], $0x10, s14, s22, $0xb8;
	[tilespmem:$0x1A400] =	vst v63  }
0x283: {  	_ =	swait.ge [sflag:s20], $0x800  }
0x284: {  	[sflag:s20] =	ssyncset.done $0x0  }
0x285: {  	s15 =	simm.s32 $0xE80;
	[sflag:s20] =	ssyncadd.s32 $0xFFFFF800  }
0x286: {  	[spmem:s2] =	stream.indirect.scatter.add.f32 [tilespmem:s7], [sflag:$0x4], $0x10, s15, s22, $0xb8;
	[tilespmem:$0x1A400] =	vst v63  }
0x287: {  	_ =	swait.ge [sflag:s20], $0x800  }
0x288: {  	[sflag:s20] =	ssyncset.done $0x0  }
0x289: {  	[sflag:s20] =	ssyncadd.s32 $0xFFFFF800  }
0x28a: {  	s16 =	stileid.u32;
	[bflag:$0x0] =	sbarrier.arrive $0xFFFF  }
0x28b: {  	s31 =	simm.s32 $0x900;
	s7 =	sshll.u32 s16, $0x6;
	s23 =	rddreg [dreg:$0x3]  }
0x28c: {  	s7 =	sor.u32 $0x1C04, s7;
	s19 =	rddreg [dreg:$0xd];
	s18 =	sshrl.u32 s23, $0x3  }
0x28d: {  	[hbm:s19], [sflag:s7] =	dma.local [spmem:s18], $0x1900  }
0x28e: {  	s28 =	simm.s32 $0x1400;
	s30 =	simm.s32 $0x5C00;
	_ =	swait.ge [sflag:s20], $0x1900  }
0x28f: {  	s5 =	simm.s32 $0x3400;
	s29 =	simm.s32 $0x4400;
	s24 =	rddreg [dreg:$0x11]  }
0x290: {  	s0 =	simm.s32 $0x980;
	s25 =	rddreg [dreg:$0xe];
	s1 =	sadd.s32 $0x1, s24  }
0x291: {  	s6 =	simm.s32 $0x1C00;
	s8 =	simm.s32 $0xA00;
	p0 =	sne.s32 s1, s25  }
.Ltmp3:
0x292: {  	s9 =	simm.s32 $0x4C00;
	s10 =	simm.s32 $0x2C00;
	(pc) =	sbr.rel @p0 .LBB2_1-.Ltmp3, $4  }
0x293: {  	s11 =	simm.s32 $0x580;
	s13 =	simm.s32 $0x2400;
	s12 =	simm.s32 $0x600  }
0x294: {  	s14 =	simm.s32 $0x680;
	s15 =	simm.s32 $0x700;
	s16 =	simm.s32 $0x5400  }
0x295: {  	s19 =	simm.s32 $0x780;
	s18 =	simm.s32 $0x3C00;
	[sflag:s20] =	ssyncset.done $0x0  }
0x296: {  	[sflag:s20] =	ssyncadd.s32 $0xFFFFE700;
	s24 =	simm.s32 $0x800;
	s25 =	simm.s32 $0x500  }
0x297: {  	_ =	sfence.sel $0x180000  }
0x298: {  	[bflag:$0x0] =	sbarrier.arrive $0xFFFF  }
0x299: {  	_ =	strace $0x90000047  }
0x29a: {  	s0 =	stileid.u32;
	[bflag:$0x2] =	sbarrier.arrive $0xFFFF  }
0x29b: {  	p0 =	sne.s32 s0, $0x0;
	s0 =	rddreg [dreg:$0x2]  }
0x29c: {  	s0 =	sadd.s32 @!p0 $0x100000, s0  }
0x29d: {  	[sflag:s0] =	ssyncadd.tile.s32 @!p0 $0x1;
	_ =	shalt  }
.Lfunc_end2:
_tile_overlayer_lowered:
.L_overlay_start_2:
0x29e: {  	(tag) =	ssettag $0x2  }
0x29f: {  	s0 =	rddreg [dreg:$0x0];
	s2 =	stileid.u32  }
0x2a0: {  	s1 =	rddreg [dreg:$0x1];
	p0 =	sne.s32 s2, $0x0  }
0x2a1: {  	s3 =	rddreg [dreg:$0x2];
	[bflag:$0x3] =	sbarrier.arrive $0xFFFF;
	s2 =	simm.s32 @!p0 $0x1C04  }
0x2a2: {  	[timem:s3], [sflag:s2] =	dma.local @!p0 [hbm:s0], s1  }
0x2a3: {  	s0 =	simm.s32 @!p0 $0x4  }
0x2a4: {  	_ =	swait.ge @!p0 [sflag:s0], s1  }
0x2a5: {  	s1 =	ssub.s32 @!p0 $0x0, s1;
	[sflag:s0] =	ssyncset.done @!p0 $0x0  }
0x2a6: {  	[sflag:s0] =	ssyncadd.s32 @!p0 s1  }
0x2a7: {  	[bflag:$0x3] =	sbarrier.arrive $0xFFFF  }
0x2a8: {  	_ =	shalt  }

</sc_bundles>
